<compile_context>
chip_gen: v7x
topology: tpu7x:2x2x1
jax: 0.10.2.dev20260603
libtpu: 0.0.44.dev20260713+nightly
codegen_flags: <defaults>
</compile_context>

<pallas_src>
import functools

import jax
import jax.numpy as jnp
from jax import lax
from jax.experimental import pallas as pl
from jax.experimental.pallas import tpu as pltpu
from jax.experimental.pallas import tpu_sc as plsc

BOOST = 3.0
NW = 32
V = 1000000
D = 32
B0 = 16384
S = 20
CT = 7813
CT_FULL = 7812
VPAD = CT * 128
PER_W = 244
UNITS_PER_W = (B0 // 128) * S // NW


def _iota16():
    return jnp.arange(16, dtype=jnp.int32)


def _splat16(x):
    return jnp.full((16,), x, dtype=jnp.int32)


def _call_a(table_t):
    mesh = plsc.VectorSubcoreMesh(core_axis_name="c", subcore_axis_name="s")

    @functools.partial(
        pl.kernel,
        out_type=jax.ShapeDtypeStruct((VPAD // 4, 128), jnp.float32),
        mesh=mesh,
        scratch_types=[
            pltpu.VMEM((2, 32, 129), jnp.float32),
            pltpu.VMEM((2, 32, 128), jnp.float32),
            [pltpu.SemaphoreType.DMA for _ in range(2)],
            [pltpu.SemaphoreType.DMA for _ in range(2)],
        ],
        compiler_params=pltpu.CompilerParams(
            use_tc_tiling_on_sc=True, needs_layout_passes=False
        ),
    )
    def ka(t_hbm, scr_hbm, in4p, buf, rsem, wsem):
        wid = lax.axis_index("s") * 2 + lax.axis_index("c")
        iota = _iota16()
        c_idx = [iota + 16 * m for m in range(2)]

        def read(ct, b):
            return [
                pltpu.make_async_copy(
                    t_hbm.at[pl.ds(rt * 8, 8), pl.ds(ct * 128, 128)],
                    in4p.at[b, pl.ds(rt * 8, 8), pl.ds(0, 128)],
                    rsem[b],
                )
                for rt in range(4)
            ]

        def write(ct, b):
            return pltpu.make_async_copy(
                buf.at[b], scr_hbm.at[pl.ds(ct * 32, 32)], wsem[b]
            )

        def transpose(b, nrows):
            @plsc.parallel_loop(0, nrows, unroll=8)
            def row_body(r):
                for j in range(4):
                    l_idx = _splat16(4 * r + j)
                    for m in range(2):
                        vals = plsc.load_gather(
                            in4p.at[b], [c_idx[m], l_idx]
                        )
                        buf[b, r, pl.ds(32 * j + 16 * m, 16)] = vals

        def ct_of(t):
            return wid + NW * t

        for d in read(ct_of(0), 0):
            d.start()

        def outer(t2, carry):
            for b in range(2):
                t = 2 * t2 + b
                for d in read(ct_of(t), b):
                    d.wait()

                @pl.when(t < PER_W - 1)
                def _():
                    for d in read(ct_of(t + 1), 1 - b):
                        d.start()

                @pl.when(t >= 2)
                def _():
                    write(ct_of(t - 2), b).wait()

                transpose(b, 32)
                write(ct_of(t), b).start()
            return carry

        lax.fori_loop(0, PER_W // 2, outer, 0)
        write(ct_of(PER_W - 2), 0).wait()
        write(ct_of(PER_W - 1), 1).wait()

        @pl.when(wid < 4)
        def _():
            ct = NW * PER_W + wid
            for rt in range(4):
                pltpu.sync_copy(
                    t_hbm.at[pl.ds(rt * 8, 8), pl.ds(ct * 128, 128)],
                    in4p.at[0, pl.ds(rt * 8, 8), pl.ds(0, 128)],
                )
            transpose(0, 32)
            pltpu.sync_copy(buf.at[0], scr_hbm.at[pl.ds(ct * 32, 32)])

    return ka(table_t)


def _call_b(scr, idx_t):
    mesh = plsc.VectorSubcoreMesh(core_axis_name="c", subcore_axis_name="s")

    @functools.partial(
        pl.kernel,
        out_type=jax.ShapeDtypeStruct((S, 4, 128, 8, 128), jnp.float32),
        mesh=mesh,
        scratch_types=[
            pltpu.VMEM((2, 128), jnp.int32),
            pltpu.VMEM((2, 128, 32), jnp.float32),
            pltpu.VMEM((2, 32, 129), jnp.float32),
            [pltpu.SemaphoreType.DMA for _ in range(2)],
            [pltpu.SemaphoreType.DMA for _ in range(2)],
            [pltpu.SemaphoreType.DMA for _ in range(2)],
        ],
        compiler_params=pltpu.CompilerParams(
            use_tc_tiling_on_sc=False, needs_layout_passes=False
        ),
    )
    def kb(scr_hbm, i_hbm, o5_hbm, ibuf, rows, ob, isem, gsem, wsem):
        wid = lax.axis_index("s") * 2 + lax.axis_index("c")
        iota = _iota16()
        d_idx = [iota + 16 * k for k in range(2)]
        n = UNITS_PER_W

        def unit_su(t):
            u = wid * n + t
            return u >> 7, u & 127

        def idx_copy(t, b):
            s, bc = unit_su(t)
            return pltpu.make_async_copy(
                i_hbm.at[s, pl.ds(bc * 128, 128)], ibuf.at[b], isem[b]
            )

        def gather(b):
            return pltpu.make_async_copy(
                scr_hbm.at[ibuf.at[b]], rows.at[b], gsem[b]
            )

        def writes(t, b):
            s, bc = unit_su(t)
            return [
                pltpu.make_async_copy(
                    ob.at[b, pl.ds(rt * 8, 8), pl.ds(0, 128)],
                    o5_hbm.at[s, rt, bc],
                    wsem[b],
                )
                for rt in range(4)
            ]

        def transform(b):
            @plsc.parallel_loop(0, 128, unroll=8)
            def l_body(l):
                l_idx = _splat16(l)
                for k in range(2):
                    vals = rows[b, l, pl.ds(16 * k, 16)] * BOOST
                    plsc.store_scatter(ob.at[b], [d_idx[k], l_idx], vals)

        pltpu.sync_copy(
            i_hbm.at[unit_su(0)[0], pl.ds(unit_su(0)[1] * 128, 128)],
            ibuf.at[0],
        )
        idx_copy(1, 1).start()
        gather(0).start()

        def outer(t2, carry):
            for b in range(2):
                t = 2 * t2 + b
                gather(b).wait()

                @pl.when(t + 2 < n)
                def _():
                    idx_copy(t + 2, b).start()

                @pl.when(t + 1 < n)
                def _():
                    idx_copy(t + 1, 1 - b).wait()
                    gather(1 - b).start()

                @pl.when(t >= 2)
                def _():
                    for d in writes(t - 2, b):
                        d.wait()

                transform(b)
                for d in writes(t, b):
                    d.start()
            return carry

        lax.fori_loop(0, n // 2, outer, 0)
        for d in writes(n - 2, 0):
            d.wait()
        for d in writes(n - 1, 1):
            d.wait()

    return kb(scr, idx_t)


def kernel(inputs, table):
    table_t = jnp.swapaxes(table, 0, 1)
    idx = inputs.astype(jnp.int32)
    tail_lo = CT_FULL * 128
    idx_t = jnp.swapaxes(
        jnp.where(idx >= tail_lo, idx + (VPAD - V), idx), 0, 1
    )
    scr = _call_a(table_t)
    scr_flat = scr.reshape(VPAD * 32)
    scr_flat = lax.dynamic_update_slice(
        scr_flat, table[tail_lo:, :].reshape(-1), (V * 32,)
    )
    o5 = _call_b(scr_flat.reshape(VPAD, 32), idx_t)
    return o5.transpose(2, 4, 0, 1, 3).reshape(B0, S, D)

# --- scband reference (transcript-rebuilt; emitter-appended) ---
"""Pipeline reference for scband-scaled-embedding-33775622816297 (READ-ONLY COPY).

The authoritative reference and input builder live on the scoring server;
editing this copy changes nothing except your own understanding.
"""

import jax, jax.numpy as jnp
import numpy as np

NUM_EMBEDDINGS = 1000000
EMBEDDING_DIM = 32
SCALE = 1.0
BOOST = 3.0

def setup_inputs(seed: int = 0) -> dict:
    key = jax.random.key(seed)
    k_idx, k_tab = jax.random.split(key)
    inputs = jax.random.randint(k_idx, (16384, 20), 0, NUM_EMBEDDINGS, dtype=jnp.int64 if jax.config.read('jax_enable_x64') else jnp.int32)
    # Embedding table. Keras default init is uniform(-0.05, 0.05); build() then rescales by scale/boost.
    table = jax.random.uniform(k_tab, (NUM_EMBEDDINGS, EMBEDDING_DIM), dtype=jnp.float32, minval=-0.05, maxval=0.05)
    table = table * (SCALE / BOOST)
    return {"inputs": inputs, "table": table}

def reference(inputs, table):
    # ScaledEmbedding.call: embedding lookup followed by multiplication with boost
    emb = jnp.take(table, inputs, axis=0)
    return emb * BOOST

if __name__ == "__main__":
    import jax
    _d = setup_inputs()
    print(jax.jit(kernel)(*tuple(_d.values())))

</pallas_src>

<mosaic_0001>
#map = affine_map<(d0, d1) -> (0, 0)>
module attributes {stable_mosaic.version = 14 : i64} {
  func.func @ka(%arg0: i32, %arg1: i32, %arg2: memref<32x1000000xf32, #tpu.memory_space<hbm>>, %arg3: memref<250016x128xf32, #tpu.memory_space<hbm>>, %arg4: memref<2x32x129xf32, #tpu.memory_space<vmem>>, %arg5: memref<2x32x128xf32, #tpu.memory_space<vmem>>, %arg6: memref<!tpu.dma_semaphore, #tpu.memory_space<semaphore_mem>>, %arg7: memref<!tpu.dma_semaphore, #tpu.memory_space<semaphore_mem>>, %arg8: memref<!tpu.dma_semaphore, #tpu.memory_space<semaphore_mem>>, %arg9: memref<!tpu.dma_semaphore, #tpu.memory_space<semaphore_mem>>) attributes {dimension_semantics = [#tpu.dimension_semantics<core_parallel>, #tpu.dimension_semantics<subcore_parallel>], iteration_bounds = array<i64: 2, 16>, scalar_prefetch = 0 : i64, scratch_operands = 6 : i64, tpu.core_type = #tpu.core_type<sc_vector_subcore>, window_params = [{transform_indices = #map}, {transform_indices = #map}]} {
    %mul3A = arith.constant 2 : i32
    %mul3A_0 = arith.muli %arg1, %mul3A : i32
    %add3A = arith.addi %mul3A_0, %arg0 : i32
    %iota3A = tpu.iota {dimensions = array<i32: 0>} : vector<16xi32>
    %add3A_1 = arith.constant 0 : i32
    %add3A_2 = vector.broadcast %add3A_1 : i32 to vector<16xi32>
    %add3A_3 = arith.addi %iota3A, %add3A_2 : vector<16xi32>
    %add3A_4 = arith.constant 16 : i32
    %add3A_5 = vector.broadcast %add3A_4 : i32 to vector<16xi32>
    %add3A_6 = arith.addi %iota3A, %add3A_5 : vector<16xi32>
    %add3A_7 = arith.constant 0 : i32
    %add3A_8 = arith.addi %add3A, %add3A_7 : i32
    %mul3A_9 = arith.constant 128 : i32
    %mul3A_10 = arith.muli %add3A_8, %mul3A_9 : i32
    %mul3A_11 = arith.constant 128 : i32
    %mul3A_12 = arith.muli %add3A_8, %mul3A_11 : i32
    %mul3A_13 = arith.constant 128 : i32
    %mul3A_14 = arith.muli %add3A_8, %mul3A_13 : i32
    %mul3A_15 = arith.constant 128 : i32
    %mul3A_16 = arith.muli %add3A_8, %mul3A_15 : i32
    %dma_start3A = arith.constant 0 : i32
    %dma_start3A_17 = arith.constant 0 : i32
    %dma_start3A_18 = arith.constant 0 : i32
    %dma_start3A_19 = tpu.memref_slice %arg4[%dma_start3A, %dma_start3A_17, %dma_start3A_18] : memref<2x32x129xf32, #tpu.memory_space<vmem>> -> memref<1x8x128xf32, #tpu.memory_space<vmem>>
    %dma_start3A_20 = tpu.memref_squeeze %dma_start3A_19 : memref<1x8x128xf32, #tpu.memory_space<vmem>> -> memref<8x128xf32, #tpu.memory_space<vmem>>
    %dma_start3A_21 = arith.constant 0 : i32
    %dma_start3A_22 = tpu.memref_slice %arg2[%dma_start3A_21, %mul3A_10] : memref<32x1000000xf32, #tpu.memory_space<hbm>> -> memref<8x128xf32, #tpu.memory_space<hbm>>
    %dma_start3A_23 = arith.constant 0 : i32
    %dma_start3A_24 = arith.constant 0 : i32
    %dma_start3A_25 = tpu.memref_slice %arg4[%dma_start3A, %dma_start3A_23, %dma_start3A_24] : memref<2x32x129xf32, #tpu.memory_space<vmem>> -> memref<1x8x128xf32, #tpu.memory_space<vmem>>
    %dma_start3A_26 = tpu.memref_squeeze %dma_start3A_25 : memref<1x8x128xf32, #tpu.memory_space<vmem>> -> memref<8x128xf32, #tpu.memory_space<vmem>>
    %dma_start3A_27 = arith.constant 0 : i32
    %dma_start3A_28 = tpu.memref_slice %arg2[%dma_start3A_27, %mul3A_10] : memref<32x1000000xf32, #tpu.memory_space<hbm>> -> memref<8x128xf32, #tpu.memory_space<hbm>>
    tpu.enqueue_dma source(%dma_start3A_28 : memref<8x128xf32, #tpu.memory_space<hbm>>) target(%dma_start3A_26 : memref<8x128xf32, #tpu.memory_space<vmem>>) target_semaphore(%arg6 : memref<!tpu.dma_semaphore, #tpu.memory_space<semaphore_mem>>)
    %dma_start3A_29 = arith.constant 0 : i32
    %dma_start3A_30 = arith.constant 8 : i32
    %dma_start3A_31 = arith.constant 0 : i32
    %dma_start3A_32 = tpu.memref_slice %arg4[%dma_start3A_29, %dma_start3A_30, %dma_start3A_31] : memref<2x32x129xf32, #tpu.memory_space<vmem>> -> memref<1x8x128xf32, #tpu.memory_space<vmem>>
    %dma_start3A_33 = tpu.memref_squeeze %dma_start3A_32 : memref<1x8x128xf32, #tpu.memory_space<vmem>> -> memref<8x128xf32, #tpu.memory_space<vmem>>
    %dma_start3A_34 = arith.constant 8 : i32
    %dma_start3A_35 = tpu.memref_slice %arg2[%dma_start3A_34, %mul3A_12] : memref<32x1000000xf32, #tpu.memory_space<hbm>> -> memref<8x128xf32, #tpu.memory_space<hbm>>
    %dma_start3A_36 = arith.constant 8 : i32
    %dma_start3A_37 = arith.constant 0 : i32
    %dma_start3A_38 = tpu.memref_slice %arg4[%dma_start3A_29, %dma_start3A_36, %dma_start3A_37] : memref<2x32x129xf32, #tpu.memory_space<vmem>> -> memref<1x8x128xf32, #tpu.memory_space<vmem>>
    %dma_start3A_39 = tpu.memref_squeeze %dma_start3A_38 : memref<1x8x128xf32, #tpu.memory_space<vmem>> -> memref<8x128xf32, #tpu.memory_space<vmem>>
    %dma_start3A_40 = arith.constant 8 : i32
    %dma_start3A_41 = tpu.memref_slice %arg2[%dma_start3A_40, %mul3A_12] : memref<32x1000000xf32, #tpu.memory_space<hbm>> -> memref<8x128xf32, #tpu.memory_space<hbm>>
    tpu.enqueue_dma source(%dma_start3A_41 : memref<8x128xf32, #tpu.memory_space<hbm>>) target(%dma_start3A_39 : memref<8x128xf32, #tpu.memory_space<vmem>>) target_semaphore(%arg6 : memref<!tpu.dma_semaphore, #tpu.memory_space<semaphore_mem>>)
    %dma_start3A_42 = arith.constant 0 : i32
    %dma_start3A_43 = arith.constant 16 : i32
    %dma_start3A_44 = arith.constant 0 : i32
    %dma_start3A_45 = tpu.memref_slice %arg4[%dma_start3A_42, %dma_start3A_43, %dma_start3A_44] : memref<2x32x129xf32, #tpu.memory_space<vmem>> -> memref<1x8x128xf32, #tpu.memory_space<vmem>>
    %dma_start3A_46 = tpu.memref_squeeze %dma_start3A_45 : memref<1x8x128xf32, #tpu.memory_space<vmem>> -> memref<8x128xf32, #tpu.memory_space<vmem>>
    %dma_start3A_47 = arith.constant 16 : i32
    %dma_start3A_48 = tpu.memref_slice %arg2[%dma_start3A_47, %mul3A_14] : memref<32x1000000xf32, #tpu.memory_space<hbm>> -> memref<8x128xf32, #tpu.memory_space<hbm>>
    %dma_start3A_49 = arith.constant 16 : i32
    %dma_start3A_50 = arith.constant 0 : i32
    %dma_start3A_51 = tpu.memref_slice %arg4[%dma_start3A_42, %dma_start3A_49, %dma_start3A_50] : memref<2x32x129xf32, #tpu.memory_space<vmem>> -> memref<1x8x128xf32, #tpu.memory_space<vmem>>
    %dma_start3A_52 = tpu.memref_squeeze %dma_start3A_51 : memref<1x8x128xf32, #tpu.memory_space<vmem>> -> memref<8x128xf32, #tpu.memory_space<vmem>>
    %dma_start3A_53 = arith.constant 16 : i32
    %dma_start3A_54 = tpu.memref_slice %arg2[%dma_start3A_53, %mul3A_14] : memref<32x1000000xf32, #tpu.memory_space<hbm>> -> memref<8x128xf32, #tpu.memory_space<hbm>>
    tpu.enqueue_dma source(%dma_start3A_54 : memref<8x128xf32, #tpu.memory_space<hbm>>) target(%dma_start3A_52 : memref<8x128xf32, #tpu.memory_space<vmem>>) target_semaphore(%arg6 : memref<!tpu.dma_semaphore, #tpu.memory_space<semaphore_mem>>)
    %dma_start3A_55 = arith.constant 0 : i32
    %dma_start3A_56 = arith.constant 24 : i32
    %dma_start3A_57 = arith.constant 0 : i32
    %dma_start3A_58 = tpu.memref_slice %arg4[%dma_start3A_55, %dma_start3A_56, %dma_start3A_57] : memref<2x32x129xf32, #tpu.memory_space<vmem>> -> memref<1x8x128xf32, #tpu.memory_space<vmem>>
    %dma_start3A_59 = tpu.memref_squeeze %dma_start3A_58 : memref<1x8x128xf32, #tpu.memory_space<vmem>> -> memref<8x128xf32, #tpu.memory_space<vmem>>
    %dma_start3A_60 = arith.constant 24 : i32
    %dma_start3A_61 = tpu.memref_slice %arg2[%dma_start3A_60, %mul3A_16] : memref<32x1000000xf32, #tpu.memory_space<hbm>> -> memref<8x128xf32, #tpu.memory_space<hbm>>
    %dma_start3A_62 = arith.constant 24 : i32
    %dma_start3A_63 = arith.constant 0 : i32
    %dma_start3A_64 = tpu.memref_slice %arg4[%dma_start3A_55, %dma_start3A_62, %dma_start3A_63] : memref<2x32x129xf32, #tpu.memory_space<vmem>> -> memref<1x8x128xf32, #tpu.memory_space<vmem>>
    %dma_start3A_65 = tpu.memref_squeeze %dma_start3A_64 : memref<1x8x128xf32, #tpu.memory_space<vmem>> -> memref<8x128xf32, #tpu.memory_space<vmem>>
    %dma_start3A_66 = arith.constant 24 : i32
    %dma_start3A_67 = tpu.memref_slice %arg2[%dma_start3A_66, %mul3A_16] : memref<32x1000000xf32, #tpu.memory_space<hbm>> -> memref<8x128xf32, #tpu.memory_space<hbm>>
    tpu.enqueue_dma source(%dma_start3A_67 : memref<8x128xf32, #tpu.memory_space<hbm>>) target(%dma_start3A_65 : memref<8x128xf32, #tpu.memory_space<vmem>>) target_semaphore(%arg6 : memref<!tpu.dma_semaphore, #tpu.memory_space<semaphore_mem>>)
    %scan3A = arith.constant 0 : i32
    %scan3A_68 = arith.constant 0 : i32
    %scan3A_69 = arith.constant 122 : i32
    %scan3A_70 = arith.addi %scan3A_68, %scan3A_69 : i32
    %scan3A_71 = arith.constant 1 : i32
    scf.for %scan3A_108 = %scan3A_68 to %scan3A_70 step %scan3A_71  : i32 {
      %mul3A_109 = arith.constant 2 : i32
      %mul3A_110 = arith.muli %mul3A_109, %scan3A_108 : i32
      %add3A_111 = arith.constant 0 : i32
      %add3A_112 = arith.addi %mul3A_110, %add3A_111 : i32
      %mul3A_113 = arith.constant 32 : i32
      %mul3A_114 = arith.muli %mul3A_113, %add3A_112 : i32
      %add3A_115 = arith.addi %add3A, %mul3A_114 : i32
      %mul3A_116 = arith.constant 128 : i32
      %mul3A_117 = arith.muli %add3A_115, %mul3A_116 : i32
      %mul3A_118 = arith.constant 128 : i32
      %mul3A_119 = arith.muli %add3A_115, %mul3A_118 : i32
      %mul3A_120 = arith.constant 128 : i32
      %mul3A_121 = arith.muli %add3A_115, %mul3A_120 : i32
      %mul3A_122 = arith.constant 128 : i32
      %mul3A_123 = arith.muli %add3A_115, %mul3A_122 : i32
      %dma_wait3A_124 = arith.constant 0 : i32
      %dma_wait3A_125 = arith.constant 0 : i32
      %dma_wait3A_126 = arith.constant 0 : i32
      %dma_wait3A_127 = tpu.memref_slice %arg4[%dma_wait3A_124, %dma_wait3A_125, %dma_wait3A_126] : memref<2x32x129xf32, #tpu.memory_space<vmem>> -> memref<1x8x128xf32, #tpu.memory_space<vmem>>
      %dma_wait3A_128 = tpu.memref_squeeze %dma_wait3A_127 : memref<1x8x128xf32, #tpu.memory_space<vmem>> -> memref<8x128xf32, #tpu.memory_space<vmem>>
      %dma_wait3A_129 = arith.constant 0 : i32
      %dma_wait3A_130 = tpu.memref_slice %arg2[%dma_wait3A_129, %mul3A_117] : memref<32x1000000xf32, #tpu.memory_space<hbm>> -> memref<8x128xf32, #tpu.memory_space<hbm>>
      %dma_wait3A_131 = arith.constant 0 : i32
      %dma_wait3A_132 = arith.constant 0 : i32
      %dma_wait3A_133 = tpu.memref_slice %arg4[%dma_wait3A_124, %dma_wait3A_131, %dma_wait3A_132] : memref<2x32x129xf32, #tpu.memory_space<vmem>> -> memref<1x8x128xf32, #tpu.memory_space<vmem>>
      %dma_wait3A_134 = tpu.memref_squeeze %dma_wait3A_133 : memref<1x8x128xf32, #tpu.memory_space<vmem>> -> memref<8x128xf32, #tpu.memory_space<vmem>>
      %dma_wait3A_135 = arith.constant 0 : i32
      %dma_wait3A_136 = tpu.memref_slice %arg2[%dma_wait3A_135, %mul3A_117] : memref<32x1000000xf32, #tpu.memory_space<hbm>> -> memref<8x128xf32, #tpu.memory_space<hbm>>
      tpu.wait_dma2 semaphore(%arg6 : memref<!tpu.dma_semaphore, #tpu.memory_space<semaphore_mem>>) src(%dma_wait3A_136 : memref<8x128xf32, #tpu.memory_space<hbm>>) dst(%dma_wait3A_134 : memref<8x128xf32, #tpu.memory_space<vmem>>)
      %dma_wait3A_137 = arith.constant 0 : i32
      %dma_wait3A_138 = arith.constant 8 : i32
      %dma_wait3A_139 = arith.constant 0 : i32
      %dma_wait3A_140 = tpu.memref_slice %arg4[%dma_wait3A_137, %dma_wait3A_138, %dma_wait3A_139] : memref<2x32x129xf32, #tpu.memory_space<vmem>> -> memref<1x8x128xf32, #tpu.memory_space<vmem>>
      %dma_wait3A_141 = tpu.memref_squeeze %dma_wait3A_140 : memref<1x8x128xf32, #tpu.memory_space<vmem>> -> memref<8x128xf32, #tpu.memory_space<vmem>>
      %dma_wait3A_142 = arith.constant 8 : i32
      %dma_wait3A_143 = tpu.memref_slice %arg2[%dma_wait3A_142, %mul3A_119] : memref<32x1000000xf32, #tpu.memory_space<hbm>> -> memref<8x128xf32, #tpu.memory_space<hbm>>
      %dma_wait3A_144 = arith.constant 8 : i32
      %dma_wait3A_145 = arith.constant 0 : i32
      %dma_wait3A_146 = tpu.memref_slice %arg4[%dma_wait3A_137, %dma_wait3A_144, %dma_wait3A_145] : memref<2x32x129xf32, #tpu.memory_space<vmem>> -> memref<1x8x128xf32, #tpu.memory_space<vmem>>
      %dma_wait3A_147 = tpu.memref_squeeze %dma_wait3A_146 : memref<1x8x128xf32, #tpu.memory_space<vmem>> -> memref<8x128xf32, #tpu.memory_space<vmem>>
      %dma_wait3A_148 = arith.constant 8 : i32
      %dma_wait3A_149 = tpu.memref_slice %arg2[%dma_wait3A_148, %mul3A_119] : memref<32x1000000xf32, #tpu.memory_space<hbm>> -> memref<8x128xf32, #tpu.memory_space<hbm>>
      tpu.wait_dma2 semaphore(%arg6 : memref<!tpu.dma_semaphore, #tpu.memory_space<semaphore_mem>>) src(%dma_wait3A_149 : memref<8x128xf32, #tpu.memory_space<hbm>>) dst(%dma_wait3A_147 : memref<8x128xf32, #tpu.memory_space<vmem>>)
      %dma_wait3A_150 = arith.constant 0 : i32
      %dma_wait3A_151 = arith.constant 16 : i32
      %dma_wait3A_152 = arith.constant 0 : i32
      %dma_wait3A_153 = tpu.memref_slice %arg4[%dma_wait3A_150, %dma_wait3A_151, %dma_wait3A_152] : memref<2x32x129xf32, #tpu.memory_space<vmem>> -> memref<1x8x128xf32, #tpu.memory_space<vmem>>
      %dma_wait3A_154 = tpu.memref_squeeze %dma_wait3A_153 : memref<1x8x128xf32, #tpu.memory_space<vmem>> -> memref<8x128xf32, #tpu.memory_space<vmem>>
      %dma_wait3A_155 = arith.constant 16 : i32
      %dma_wait3A_156 = tpu.memref_slice %arg2[%dma_wait3A_155, %mul3A_121] : memref<32x1000000xf32, #tpu.memory_space<hbm>> -> memref<8x128xf32, #tpu.memory_space<hbm>>
      %dma_wait3A_157 = arith.constant 16 : i32
      %dma_wait3A_158 = arith.constant 0 : i32
      %dma_wait3A_159 = tpu.memref_slice %arg4[%dma_wait3A_150, %dma_wait3A_157, %dma_wait3A_158] : memref<2x32x129xf32, #tpu.memory_space<vmem>> -> memref<1x8x128xf32, #tpu.memory_space<vmem>>
      %dma_wait3A_160 = tpu.memref_squeeze %dma_wait3A_159 : memref<1x8x128xf32, #tpu.memory_space<vmem>> -> memref<8x128xf32, #tpu.memory_space<vmem>>
      %dma_wait3A_161 = arith.constant 16 : i32
      %dma_wait3A_162 = tpu.memref_slice %arg2[%dma_wait3A_161, %mul3A_121] : memref<32x1000000xf32, #tpu.memory_space<hbm>> -> memref<8x128xf32, #tpu.memory_space<hbm>>
      tpu.wait_dma2 semaphore(%arg6 : memref<!tpu.dma_semaphore, #tpu.memory_space<semaphore_mem>>) src(%dma_wait3A_162 : memref<8x128xf32, #tpu.memory_space<hbm>>) dst(%dma_wait3A_160 : memref<8x128xf32, #tpu.memory_space<vmem>>)
      %dma_wait3A_163 = arith.constant 0 : i32
      %dma_wait3A_164 = arith.constant 24 : i32
      %dma_wait3A_165 = arith.constant 0 : i32
      %dma_wait3A_166 = tpu.memref_slice %arg4[%dma_wait3A_163, %dma_wait3A_164, %dma_wait3A_165] : memref<2x32x129xf32, #tpu.memory_space<vmem>> -> memref<1x8x128xf32, #tpu.memory_space<vmem>>
      %dma_wait3A_167 = tpu.memref_squeeze %dma_wait3A_166 : memref<1x8x128xf32, #tpu.memory_space<vmem>> -> memref<8x128xf32, #tpu.memory_space<vmem>>
      %dma_wait3A_168 = arith.constant 24 : i32
      %dma_wait3A_169 = tpu.memref_slice %arg2[%dma_wait3A_168, %mul3A_123] : memref<32x1000000xf32, #tpu.memory_space<hbm>> -> memref<8x128xf32, #tpu.memory_space<hbm>>
      %dma_wait3A_170 = arith.constant 24 : i32
      %dma_wait3A_171 = arith.constant 0 : i32
      %dma_wait3A_172 = tpu.memref_slice %arg4[%dma_wait3A_163, %dma_wait3A_170, %dma_wait3A_171] : memref<2x32x129xf32, #tpu.memory_space<vmem>> -> memref<1x8x128xf32, #tpu.memory_space<vmem>>
      %dma_wait3A_173 = tpu.memref_squeeze %dma_wait3A_172 : memref<1x8x128xf32, #tpu.memory_space<vmem>> -> memref<8x128xf32, #tpu.memory_space<vmem>>
      %dma_wait3A_174 = arith.constant 24 : i32
      %dma_wait3A_175 = tpu.memref_slice %arg2[%dma_wait3A_174, %mul3A_123] : memref<32x1000000xf32, #tpu.memory_space<hbm>> -> memref<8x128xf32, #tpu.memory_space<hbm>>
      tpu.wait_dma2 semaphore(%arg6 : memref<!tpu.dma_semaphore, #tpu.memory_space<semaphore_mem>>) src(%dma_wait3A_175 : memref<8x128xf32, #tpu.memory_space<hbm>>) dst(%dma_wait3A_173 : memref<8x128xf32, #tpu.memory_space<vmem>>)
      %lt3A_176 = arith.constant 243 : i32
      %lt3A_177 = arith.cmpi slt, %add3A_112, %lt3A_176 : i32
      %convert_element_type3A_178 = arith.extui %lt3A_177 : i1 to i32
      %cond3A_179 = arith.constant 0 : i32
      %cond3A_180 = arith.cmpi ne, %convert_element_type3A_178, %cond3A_179 : i32
      scf.if %cond3A_180 {
        %add3A_303 = arith.constant 1 : i32
        %add3A_304 = arith.addi %add3A_112, %add3A_303 : i32
        %mul3A_305 = arith.constant 32 : i32
        %mul3A_306 = arith.muli %mul3A_305, %add3A_304 : i32
        %add3A_307 = arith.addi %add3A, %mul3A_306 : i32
        %mul3A_308 = arith.constant 128 : i32
        %mul3A_309 = arith.muli %add3A_307, %mul3A_308 : i32
        %mul3A_310 = arith.constant 128 : i32
        %mul3A_311 = arith.muli %add3A_307, %mul3A_310 : i32
        %mul3A_312 = arith.constant 128 : i32
        %mul3A_313 = arith.muli %add3A_307, %mul3A_312 : i32
        %mul3A_314 = arith.constant 128 : i32
        %mul3A_315 = arith.muli %add3A_307, %mul3A_314 : i32
        %dma_start3A_316 = arith.constant 1 : i32
        %dma_start3A_317 = arith.constant 0 : i32
        %dma_start3A_318 = arith.constant 0 : i32
        %dma_start3A_319 = tpu.memref_slice %arg4[%dma_start3A_316, %dma_start3A_317, %dma_start3A_318] : memref<2x32x129xf32, #tpu.memory_space<vmem>> -> memref<1x8x128xf32, #tpu.memory_space<vmem>>
        %dma_start3A_320 = tpu.memref_squeeze %dma_start3A_319 : memref<1x8x128xf32, #tpu.memory_space<vmem>> -> memref<8x128xf32, #tpu.memory_space<vmem>>
        %dma_start3A_321 = arith.constant 0 : i32
        %dma_start3A_322 = tpu.memref_slice %arg2[%dma_start3A_321, %mul3A_309] : memref<32x1000000xf32, #tpu.memory_space<hbm>> -> memref<8x128xf32, #tpu.memory_space<hbm>>
        %dma_start3A_323 = arith.constant 0 : i32
        %dma_start3A_324 = arith.constant 0 : i32
        %dma_start3A_325 = tpu.memref_slice %arg4[%dma_start3A_316, %dma_start3A_323, %dma_start3A_324] : memref<2x32x129xf32, #tpu.memory_space<vmem>> -> memref<1x8x128xf32, #tpu.memory_space<vmem>>
        %dma_start3A_326 = tpu.memref_squeeze %dma_start3A_325 : memref<1x8x128xf32, #tpu.memory_space<vmem>> -> memref<8x128xf32, #tpu.memory_space<vmem>>
        %dma_start3A_327 = arith.constant 0 : i32
        %dma_start3A_328 = tpu.memref_slice %arg2[%dma_start3A_327, %mul3A_309] : memref<32x1000000xf32, #tpu.memory_space<hbm>> -> memref<8x128xf32, #tpu.memory_space<hbm>>
        tpu.enqueue_dma source(%dma_start3A_328 : memref<8x128xf32, #tpu.memory_space<hbm>>) target(%dma_start3A_326 : memref<8x128xf32, #tpu.memory_space<vmem>>) target_semaphore(%arg7 : memref<!tpu.dma_semaphore, #tpu.memory_space<semaphore_mem>>)
        %dma_start3A_329 = arith.constant 1 : i32
        %dma_start3A_330 = arith.constant 8 : i32
        %dma_start3A_331 = arith.constant 0 : i32
        %dma_start3A_332 = tpu.memref_slice %arg4[%dma_start3A_329, %dma_start3A_330, %dma_start3A_331] : memref<2x32x129xf32, #tpu.memory_space<vmem>> -> memref<1x8x128xf32, #tpu.memory_space<vmem>>
        %dma_start3A_333 = tpu.memref_squeeze %dma_start3A_332 : memref<1x8x128xf32, #tpu.memory_space<vmem>> -> memref<8x128xf32, #tpu.memory_space<vmem>>
        %dma_start3A_334 = arith.constant 8 : i32
        %dma_start3A_335 = tpu.memref_slice %arg2[%dma_start3A_334, %mul3A_311] : memref<32x1000000xf32, #tpu.memory_space<hbm>> -> memref<8x128xf32, #tpu.memory_space<hbm>>
        %dma_start3A_336 = arith.constant 8 : i32
        %dma_start3A_337 = arith.constant 0 : i32
        %dma_start3A_338 = tpu.memref_slice %arg4[%dma_start3A_329, %dma_start3A_336, %dma_start3A_337] : memref<2x32x129xf32, #tpu.memory_space<vmem>> -> memref<1x8x128xf32, #tpu.memory_space<vmem>>
        %dma_start3A_339 = tpu.memref_squeeze %dma_start3A_338 : memref<1x8x128xf32, #tpu.memory_space<vmem>> -> memref<8x128xf32, #tpu.memory_space<vmem>>
        %dma_start3A_340 = arith.constant 8 : i32
        %dma_start3A_341 = tpu.memref_slice %arg2[%dma_start3A_340, %mul3A_311] : memref<32x1000000xf32, #tpu.memory_space<hbm>> -> memref<8x128xf32, #tpu.memory_space<hbm>>
        tpu.enqueue_dma source(%dma_start3A_341 : memref<8x128xf32, #tpu.memory_space<hbm>>) target(%dma_start3A_339 : memref<8x128xf32, #tpu.memory_space<vmem>>) target_semaphore(%arg7 : memref<!tpu.dma_semaphore, #tpu.memory_space<semaphore_mem>>)
        %dma_start3A_342 = arith.constant 1 : i32
        %dma_start3A_343 = arith.constant 16 : i32
        %dma_start3A_344 = arith.constant 0 : i32
        %dma_start3A_345 = tpu.memref_slice %arg4[%dma_start3A_342, %dma_start3A_343, %dma_start3A_344] : memref<2x32x129xf32, #tpu.memory_space<vmem>> -> memref<1x8x128xf32, #tpu.memory_space<vmem>>
        %dma_start3A_346 = tpu.memref_squeeze %dma_start3A_345 : memref<1x8x128xf32, #tpu.memory_space<vmem>> -> memref<8x128xf32, #tpu.memory_space<vmem>>
        %dma_start3A_347 = arith.constant 16 : i32
        %dma_start3A_348 = tpu.memref_slice %arg2[%dma_start3A_347, %mul3A_313] : memref<32x1000000xf32, #tpu.memory_space<hbm>> -> memref<8x128xf32, #tpu.memory_space<hbm>>
        %dma_start3A_349 = arith.constant 16 : i32
        %dma_start3A_350 = arith.constant 0 : i32
        %dma_start3A_351 = tpu.memref_slice %arg4[%dma_start3A_342, %dma_start3A_349, %dma_start3A_350] : memref<2x32x129xf32, #tpu.memory_space<vmem>> -> memref<1x8x128xf32, #tpu.memory_space<vmem>>
        %dma_start3A_352 = tpu.memref_squeeze %dma_start3A_351 : memref<1x8x128xf32, #tpu.memory_space<vmem>> -> memref<8x128xf32, #tpu.memory_space<vmem>>
        %dma_start3A_353 = arith.constant 16 : i32
        %dma_start3A_354 = tpu.memref_slice %arg2[%dma_start3A_353, %mul3A_313] : memref<32x1000000xf32, #tpu.memory_space<hbm>> -> memref<8x128xf32, #tpu.memory_space<hbm>>
        tpu.enqueue_dma source(%dma_start3A_354 : memref<8x128xf32, #tpu.memory_space<hbm>>) target(%dma_start3A_352 : memref<8x128xf32, #tpu.memory_space<vmem>>) target_semaphore(%arg7 : memref<!tpu.dma_semaphore, #tpu.memory_space<semaphore_mem>>)
        %dma_start3A_355 = arith.constant 1 : i32
        %dma_start3A_356 = arith.constant 24 : i32
        %dma_start3A_357 = arith.constant 0 : i32
        %dma_start3A_358 = tpu.memref_slice %arg4[%dma_start3A_355, %dma_start3A_356, %dma_start3A_357] : memref<2x32x129xf32, #tpu.memory_space<vmem>> -> memref<1x8x128xf32, #tpu.memory_space<vmem>>
        %dma_start3A_359 = tpu.memref_squeeze %dma_start3A_358 : memref<1x8x128xf32, #tpu.memory_space<vmem>> -> memref<8x128xf32, #tpu.memory_space<vmem>>
        %dma_start3A_360 = arith.constant 24 : i32
        %dma_start3A_361 = tpu.memref_slice %arg2[%dma_start3A_360, %mul3A_315] : memref<32x1000000xf32, #tpu.memory_space<hbm>> -> memref<8x128xf32, #tpu.memory_space<hbm>>
        %dma_start3A_362 = arith.constant 24 : i32
        %dma_start3A_363 = arith.constant 0 : i32
        %dma_start3A_364 = tpu.memref_slice %arg4[%dma_start3A_355, %dma_start3A_362, %dma_start3A_363] : memref<2x32x129xf32, #tpu.memory_space<vmem>> -> memref<1x8x128xf32, #tpu.memory_space<vmem>>
        %dma_start3A_365 = tpu.memref_squeeze %dma_start3A_364 : memref<1x8x128xf32, #tpu.memory_space<vmem>> -> memref<8x128xf32, #tpu.memory_space<vmem>>
        %dma_start3A_366 = arith.constant 24 : i32
        %dma_start3A_367 = tpu.memref_slice %arg2[%dma_start3A_366, %mul3A_315] : memref<32x1000000xf32, #tpu.memory_space<hbm>> -> memref<8x128xf32, #tpu.memory_space<hbm>>
        tpu.enqueue_dma source(%dma_start3A_367 : memref<8x128xf32, #tpu.memory_space<hbm>>) target(%dma_start3A_365 : memref<8x128xf32, #tpu.memory_space<vmem>>) target_semaphore(%arg7 : memref<!tpu.dma_semaphore, #tpu.memory_space<semaphore_mem>>)
      } else {
      }
      %ge3A = arith.constant 2 : i32
      %ge3A_181 = arith.cmpi sge, %add3A_112, %ge3A : i32
      %convert_element_type3A_182 = arith.extui %ge3A_181 : i1 to i32
      %cond3A_183 = arith.constant 0 : i32
      %cond3A_184 = arith.cmpi ne, %convert_element_type3A_182, %cond3A_183 : i32
      scf.if %cond3A_184 {
        %sub3A = arith.constant 2 : i32
        %sub3A_303 = arith.subi %add3A_112, %sub3A : i32
        %mul3A_304 = arith.constant 32 : i32
        %mul3A_305 = arith.muli %mul3A_304, %sub3A_303 : i32
        %add3A_306 = arith.addi %add3A, %mul3A_305 : i32
        %mul3A_307 = arith.constant 32 : i32
        %mul3A_308 = arith.muli %add3A_306, %mul3A_307 : i32
        %dma_wait3A_309 = arith.constant 0 : i32
        %dma_wait3A_310 = arith.constant 0 : i32
        %dma_wait3A_311 = arith.constant 0 : i32
        %dma_wait3A_312 = tpu.memref_slice %arg5[%dma_wait3A_309, %dma_wait3A_310, %dma_wait3A_311] : memref<2x32x128xf32, #tpu.memory_space<vmem>> -> memref<1x32x128xf32, #tpu.memory_space<vmem>>
        %dma_wait3A_313 = tpu.memref_squeeze %dma_wait3A_312 : memref<1x32x128xf32, #tpu.memory_space<vmem>> -> memref<32x128xf32, #tpu.memory_space<vmem>>
        %dma_wait3A_314 = arith.constant 0 : i32
        %dma_wait3A_315 = tpu.memref_slice %arg3[%mul3A_308, %dma_wait3A_314] : memref<250016x128xf32, #tpu.memory_space<hbm>> -> memref<32x128xf32, #tpu.memory_space<hbm>>
        %dma_wait3A_316 = arith.constant 0 : i32
        %dma_wait3A_317 = tpu.memref_slice %arg3[%mul3A_308, %dma_wait3A_316] : memref<250016x128xf32, #tpu.memory_space<hbm>> -> memref<32x128xf32, #tpu.memory_space<hbm>>
        %dma_wait3A_318 = arith.constant 0 : i32
        %dma_wait3A_319 = arith.constant 0 : i32
        %dma_wait3A_320 = tpu.memref_slice %arg5[%dma_wait3A_309, %dma_wait3A_318, %dma_wait3A_319] : memref<2x32x128xf32, #tpu.memory_space<vmem>> -> memref<1x32x128xf32, #tpu.memory_space<vmem>>
        %dma_wait3A_321 = tpu.memref_squeeze %dma_wait3A_320 : memref<1x32x128xf32, #tpu.memory_space<vmem>> -> memref<32x128xf32, #tpu.memory_space<vmem>>
        tpu.wait_dma2 semaphore(%arg8 : memref<!tpu.dma_semaphore, #tpu.memory_space<semaphore_mem>>) src(%dma_wait3A_321 : memref<32x128xf32, #tpu.memory_space<vmem>>) dst(%dma_wait3A_317 : memref<32x128xf32, #tpu.memory_space<hbm>>)
      } else {
      }
      %parallel_loop3A = arith.constant 0 : i32
      %parallel_loop3A_185 = arith.constant 32 : i32
      %parallel_loop3A_186 = arith.constant 1 : i32
      scf.for %parallel_loop3A_303 = %parallel_loop3A to %parallel_loop3A_185 step %parallel_loop3A_186  : i32 {
        %parallel_loop3A_304 = arith.constant 4 : i32
        %parallel_loop3A_305 = arith.muli %parallel_loop3A_304, %parallel_loop3A_303 : i32
        %parallel_loop3A_306 = arith.constant 0 : i32
        %parallel_loop3A_307 = arith.addi %parallel_loop3A_305, %parallel_loop3A_306 : i32
        %parallel_loop3A_308 = vector.broadcast %parallel_loop3A_307 : i32 to vector<16xi32>
        %parallel_loop3A_309 = arith.constant 0 : i32
        %parallel_loop3A_310 = arith.constant 0 : i32
        %parallel_loop3A_311 = arith.constant 0 : i32
        %parallel_loop3A_312 = tpu.memref_slice %arg4[%parallel_loop3A_309, %parallel_loop3A_310, %parallel_loop3A_311] : memref<2x32x129xf32, #tpu.memory_space<vmem>> -> memref<1x32x129xf32, #tpu.memory_space<vmem>>
        %parallel_loop3A_313 = tpu.memref_squeeze %parallel_loop3A_312 : memref<1x32x129xf32, #tpu.memory_space<vmem>> -> memref<32x129xf32, #tpu.memory_space<vmem>>
        %parallel_loop3A_314 = tpu.vector_load_idx %parallel_loop3A_313[%add3A_3, %parallel_loop3A_308] : memref<32x129xf32, #tpu.memory_space<vmem>>[vector<16xi32>, vector<16xi32>], vector<16xf32>,
        %parallel_loop3A_315 = arith.constant 0 : i32
        %parallel_loop3A_316 = arith.index_cast %parallel_loop3A_315 : i32 to index
        %parallel_loop3A_317 = arith.index_cast %parallel_loop3A_303 : i32 to index
        %parallel_loop3A_318 = arith.constant 0 : index
        %parallel_loop3A_319 = tpu.vector_load %arg5[%parallel_loop3A_316, %parallel_loop3A_317, %parallel_loop3A_318] {strides = array<i32>} : memref<2x32x128xf32, #tpu.memory_space<vmem>>, vector<16xf32>,
        tpu.vector_store %arg5[%parallel_loop3A_316, %parallel_loop3A_317, %parallel_loop3A_318], %parallel_loop3A_314 {strides = array<i32>} : memref<2x32x128xf32, #tpu.memory_space<vmem>>, vector<16xf32>,
        %parallel_loop3A_320 = arith.constant 0 : i32
        %parallel_loop3A_321 = arith.constant 0 : i32
        %parallel_loop3A_322 = arith.constant 0 : i32
        %parallel_loop3A_323 = tpu.memref_slice %arg4[%parallel_loop3A_320, %parallel_loop3A_321, %parallel_loop3A_322] : memref<2x32x129xf32, #tpu.memory_space<vmem>> -> memref<1x32x129xf32, #tpu.memory_space<vmem>>
        %parallel_loop3A_324 = tpu.memref_squeeze %parallel_loop3A_323 : memref<1x32x129xf32, #tpu.memory_space<vmem>> -> memref<32x129xf32, #tpu.memory_space<vmem>>
        %parallel_loop3A_325 = tpu.vector_load_idx %parallel_loop3A_324[%add3A_6, %parallel_loop3A_308] : memref<32x129xf32, #tpu.memory_space<vmem>>[vector<16xi32>, vector<16xi32>], vector<16xf32>,
        %parallel_loop3A_326 = arith.constant 0 : i32
        %parallel_loop3A_327 = arith.index_cast %parallel_loop3A_326 : i32 to index
        %parallel_loop3A_328 = arith.index_cast %parallel_loop3A_303 : i32 to index
        %parallel_loop3A_329 = arith.constant 16 : index
        %parallel_loop3A_330 = tpu.vector_load %arg5[%parallel_loop3A_327, %parallel_loop3A_328, %parallel_loop3A_329] {strides = array<i32>} : memref<2x32x128xf32, #tpu.memory_space<vmem>>, vector<16xf32>,
        tpu.vector_store %arg5[%parallel_loop3A_327, %parallel_loop3A_328, %parallel_loop3A_329], %parallel_loop3A_325 {strides = array<i32>} : memref<2x32x128xf32, #tpu.memory_space<vmem>>, vector<16xf32>,
        %parallel_loop3A_331 = arith.constant 4 : i32
        %parallel_loop3A_332 = arith.muli %parallel_loop3A_331, %parallel_loop3A_303 : i32
        %parallel_loop3A_333 = arith.constant 1 : i32
        %parallel_loop3A_334 = arith.addi %parallel_loop3A_332, %parallel_loop3A_333 : i32
        %parallel_loop3A_335 = vector.broadcast %parallel_loop3A_334 : i32 to vector<16xi32>
        %parallel_loop3A_336 = arith.constant 0 : i32
        %parallel_loop3A_337 = arith.constant 0 : i32
        %parallel_loop3A_338 = arith.constant 0 : i32
        %parallel_loop3A_339 = tpu.memref_slice %arg4[%parallel_loop3A_336, %parallel_loop3A_337, %parallel_loop3A_338] : memref<2x32x129xf32, #tpu.memory_space<vmem>> -> memref<1x32x129xf32, #tpu.memory_space<vmem>>
        %parallel_loop3A_340 = tpu.memref_squeeze %parallel_loop3A_339 : memref<1x32x129xf32, #tpu.memory_space<vmem>> -> memref<32x129xf32, #tpu.memory_space<vmem>>
        %parallel_loop3A_341 = tpu.vector_load_idx %parallel_loop3A_340[%add3A_3, %parallel_loop3A_335] : memref<32x129xf32, #tpu.memory_space<vmem>>[vector<16xi32>, vector<16xi32>], vector<16xf32>,
        %parallel_loop3A_342 = arith.constant 0 : i32
        %parallel_loop3A_343 = arith.index_cast %parallel_loop3A_342 : i32 to index
        %parallel_loop3A_344 = arith.index_cast %parallel_loop3A_303 : i32 to index
        %parallel_loop3A_345 = arith.constant 32 : index
        %parallel_loop3A_346 = tpu.vector_load %arg5[%parallel_loop3A_343, %parallel_loop3A_344, %parallel_loop3A_345] {strides = array<i32>} : memref<2x32x128xf32, #tpu.memory_space<vmem>>, vector<16xf32>,
        tpu.vector_store %arg5[%parallel_loop3A_343, %parallel_loop3A_344, %parallel_loop3A_345], %parallel_loop3A_341 {strides = array<i32>} : memref<2x32x128xf32, #tpu.memory_space<vmem>>, vector<16xf32>,
        %parallel_loop3A_347 = arith.constant 0 : i32
        %parallel_loop3A_348 = arith.constant 0 : i32
        %parallel_loop3A_349 = arith.constant 0 : i32
        %parallel_loop3A_350 = tpu.memref_slice %arg4[%parallel_loop3A_347, %parallel_loop3A_348, %parallel_loop3A_349] : memref<2x32x129xf32, #tpu.memory_space<vmem>> -> memref<1x32x129xf32, #tpu.memory_space<vmem>>
        %parallel_loop3A_351 = tpu.memref_squeeze %parallel_loop3A_350 : memref<1x32x129xf32, #tpu.memory_space<vmem>> -> memref<32x129xf32, #tpu.memory_space<vmem>>
        %parallel_loop3A_352 = tpu.vector_load_idx %parallel_loop3A_351[%add3A_6, %parallel_loop3A_335] : memref<32x129xf32, #tpu.memory_space<vmem>>[vector<16xi32>, vector<16xi32>], vector<16xf32>,
        %parallel_loop3A_353 = arith.constant 0 : i32
        %parallel_loop3A_354 = arith.index_cast %parallel_loop3A_353 : i32 to index
        %parallel_loop3A_355 = arith.index_cast %parallel_loop3A_303 : i32 to index
        %parallel_loop3A_356 = arith.constant 48 : index
        %parallel_loop3A_357 = tpu.vector_load %arg5[%parallel_loop3A_354, %parallel_loop3A_355, %parallel_loop3A_356] {strides = array<i32>} : memref<2x32x128xf32, #tpu.memory_space<vmem>>, vector<16xf32>,
        tpu.vector_store %arg5[%parallel_loop3A_354, %parallel_loop3A_355, %parallel_loop3A_356], %parallel_loop3A_352 {strides = array<i32>} : memref<2x32x128xf32, #tpu.memory_space<vmem>>, vector<16xf32>,
        %parallel_loop3A_358 = arith.constant 4 : i32
        %parallel_loop3A_359 = arith.muli %parallel_loop3A_358, %parallel_loop3A_303 : i32
        %parallel_loop3A_360 = arith.constant 2 : i32
        %parallel_loop3A_361 = arith.addi %parallel_loop3A_359, %parallel_loop3A_360 : i32
        %parallel_loop3A_362 = vector.broadcast %parallel_loop3A_361 : i32 to vector<16xi32>
        %parallel_loop3A_363 = arith.constant 0 : i32
        %parallel_loop3A_364 = arith.constant 0 : i32
        %parallel_loop3A_365 = arith.constant 0 : i32
        %parallel_loop3A_366 = tpu.memref_slice %arg4[%parallel_loop3A_363, %parallel_loop3A_364, %parallel_loop3A_365] : memref<2x32x129xf32, #tpu.memory_space<vmem>> -> memref<1x32x129xf32, #tpu.memory_space<vmem>>
        %parallel_loop3A_367 = tpu.memref_squeeze %parallel_loop3A_366 : memref<1x32x129xf32, #tpu.memory_space<vmem>> -> memref<32x129xf32, #tpu.memory_space<vmem>>
        %parallel_loop3A_368 = tpu.vector_load_idx %parallel_loop3A_367[%add3A_3, %parallel_loop3A_362] : memref<32x129xf32, #tpu.memory_space<vmem>>[vector<16xi32>, vector<16xi32>], vector<16xf32>,
        %parallel_loop3A_369 = arith.constant 0 : i32
        %parallel_loop3A_370 = arith.index_cast %parallel_loop3A_369 : i32 to index
        %parallel_loop3A_371 = arith.index_cast %parallel_loop3A_303 : i32 to index
        %parallel_loop3A_372 = arith.constant 64 : index
        %parallel_loop3A_373 = tpu.vector_load %arg5[%parallel_loop3A_370, %parallel_loop3A_371, %parallel_loop3A_372] {strides = array<i32>} : memref<2x32x128xf32, #tpu.memory_space<vmem>>, vector<16xf32>,
        tpu.vector_store %arg5[%parallel_loop3A_370, %parallel_loop3A_371, %parallel_loop3A_372], %parallel_loop3A_368 {strides = array<i32>} : memref<2x32x128xf32, #tpu.memory_space<vmem>>, vector<16xf32>,
        %parallel_loop3A_374 = arith.constant 0 : i32
        %parallel_loop3A_375 = arith.constant 0 : i32
        %parallel_loop3A_376 = arith.constant 0 : i32
        %parallel_loop3A_377 = tpu.memref_slice %arg4[%parallel_loop3A_374, %parallel_loop3A_375, %parallel_loop3A_376] : memref<2x32x129xf32, #tpu.memory_space<vmem>> -> memref<1x32x129xf32, #tpu.memory_space<vmem>>
        %parallel_loop3A_378 = tpu.memref_squeeze %parallel_loop3A_377 : memref<1x32x129xf32, #tpu.memory_space<vmem>> -> memref<32x129xf32, #tpu.memory_space<vmem>>
        %parallel_loop3A_379 = tpu.vector_load_idx %parallel_loop3A_378[%add3A_6, %parallel_loop3A_362] : memref<32x129xf32, #tpu.memory_space<vmem>>[vector<16xi32>, vector<16xi32>], vector<16xf32>,
        %parallel_loop3A_380 = arith.constant 0 : i32
        %parallel_loop3A_381 = arith.index_cast %parallel_loop3A_380 : i32 to index
        %parallel_loop3A_382 = arith.index_cast %parallel_loop3A_303 : i32 to index
        %parallel_loop3A_383 = arith.constant 80 : index
        %parallel_loop3A_384 = tpu.vector_load %arg5[%parallel_loop3A_381, %parallel_loop3A_382, %parallel_loop3A_383] {strides = array<i32>} : memref<2x32x128xf32, #tpu.memory_space<vmem>>, vector<16xf32>,
        tpu.vector_store %arg5[%parallel_loop3A_381, %parallel_loop3A_382, %parallel_loop3A_383], %parallel_loop3A_379 {strides = array<i32>} : memref<2x32x128xf32, #tpu.memory_space<vmem>>, vector<16xf32>,
        %parallel_loop3A_385 = arith.constant 4 : i32
        %parallel_loop3A_386 = arith.muli %parallel_loop3A_385, %parallel_loop3A_303 : i32
        %parallel_loop3A_387 = arith.constant 3 : i32
        %parallel_loop3A_388 = arith.addi %parallel_loop3A_386, %parallel_loop3A_387 : i32
        %parallel_loop3A_389 = vector.broadcast %parallel_loop3A_388 : i32 to vector<16xi32>
        %parallel_loop3A_390 = arith.constant 0 : i32
        %parallel_loop3A_391 = arith.constant 0 : i32
        %parallel_loop3A_392 = arith.constant 0 : i32
        %parallel_loop3A_393 = tpu.memref_slice %arg4[%parallel_loop3A_390, %parallel_loop3A_391, %parallel_loop3A_392] : memref<2x32x129xf32, #tpu.memory_space<vmem>> -> memref<1x32x129xf32, #tpu.memory_space<vmem>>
        %parallel_loop3A_394 = tpu.memref_squeeze %parallel_loop3A_393 : memref<1x32x129xf32, #tpu.memory_space<vmem>> -> memref<32x129xf32, #tpu.memory_space<vmem>>
        %parallel_loop3A_395 = tpu.vector_load_idx %parallel_loop3A_394[%add3A_3, %parallel_loop3A_389] : memref<32x129xf32, #tpu.memory_space<vmem>>[vector<16xi32>, vector<16xi32>], vector<16xf32>,
        %parallel_loop3A_396 = arith.constant 0 : i32
        %parallel_loop3A_397 = arith.index_cast %parallel_loop3A_396 : i32 to index
        %parallel_loop3A_398 = arith.index_cast %parallel_loop3A_303 : i32 to index
        %parallel_loop3A_399 = arith.constant 96 : index
        %parallel_loop3A_400 = tpu.vector_load %arg5[%parallel_loop3A_397, %parallel_loop3A_398, %parallel_loop3A_399] {strides = array<i32>} : memref<2x32x128xf32, #tpu.memory_space<vmem>>, vector<16xf32>,
        tpu.vector_store %arg5[%parallel_loop3A_397, %parallel_loop3A_398, %parallel_loop3A_399], %parallel_loop3A_395 {strides = array<i32>} : memref<2x32x128xf32, #tpu.memory_space<vmem>>, vector<16xf32>,
        %parallel_loop3A_401 = arith.constant 0 : i32
        %parallel_loop3A_402 = arith.constant 0 : i32
        %parallel_loop3A_403 = arith.constant 0 : i32
        %parallel_loop3A_404 = tpu.memref_slice %arg4[%parallel_loop3A_401, %parallel_loop3A_402, %parallel_loop3A_403] : memref<2x32x129xf32, #tpu.memory_space<vmem>> -> memref<1x32x129xf32, #tpu.memory_space<vmem>>
        %parallel_loop3A_405 = tpu.memref_squeeze %parallel_loop3A_404 : memref<1x32x129xf32, #tpu.memory_space<vmem>> -> memref<32x129xf32, #tpu.memory_space<vmem>>
        %parallel_loop3A_406 = tpu.vector_load_idx %parallel_loop3A_405[%add3A_6, %parallel_loop3A_389] : memref<32x129xf32, #tpu.memory_space<vmem>>[vector<16xi32>, vector<16xi32>], vector<16xf32>,
        %parallel_loop3A_407 = arith.constant 0 : i32
        %parallel_loop3A_408 = arith.index_cast %parallel_loop3A_407 : i32 to index
        %parallel_loop3A_409 = arith.index_cast %parallel_loop3A_303 : i32 to index
        %parallel_loop3A_410 = arith.constant 112 : index
        %parallel_loop3A_411 = tpu.vector_load %arg5[%parallel_loop3A_408, %parallel_loop3A_409, %parallel_loop3A_410] {strides = array<i32>} : memref<2x32x128xf32, #tpu.memory_space<vmem>>, vector<16xf32>,
        tpu.vector_store %arg5[%parallel_loop3A_408, %parallel_loop3A_409, %parallel_loop3A_410], %parallel_loop3A_406 {strides = array<i32>} : memref<2x32x128xf32, #tpu.memory_space<vmem>>, vector<16xf32>,
      } {sc.loop_unroll_factor = 8 : i64, sc.parallel_access}
      %mul3A_187 = arith.constant 32 : i32
      %mul3A_188 = arith.muli %mul3A_187, %add3A_112 : i32
      %add3A_189 = arith.addi %add3A, %mul3A_188 : i32
      %mul3A_190 = arith.constant 32 : i32
      %mul3A_191 = arith.muli %add3A_189, %mul3A_190 : i32
      %dma_start3A_192 = arith.constant 0 : i32
      %dma_start3A_193 = arith.constant 0 : i32
      %dma_start3A_194 = arith.constant 0 : i32
      %dma_start3A_195 = tpu.memref_slice %arg5[%dma_start3A_192, %dma_start3A_193, %dma_start3A_194] : memref<2x32x128xf32, #tpu.memory_space<vmem>> -> memref<1x32x128xf32, #tpu.memory_space<vmem>>
      %dma_start3A_196 = tpu.memref_squeeze %dma_start3A_195 : memref<1x32x128xf32, #tpu.memory_space<vmem>> -> memref<32x128xf32, #tpu.memory_space<vmem>>
      %dma_start3A_197 = arith.constant 0 : i32
      %dma_start3A_198 = tpu.memref_slice %arg3[%mul3A_191, %dma_start3A_197] : memref<250016x128xf32, #tpu.memory_space<hbm>> -> memref<32x128xf32, #tpu.memory_space<hbm>>
      %dma_start3A_199 = arith.constant 0 : i32
      %dma_start3A_200 = tpu.memref_slice %arg3[%mul3A_191, %dma_start3A_199] : memref<250016x128xf32, #tpu.memory_space<hbm>> -> memref<32x128xf32, #tpu.memory_space<hbm>>
      %dma_start3A_201 = arith.constant 0 : i32
      %dma_start3A_202 = arith.constant 0 : i32
      %dma_start3A_203 = tpu.memref_slice %arg5[%dma_start3A_192, %dma_start3A_201, %dma_start3A_202] : memref<2x32x128xf32, #tpu.memory_space<vmem>> -> memref<1x32x128xf32, #tpu.memory_space<vmem>>
      %dma_start3A_204 = tpu.memref_squeeze %dma_start3A_203 : memref<1x32x128xf32, #tpu.memory_space<vmem>> -> memref<32x128xf32, #tpu.memory_space<vmem>>
      tpu.enqueue_dma source(%dma_start3A_204 : memref<32x128xf32, #tpu.memory_space<vmem>>) target(%dma_start3A_200 : memref<32x128xf32, #tpu.memory_space<hbm>>) target_semaphore(%arg8 : memref<!tpu.dma_semaphore, #tpu.memory_space<semaphore_mem>>)
      %mul3A_205 = arith.constant 2 : i32
      %mul3A_206 = arith.muli %mul3A_205, %scan3A_108 : i32
      %add3A_207 = arith.constant 1 : i32
      %add3A_208 = arith.addi %mul3A_206, %add3A_207 : i32
      %mul3A_209 = arith.constant 32 : i32
      %mul3A_210 = arith.muli %mul3A_209, %add3A_208 : i32
      %add3A_211 = arith.addi %add3A, %mul3A_210 : i32
      %mul3A_212 = arith.constant 128 : i32
      %mul3A_213 = arith.muli %add3A_211, %mul3A_212 : i32
      %mul3A_214 = arith.constant 128 : i32
      %mul3A_215 = arith.muli %add3A_211, %mul3A_214 : i32
      %mul3A_216 = arith.constant 128 : i32
      %mul3A_217 = arith.muli %add3A_211, %mul3A_216 : i32
      %mul3A_218 = arith.constant 128 : i32
      %mul3A_219 = arith.muli %add3A_211, %mul3A_218 : i32
      %dma_wait3A_220 = arith.constant 1 : i32
      %dma_wait3A_221 = arith.constant 0 : i32
      %dma_wait3A_222 = arith.constant 0 : i32
      %dma_wait3A_223 = tpu.memref_slice %arg4[%dma_wait3A_220, %dma_wait3A_221, %dma_wait3A_222] : memref<2x32x129xf32, #tpu.memory_space<vmem>> -> memref<1x8x128xf32, #tpu.memory_space<vmem>>
      %dma_wait3A_224 = tpu.memref_squeeze %dma_wait3A_223 : memref<1x8x128xf32, #tpu.memory_space<vmem>> -> memref<8x128xf32, #tpu.memory_space<vmem>>
      %dma_wait3A_225 = arith.constant 0 : i32
      %dma_wait3A_226 = tpu.memref_slice %arg2[%dma_wait3A_225, %mul3A_213] : memref<32x1000000xf32, #tpu.memory_space<hbm>> -> memref<8x128xf32, #tpu.memory_space<hbm>>
      %dma_wait3A_227 = arith.constant 0 : i32
      %dma_wait3A_228 = arith.constant 0 : i32
      %dma_wait3A_229 = tpu.memref_slice %arg4[%dma_wait3A_220, %dma_wait3A_227, %dma_wait3A_228] : memref<2x32x129xf32, #tpu.memory_space<vmem>> -> memref<1x8x128xf32, #tpu.memory_space<vmem>>
      %dma_wait3A_230 = tpu.memref_squeeze %dma_wait3A_229 : memref<1x8x128xf32, #tpu.memory_space<vmem>> -> memref<8x128xf32, #tpu.memory_space<vmem>>
      %dma_wait3A_231 = arith.constant 0 : i32
      %dma_wait3A_232 = tpu.memref_slice %arg2[%dma_wait3A_231, %mul3A_213] : memref<32x1000000xf32, #tpu.memory_space<hbm>> -> memref<8x128xf32, #tpu.memory_space<hbm>>
      tpu.wait_dma2 semaphore(%arg7 : memref<!tpu.dma_semaphore, #tpu.memory_space<semaphore_mem>>) src(%dma_wait3A_232 : memref<8x128xf32, #tpu.memory_space<hbm>>) dst(%dma_wait3A_230 : memref<8x128xf32, #tpu.memory_space<vmem>>)
      %dma_wait3A_233 = arith.constant 1 : i32
      %dma_wait3A_234 = arith.constant 8 : i32
      %dma_wait3A_235 = arith.constant 0 : i32
      %dma_wait3A_236 = tpu.memref_slice %arg4[%dma_wait3A_233, %dma_wait3A_234, %dma_wait3A_235] : memref<2x32x129xf32, #tpu.memory_space<vmem>> -> memref<1x8x128xf32, #tpu.memory_space<vmem>>
      %dma_wait3A_237 = tpu.memref_squeeze %dma_wait3A_236 : memref<1x8x128xf32, #tpu.memory_space<vmem>> -> memref<8x128xf32, #tpu.memory_space<vmem>>
      %dma_wait3A_238 = arith.constant 8 : i32
      %dma_wait3A_239 = tpu.memref_slice %arg2[%dma_wait3A_238, %mul3A_215] : memref<32x1000000xf32, #tpu.memory_space<hbm>> -> memref<8x128xf32, #tpu.memory_space<hbm>>
      %dma_wait3A_240 = arith.constant 8 : i32
      %dma_wait3A_241 = arith.constant 0 : i32
      %dma_wait3A_242 = tpu.memref_slice %arg4[%dma_wait3A_233, %dma_wait3A_240, %dma_wait3A_241] : memref<2x32x129xf32, #tpu.memory_space<vmem>> -> memref<1x8x128xf32, #tpu.memory_space<vmem>>
      %dma_wait3A_243 = tpu.memref_squeeze %dma_wait3A_242 : memref<1x8x128xf32, #tpu.memory_space<vmem>> -> memref<8x128xf32, #tpu.memory_space<vmem>>
      %dma_wait3A_244 = arith.constant 8 : i32
      %dma_wait3A_245 = tpu.memref_slice %arg2[%dma_wait3A_244, %mul3A_215] : memref<32x1000000xf32, #tpu.memory_space<hbm>> -> memref<8x128xf32, #tpu.memory_space<hbm>>
      tpu.wait_dma2 semaphore(%arg7 : memref<!tpu.dma_semaphore, #tpu.memory_space<semaphore_mem>>) src(%dma_wait3A_245 : memref<8x128xf32, #tpu.memory_space<hbm>>) dst(%dma_wait3A_243 : memref<8x128xf32, #tpu.memory_space<vmem>>)
      %dma_wait3A_246 = arith.constant 1 : i32
      %dma_wait3A_247 = arith.constant 16 : i32
      %dma_wait3A_248 = arith.constant 0 : i32
      %dma_wait3A_249 = tpu.memref_slice %arg4[%dma_wait3A_246, %dma_wait3A_247, %dma_wait3A_248] : memref<2x32x129xf32, #tpu.memory_space<vmem>> -> memref<1x8x128xf32, #tpu.memory_space<vmem>>
      %dma_wait3A_250 = tpu.memref_squeeze %dma_wait3A_249 : memref<1x8x128xf32, #tpu.memory_space<vmem>> -> memref<8x128xf32, #tpu.memory_space<vmem>>
      %dma_wait3A_251 = arith.constant 16 : i32
      %dma_wait3A_252 = tpu.memref_slice %arg2[%dma_wait3A_251, %mul3A_217] : memref<32x1000000xf32, #tpu.memory_space<hbm>> -> memref<8x128xf32, #tpu.memory_space<hbm>>
      %dma_wait3A_253 = arith.constant 16 : i32
      %dma_wait3A_254 = arith.constant 0 : i32
      %dma_wait3A_255 = tpu.memref_slice %arg4[%dma_wait3A_246, %dma_wait3A_253, %dma_wait3A_254] : memref<2x32x129xf32, #tpu.memory_space<vmem>> -> memref<1x8x128xf32, #tpu.memory_space<vmem>>
      %dma_wait3A_256 = tpu.memref_squeeze %dma_wait3A_255 : memref<1x8x128xf32, #tpu.memory_space<vmem>> -> memref<8x128xf32, #tpu.memory_space<vmem>>
      %dma_wait3A_257 = arith.constant 16 : i32
      %dma_wait3A_258 = tpu.memref_slice %arg2[%dma_wait3A_257, %mul3A_217] : memref<32x1000000xf32, #tpu.memory_space<hbm>> -> memref<8x128xf32, #tpu.memory_space<hbm>>
      tpu.wait_dma2 semaphore(%arg7 : memref<!tpu.dma_semaphore, #tpu.memory_space<semaphore_mem>>) src(%dma_wait3A_258 : memref<8x128xf32, #tpu.memory_space<hbm>>) dst(%dma_wait3A_256 : memref<8x128xf32, #tpu.memory_space<vmem>>)
      %dma_wait3A_259 = arith.constant 1 : i32
      %dma_wait3A_260 = arith.constant 24 : i32
      %dma_wait3A_261 = arith.constant 0 : i32
      %dma_wait3A_262 = tpu.memref_slice %arg4[%dma_wait3A_259, %dma_wait3A_260, %dma_wait3A_261] : memref<2x32x129xf32, #tpu.memory_space<vmem>> -> memref<1x8x128xf32, #tpu.memory_space<vmem>>
      %dma_wait3A_263 = tpu.memref_squeeze %dma_wait3A_262 : memref<1x8x128xf32, #tpu.memory_space<vmem>> -> memref<8x128xf32, #tpu.memory_space<vmem>>
      %dma_wait3A_264 = arith.constant 24 : i32
      %dma_wait3A_265 = tpu.memref_slice %arg2[%dma_wait3A_264, %mul3A_219] : memref<32x1000000xf32, #tpu.memory_space<hbm>> -> memref<8x128xf32, #tpu.memory_space<hbm>>
      %dma_wait3A_266 = arith.constant 24 : i32
      %dma_wait3A_267 = arith.constant 0 : i32
      %dma_wait3A_268 = tpu.memref_slice %arg4[%dma_wait3A_259, %dma_wait3A_266, %dma_wait3A_267] : memref<2x32x129xf32, #tpu.memory_space<vmem>> -> memref<1x8x128xf32, #tpu.memory_space<vmem>>
      %dma_wait3A_269 = tpu.memref_squeeze %dma_wait3A_268 : memref<1x8x128xf32, #tpu.memory_space<vmem>> -> memref<8x128xf32, #tpu.memory_space<vmem>>
      %dma_wait3A_270 = arith.constant 24 : i32
      %dma_wait3A_271 = tpu.memref_slice %arg2[%dma_wait3A_270, %mul3A_219] : memref<32x1000000xf32, #tpu.memory_space<hbm>> -> memref<8x128xf32, #tpu.memory_space<hbm>>
      tpu.wait_dma2 semaphore(%arg7 : memref<!tpu.dma_semaphore, #tpu.memory_space<semaphore_mem>>) src(%dma_wait3A_271 : memref<8x128xf32, #tpu.memory_space<hbm>>) dst(%dma_wait3A_269 : memref<8x128xf32, #tpu.memory_space<vmem>>)
      %lt3A_272 = arith.constant 243 : i32
      %lt3A_273 = arith.cmpi slt, %add3A_208, %lt3A_272 : i32
      %convert_element_type3A_274 = arith.extui %lt3A_273 : i1 to i32
      %cond3A_275 = arith.constant 0 : i32
      %cond3A_276 = arith.cmpi ne, %convert_element_type3A_274, %cond3A_275 : i32
      scf.if %cond3A_276 {
        %add3A_303 = arith.constant 1 : i32
        %add3A_304 = arith.addi %add3A_208, %add3A_303 : i32
        %mul3A_305 = arith.constant 32 : i32
        %mul3A_306 = arith.muli %mul3A_305, %add3A_304 : i32
        %add3A_307 = arith.addi %add3A, %mul3A_306 : i32
        %mul3A_308 = arith.constant 128 : i32
        %mul3A_309 = arith.muli %add3A_307, %mul3A_308 : i32
        %mul3A_310 = arith.constant 128 : i32
        %mul3A_311 = arith.muli %add3A_307, %mul3A_310 : i32
        %mul3A_312 = arith.constant 128 : i32
        %mul3A_313 = arith.muli %add3A_307, %mul3A_312 : i32
        %mul3A_314 = arith.constant 128 : i32
        %mul3A_315 = arith.muli %add3A_307, %mul3A_314 : i32
        %dma_start3A_316 = arith.constant 0 : i32
        %dma_start3A_317 = arith.constant 0 : i32
        %dma_start3A_318 = arith.constant 0 : i32
        %dma_start3A_319 = tpu.memref_slice %arg4[%dma_start3A_316, %dma_start3A_317, %dma_start3A_318] : memref<2x32x129xf32, #tpu.memory_space<vmem>> -> memref<1x8x128xf32, #tpu.memory_space<vmem>>
        %dma_start3A_320 = tpu.memref_squeeze %dma_start3A_319 : memref<1x8x128xf32, #tpu.memory_space<vmem>> -> memref<8x128xf32, #tpu.memory_space<vmem>>
        %dma_start3A_321 = arith.constant 0 : i32
        %dma_start3A_322 = tpu.memref_slice %arg2[%dma_start3A_321, %mul3A_309] : memref<32x1000000xf32, #tpu.memory_space<hbm>> -> memref<8x128xf32, #tpu.memory_space<hbm>>
        %dma_start3A_323 = arith.constant 0 : i32
        %dma_start3A_324 = arith.constant 0 : i32
        %dma_start3A_325 = tpu.memref_slice %arg4[%dma_start3A_316, %dma_start3A_323, %dma_start3A_324] : memref<2x32x129xf32, #tpu.memory_space<vmem>> -> memref<1x8x128xf32, #tpu.memory_space<vmem>>
        %dma_start3A_326 = tpu.memref_squeeze %dma_start3A_325 : memref<1x8x128xf32, #tpu.memory_space<vmem>> -> memref<8x128xf32, #tpu.memory_space<vmem>>
        %dma_start3A_327 = arith.constant 0 : i32
        %dma_start3A_328 = tpu.memref_slice %arg2[%dma_start3A_327, %mul3A_309] : memref<32x1000000xf32, #tpu.memory_space<hbm>> -> memref<8x128xf32, #tpu.memory_space<hbm>>
        tpu.enqueue_dma source(%dma_start3A_328 : memref<8x128xf32, #tpu.memory_space<hbm>>) target(%dma_start3A_326 : memref<8x128xf32, #tpu.memory_space<vmem>>) target_semaphore(%arg6 : memref<!tpu.dma_semaphore, #tpu.memory_space<semaphore_mem>>)
        %dma_start3A_329 = arith.constant 0 : i32
        %dma_start3A_330 = arith.constant 8 : i32
        %dma_start3A_331 = arith.constant 0 : i32
        %dma_start3A_332 = tpu.memref_slice %arg4[%dma_start3A_329, %dma_start3A_330, %dma_start3A_331] : memref<2x32x129xf32, #tpu.memory_space<vmem>> -> memref<1x8x128xf32, #tpu.memory_space<vmem>>
        %dma_start3A_333 = tpu.memref_squeeze %dma_start3A_332 : memref<1x8x128xf32, #tpu.memory_space<vmem>> -> memref<8x128xf32, #tpu.memory_space<vmem>>
        %dma_start3A_334 = arith.constant 8 : i32
        %dma_start3A_335 = tpu.memref_slice %arg2[%dma_start3A_334, %mul3A_311] : memref<32x1000000xf32, #tpu.memory_space<hbm>> -> memref<8x128xf32, #tpu.memory_space<hbm>>
        %dma_start3A_336 = arith.constant 8 : i32
        %dma_start3A_337 = arith.constant 0 : i32
        %dma_start3A_338 = tpu.memref_slice %arg4[%dma_start3A_329, %dma_start3A_336, %dma_start3A_337] : memref<2x32x129xf32, #tpu.memory_space<vmem>> -> memref<1x8x128xf32, #tpu.memory_space<vmem>>
        %dma_start3A_339 = tpu.memref_squeeze %dma_start3A_338 : memref<1x8x128xf32, #tpu.memory_space<vmem>> -> memref<8x128xf32, #tpu.memory_space<vmem>>
        %dma_start3A_340 = arith.constant 8 : i32
        %dma_start3A_341 = tpu.memref_slice %arg2[%dma_start3A_340, %mul3A_311] : memref<32x1000000xf32, #tpu.memory_space<hbm>> -> memref<8x128xf32, #tpu.memory_space<hbm>>
        tpu.enqueue_dma source(%dma_start3A_341 : memref<8x128xf32, #tpu.memory_space<hbm>>) target(%dma_start3A_339 : memref<8x128xf32, #tpu.memory_space<vmem>>) target_semaphore(%arg6 : memref<!tpu.dma_semaphore, #tpu.memory_space<semaphore_mem>>)
        %dma_start3A_342 = arith.constant 0 : i32
        %dma_start3A_343 = arith.constant 16 : i32
        %dma_start3A_344 = arith.constant 0 : i32
        %dma_start3A_345 = tpu.memref_slice %arg4[%dma_start3A_342, %dma_start3A_343, %dma_start3A_344] : memref<2x32x129xf32, #tpu.memory_space<vmem>> -> memref<1x8x128xf32, #tpu.memory_space<vmem>>
        %dma_start3A_346 = tpu.memref_squeeze %dma_start3A_345 : memref<1x8x128xf32, #tpu.memory_space<vmem>> -> memref<8x128xf32, #tpu.memory_space<vmem>>
        %dma_start3A_347 = arith.constant 16 : i32
        %dma_start3A_348 = tpu.memref_slice %arg2[%dma_start3A_347, %mul3A_313] : memref<32x1000000xf32, #tpu.memory_space<hbm>> -> memref<8x128xf32, #tpu.memory_space<hbm>>
        %dma_start3A_349 = arith.constant 16 : i32
        %dma_start3A_350 = arith.constant 0 : i32
        %dma_start3A_351 = tpu.memref_slice %arg4[%dma_start3A_342, %dma_start3A_349, %dma_start3A_350] : memref<2x32x129xf32, #tpu.memory_space<vmem>> -> memref<1x8x128xf32, #tpu.memory_space<vmem>>
        %dma_start3A_352 = tpu.memref_squeeze %dma_start3A_351 : memref<1x8x128xf32, #tpu.memory_space<vmem>> -> memref<8x128xf32, #tpu.memory_space<vmem>>
        %dma_start3A_353 = arith.constant 16 : i32
        %dma_start3A_354 = tpu.memref_slice %arg2[%dma_start3A_353, %mul3A_313] : memref<32x1000000xf32, #tpu.memory_space<hbm>> -> memref<8x128xf32, #tpu.memory_space<hbm>>
        tpu.enqueue_dma source(%dma_start3A_354 : memref<8x128xf32, #tpu.memory_space<hbm>>) target(%dma_start3A_352 : memref<8x128xf32, #tpu.memory_space<vmem>>) target_semaphore(%arg6 : memref<!tpu.dma_semaphore, #tpu.memory_space<semaphore_mem>>)
        %dma_start3A_355 = arith.constant 0 : i32
        %dma_start3A_356 = arith.constant 24 : i32
        %dma_start3A_357 = arith.constant 0 : i32
        %dma_start3A_358 = tpu.memref_slice %arg4[%dma_start3A_355, %dma_start3A_356, %dma_start3A_357] : memref<2x32x129xf32, #tpu.memory_space<vmem>> -> memref<1x8x128xf32, #tpu.memory_space<vmem>>
        %dma_start3A_359 = tpu.memref_squeeze %dma_start3A_358 : memref<1x8x128xf32, #tpu.memory_space<vmem>> -> memref<8x128xf32, #tpu.memory_space<vmem>>
        %dma_start3A_360 = arith.constant 24 : i32
        %dma_start3A_361 = tpu.memref_slice %arg2[%dma_start3A_360, %mul3A_315] : memref<32x1000000xf32, #tpu.memory_space<hbm>> -> memref<8x128xf32, #tpu.memory_space<hbm>>
        %dma_start3A_362 = arith.constant 24 : i32
        %dma_start3A_363 = arith.constant 0 : i32
        %dma_start3A_364 = tpu.memref_slice %arg4[%dma_start3A_355, %dma_start3A_362, %dma_start3A_363] : memref<2x32x129xf32, #tpu.memory_space<vmem>> -> memref<1x8x128xf32, #tpu.memory_space<vmem>>
        %dma_start3A_365 = tpu.memref_squeeze %dma_start3A_364 : memref<1x8x128xf32, #tpu.memory_space<vmem>> -> memref<8x128xf32, #tpu.memory_space<vmem>>
        %dma_start3A_366 = arith.constant 24 : i32
        %dma_start3A_367 = tpu.memref_slice %arg2[%dma_start3A_366, %mul3A_315] : memref<32x1000000xf32, #tpu.memory_space<hbm>> -> memref<8x128xf32, #tpu.memory_space<hbm>>
        tpu.enqueue_dma source(%dma_start3A_367 : memref<8x128xf32, #tpu.memory_space<hbm>>) target(%dma_start3A_365 : memref<8x128xf32, #tpu.memory_space<vmem>>) target_semaphore(%arg6 : memref<!tpu.dma_semaphore, #tpu.memory_space<semaphore_mem>>)
      } else {
      }
      %ge3A_277 = arith.constant 2 : i32
      %ge3A_278 = arith.cmpi sge, %add3A_208, %ge3A_277 : i32
      %convert_element_type3A_279 = arith.extui %ge3A_278 : i1 to i32
      %cond3A_280 = arith.constant 0 : i32
      %cond3A_281 = arith.cmpi ne, %convert_element_type3A_279, %cond3A_280 : i32
      scf.if %cond3A_281 {
        %sub3A = arith.constant 2 : i32
        %sub3A_303 = arith.subi %add3A_208, %sub3A : i32
        %mul3A_304 = arith.constant 32 : i32
        %mul3A_305 = arith.muli %mul3A_304, %sub3A_303 : i32
        %add3A_306 = arith.addi %add3A, %mul3A_305 : i32
        %mul3A_307 = arith.constant 32 : i32
        %mul3A_308 = arith.muli %add3A_306, %mul3A_307 : i32
        %dma_wait3A_309 = arith.constant 1 : i32
        %dma_wait3A_310 = arith.constant 0 : i32
        %dma_wait3A_311 = arith.constant 0 : i32
        %dma_wait3A_312 = tpu.memref_slice %arg5[%dma_wait3A_309, %dma_wait3A_310, %dma_wait3A_311] : memref<2x32x128xf32, #tpu.memory_space<vmem>> -> memref<1x32x128xf32, #tpu.memory_space<vmem>>
        %dma_wait3A_313 = tpu.memref_squeeze %dma_wait3A_312 : memref<1x32x128xf32, #tpu.memory_space<vmem>> -> memref<32x128xf32, #tpu.memory_space<vmem>>
        %dma_wait3A_314 = arith.constant 0 : i32
        %dma_wait3A_315 = tpu.memref_slice %arg3[%mul3A_308, %dma_wait3A_314] : memref<250016x128xf32, #tpu.memory_space<hbm>> -> memref<32x128xf32, #tpu.memory_space<hbm>>
        %dma_wait3A_316 = arith.constant 0 : i32
        %dma_wait3A_317 = tpu.memref_slice %arg3[%mul3A_308, %dma_wait3A_316] : memref<250016x128xf32, #tpu.memory_space<hbm>> -> memref<32x128xf32, #tpu.memory_space<hbm>>
        %dma_wait3A_318 = arith.constant 0 : i32
        %dma_wait3A_319 = arith.constant 0 : i32
        %dma_wait3A_320 = tpu.memref_slice %arg5[%dma_wait3A_309, %dma_wait3A_318, %dma_wait3A_319] : memref<2x32x128xf32, #tpu.memory_space<vmem>> -> memref<1x32x128xf32, #tpu.memory_space<vmem>>
        %dma_wait3A_321 = tpu.memref_squeeze %dma_wait3A_320 : memref<1x32x128xf32, #tpu.memory_space<vmem>> -> memref<32x128xf32, #tpu.memory_space<vmem>>
        tpu.wait_dma2 semaphore(%arg9 : memref<!tpu.dma_semaphore, #tpu.memory_space<semaphore_mem>>) src(%dma_wait3A_321 : memref<32x128xf32, #tpu.memory_space<vmem>>) dst(%dma_wait3A_317 : memref<32x128xf32, #tpu.memory_space<hbm>>)
      } else {
      }
      %parallel_loop3A_282 = arith.constant 0 : i32
      %parallel_loop3A_283 = arith.constant 32 : i32
      %parallel_loop3A_284 = arith.constant 1 : i32
      scf.for %parallel_loop3A_303 = %parallel_loop3A_282 to %parallel_loop3A_283 step %parallel_loop3A_284  : i32 {
        %parallel_loop3A_304 = arith.constant 4 : i32
        %parallel_loop3A_305 = arith.muli %parallel_loop3A_304, %parallel_loop3A_303 : i32
        %parallel_loop3A_306 = arith.constant 0 : i32
        %parallel_loop3A_307 = arith.addi %parallel_loop3A_305, %parallel_loop3A_306 : i32
        %parallel_loop3A_308 = vector.broadcast %parallel_loop3A_307 : i32 to vector<16xi32>
        %parallel_loop3A_309 = arith.constant 1 : i32
        %parallel_loop3A_310 = arith.constant 0 : i32
        %parallel_loop3A_311 = arith.constant 0 : i32
        %parallel_loop3A_312 = tpu.memref_slice %arg4[%parallel_loop3A_309, %parallel_loop3A_310, %parallel_loop3A_311] : memref<2x32x129xf32, #tpu.memory_space<vmem>> -> memref<1x32x129xf32, #tpu.memory_space<vmem>>
        %parallel_loop3A_313 = tpu.memref_squeeze %parallel_loop3A_312 : memref<1x32x129xf32, #tpu.memory_space<vmem>> -> memref<32x129xf32, #tpu.memory_space<vmem>>
        %parallel_loop3A_314 = tpu.vector_load_idx %parallel_loop3A_313[%add3A_3, %parallel_loop3A_308] : memref<32x129xf32, #tpu.memory_space<vmem>>[vector<16xi32>, vector<16xi32>], vector<16xf32>,
        %parallel_loop3A_315 = arith.constant 1 : i32
        %parallel_loop3A_316 = arith.index_cast %parallel_loop3A_315 : i32 to index
        %parallel_loop3A_317 = arith.index_cast %parallel_loop3A_303 : i32 to index
        %parallel_loop3A_318 = arith.constant 0 : index
        %parallel_loop3A_319 = tpu.vector_load %arg5[%parallel_loop3A_316, %parallel_loop3A_317, %parallel_loop3A_318] {strides = array<i32>} : memref<2x32x128xf32, #tpu.memory_space<vmem>>, vector<16xf32>,
        tpu.vector_store %arg5[%parallel_loop3A_316, %parallel_loop3A_317, %parallel_loop3A_318], %parallel_loop3A_314 {strides = array<i32>} : memref<2x32x128xf32, #tpu.memory_space<vmem>>, vector<16xf32>,
        %parallel_loop3A_320 = arith.constant 1 : i32
        %parallel_loop3A_321 = arith.constant 0 : i32
        %parallel_loop3A_322 = arith.constant 0 : i32
        %parallel_loop3A_323 = tpu.memref_slice %arg4[%parallel_loop3A_320, %parallel_loop3A_321, %parallel_loop3A_322] : memref<2x32x129xf32, #tpu.memory_space<vmem>> -> memref<1x32x129xf32, #tpu.memory_space<vmem>>
        %parallel_loop3A_324 = tpu.memref_squeeze %parallel_loop3A_323 : memref<1x32x129xf32, #tpu.memory_space<vmem>> -> memref<32x129xf32, #tpu.memory_space<vmem>>
        %parallel_loop3A_325 = tpu.vector_load_idx %parallel_loop3A_324[%add3A_6, %parallel_loop3A_308] : memref<32x129xf32, #tpu.memory_space<vmem>>[vector<16xi32>, vector<16xi32>], vector<16xf32>,
        %parallel_loop3A_326 = arith.constant 1 : i32
        %parallel_loop3A_327 = arith.index_cast %parallel_loop3A_326 : i32 to index
        %parallel_loop3A_328 = arith.index_cast %parallel_loop3A_303 : i32 to index
        %parallel_loop3A_329 = arith.constant 16 : index
        %parallel_loop3A_330 = tpu.vector_load %arg5[%parallel_loop3A_327, %parallel_loop3A_328, %parallel_loop3A_329] {strides = array<i32>} : memref<2x32x128xf32, #tpu.memory_space<vmem>>, vector<16xf32>,
        tpu.vector_store %arg5[%parallel_loop3A_327, %parallel_loop3A_328, %parallel_loop3A_329], %parallel_loop3A_325 {strides = array<i32>} : memref<2x32x128xf32, #tpu.memory_space<vmem>>, vector<16xf32>,
        %parallel_loop3A_331 = arith.constant 4 : i32
        %parallel_loop3A_332 = arith.muli %parallel_loop3A_331, %parallel_loop3A_303 : i32
        %parallel_loop3A_333 = arith.constant 1 : i32
        %parallel_loop3A_334 = arith.addi %parallel_loop3A_332, %parallel_loop3A_333 : i32
        %parallel_loop3A_335 = vector.broadcast %parallel_loop3A_334 : i32 to vector<16xi32>
        %parallel_loop3A_336 = arith.constant 1 : i32
        %parallel_loop3A_337 = arith.constant 0 : i32
        %parallel_loop3A_338 = arith.constant 0 : i32
        %parallel_loop3A_339 = tpu.memref_slice %arg4[%parallel_loop3A_336, %parallel_loop3A_337, %parallel_loop3A_338] : memref<2x32x129xf32, #tpu.memory_space<vmem>> -> memref<1x32x129xf32, #tpu.memory_space<vmem>>
        %parallel_loop3A_340 = tpu.memref_squeeze %parallel_loop3A_339 : memref<1x32x129xf32, #tpu.memory_space<vmem>> -> memref<32x129xf32, #tpu.memory_space<vmem>>
        %parallel_loop3A_341 = tpu.vector_load_idx %parallel_loop3A_340[%add3A_3, %parallel_loop3A_335] : memref<32x129xf32, #tpu.memory_space<vmem>>[vector<16xi32>, vector<16xi32>], vector<16xf32>,
        %parallel_loop3A_342 = arith.constant 1 : i32
        %parallel_loop3A_343 = arith.index_cast %parallel_loop3A_342 : i32 to index
        %parallel_loop3A_344 = arith.index_cast %parallel_loop3A_303 : i32 to index
        %parallel_loop3A_345 = arith.constant 32 : index
        %parallel_loop3A_346 = tpu.vector_load %arg5[%parallel_loop3A_343, %parallel_loop3A_344, %parallel_loop3A_345] {strides = array<i32>} : memref<2x32x128xf32, #tpu.memory_space<vmem>>, vector<16xf32>,
        tpu.vector_store %arg5[%parallel_loop3A_343, %parallel_loop3A_344, %parallel_loop3A_345], %parallel_loop3A_341 {strides = array<i32>} : memref<2x32x128xf32, #tpu.memory_space<vmem>>, vector<16xf32>,
        %parallel_loop3A_347 = arith.constant 1 : i32
        %parallel_loop3A_348 = arith.constant 0 : i32
        %parallel_loop3A_349 = arith.constant 0 : i32
        %parallel_loop3A_350 = tpu.memref_slice %arg4[%parallel_loop3A_347, %parallel_loop3A_348, %parallel_loop3A_349] : memref<2x32x129xf32, #tpu.memory_space<vmem>> -> memref<1x32x129xf32, #tpu.memory_space<vmem>>
        %parallel_loop3A_351 = tpu.memref_squeeze %parallel_loop3A_350 : memref<1x32x129xf32, #tpu.memory_space<vmem>> -> memref<32x129xf32, #tpu.memory_space<vmem>>
        %parallel_loop3A_352 = tpu.vector_load_idx %parallel_loop3A_351[%add3A_6, %parallel_loop3A_335] : memref<32x129xf32, #tpu.memory_space<vmem>>[vector<16xi32>, vector<16xi32>], vector<16xf32>,
        %parallel_loop3A_353 = arith.constant 1 : i32
        %parallel_loop3A_354 = arith.index_cast %parallel_loop3A_353 : i32 to index
        %parallel_loop3A_355 = arith.index_cast %parallel_loop3A_303 : i32 to index
        %parallel_loop3A_356 = arith.constant 48 : index
        %parallel_loop3A_357 = tpu.vector_load %arg5[%parallel_loop3A_354, %parallel_loop3A_355, %parallel_loop3A_356] {strides = array<i32>} : memref<2x32x128xf32, #tpu.memory_space<vmem>>, vector<16xf32>,
        tpu.vector_store %arg5[%parallel_loop3A_354, %parallel_loop3A_355, %parallel_loop3A_356], %parallel_loop3A_352 {strides = array<i32>} : memref<2x32x128xf32, #tpu.memory_space<vmem>>, vector<16xf32>,
        %parallel_loop3A_358 = arith.constant 4 : i32
        %parallel_loop3A_359 = arith.muli %parallel_loop3A_358, %parallel_loop3A_303 : i32
        %parallel_loop3A_360 = arith.constant 2 : i32
        %parallel_loop3A_361 = arith.addi %parallel_loop3A_359, %parallel_loop3A_360 : i32
        %parallel_loop3A_362 = vector.broadcast %parallel_loop3A_361 : i32 to vector<16xi32>
        %parallel_loop3A_363 = arith.constant 1 : i32
        %parallel_loop3A_364 = arith.constant 0 : i32
        %parallel_loop3A_365 = arith.constant 0 : i32
        %parallel_loop3A_366 = tpu.memref_slice %arg4[%parallel_loop3A_363, %parallel_loop3A_364, %parallel_loop3A_365] : memref<2x32x129xf32, #tpu.memory_space<vmem>> -> memref<1x32x129xf32, #tpu.memory_space<vmem>>
        %parallel_loop3A_367 = tpu.memref_squeeze %parallel_loop3A_366 : memref<1x32x129xf32, #tpu.memory_space<vmem>> -> memref<32x129xf32, #tpu.memory_space<vmem>>
        %parallel_loop3A_368 = tpu.vector_load_idx %parallel_loop3A_367[%add3A_3, %parallel_loop3A_362] : memref<32x129xf32, #tpu.memory_space<vmem>>[vector<16xi32>, vector<16xi32>], vector<16xf32>,
        %parallel_loop3A_369 = arith.constant 1 : i32
        %parallel_loop3A_370 = arith.index_cast %parallel_loop3A_369 : i32 to index
        %parallel_loop3A_371 = arith.index_cast %parallel_loop3A_303 : i32 to index
        %parallel_loop3A_372 = arith.constant 64 : index
        %parallel_loop3A_373 = tpu.vector_load %arg5[%parallel_loop3A_370, %parallel_loop3A_371, %parallel_loop3A_372] {strides = array<i32>} : memref<2x32x128xf32, #tpu.memory_space<vmem>>, vector<16xf32>,
        tpu.vector_store %arg5[%parallel_loop3A_370, %parallel_loop3A_371, %parallel_loop3A_372], %parallel_loop3A_368 {strides = array<i32>} : memref<2x32x128xf32, #tpu.memory_space<vmem>>, vector<16xf32>,
        %parallel_loop3A_374 = arith.constant 1 : i32
        %parallel_loop3A_375 = arith.constant 0 : i32
        %parallel_loop3A_376 = arith.constant 0 : i32
        %parallel_loop3A_377 = tpu.memref_slice %arg4[%parallel_loop3A_374, %parallel_loop3A_375, %parallel_loop3A_376] : memref<2x32x129xf32, #tpu.memory_space<vmem>> -> memref<1x32x129xf32, #tpu.memory_space<vmem>>
        %parallel_loop3A_378 = tpu.memref_squeeze %parallel_loop3A_377 : memref<1x32x129xf32, #tpu.memory_space<vmem>> -> memref<32x129xf32, #tpu.memory_space<vmem>>
        %parallel_loop3A_379 = tpu.vector_load_idx %parallel_loop3A_378[%add3A_6, %parallel_loop3A_362] : memref<32x129xf32, #tpu.memory_space<vmem>>[vector<16xi32>, vector<16xi32>], vector<16xf32>,
        %parallel_loop3A_380 = arith.constant 1 : i32
        %parallel_loop3A_381 = arith.index_cast %parallel_loop3A_380 : i32 to index
        %parallel_loop3A_382 = arith.index_cast %parallel_loop3A_303 : i32 to index
        %parallel_loop3A_383 = arith.constant 80 : index
        %parallel_loop3A_384 = tpu.vector_load %arg5[%parallel_loop3A_381, %parallel_loop3A_382, %parallel_loop3A_383] {strides = array<i32>} : memref<2x32x128xf32, #tpu.memory_space<vmem>>, vector<16xf32>,
        tpu.vector_store %arg5[%parallel_loop3A_381, %parallel_loop3A_382, %parallel_loop3A_383], %parallel_loop3A_379 {strides = array<i32>} : memref<2x32x128xf32, #tpu.memory_space<vmem>>, vector<16xf32>,
        %parallel_loop3A_385 = arith.constant 4 : i32
        %parallel_loop3A_386 = arith.muli %parallel_loop3A_385, %parallel_loop3A_303 : i32
        %parallel_loop3A_387 = arith.constant 3 : i32
        %parallel_loop3A_388 = arith.addi %parallel_loop3A_386, %parallel_loop3A_387 : i32
        %parallel_loop3A_389 = vector.broadcast %parallel_loop3A_388 : i32 to vector<16xi32>
        %parallel_loop3A_390 = arith.constant 1 : i32
        %parallel_loop3A_391 = arith.constant 0 : i32
        %parallel_loop3A_392 = arith.constant 0 : i32
        %parallel_loop3A_393 = tpu.memref_slice %arg4[%parallel_loop3A_390, %parallel_loop3A_391, %parallel_loop3A_392] : memref<2x32x129xf32, #tpu.memory_space<vmem>> -> memref<1x32x129xf32, #tpu.memory_space<vmem>>
        %parallel_loop3A_394 = tpu.memref_squeeze %parallel_loop3A_393 : memref<1x32x129xf32, #tpu.memory_space<vmem>> -> memref<32x129xf32, #tpu.memory_space<vmem>>
        %parallel_loop3A_395 = tpu.vector_load_idx %parallel_loop3A_394[%add3A_3, %parallel_loop3A_389] : memref<32x129xf32, #tpu.memory_space<vmem>>[vector<16xi32>, vector<16xi32>], vector<16xf32>,
        %parallel_loop3A_396 = arith.constant 1 : i32
        %parallel_loop3A_397 = arith.index_cast %parallel_loop3A_396 : i32 to index
        %parallel_loop3A_398 = arith.index_cast %parallel_loop3A_303 : i32 to index
        %parallel_loop3A_399 = arith.constant 96 : index
        %parallel_loop3A_400 = tpu.vector_load %arg5[%parallel_loop3A_397, %parallel_loop3A_398, %parallel_loop3A_399] {strides = array<i32>} : memref<2x32x128xf32, #tpu.memory_space<vmem>>, vector<16xf32>,
        tpu.vector_store %arg5[%parallel_loop3A_397, %parallel_loop3A_398, %parallel_loop3A_399], %parallel_loop3A_395 {strides = array<i32>} : memref<2x32x128xf32, #tpu.memory_space<vmem>>, vector<16xf32>,
        %parallel_loop3A_401 = arith.constant 1 : i32
        %parallel_loop3A_402 = arith.constant 0 : i32
        %parallel_loop3A_403 = arith.constant 0 : i32
        %parallel_loop3A_404 = tpu.memref_slice %arg4[%parallel_loop3A_401, %parallel_loop3A_402, %parallel_loop3A_403] : memref<2x32x129xf32, #tpu.memory_space<vmem>> -> memref<1x32x129xf32, #tpu.memory_space<vmem>>
        %parallel_loop3A_405 = tpu.memref_squeeze %parallel_loop3A_404 : memref<1x32x129xf32, #tpu.memory_space<vmem>> -> memref<32x129xf32, #tpu.memory_space<vmem>>
        %parallel_loop3A_406 = tpu.vector_load_idx %parallel_loop3A_405[%add3A_6, %parallel_loop3A_389] : memref<32x129xf32, #tpu.memory_space<vmem>>[vector<16xi32>, vector<16xi32>], vector<16xf32>,
        %parallel_loop3A_407 = arith.constant 1 : i32
        %parallel_loop3A_408 = arith.index_cast %parallel_loop3A_407 : i32 to index
        %parallel_loop3A_409 = arith.index_cast %parallel_loop3A_303 : i32 to index
        %parallel_loop3A_410 = arith.constant 112 : index
        %parallel_loop3A_411 = tpu.vector_load %arg5[%parallel_loop3A_408, %parallel_loop3A_409, %parallel_loop3A_410] {strides = array<i32>} : memref<2x32x128xf32, #tpu.memory_space<vmem>>, vector<16xf32>,
        tpu.vector_store %arg5[%parallel_loop3A_408, %parallel_loop3A_409, %parallel_loop3A_410], %parallel_loop3A_406 {strides = array<i32>} : memref<2x32x128xf32, #tpu.memory_space<vmem>>, vector<16xf32>,
      } {sc.loop_unroll_factor = 8 : i64, sc.parallel_access}
      %mul3A_285 = arith.constant 32 : i32
      %mul3A_286 = arith.muli %mul3A_285, %add3A_208 : i32
      %add3A_287 = arith.addi %add3A, %mul3A_286 : i32
      %mul3A_288 = arith.constant 32 : i32
      %mul3A_289 = arith.muli %add3A_287, %mul3A_288 : i32
      %dma_start3A_290 = arith.constant 1 : i32
      %dma_start3A_291 = arith.constant 0 : i32
      %dma_start3A_292 = arith.constant 0 : i32
      %dma_start3A_293 = tpu.memref_slice %arg5[%dma_start3A_290, %dma_start3A_291, %dma_start3A_292] : memref<2x32x128xf32, #tpu.memory_space<vmem>> -> memref<1x32x128xf32, #tpu.memory_space<vmem>>
      %dma_start3A_294 = tpu.memref_squeeze %dma_start3A_293 : memref<1x32x128xf32, #tpu.memory_space<vmem>> -> memref<32x128xf32, #tpu.memory_space<vmem>>
      %dma_start3A_295 = arith.constant 0 : i32
      %dma_start3A_296 = tpu.memref_slice %arg3[%mul3A_289, %dma_start3A_295] : memref<250016x128xf32, #tpu.memory_space<hbm>> -> memref<32x128xf32, #tpu.memory_space<hbm>>
      %dma_start3A_297 = arith.constant 0 : i32
      %dma_start3A_298 = tpu.memref_slice %arg3[%mul3A_289, %dma_start3A_297] : memref<250016x128xf32, #tpu.memory_space<hbm>> -> memref<32x128xf32, #tpu.memory_space<hbm>>
      %dma_start3A_299 = arith.constant 0 : i32
      %dma_start3A_300 = arith.constant 0 : i32
      %dma_start3A_301 = tpu.memref_slice %arg5[%dma_start3A_290, %dma_start3A_299, %dma_start3A_300] : memref<2x32x128xf32, #tpu.memory_space<vmem>> -> memref<1x32x128xf32, #tpu.memory_space<vmem>>
      %dma_start3A_302 = tpu.memref_squeeze %dma_start3A_301 : memref<1x32x128xf32, #tpu.memory_space<vmem>> -> memref<32x128xf32, #tpu.memory_space<vmem>>
      tpu.enqueue_dma source(%dma_start3A_302 : memref<32x128xf32, #tpu.memory_space<vmem>>) target(%dma_start3A_298 : memref<32x128xf32, #tpu.memory_space<hbm>>) target_semaphore(%arg9 : memref<!tpu.dma_semaphore, #tpu.memory_space<semaphore_mem>>)
    }
    %scan3A_72 = arith.constant 122 : i32
    %add3A_73 = arith.constant 7744 : i32
    %add3A_74 = arith.addi %add3A, %add3A_73 : i32
    %mul3A_75 = arith.constant 32 : i32
    %mul3A_76 = arith.muli %add3A_74, %mul3A_75 : i32
    %dma_wait3A = arith.constant 0 : i32
    %dma_wait3A_77 = arith.constant 0 : i32
    %dma_wait3A_78 = arith.constant 0 : i32
    %dma_wait3A_79 = tpu.memref_slice %arg5[%dma_wait3A, %dma_wait3A_77, %dma_wait3A_78] : memref<2x32x128xf32, #tpu.memory_space<vmem>> -> memref<1x32x128xf32, #tpu.memory_space<vmem>>
    %dma_wait3A_80 = tpu.memref_squeeze %dma_wait3A_79 : memref<1x32x128xf32, #tpu.memory_space<vmem>> -> memref<32x128xf32, #tpu.memory_space<vmem>>
    %dma_wait3A_81 = arith.constant 0 : i32
    %dma_wait3A_82 = tpu.memref_slice %arg3[%mul3A_76, %dma_wait3A_81] : memref<250016x128xf32, #tpu.memory_space<hbm>> -> memref<32x128xf32, #tpu.memory_space<hbm>>
    %dma_wait3A_83 = arith.constant 0 : i32
    %dma_wait3A_84 = tpu.memref_slice %arg3[%mul3A_76, %dma_wait3A_83] : memref<250016x128xf32, #tpu.memory_space<hbm>> -> memref<32x128xf32, #tpu.memory_space<hbm>>
    %dma_wait3A_85 = arith.constant 0 : i32
    %dma_wait3A_86 = arith.constant 0 : i32
    %dma_wait3A_87 = tpu.memref_slice %arg5[%dma_wait3A, %dma_wait3A_85, %dma_wait3A_86] : memref<2x32x128xf32, #tpu.memory_space<vmem>> -> memref<1x32x128xf32, #tpu.memory_space<vmem>>
    %dma_wait3A_88 = tpu.memref_squeeze %dma_wait3A_87 : memref<1x32x128xf32, #tpu.memory_space<vmem>> -> memref<32x128xf32, #tpu.memory_space<vmem>>
    tpu.wait_dma2 semaphore(%arg8 : memref<!tpu.dma_semaphore, #tpu.memory_space<semaphore_mem>>) src(%dma_wait3A_88 : memref<32x128xf32, #tpu.memory_space<vmem>>) dst(%dma_wait3A_84 : memref<32x128xf32, #tpu.memory_space<hbm>>)
    %add3A_89 = arith.constant 7776 : i32
    %add3A_90 = arith.addi %add3A, %add3A_89 : i32
    %mul3A_91 = arith.constant 32 : i32
    %mul3A_92 = arith.muli %add3A_90, %mul3A_91 : i32
    %dma_wait3A_93 = arith.constant 1 : i32
    %dma_wait3A_94 = arith.constant 0 : i32
    %dma_wait3A_95 = arith.constant 0 : i32
    %dma_wait3A_96 = tpu.memref_slice %arg5[%dma_wait3A_93, %dma_wait3A_94, %dma_wait3A_95] : memref<2x32x128xf32, #tpu.memory_space<vmem>> -> memref<1x32x128xf32, #tpu.memory_space<vmem>>
    %dma_wait3A_97 = tpu.memref_squeeze %dma_wait3A_96 : memref<1x32x128xf32, #tpu.memory_space<vmem>> -> memref<32x128xf32, #tpu.memory_space<vmem>>
    %dma_wait3A_98 = arith.constant 0 : i32
    %dma_wait3A_99 = tpu.memref_slice %arg3[%mul3A_92, %dma_wait3A_98] : memref<250016x128xf32, #tpu.memory_space<hbm>> -> memref<32x128xf32, #tpu.memory_space<hbm>>
    %dma_wait3A_100 = arith.constant 0 : i32
    %dma_wait3A_101 = tpu.memref_slice %arg3[%mul3A_92, %dma_wait3A_100] : memref<250016x128xf32, #tpu.memory_space<hbm>> -> memref<32x128xf32, #tpu.memory_space<hbm>>
    %dma_wait3A_102 = arith.constant 0 : i32
    %dma_wait3A_103 = arith.constant 0 : i32
    %dma_wait3A_104 = tpu.memref_slice %arg5[%dma_wait3A_93, %dma_wait3A_102, %dma_wait3A_103] : memref<2x32x128xf32, #tpu.memory_space<vmem>> -> memref<1x32x128xf32, #tpu.memory_space<vmem>>
    %dma_wait3A_105 = tpu.memref_squeeze %dma_wait3A_104 : memref<1x32x128xf32, #tpu.memory_space<vmem>> -> memref<32x128xf32, #tpu.memory_space<vmem>>
    tpu.wait_dma2 semaphore(%arg9 : memref<!tpu.dma_semaphore, #tpu.memory_space<semaphore_mem>>) src(%dma_wait3A_105 : memref<32x128xf32, #tpu.memory_space<vmem>>) dst(%dma_wait3A_101 : memref<32x128xf32, #tpu.memory_space<hbm>>)
    %lt3A = arith.constant 4 : i32
    %lt3A_106 = arith.cmpi slt, %add3A, %lt3A : i32
    %convert_element_type3A = arith.extui %lt3A_106 : i1 to i32
    %cond3A = arith.constant 0 : i32
    %cond3A_107 = arith.cmpi ne, %convert_element_type3A, %cond3A : i32
    scf.if %cond3A_107 {
      %add3A_108 = arith.constant 7808 : i32
      %add3A_109 = arith.addi %add3A_108, %add3A : i32
      %mul3A_110 = arith.constant 128 : i32
      %mul3A_111 = arith.muli %add3A_109, %mul3A_110 : i32
      %run_scoped3A = arith.constant 0 : i32
      "tpu.region"() ({
        %run_scoped3A_126 = tpu.sem_alloc : memref<!tpu.dma_semaphore, #tpu.memory_space<semaphore_mem>>
        %dma_start3A_127 = arith.constant 0 : i32
        %dma_start3A_128 = arith.constant 0 : i32
        %dma_start3A_129 = tpu.memref_slice %arg4[%run_scoped3A, %dma_start3A_127, %dma_start3A_128] : memref<2x32x129xf32, #tpu.memory_space<vmem>> -> memref<1x8x128xf32, #tpu.memory_space<vmem>>
        %dma_start3A_130 = tpu.memref_squeeze %dma_start3A_129 : memref<1x8x128xf32, #tpu.memory_space<vmem>> -> memref<8x128xf32, #tpu.memory_space<vmem>>
        %dma_start3A_131 = arith.constant 0 : i32
        %dma_start3A_132 = tpu.memref_slice %arg2[%dma_start3A_131, %mul3A_111] : memref<32x1000000xf32, #tpu.memory_space<hbm>> -> memref<8x128xf32, #tpu.memory_space<hbm>>
        %dma_start3A_133 = arith.constant 0 : i32
        %dma_start3A_134 = arith.constant 0 : i32
        %dma_start3A_135 = tpu.memref_slice %arg4[%run_scoped3A, %dma_start3A_133, %dma_start3A_134] : memref<2x32x129xf32, #tpu.memory_space<vmem>> -> memref<1x8x128xf32, #tpu.memory_space<vmem>>
        %dma_start3A_136 = tpu.memref_squeeze %dma_start3A_135 : memref<1x8x128xf32, #tpu.memory_space<vmem>> -> memref<8x128xf32, #tpu.memory_space<vmem>>
        %dma_start3A_137 = arith.constant 0 : i32
        %dma_start3A_138 = tpu.memref_slice %arg2[%dma_start3A_137, %mul3A_111] : memref<32x1000000xf32, #tpu.memory_space<hbm>> -> memref<8x128xf32, #tpu.memory_space<hbm>>
        tpu.enqueue_dma source(%dma_start3A_138 : memref<8x128xf32, #tpu.memory_space<hbm>>) target(%dma_start3A_136 : memref<8x128xf32, #tpu.memory_space<vmem>>) target_semaphore(%run_scoped3A_126 : memref<!tpu.dma_semaphore, #tpu.memory_space<semaphore_mem>>)
        %dma_wait3A_139 = arith.constant 0 : i32
        %dma_wait3A_140 = arith.constant 0 : i32
        %dma_wait3A_141 = tpu.memref_slice %arg4[%run_scoped3A, %dma_wait3A_139, %dma_wait3A_140] : memref<2x32x129xf32, #tpu.memory_space<vmem>> -> memref<1x8x128xf32, #tpu.memory_space<vmem>>
        %dma_wait3A_142 = tpu.memref_squeeze %dma_wait3A_141 : memref<1x8x128xf32, #tpu.memory_space<vmem>> -> memref<8x128xf32, #tpu.memory_space<vmem>>
        %dma_wait3A_143 = arith.constant 0 : i32
        %dma_wait3A_144 = tpu.memref_slice %arg2[%dma_wait3A_143, %mul3A_111] : memref<32x1000000xf32, #tpu.memory_space<hbm>> -> memref<8x128xf32, #tpu.memory_space<hbm>>
        %dma_wait3A_145 = arith.constant 0 : i32
        %dma_wait3A_146 = arith.constant 0 : i32
        %dma_wait3A_147 = tpu.memref_slice %arg4[%run_scoped3A, %dma_wait3A_145, %dma_wait3A_146] : memref<2x32x129xf32, #tpu.memory_space<vmem>> -> memref<1x8x128xf32, #tpu.memory_space<vmem>>
        %dma_wait3A_148 = tpu.memref_squeeze %dma_wait3A_147 : memref<1x8x128xf32, #tpu.memory_space<vmem>> -> memref<8x128xf32, #tpu.memory_space<vmem>>
        %dma_wait3A_149 = arith.constant 0 : i32
        %dma_wait3A_150 = tpu.memref_slice %arg2[%dma_wait3A_149, %mul3A_111] : memref<32x1000000xf32, #tpu.memory_space<hbm>> -> memref<8x128xf32, #tpu.memory_space<hbm>>
        tpu.wait_dma2 semaphore(%run_scoped3A_126 : memref<!tpu.dma_semaphore, #tpu.memory_space<semaphore_mem>>) src(%dma_wait3A_150 : memref<8x128xf32, #tpu.memory_space<hbm>>) dst(%dma_wait3A_148 : memref<8x128xf32, #tpu.memory_space<vmem>>)
        tpu.yield
      }) : () -> ()
      %mul3A_112 = arith.constant 128 : i32
      %mul3A_113 = arith.muli %add3A_109, %mul3A_112 : i32
      %run_scoped3A_114 = arith.constant 0 : i32
      "tpu.region"() ({
        %run_scoped3A_126 = tpu.sem_alloc : memref<!tpu.dma_semaphore, #tpu.memory_space<semaphore_mem>>
        %dma_start3A_127 = arith.constant 8 : i32
        %dma_start3A_128 = arith.constant 0 : i32
        %dma_start3A_129 = tpu.memref_slice %arg4[%run_scoped3A_114, %dma_start3A_127, %dma_start3A_128] : memref<2x32x129xf32, #tpu.memory_space<vmem>> -> memref<1x8x128xf32, #tpu.memory_space<vmem>>
        %dma_start3A_130 = tpu.memref_squeeze %dma_start3A_129 : memref<1x8x128xf32, #tpu.memory_space<vmem>> -> memref<8x128xf32, #tpu.memory_space<vmem>>
        %dma_start3A_131 = arith.constant 8 : i32
        %dma_start3A_132 = tpu.memref_slice %arg2[%dma_start3A_131, %mul3A_113] : memref<32x1000000xf32, #tpu.memory_space<hbm>> -> memref<8x128xf32, #tpu.memory_space<hbm>>
        %dma_start3A_133 = arith.constant 8 : i32
        %dma_start3A_134 = arith.constant 0 : i32
        %dma_start3A_135 = tpu.memref_slice %arg4[%run_scoped3A_114, %dma_start3A_133, %dma_start3A_134] : memref<2x32x129xf32, #tpu.memory_space<vmem>> -> memref<1x8x128xf32, #tpu.memory_space<vmem>>
        %dma_start3A_136 = tpu.memref_squeeze %dma_start3A_135 : memref<1x8x128xf32, #tpu.memory_space<vmem>> -> memref<8x128xf32, #tpu.memory_space<vmem>>
        %dma_start3A_137 = arith.constant 8 : i32
        %dma_start3A_138 = tpu.memref_slice %arg2[%dma_start3A_137, %mul3A_113] : memref<32x1000000xf32, #tpu.memory_space<hbm>> -> memref<8x128xf32, #tpu.memory_space<hbm>>
        tpu.enqueue_dma source(%dma_start3A_138 : memref<8x128xf32, #tpu.memory_space<hbm>>) target(%dma_start3A_136 : memref<8x128xf32, #tpu.memory_space<vmem>>) target_semaphore(%run_scoped3A_126 : memref<!tpu.dma_semaphore, #tpu.memory_space<semaphore_mem>>)
        %dma_wait3A_139 = arith.constant 8 : i32
        %dma_wait3A_140 = arith.constant 0 : i32
        %dma_wait3A_141 = tpu.memref_slice %arg4[%run_scoped3A_114, %dma_wait3A_139, %dma_wait3A_140] : memref<2x32x129xf32, #tpu.memory_space<vmem>> -> memref<1x8x128xf32, #tpu.memory_space<vmem>>
        %dma_wait3A_142 = tpu.memref_squeeze %dma_wait3A_141 : memref<1x8x128xf32, #tpu.memory_space<vmem>> -> memref<8x128xf32, #tpu.memory_space<vmem>>
        %dma_wait3A_143 = arith.constant 8 : i32
        %dma_wait3A_144 = tpu.memref_slice %arg2[%dma_wait3A_143, %mul3A_113] : memref<32x1000000xf32, #tpu.memory_space<hbm>> -> memref<8x128xf32, #tpu.memory_space<hbm>>
        %dma_wait3A_145 = arith.constant 8 : i32
        %dma_wait3A_146 = arith.constant 0 : i32
        %dma_wait3A_147 = tpu.memref_slice %arg4[%run_scoped3A_114, %dma_wait3A_145, %dma_wait3A_146] : memref<2x32x129xf32, #tpu.memory_space<vmem>> -> memref<1x8x128xf32, #tpu.memory_space<vmem>>
        %dma_wait3A_148 = tpu.memref_squeeze %dma_wait3A_147 : memref<1x8x128xf32, #tpu.memory_space<vmem>> -> memref<8x128xf32, #tpu.memory_space<vmem>>
        %dma_wait3A_149 = arith.constant 8 : i32
        %dma_wait3A_150 = tpu.memref_slice %arg2[%dma_wait3A_149, %mul3A_113] : memref<32x1000000xf32, #tpu.memory_space<hbm>> -> memref<8x128xf32, #tpu.memory_space<hbm>>
        tpu.wait_dma2 semaphore(%run_scoped3A_126 : memref<!tpu.dma_semaphore, #tpu.memory_space<semaphore_mem>>) src(%dma_wait3A_150 : memref<8x128xf32, #tpu.memory_space<hbm>>) dst(%dma_wait3A_148 : memref<8x128xf32, #tpu.memory_space<vmem>>)
        tpu.yield
      }) : () -> ()
      %mul3A_115 = arith.constant 128 : i32
      %mul3A_116 = arith.muli %add3A_109, %mul3A_115 : i32
      %run_scoped3A_117 = arith.constant 0 : i32
      "tpu.region"() ({
        %run_scoped3A_126 = tpu.sem_alloc : memref<!tpu.dma_semaphore, #tpu.memory_space<semaphore_mem>>
        %dma_start3A_127 = arith.constant 16 : i32
        %dma_start3A_128 = arith.constant 0 : i32
        %dma_start3A_129 = tpu.memref_slice %arg4[%run_scoped3A_117, %dma_start3A_127, %dma_start3A_128] : memref<2x32x129xf32, #tpu.memory_space<vmem>> -> memref<1x8x128xf32, #tpu.memory_space<vmem>>
        %dma_start3A_130 = tpu.memref_squeeze %dma_start3A_129 : memref<1x8x128xf32, #tpu.memory_space<vmem>> -> memref<8x128xf32, #tpu.memory_space<vmem>>
        %dma_start3A_131 = arith.constant 16 : i32
        %dma_start3A_132 = tpu.memref_slice %arg2[%dma_start3A_131, %mul3A_116] : memref<32x1000000xf32, #tpu.memory_space<hbm>> -> memref<8x128xf32, #tpu.memory_space<hbm>>
        %dma_start3A_133 = arith.constant 16 : i32
        %dma_start3A_134 = arith.constant 0 : i32
        %dma_start3A_135 = tpu.memref_slice %arg4[%run_scoped3A_117, %dma_start3A_133, %dma_start3A_134] : memref<2x32x129xf32, #tpu.memory_space<vmem>> -> memref<1x8x128xf32, #tpu.memory_space<vmem>>
        %dma_start3A_136 = tpu.memref_squeeze %dma_start3A_135 : memref<1x8x128xf32, #tpu.memory_space<vmem>> -> memref<8x128xf32, #tpu.memory_space<vmem>>
        %dma_start3A_137 = arith.constant 16 : i32
        %dma_start3A_138 = tpu.memref_slice %arg2[%dma_start3A_137, %mul3A_116] : memref<32x1000000xf32, #tpu.memory_space<hbm>> -> memref<8x128xf32, #tpu.memory_space<hbm>>
        tpu.enqueue_dma source(%dma_start3A_138 : memref<8x128xf32, #tpu.memory_space<hbm>>) target(%dma_start3A_136 : memref<8x128xf32, #tpu.memory_space<vmem>>) target_semaphore(%run_scoped3A_126 : memref<!tpu.dma_semaphore, #tpu.memory_space<semaphore_mem>>)
        %dma_wait3A_139 = arith.constant 16 : i32
        %dma_wait3A_140 = arith.constant 0 : i32
        %dma_wait3A_141 = tpu.memref_slice %arg4[%run_scoped3A_117, %dma_wait3A_139, %dma_wait3A_140] : memref<2x32x129xf32, #tpu.memory_space<vmem>> -> memref<1x8x128xf32, #tpu.memory_space<vmem>>
        %dma_wait3A_142 = tpu.memref_squeeze %dma_wait3A_141 : memref<1x8x128xf32, #tpu.memory_space<vmem>> -> memref<8x128xf32, #tpu.memory_space<vmem>>
        %dma_wait3A_143 = arith.constant 16 : i32
        %dma_wait3A_144 = tpu.memref_slice %arg2[%dma_wait3A_143, %mul3A_116] : memref<32x1000000xf32, #tpu.memory_space<hbm>> -> memref<8x128xf32, #tpu.memory_space<hbm>>
        %dma_wait3A_145 = arith.constant 16 : i32
        %dma_wait3A_146 = arith.constant 0 : i32
        %dma_wait3A_147 = tpu.memref_slice %arg4[%run_scoped3A_117, %dma_wait3A_145, %dma_wait3A_146] : memref<2x32x129xf32, #tpu.memory_space<vmem>> -> memref<1x8x128xf32, #tpu.memory_space<vmem>>
        %dma_wait3A_148 = tpu.memref_squeeze %dma_wait3A_147 : memref<1x8x128xf32, #tpu.memory_space<vmem>> -> memref<8x128xf32, #tpu.memory_space<vmem>>
        %dma_wait3A_149 = arith.constant 16 : i32
        %dma_wait3A_150 = tpu.memref_slice %arg2[%dma_wait3A_149, %mul3A_116] : memref<32x1000000xf32, #tpu.memory_space<hbm>> -> memref<8x128xf32, #tpu.memory_space<hbm>>
        tpu.wait_dma2 semaphore(%run_scoped3A_126 : memref<!tpu.dma_semaphore, #tpu.memory_space<semaphore_mem>>) src(%dma_wait3A_150 : memref<8x128xf32, #tpu.memory_space<hbm>>) dst(%dma_wait3A_148 : memref<8x128xf32, #tpu.memory_space<vmem>>)
        tpu.yield
      }) : () -> ()
      %mul3A_118 = arith.constant 128 : i32
      %mul3A_119 = arith.muli %add3A_109, %mul3A_118 : i32
      %run_scoped3A_120 = arith.constant 0 : i32
      "tpu.region"() ({
        %run_scoped3A_126 = tpu.sem_alloc : memref<!tpu.dma_semaphore, #tpu.memory_space<semaphore_mem>>
        %dma_start3A_127 = arith.constant 24 : i32
        %dma_start3A_128 = arith.constant 0 : i32
        %dma_start3A_129 = tpu.memref_slice %arg4[%run_scoped3A_120, %dma_start3A_127, %dma_start3A_128] : memref<2x32x129xf32, #tpu.memory_space<vmem>> -> memref<1x8x128xf32, #tpu.memory_space<vmem>>
        %dma_start3A_130 = tpu.memref_squeeze %dma_start3A_129 : memref<1x8x128xf32, #tpu.memory_space<vmem>> -> memref<8x128xf32, #tpu.memory_space<vmem>>
        %dma_start3A_131 = arith.constant 24 : i32
        %dma_start3A_132 = tpu.memref_slice %arg2[%dma_start3A_131, %mul3A_119] : memref<32x1000000xf32, #tpu.memory_space<hbm>> -> memref<8x128xf32, #tpu.memory_space<hbm>>
        %dma_start3A_133 = arith.constant 24 : i32
        %dma_start3A_134 = arith.constant 0 : i32
        %dma_start3A_135 = tpu.memref_slice %arg4[%run_scoped3A_120, %dma_start3A_133, %dma_start3A_134] : memref<2x32x129xf32, #tpu.memory_space<vmem>> -> memref<1x8x128xf32, #tpu.memory_space<vmem>>
        %dma_start3A_136 = tpu.memref_squeeze %dma_start3A_135 : memref<1x8x128xf32, #tpu.memory_space<vmem>> -> memref<8x128xf32, #tpu.memory_space<vmem>>
        %dma_start3A_137 = arith.constant 24 : i32
        %dma_start3A_138 = tpu.memref_slice %arg2[%dma_start3A_137, %mul3A_119] : memref<32x1000000xf32, #tpu.memory_space<hbm>> -> memref<8x128xf32, #tpu.memory_space<hbm>>
        tpu.enqueue_dma source(%dma_start3A_138 : memref<8x128xf32, #tpu.memory_space<hbm>>) target(%dma_start3A_136 : memref<8x128xf32, #tpu.memory_space<vmem>>) target_semaphore(%run_scoped3A_126 : memref<!tpu.dma_semaphore, #tpu.memory_space<semaphore_mem>>)
        %dma_wait3A_139 = arith.constant 24 : i32
        %dma_wait3A_140 = arith.constant 0 : i32
        %dma_wait3A_141 = tpu.memref_slice %arg4[%run_scoped3A_120, %dma_wait3A_139, %dma_wait3A_140] : memref<2x32x129xf32, #tpu.memory_space<vmem>> -> memref<1x8x128xf32, #tpu.memory_space<vmem>>
        %dma_wait3A_142 = tpu.memref_squeeze %dma_wait3A_141 : memref<1x8x128xf32, #tpu.memory_space<vmem>> -> memref<8x128xf32, #tpu.memory_space<vmem>>
        %dma_wait3A_143 = arith.constant 24 : i32
        %dma_wait3A_144 = tpu.memref_slice %arg2[%dma_wait3A_143, %mul3A_119] : memref<32x1000000xf32, #tpu.memory_space<hbm>> -> memref<8x128xf32, #tpu.memory_space<hbm>>
        %dma_wait3A_145 = arith.constant 24 : i32
        %dma_wait3A_146 = arith.constant 0 : i32
        %dma_wait3A_147 = tpu.memref_slice %arg4[%run_scoped3A_120, %dma_wait3A_145, %dma_wait3A_146] : memref<2x32x129xf32, #tpu.memory_space<vmem>> -> memref<1x8x128xf32, #tpu.memory_space<vmem>>
        %dma_wait3A_148 = tpu.memref_squeeze %dma_wait3A_147 : memref<1x8x128xf32, #tpu.memory_space<vmem>> -> memref<8x128xf32, #tpu.memory_space<vmem>>
        %dma_wait3A_149 = arith.constant 24 : i32
        %dma_wait3A_150 = tpu.memref_slice %arg2[%dma_wait3A_149, %mul3A_119] : memref<32x1000000xf32, #tpu.memory_space<hbm>> -> memref<8x128xf32, #tpu.memory_space<hbm>>
        tpu.wait_dma2 semaphore(%run_scoped3A_126 : memref<!tpu.dma_semaphore, #tpu.memory_space<semaphore_mem>>) src(%dma_wait3A_150 : memref<8x128xf32, #tpu.memory_space<hbm>>) dst(%dma_wait3A_148 : memref<8x128xf32, #tpu.memory_space<vmem>>)
        tpu.yield
      }) : () -> ()
      %parallel_loop3A = arith.constant 0 : i32
      %parallel_loop3A_121 = arith.constant 32 : i32
      %parallel_loop3A_122 = arith.constant 1 : i32
      scf.for %parallel_loop3A_126 = %parallel_loop3A to %parallel_loop3A_121 step %parallel_loop3A_122  : i32 {
        %parallel_loop3A_127 = arith.constant 4 : i32
        %parallel_loop3A_128 = arith.muli %parallel_loop3A_127, %parallel_loop3A_126 : i32
        %parallel_loop3A_129 = arith.constant 0 : i32
        %parallel_loop3A_130 = arith.addi %parallel_loop3A_128, %parallel_loop3A_129 : i32
        %parallel_loop3A_131 = vector.broadcast %parallel_loop3A_130 : i32 to vector<16xi32>
        %parallel_loop3A_132 = arith.constant 0 : i32
        %parallel_loop3A_133 = arith.constant 0 : i32
        %parallel_loop3A_134 = arith.constant 0 : i32
        %parallel_loop3A_135 = tpu.memref_slice %arg4[%parallel_loop3A_132, %parallel_loop3A_133, %parallel_loop3A_134] : memref<2x32x129xf32, #tpu.memory_space<vmem>> -> memref<1x32x129xf32, #tpu.memory_space<vmem>>
        %parallel_loop3A_136 = tpu.memref_squeeze %parallel_loop3A_135 : memref<1x32x129xf32, #tpu.memory_space<vmem>> -> memref<32x129xf32, #tpu.memory_space<vmem>>
        %parallel_loop3A_137 = tpu.vector_load_idx %parallel_loop3A_136[%add3A_3, %parallel_loop3A_131] : memref<32x129xf32, #tpu.memory_space<vmem>>[vector<16xi32>, vector<16xi32>], vector<16xf32>,
        %parallel_loop3A_138 = arith.constant 0 : i32
        %parallel_loop3A_139 = arith.index_cast %parallel_loop3A_138 : i32 to index
        %parallel_loop3A_140 = arith.index_cast %parallel_loop3A_126 : i32 to index
        %parallel_loop3A_141 = arith.constant 0 : index
        %parallel_loop3A_142 = tpu.vector_load %arg5[%parallel_loop3A_139, %parallel_loop3A_140, %parallel_loop3A_141] {strides = array<i32>} : memref<2x32x128xf32, #tpu.memory_space<vmem>>, vector<16xf32>,
        tpu.vector_store %arg5[%parallel_loop3A_139, %parallel_loop3A_140, %parallel_loop3A_141], %parallel_loop3A_137 {strides = array<i32>} : memref<2x32x128xf32, #tpu.memory_space<vmem>>, vector<16xf32>,
        %parallel_loop3A_143 = arith.constant 0 : i32
        %parallel_loop3A_144 = arith.constant 0 : i32
        %parallel_loop3A_145 = arith.constant 0 : i32
        %parallel_loop3A_146 = tpu.memref_slice %arg4[%parallel_loop3A_143, %parallel_loop3A_144, %parallel_loop3A_145] : memref<2x32x129xf32, #tpu.memory_space<vmem>> -> memref<1x32x129xf32, #tpu.memory_space<vmem>>
        %parallel_loop3A_147 = tpu.memref_squeeze %parallel_loop3A_146 : memref<1x32x129xf32, #tpu.memory_space<vmem>> -> memref<32x129xf32, #tpu.memory_space<vmem>>
        %parallel_loop3A_148 = tpu.vector_load_idx %parallel_loop3A_147[%add3A_6, %parallel_loop3A_131] : memref<32x129xf32, #tpu.memory_space<vmem>>[vector<16xi32>, vector<16xi32>], vector<16xf32>,
        %parallel_loop3A_149 = arith.constant 0 : i32
        %parallel_loop3A_150 = arith.index_cast %parallel_loop3A_149 : i32 to index
        %parallel_loop3A_151 = arith.index_cast %parallel_loop3A_126 : i32 to index
        %parallel_loop3A_152 = arith.constant 16 : index
        %parallel_loop3A_153 = tpu.vector_load %arg5[%parallel_loop3A_150, %parallel_loop3A_151, %parallel_loop3A_152] {strides = array<i32>} : memref<2x32x128xf32, #tpu.memory_space<vmem>>, vector<16xf32>,
        tpu.vector_store %arg5[%parallel_loop3A_150, %parallel_loop3A_151, %parallel_loop3A_152], %parallel_loop3A_148 {strides = array<i32>} : memref<2x32x128xf32, #tpu.memory_space<vmem>>, vector<16xf32>,
        %parallel_loop3A_154 = arith.constant 4 : i32
        %parallel_loop3A_155 = arith.muli %parallel_loop3A_154, %parallel_loop3A_126 : i32
        %parallel_loop3A_156 = arith.constant 1 : i32
        %parallel_loop3A_157 = arith.addi %parallel_loop3A_155, %parallel_loop3A_156 : i32
        %parallel_loop3A_158 = vector.broadcast %parallel_loop3A_157 : i32 to vector<16xi32>
        %parallel_loop3A_159 = arith.constant 0 : i32
        %parallel_loop3A_160 = arith.constant 0 : i32
        %parallel_loop3A_161 = arith.constant 0 : i32
        %parallel_loop3A_162 = tpu.memref_slice %arg4[%parallel_loop3A_159, %parallel_loop3A_160, %parallel_loop3A_161] : memref<2x32x129xf32, #tpu.memory_space<vmem>> -> memref<1x32x129xf32, #tpu.memory_space<vmem>>
        %parallel_loop3A_163 = tpu.memref_squeeze %parallel_loop3A_162 : memref<1x32x129xf32, #tpu.memory_space<vmem>> -> memref<32x129xf32, #tpu.memory_space<vmem>>
        %parallel_loop3A_164 = tpu.vector_load_idx %parallel_loop3A_163[%add3A_3, %parallel_loop3A_158] : memref<32x129xf32, #tpu.memory_space<vmem>>[vector<16xi32>, vector<16xi32>], vector<16xf32>,
        %parallel_loop3A_165 = arith.constant 0 : i32
        %parallel_loop3A_166 = arith.index_cast %parallel_loop3A_165 : i32 to index
        %parallel_loop3A_167 = arith.index_cast %parallel_loop3A_126 : i32 to index
        %parallel_loop3A_168 = arith.constant 32 : index
        %parallel_loop3A_169 = tpu.vector_load %arg5[%parallel_loop3A_166, %parallel_loop3A_167, %parallel_loop3A_168] {strides = array<i32>} : memref<2x32x128xf32, #tpu.memory_space<vmem>>, vector<16xf32>,
        tpu.vector_store %arg5[%parallel_loop3A_166, %parallel_loop3A_167, %parallel_loop3A_168], %parallel_loop3A_164 {strides = array<i32>} : memref<2x32x128xf32, #tpu.memory_space<vmem>>, vector<16xf32>,
        %parallel_loop3A_170 = arith.constant 0 : i32
        %parallel_loop3A_171 = arith.constant 0 : i32
        %parallel_loop3A_172 = arith.constant 0 : i32
        %parallel_loop3A_173 = tpu.memref_slice %arg4[%parallel_loop3A_170, %parallel_loop3A_171, %parallel_loop3A_172] : memref<2x32x129xf32, #tpu.memory_space<vmem>> -> memref<1x32x129xf32, #tpu.memory_space<vmem>>
        %parallel_loop3A_174 = tpu.memref_squeeze %parallel_loop3A_173 : memref<1x32x129xf32, #tpu.memory_space<vmem>> -> memref<32x129xf32, #tpu.memory_space<vmem>>
        %parallel_loop3A_175 = tpu.vector_load_idx %parallel_loop3A_174[%add3A_6, %parallel_loop3A_158] : memref<32x129xf32, #tpu.memory_space<vmem>>[vector<16xi32>, vector<16xi32>], vector<16xf32>,
        %parallel_loop3A_176 = arith.constant 0 : i32
        %parallel_loop3A_177 = arith.index_cast %parallel_loop3A_176 : i32 to index
        %parallel_loop3A_178 = arith.index_cast %parallel_loop3A_126 : i32 to index
        %parallel_loop3A_179 = arith.constant 48 : index
        %parallel_loop3A_180 = tpu.vector_load %arg5[%parallel_loop3A_177, %parallel_loop3A_178, %parallel_loop3A_179] {strides = array<i32>} : memref<2x32x128xf32, #tpu.memory_space<vmem>>, vector<16xf32>,
        tpu.vector_store %arg5[%parallel_loop3A_177, %parallel_loop3A_178, %parallel_loop3A_179], %parallel_loop3A_175 {strides = array<i32>} : memref<2x32x128xf32, #tpu.memory_space<vmem>>, vector<16xf32>,
        %parallel_loop3A_181 = arith.constant 4 : i32
        %parallel_loop3A_182 = arith.muli %parallel_loop3A_181, %parallel_loop3A_126 : i32
        %parallel_loop3A_183 = arith.constant 2 : i32
        %parallel_loop3A_184 = arith.addi %parallel_loop3A_182, %parallel_loop3A_183 : i32
        %parallel_loop3A_185 = vector.broadcast %parallel_loop3A_184 : i32 to vector<16xi32>
        %parallel_loop3A_186 = arith.constant 0 : i32
        %parallel_loop3A_187 = arith.constant 0 : i32
        %parallel_loop3A_188 = arith.constant 0 : i32
        %parallel_loop3A_189 = tpu.memref_slice %arg4[%parallel_loop3A_186, %parallel_loop3A_187, %parallel_loop3A_188] : memref<2x32x129xf32, #tpu.memory_space<vmem>> -> memref<1x32x129xf32, #tpu.memory_space<vmem>>
        %parallel_loop3A_190 = tpu.memref_squeeze %parallel_loop3A_189 : memref<1x32x129xf32, #tpu.memory_space<vmem>> -> memref<32x129xf32, #tpu.memory_space<vmem>>
        %parallel_loop3A_191 = tpu.vector_load_idx %parallel_loop3A_190[%add3A_3, %parallel_loop3A_185] : memref<32x129xf32, #tpu.memory_space<vmem>>[vector<16xi32>, vector<16xi32>], vector<16xf32>,
        %parallel_loop3A_192 = arith.constant 0 : i32
        %parallel_loop3A_193 = arith.index_cast %parallel_loop3A_192 : i32 to index
        %parallel_loop3A_194 = arith.index_cast %parallel_loop3A_126 : i32 to index
        %parallel_loop3A_195 = arith.constant 64 : index
        %parallel_loop3A_196 = tpu.vector_load %arg5[%parallel_loop3A_193, %parallel_loop3A_194, %parallel_loop3A_195] {strides = array<i32>} : memref<2x32x128xf32, #tpu.memory_space<vmem>>, vector<16xf32>,
        tpu.vector_store %arg5[%parallel_loop3A_193, %parallel_loop3A_194, %parallel_loop3A_195], %parallel_loop3A_191 {strides = array<i32>} : memref<2x32x128xf32, #tpu.memory_space<vmem>>, vector<16xf32>,
        %parallel_loop3A_197 = arith.constant 0 : i32
        %parallel_loop3A_198 = arith.constant 0 : i32
        %parallel_loop3A_199 = arith.constant 0 : i32
        %parallel_loop3A_200 = tpu.memref_slice %arg4[%parallel_loop3A_197, %parallel_loop3A_198, %parallel_loop3A_199] : memref<2x32x129xf32, #tpu.memory_space<vmem>> -> memref<1x32x129xf32, #tpu.memory_space<vmem>>
        %parallel_loop3A_201 = tpu.memref_squeeze %parallel_loop3A_200 : memref<1x32x129xf32, #tpu.memory_space<vmem>> -> memref<32x129xf32, #tpu.memory_space<vmem>>
        %parallel_loop3A_202 = tpu.vector_load_idx %parallel_loop3A_201[%add3A_6, %parallel_loop3A_185] : memref<32x129xf32, #tpu.memory_space<vmem>>[vector<16xi32>, vector<16xi32>], vector<16xf32>,
        %parallel_loop3A_203 = arith.constant 0 : i32
        %parallel_loop3A_204 = arith.index_cast %parallel_loop3A_203 : i32 to index
        %parallel_loop3A_205 = arith.index_cast %parallel_loop3A_126 : i32 to index
        %parallel_loop3A_206 = arith.constant 80 : index
        %parallel_loop3A_207 = tpu.vector_load %arg5[%parallel_loop3A_204, %parallel_loop3A_205, %parallel_loop3A_206] {strides = array<i32>} : memref<2x32x128xf32, #tpu.memory_space<vmem>>, vector<16xf32>,
        tpu.vector_store %arg5[%parallel_loop3A_204, %parallel_loop3A_205, %parallel_loop3A_206], %parallel_loop3A_202 {strides = array<i32>} : memref<2x32x128xf32, #tpu.memory_space<vmem>>, vector<16xf32>,
        %parallel_loop3A_208 = arith.constant 4 : i32
        %parallel_loop3A_209 = arith.muli %parallel_loop3A_208, %parallel_loop3A_126 : i32
        %parallel_loop3A_210 = arith.constant 3 : i32
        %parallel_loop3A_211 = arith.addi %parallel_loop3A_209, %parallel_loop3A_210 : i32
        %parallel_loop3A_212 = vector.broadcast %parallel_loop3A_211 : i32 to vector<16xi32>
        %parallel_loop3A_213 = arith.constant 0 : i32
        %parallel_loop3A_214 = arith.constant 0 : i32
        %parallel_loop3A_215 = arith.constant 0 : i32
        %parallel_loop3A_216 = tpu.memref_slice %arg4[%parallel_loop3A_213, %parallel_loop3A_214, %parallel_loop3A_215] : memref<2x32x129xf32, #tpu.memory_space<vmem>> -> memref<1x32x129xf32, #tpu.memory_space<vmem>>
        %parallel_loop3A_217 = tpu.memref_squeeze %parallel_loop3A_216 : memref<1x32x129xf32, #tpu.memory_space<vmem>> -> memref<32x129xf32, #tpu.memory_space<vmem>>
        %parallel_loop3A_218 = tpu.vector_load_idx %parallel_loop3A_217[%add3A_3, %parallel_loop3A_212] : memref<32x129xf32, #tpu.memory_space<vmem>>[vector<16xi32>, vector<16xi32>], vector<16xf32>,
        %parallel_loop3A_219 = arith.constant 0 : i32
        %parallel_loop3A_220 = arith.index_cast %parallel_loop3A_219 : i32 to index
        %parallel_loop3A_221 = arith.index_cast %parallel_loop3A_126 : i32 to index
        %parallel_loop3A_222 = arith.constant 96 : index
        %parallel_loop3A_223 = tpu.vector_load %arg5[%parallel_loop3A_220, %parallel_loop3A_221, %parallel_loop3A_222] {strides = array<i32>} : memref<2x32x128xf32, #tpu.memory_space<vmem>>, vector<16xf32>,
        tpu.vector_store %arg5[%parallel_loop3A_220, %parallel_loop3A_221, %parallel_loop3A_222], %parallel_loop3A_218 {strides = array<i32>} : memref<2x32x128xf32, #tpu.memory_space<vmem>>, vector<16xf32>,
        %parallel_loop3A_224 = arith.constant 0 : i32
        %parallel_loop3A_225 = arith.constant 0 : i32
        %parallel_loop3A_226 = arith.constant 0 : i32
        %parallel_loop3A_227 = tpu.memref_slice %arg4[%parallel_loop3A_224, %parallel_loop3A_225, %parallel_loop3A_226] : memref<2x32x129xf32, #tpu.memory_space<vmem>> -> memref<1x32x129xf32, #tpu.memory_space<vmem>>
        %parallel_loop3A_228 = tpu.memref_squeeze %parallel_loop3A_227 : memref<1x32x129xf32, #tpu.memory_space<vmem>> -> memref<32x129xf32, #tpu.memory_space<vmem>>
        %parallel_loop3A_229 = tpu.vector_load_idx %parallel_loop3A_228[%add3A_6, %parallel_loop3A_212] : memref<32x129xf32, #tpu.memory_space<vmem>>[vector<16xi32>, vector<16xi32>], vector<16xf32>,
        %parallel_loop3A_230 = arith.constant 0 : i32
        %parallel_loop3A_231 = arith.index_cast %parallel_loop3A_230 : i32 to index
        %parallel_loop3A_232 = arith.index_cast %parallel_loop3A_126 : i32 to index
        %parallel_loop3A_233 = arith.constant 112 : index
        %parallel_loop3A_234 = tpu.vector_load %arg5[%parallel_loop3A_231, %parallel_loop3A_232, %parallel_loop3A_233] {strides = array<i32>} : memref<2x32x128xf32, #tpu.memory_space<vmem>>, vector<16xf32>,
        tpu.vector_store %arg5[%parallel_loop3A_231, %parallel_loop3A_232, %parallel_loop3A_233], %parallel_loop3A_229 {strides = array<i32>} : memref<2x32x128xf32, #tpu.memory_space<vmem>>, vector<16xf32>,
      } {sc.loop_unroll_factor = 8 : i64, sc.parallel_access}
      %mul3A_123 = arith.constant 32 : i32
      %mul3A_124 = arith.muli %add3A_109, %mul3A_123 : i32
      %run_scoped3A_125 = arith.constant 0 : i32
      "tpu.region"() ({
        %run_scoped3A_126 = tpu.sem_alloc : memref<!tpu.dma_semaphore, #tpu.memory_space<semaphore_mem>>
        %dma_start3A_127 = arith.constant 0 : i32
        %dma_start3A_128 = arith.constant 0 : i32
        %dma_start3A_129 = tpu.memref_slice %arg5[%run_scoped3A_125, %dma_start3A_127, %dma_start3A_128] : memref<2x32x128xf32, #tpu.memory_space<vmem>> -> memref<1x32x128xf32, #tpu.memory_space<vmem>>
        %dma_start3A_130 = tpu.memref_squeeze %dma_start3A_129 : memref<1x32x128xf32, #tpu.memory_space<vmem>> -> memref<32x128xf32, #tpu.memory_space<vmem>>
        %dma_start3A_131 = arith.constant 0 : i32
        %dma_start3A_132 = tpu.memref_slice %arg3[%mul3A_124, %dma_start3A_131] : memref<250016x128xf32, #tpu.memory_space<hbm>> -> memref<32x128xf32, #tpu.memory_space<hbm>>
        %dma_start3A_133 = arith.constant 0 : i32
        %dma_start3A_134 = tpu.memref_slice %arg3[%mul3A_124, %dma_start3A_133] : memref<250016x128xf32, #tpu.memory_space<hbm>> -> memref<32x128xf32, #tpu.memory_space<hbm>>
        %dma_start3A_135 = arith.constant 0 : i32
        %dma_start3A_136 = arith.constant 0 : i32
        %dma_start3A_137 = tpu.memref_slice %arg5[%run_scoped3A_125, %dma_start3A_135, %dma_start3A_136] : memref<2x32x128xf32, #tpu.memory_space<vmem>> -> memref<1x32x128xf32, #tpu.memory_space<vmem>>
        %dma_start3A_138 = tpu.memref_squeeze %dma_start3A_137 : memref<1x32x128xf32, #tpu.memory_space<vmem>> -> memref<32x128xf32, #tpu.memory_space<vmem>>
        tpu.enqueue_dma source(%dma_start3A_138 : memref<32x128xf32, #tpu.memory_space<vmem>>) target(%dma_start3A_134 : memref<32x128xf32, #tpu.memory_space<hbm>>) target_semaphore(%run_scoped3A_126 : memref<!tpu.dma_semaphore, #tpu.memory_space<semaphore_mem>>)
        %dma_wait3A_139 = arith.constant 0 : i32
        %dma_wait3A_140 = arith.constant 0 : i32
        %dma_wait3A_141 = tpu.memref_slice %arg5[%run_scoped3A_125, %dma_wait3A_139, %dma_wait3A_140] : memref<2x32x128xf32, #tpu.memory_space<vmem>> -> memref<1x32x128xf32, #tpu.memory_space<vmem>>
        %dma_wait3A_142 = tpu.memref_squeeze %dma_wait3A_141 : memref<1x32x128xf32, #tpu.memory_space<vmem>> -> memref<32x128xf32, #tpu.memory_space<vmem>>
        %dma_wait3A_143 = arith.constant 0 : i32
        %dma_wait3A_144 = tpu.memref_slice %arg3[%mul3A_124, %dma_wait3A_143] : memref<250016x128xf32, #tpu.memory_space<hbm>> -> memref<32x128xf32, #tpu.memory_space<hbm>>
        %dma_wait3A_145 = arith.constant 0 : i32
        %dma_wait3A_146 = tpu.memref_slice %arg3[%mul3A_124, %dma_wait3A_145] : memref<250016x128xf32, #tpu.memory_space<hbm>> -> memref<32x128xf32, #tpu.memory_space<hbm>>
        %dma_wait3A_147 = arith.constant 0 : i32
        %dma_wait3A_148 = arith.constant 0 : i32
        %dma_wait3A_149 = tpu.memref_slice %arg5[%run_scoped3A_125, %dma_wait3A_147, %dma_wait3A_148] : memref<2x32x128xf32, #tpu.memory_space<vmem>> -> memref<1x32x128xf32, #tpu.memory_space<vmem>>
        %dma_wait3A_150 = tpu.memref_squeeze %dma_wait3A_149 : memref<1x32x128xf32, #tpu.memory_space<vmem>> -> memref<32x128xf32, #tpu.memory_space<vmem>>
        tpu.wait_dma2 semaphore(%run_scoped3A_126 : memref<!tpu.dma_semaphore, #tpu.memory_space<semaphore_mem>>) src(%dma_wait3A_150 : memref<32x128xf32, #tpu.memory_space<vmem>>) dst(%dma_wait3A_146 : memref<32x128xf32, #tpu.memory_space<hbm>>)
        tpu.yield
      }) : () -> ()
    } else {
    }
    return
  }
}

#map = affine_map<(d0, d1) -> (0, 0)>
#map1 = affine_map<(d0, d1) -> (0, 0, 0, 0, 0)>
module attributes {stable_mosaic.version = 14 : i64} {
  func.func @kb(%arg0: i32, %arg1: i32, %arg2: memref<1000064x32xf32, #tpu.memory_space<hbm>>, %arg3: memref<20x16384xi32, #tpu.memory_space<hbm>>, %arg4: memref<20x4x128x8x128xf32, #tpu.memory_space<hbm>>, %arg5: memref<2x128xi32, #tpu.memory_space<vmem>>, %arg6: memref<2x128x32xf32, #tpu.memory_space<vmem>>, %arg7: memref<2x32x129xf32, #tpu.memory_space<vmem>>, %arg8: memref<!tpu.dma_semaphore, #tpu.memory_space<semaphore_mem>>, %arg9: memref<!tpu.dma_semaphore, #tpu.memory_space<semaphore_mem>>, %arg10: memref<!tpu.dma_semaphore, #tpu.memory_space<semaphore_mem>>, %arg11: memref<!tpu.dma_semaphore, #tpu.memory_space<semaphore_mem>>, %arg12: memref<!tpu.dma_semaphore, #tpu.memory_space<semaphore_mem>>, %arg13: memref<!tpu.dma_semaphore, #tpu.memory_space<semaphore_mem>>) attributes {dimension_semantics = [#tpu.dimension_semantics<core_parallel>, #tpu.dimension_semantics<subcore_parallel>], iteration_bounds = array<i64: 2, 16>, scalar_prefetch = 0 : i64, scratch_operands = 9 : i64, tpu.core_type = #tpu.core_type<sc_vector_subcore>, window_params = [{transform_indices = #map}, {transform_indices = #map}, {transform_indices = #map1}]} {
    %mul3A = arith.constant 2 : i32
    %mul3A_0 = arith.muli %arg1, %mul3A : i32
    %add3A = arith.addi %mul3A_0, %arg0 : i32
    %iota3A = tpu.iota {dimensions = array<i32: 0>} : vector<16xi32>
    %add3A_1 = arith.constant 0 : i32
    %add3A_2 = vector.broadcast %add3A_1 : i32 to vector<16xi32>
    %add3A_3 = arith.addi %iota3A, %add3A_2 : vector<16xi32>
    %add3A_4 = arith.constant 16 : i32
    %add3A_5 = vector.broadcast %add3A_4 : i32 to vector<16xi32>
    %add3A_6 = arith.addi %iota3A, %add3A_5 : vector<16xi32>
    %mul3A_7 = arith.constant 80 : i32
    %mul3A_8 = arith.muli %add3A, %mul3A_7 : i32
    %add3A_9 = arith.constant 0 : i32
    %add3A_10 = arith.addi %mul3A_8, %add3A_9 : i32
    %shift_right_arithmetic3A = arith.constant 7 : i32
    %shift_right_arithmetic3A_11 = arith.shrsi %add3A_10, %shift_right_arithmetic3A : i32
    %and3A = arith.constant 127 : i32
    %and3A_12 = arith.andi %add3A_10, %and3A : i32
    %mul3A_13 = arith.constant 80 : i32
    %mul3A_14 = arith.muli %add3A, %mul3A_13 : i32
    %add3A_15 = arith.constant 0 : i32
    %add3A_16 = arith.addi %mul3A_14, %add3A_15 : i32
    %shift_right_arithmetic3A_17 = arith.constant 7 : i32
    %shift_right_arithmetic3A_18 = arith.shrsi %add3A_16, %shift_right_arithmetic3A_17 : i32
    %and3A_19 = arith.constant 127 : i32
    %and3A_20 = arith.andi %add3A_16, %and3A_19 : i32
    %mul3A_21 = arith.constant 128 : i32
    %mul3A_22 = arith.muli %and3A_20, %mul3A_21 : i32
    %run_scoped3A = arith.constant 0 : i32
    "tpu.region"() ({
      %run_scoped3A_219 = tpu.sem_alloc : memref<!tpu.dma_semaphore, #tpu.memory_space<semaphore_mem>>
      %dma_start3A_220 = arith.constant 0 : i32
      %dma_start3A_221 = tpu.memref_slice %arg5[%run_scoped3A, %dma_start3A_220] : memref<2x128xi32, #tpu.memory_space<vmem>> -> memref<1x128xi32, #tpu.memory_space<vmem>>
      %dma_start3A_222 = tpu.memref_squeeze %dma_start3A_221 : memref<1x128xi32, #tpu.memory_space<vmem>> -> memref<128xi32, #tpu.memory_space<vmem>>
      %dma_start3A_223 = tpu.memref_slice %arg3[%shift_right_arithmetic3A_11, %mul3A_22] : memref<20x16384xi32, #tpu.memory_space<hbm>> -> memref<1x128xi32, #tpu.memory_space<hbm>>
      %dma_start3A_224 = tpu.memref_squeeze %dma_start3A_223 : memref<1x128xi32, #tpu.memory_space<hbm>> -> memref<128xi32, #tpu.memory_space<hbm>>
      %dma_start3A_225 = arith.constant 0 : i32
      %dma_start3A_226 = tpu.memref_slice %arg5[%run_scoped3A, %dma_start3A_225] : memref<2x128xi32, #tpu.memory_space<vmem>> -> memref<1x128xi32, #tpu.memory_space<vmem>>
      %dma_start3A_227 = tpu.memref_squeeze %dma_start3A_226 : memref<1x128xi32, #tpu.memory_space<vmem>> -> memref<128xi32, #tpu.memory_space<vmem>>
      %dma_start3A_228 = tpu.memref_slice %arg3[%shift_right_arithmetic3A_11, %mul3A_22] : memref<20x16384xi32, #tpu.memory_space<hbm>> -> memref<1x128xi32, #tpu.memory_space<hbm>>
      %dma_start3A_229 = tpu.memref_squeeze %dma_start3A_228 : memref<1x128xi32, #tpu.memory_space<hbm>> -> memref<128xi32, #tpu.memory_space<hbm>>
      tpu.enqueue_dma source(%dma_start3A_229 : memref<128xi32, #tpu.memory_space<hbm>>) target(%dma_start3A_227 : memref<128xi32, #tpu.memory_space<vmem>>) target_semaphore(%run_scoped3A_219 : memref<!tpu.dma_semaphore, #tpu.memory_space<semaphore_mem>>)
      %dma_wait3A_230 = arith.constant 0 : i32
      %dma_wait3A_231 = tpu.memref_slice %arg5[%run_scoped3A, %dma_wait3A_230] : memref<2x128xi32, #tpu.memory_space<vmem>> -> memref<1x128xi32, #tpu.memory_space<vmem>>
      %dma_wait3A_232 = tpu.memref_squeeze %dma_wait3A_231 : memref<1x128xi32, #tpu.memory_space<vmem>> -> memref<128xi32, #tpu.memory_space<vmem>>
      %dma_wait3A_233 = tpu.memref_slice %arg3[%shift_right_arithmetic3A_11, %mul3A_22] : memref<20x16384xi32, #tpu.memory_space<hbm>> -> memref<1x128xi32, #tpu.memory_space<hbm>>
      %dma_wait3A_234 = tpu.memref_squeeze %dma_wait3A_233 : memref<1x128xi32, #tpu.memory_space<hbm>> -> memref<128xi32, #tpu.memory_space<hbm>>
      %dma_wait3A_235 = arith.constant 0 : i32
      %dma_wait3A_236 = tpu.memref_slice %arg5[%run_scoped3A, %dma_wait3A_235] : memref<2x128xi32, #tpu.memory_space<vmem>> -> memref<1x128xi32, #tpu.memory_space<vmem>>
      %dma_wait3A_237 = tpu.memref_squeeze %dma_wait3A_236 : memref<1x128xi32, #tpu.memory_space<vmem>> -> memref<128xi32, #tpu.memory_space<vmem>>
      %dma_wait3A_238 = tpu.memref_slice %arg3[%shift_right_arithmetic3A_11, %mul3A_22] : memref<20x16384xi32, #tpu.memory_space<hbm>> -> memref<1x128xi32, #tpu.memory_space<hbm>>
      %dma_wait3A_239 = tpu.memref_squeeze %dma_wait3A_238 : memref<1x128xi32, #tpu.memory_space<hbm>> -> memref<128xi32, #tpu.memory_space<hbm>>
      tpu.wait_dma2 semaphore(%run_scoped3A_219 : memref<!tpu.dma_semaphore, #tpu.memory_space<semaphore_mem>>) src(%dma_wait3A_239 : memref<128xi32, #tpu.memory_space<hbm>>) dst(%dma_wait3A_237 : memref<128xi32, #tpu.memory_space<vmem>>)
      tpu.yield
    }) : () -> ()
    %mul3A_23 = arith.constant 80 : i32
    %mul3A_24 = arith.muli %add3A, %mul3A_23 : i32
    %add3A_25 = arith.constant 1 : i32
    %add3A_26 = arith.addi %mul3A_24, %add3A_25 : i32
    %shift_right_arithmetic3A_27 = arith.constant 7 : i32
    %shift_right_arithmetic3A_28 = arith.shrsi %add3A_26, %shift_right_arithmetic3A_27 : i32
    %and3A_29 = arith.constant 127 : i32
    %and3A_30 = arith.andi %add3A_26, %and3A_29 : i32
    %mul3A_31 = arith.constant 128 : i32
    %mul3A_32 = arith.muli %and3A_30, %mul3A_31 : i32
    %dma_start3A = arith.constant 1 : i32
    %dma_start3A_33 = arith.constant 0 : i32
    %dma_start3A_34 = tpu.memref_slice %arg5[%dma_start3A, %dma_start3A_33] : memref<2x128xi32, #tpu.memory_space<vmem>> -> memref<1x128xi32, #tpu.memory_space<vmem>>
    %dma_start3A_35 = tpu.memref_squeeze %dma_start3A_34 : memref<1x128xi32, #tpu.memory_space<vmem>> -> memref<128xi32, #tpu.memory_space<vmem>>
    %dma_start3A_36 = tpu.memref_slice %arg3[%shift_right_arithmetic3A_28, %mul3A_32] : memref<20x16384xi32, #tpu.memory_space<hbm>> -> memref<1x128xi32, #tpu.memory_space<hbm>>
    %dma_start3A_37 = tpu.memref_squeeze %dma_start3A_36 : memref<1x128xi32, #tpu.memory_space<hbm>> -> memref<128xi32, #tpu.memory_space<hbm>>
    %dma_start3A_38 = arith.constant 0 : i32
    %dma_start3A_39 = tpu.memref_slice %arg5[%dma_start3A, %dma_start3A_38] : memref<2x128xi32, #tpu.memory_space<vmem>> -> memref<1x128xi32, #tpu.memory_space<vmem>>
    %dma_start3A_40 = tpu.memref_squeeze %dma_start3A_39 : memref<1x128xi32, #tpu.memory_space<vmem>> -> memref<128xi32, #tpu.memory_space<vmem>>
    %dma_start3A_41 = tpu.memref_slice %arg3[%shift_right_arithmetic3A_28, %mul3A_32] : memref<20x16384xi32, #tpu.memory_space<hbm>> -> memref<1x128xi32, #tpu.memory_space<hbm>>
    %dma_start3A_42 = tpu.memref_squeeze %dma_start3A_41 : memref<1x128xi32, #tpu.memory_space<hbm>> -> memref<128xi32, #tpu.memory_space<hbm>>
    tpu.enqueue_dma source(%dma_start3A_42 : memref<128xi32, #tpu.memory_space<hbm>>) target(%dma_start3A_40 : memref<128xi32, #tpu.memory_space<vmem>>) target_semaphore(%arg9 : memref<!tpu.dma_semaphore, #tpu.memory_space<semaphore_mem>>)
    %dma_start3A_43 = arith.constant 0 : i32
    %dma_start3A_44 = arith.constant 0 : i32
    %dma_start3A_45 = arith.constant 0 : i32
    %dma_start3A_46 = arith.constant 0 : i32
    %dma_start3A_47 = tpu.memref_slice %arg6[%dma_start3A_44, %dma_start3A_45, %dma_start3A_46] : memref<2x128x32xf32, #tpu.memory_space<vmem>> -> memref<1x128x32xf32, #tpu.memory_space<vmem>>
    %dma_start3A_48 = tpu.memref_squeeze %dma_start3A_47 : memref<1x128x32xf32, #tpu.memory_space<vmem>> -> memref<128x32xf32, #tpu.memory_space<vmem>>
    %dma_start3A_49 = arith.constant 0 : i32
    %dma_start3A_50 = tpu.memref_slice %arg5[%dma_start3A_43, %dma_start3A_49] : memref<2x128xi32, #tpu.memory_space<vmem>> -> memref<1x128xi32, #tpu.memory_space<vmem>>
    %dma_start3A_51 = tpu.memref_squeeze %dma_start3A_50 : memref<1x128xi32, #tpu.memory_space<vmem>> -> memref<128xi32, #tpu.memory_space<vmem>>
    %dma_start3A_52 = arith.constant 0 : i32
    %dma_start3A_53 = arith.constant 0 : i32
    %dma_start3A_54 = tpu.memref_slice %arg2[%dma_start3A_52, %dma_start3A_53] : memref<1000064x32xf32, #tpu.memory_space<hbm>> -> memref<1000064x32xf32, #tpu.memory_space<hbm>>
    tpu.enqueue_indirect_dma source(%dma_start3A_54 : memref<1000064x32xf32, #tpu.memory_space<hbm>>) target(%dma_start3A_48 : memref<128x32xf32, #tpu.memory_space<vmem>>) offsets(%dma_start3A_51 : memref<128xi32, #tpu.memory_space<vmem>>) semaphore(%arg10 : memref<!tpu.dma_semaphore, #tpu.memory_space<semaphore_mem>>)
    %scan3A = arith.constant 0 : i32
    %scan3A_55 = arith.constant 0 : i32
    %scan3A_56 = arith.constant 40 : i32
    %scan3A_57 = arith.addi %scan3A_55, %scan3A_56 : i32
    %scan3A_58 = arith.constant 1 : i32
    scf.for %scan3A_219 = %scan3A_55 to %scan3A_57 step %scan3A_58  : i32 {
      %mul3A_220 = arith.constant 2 : i32
      %mul3A_221 = arith.muli %mul3A_220, %scan3A_219 : i32
      %add3A_222 = arith.constant 0 : i32
      %add3A_223 = arith.addi %mul3A_221, %add3A_222 : i32
      %dma_wait3A_224 = arith.constant 0 : i32
      %dma_wait3A_225 = arith.constant 0 : i32
      %dma_wait3A_226 = arith.constant 0 : i32
      %dma_wait3A_227 = arith.constant 0 : i32
      %dma_wait3A_228 = tpu.memref_slice %arg6[%dma_wait3A_225, %dma_wait3A_226, %dma_wait3A_227] : memref<2x128x32xf32, #tpu.memory_space<vmem>> -> memref<1x128x32xf32, #tpu.memory_space<vmem>>
      %dma_wait3A_229 = tpu.memref_squeeze %dma_wait3A_228 : memref<1x128x32xf32, #tpu.memory_space<vmem>> -> memref<128x32xf32, #tpu.memory_space<vmem>>
      %dma_wait3A_230 = arith.constant 0 : i32
      %dma_wait3A_231 = tpu.memref_slice %arg5[%dma_wait3A_224, %dma_wait3A_230] : memref<2x128xi32, #tpu.memory_space<vmem>> -> memref<1x128xi32, #tpu.memory_space<vmem>>
      %dma_wait3A_232 = tpu.memref_squeeze %dma_wait3A_231 : memref<1x128xi32, #tpu.memory_space<vmem>> -> memref<128xi32, #tpu.memory_space<vmem>>
      %dma_wait3A_233 = arith.constant 0 : i32
      %dma_wait3A_234 = arith.constant 0 : i32
      %dma_wait3A_235 = tpu.memref_slice %arg2[%dma_wait3A_233, %dma_wait3A_234] : memref<1000064x32xf32, #tpu.memory_space<hbm>> -> memref<1000064x32xf32, #tpu.memory_space<hbm>>
      tpu.wait_indirect_dma semaphore(%arg10 : memref<!tpu.dma_semaphore, #tpu.memory_space<semaphore_mem>>) src(%dma_wait3A_235 : memref<1000064x32xf32, #tpu.memory_space<hbm>>) dst(%dma_wait3A_229 : memref<128x32xf32, #tpu.memory_space<vmem>>)
      %add3A_236 = arith.constant 2 : i32
      %add3A_237 = arith.addi %add3A_223, %add3A_236 : i32
      %lt3A = arith.constant 80 : i32
      %lt3A_238 = arith.cmpi slt, %add3A_237, %lt3A : i32
      %convert_element_type3A = arith.extui %lt3A_238 : i1 to i32
      %cond3A = arith.constant 0 : i32
      %cond3A_239 = arith.cmpi ne, %convert_element_type3A, %cond3A : i32
      scf.if %cond3A_239 {
        %add3A_449 = arith.constant 2 : i32
        %add3A_450 = arith.addi %add3A_223, %add3A_449 : i32
        %mul3A_451 = arith.constant 80 : i32
        %mul3A_452 = arith.muli %add3A, %mul3A_451 : i32
        %add3A_453 = arith.addi %mul3A_452, %add3A_450 : i32
        %shift_right_arithmetic3A_454 = arith.constant 7 : i32
        %shift_right_arithmetic3A_455 = arith.shrsi %add3A_453, %shift_right_arithmetic3A_454 : i32
        %and3A_456 = arith.constant 127 : i32
        %and3A_457 = arith.andi %add3A_453, %and3A_456 : i32
        %mul3A_458 = arith.constant 128 : i32
        %mul3A_459 = arith.muli %and3A_457, %mul3A_458 : i32
        %dma_start3A_460 = arith.constant 0 : i32
        %dma_start3A_461 = arith.constant 0 : i32
        %dma_start3A_462 = tpu.memref_slice %arg5[%dma_start3A_460, %dma_start3A_461] : memref<2x128xi32, #tpu.memory_space<vmem>> -> memref<1x128xi32, #tpu.memory_space<vmem>>
        %dma_start3A_463 = tpu.memref_squeeze %dma_start3A_462 : memref<1x128xi32, #tpu.memory_space<vmem>> -> memref<128xi32, #tpu.memory_space<vmem>>
        %dma_start3A_464 = tpu.memref_slice %arg3[%shift_right_arithmetic3A_455, %mul3A_459] : memref<20x16384xi32, #tpu.memory_space<hbm>> -> memref<1x128xi32, #tpu.memory_space<hbm>>
        %dma_start3A_465 = tpu.memref_squeeze %dma_start3A_464 : memref<1x128xi32, #tpu.memory_space<hbm>> -> memref<128xi32, #tpu.memory_space<hbm>>
        %dma_start3A_466 = arith.constant 0 : i32
        %dma_start3A_467 = tpu.memref_slice %arg5[%dma_start3A_460, %dma_start3A_466] : memref<2x128xi32, #tpu.memory_space<vmem>> -> memref<1x128xi32, #tpu.memory_space<vmem>>
        %dma_start3A_468 = tpu.memref_squeeze %dma_start3A_467 : memref<1x128xi32, #tpu.memory_space<vmem>> -> memref<128xi32, #tpu.memory_space<vmem>>
        %dma_start3A_469 = tpu.memref_slice %arg3[%shift_right_arithmetic3A_455, %mul3A_459] : memref<20x16384xi32, #tpu.memory_space<hbm>> -> memref<1x128xi32, #tpu.memory_space<hbm>>
        %dma_start3A_470 = tpu.memref_squeeze %dma_start3A_469 : memref<1x128xi32, #tpu.memory_space<hbm>> -> memref<128xi32, #tpu.memory_space<hbm>>
        tpu.enqueue_dma source(%dma_start3A_470 : memref<128xi32, #tpu.memory_space<hbm>>) target(%dma_start3A_468 : memref<128xi32, #tpu.memory_space<vmem>>) target_semaphore(%arg8 : memref<!tpu.dma_semaphore, #tpu.memory_space<semaphore_mem>>)
      } else {
      }
      %add3A_240 = arith.constant 1 : i32
      %add3A_241 = arith.addi %add3A_223, %add3A_240 : i32
      %lt3A_242 = arith.constant 80 : i32
      %lt3A_243 = arith.cmpi slt, %add3A_241, %lt3A_242 : i32
      %convert_element_type3A_244 = arith.extui %lt3A_243 : i1 to i32
      %cond3A_245 = arith.constant 0 : i32
      %cond3A_246 = arith.cmpi ne, %convert_element_type3A_244, %cond3A_245 : i32
      scf.if %cond3A_246 {
        %add3A_449 = arith.constant 1 : i32
        %add3A_450 = arith.addi %add3A_223, %add3A_449 : i32
        %mul3A_451 = arith.constant 80 : i32
        %mul3A_452 = arith.muli %add3A, %mul3A_451 : i32
        %add3A_453 = arith.addi %mul3A_452, %add3A_450 : i32
        %shift_right_arithmetic3A_454 = arith.constant 7 : i32
        %shift_right_arithmetic3A_455 = arith.shrsi %add3A_453, %shift_right_arithmetic3A_454 : i32
        %and3A_456 = arith.constant 127 : i32
        %and3A_457 = arith.andi %add3A_453, %and3A_456 : i32
        %mul3A_458 = arith.constant 128 : i32
        %mul3A_459 = arith.muli %and3A_457, %mul3A_458 : i32
        %dma_wait3A_460 = arith.constant 1 : i32
        %dma_wait3A_461 = arith.constant 0 : i32
        %dma_wait3A_462 = tpu.memref_slice %arg5[%dma_wait3A_460, %dma_wait3A_461] : memref<2x128xi32, #tpu.memory_space<vmem>> -> memref<1x128xi32, #tpu.memory_space<vmem>>
        %dma_wait3A_463 = tpu.memref_squeeze %dma_wait3A_462 : memref<1x128xi32, #tpu.memory_space<vmem>> -> memref<128xi32, #tpu.memory_space<vmem>>
        %dma_wait3A_464 = tpu.memref_slice %arg3[%shift_right_arithmetic3A_455, %mul3A_459] : memref<20x16384xi32, #tpu.memory_space<hbm>> -> memref<1x128xi32, #tpu.memory_space<hbm>>
        %dma_wait3A_465 = tpu.memref_squeeze %dma_wait3A_464 : memref<1x128xi32, #tpu.memory_space<hbm>> -> memref<128xi32, #tpu.memory_space<hbm>>
        %dma_wait3A_466 = arith.constant 0 : i32
        %dma_wait3A_467 = tpu.memref_slice %arg5[%dma_wait3A_460, %dma_wait3A_466] : memref<2x128xi32, #tpu.memory_space<vmem>> -> memref<1x128xi32, #tpu.memory_space<vmem>>
        %dma_wait3A_468 = tpu.memref_squeeze %dma_wait3A_467 : memref<1x128xi32, #tpu.memory_space<vmem>> -> memref<128xi32, #tpu.memory_space<vmem>>
        %dma_wait3A_469 = tpu.memref_slice %arg3[%shift_right_arithmetic3A_455, %mul3A_459] : memref<20x16384xi32, #tpu.memory_space<hbm>> -> memref<1x128xi32, #tpu.memory_space<hbm>>
        %dma_wait3A_470 = tpu.memref_squeeze %dma_wait3A_469 : memref<1x128xi32, #tpu.memory_space<hbm>> -> memref<128xi32, #tpu.memory_space<hbm>>
        tpu.wait_dma2 semaphore(%arg9 : memref<!tpu.dma_semaphore, #tpu.memory_space<semaphore_mem>>) src(%dma_wait3A_470 : memref<128xi32, #tpu.memory_space<hbm>>) dst(%dma_wait3A_468 : memref<128xi32, #tpu.memory_space<vmem>>)
        %dma_start3A_471 = arith.constant 1 : i32
        %dma_start3A_472 = arith.constant 1 : i32
        %dma_start3A_473 = arith.constant 0 : i32
        %dma_start3A_474 = arith.constant 0 : i32
        %dma_start3A_475 = tpu.memref_slice %arg6[%dma_start3A_472, %dma_start3A_473, %dma_start3A_474] : memref<2x128x32xf32, #tpu.memory_space<vmem>> -> memref<1x128x32xf32, #tpu.memory_space<vmem>>
        %dma_start3A_476 = tpu.memref_squeeze %dma_start3A_475 : memref<1x128x32xf32, #tpu.memory_space<vmem>> -> memref<128x32xf32, #tpu.memory_space<vmem>>
        %dma_start3A_477 = arith.constant 0 : i32
        %dma_start3A_478 = tpu.memref_slice %arg5[%dma_start3A_471, %dma_start3A_477] : memref<2x128xi32, #tpu.memory_space<vmem>> -> memref<1x128xi32, #tpu.memory_space<vmem>>
        %dma_start3A_479 = tpu.memref_squeeze %dma_start3A_478 : memref<1x128xi32, #tpu.memory_space<vmem>> -> memref<128xi32, #tpu.memory_space<vmem>>
        %dma_start3A_480 = arith.constant 0 : i32
        %dma_start3A_481 = arith.constant 0 : i32
        %dma_start3A_482 = tpu.memref_slice %arg2[%dma_start3A_480, %dma_start3A_481] : memref<1000064x32xf32, #tpu.memory_space<hbm>> -> memref<1000064x32xf32, #tpu.memory_space<hbm>>
        tpu.enqueue_indirect_dma source(%dma_start3A_482 : memref<1000064x32xf32, #tpu.memory_space<hbm>>) target(%dma_start3A_476 : memref<128x32xf32, #tpu.memory_space<vmem>>) offsets(%dma_start3A_479 : memref<128xi32, #tpu.memory_space<vmem>>) semaphore(%arg11 : memref<!tpu.dma_semaphore, #tpu.memory_space<semaphore_mem>>)
      } else {
      }
      %ge3A = arith.constant 2 : i32
      %ge3A_247 = arith.cmpi sge, %add3A_223, %ge3A : i32
      %convert_element_type3A_248 = arith.extui %ge3A_247 : i1 to i32
      %cond3A_249 = arith.constant 0 : i32
      %cond3A_250 = arith.cmpi ne, %convert_element_type3A_248, %cond3A_249 : i32
      scf.if %cond3A_250 {
        %sub3A = arith.constant 2 : i32
        %sub3A_449 = arith.subi %add3A_223, %sub3A : i32
        %mul3A_450 = arith.constant 80 : i32
        %mul3A_451 = arith.muli %add3A, %mul3A_450 : i32
        %add3A_452 = arith.addi %mul3A_451, %sub3A_449 : i32
        %shift_right_arithmetic3A_453 = arith.constant 7 : i32
        %shift_right_arithmetic3A_454 = arith.shrsi %add3A_452, %shift_right_arithmetic3A_453 : i32
        %and3A_455 = arith.constant 127 : i32
        %and3A_456 = arith.andi %add3A_452, %and3A_455 : i32
        %dma_wait3A_457 = arith.constant 0 : i32
        %dma_wait3A_458 = arith.constant 0 : i32
        %dma_wait3A_459 = arith.constant 0 : i32
        %dma_wait3A_460 = arith.constant 0 : i32
        %dma_wait3A_461 = tpu.memref_slice %arg7[%dma_wait3A_457, %dma_wait3A_459, %dma_wait3A_460] : memref<2x32x129xf32, #tpu.memory_space<vmem>> -> memref<1x8x128xf32, #tpu.memory_space<vmem>>
        %dma_wait3A_462 = tpu.memref_squeeze %dma_wait3A_461 : memref<1x8x128xf32, #tpu.memory_space<vmem>> -> memref<8x128xf32, #tpu.memory_space<vmem>>
        %dma_wait3A_463 = arith.constant 0 : i32
        %dma_wait3A_464 = arith.constant 0 : i32
        %dma_wait3A_465 = tpu.memref_slice %arg4[%shift_right_arithmetic3A_454, %dma_wait3A_458, %and3A_456, %dma_wait3A_463, %dma_wait3A_464] : memref<20x4x128x8x128xf32, #tpu.memory_space<hbm>> -> memref<1x1x1x8x128xf32, #tpu.memory_space<hbm>>
        %dma_wait3A_466 = tpu.memref_squeeze %dma_wait3A_465 : memref<1x1x1x8x128xf32, #tpu.memory_space<hbm>> -> memref<8x128xf32, #tpu.memory_space<hbm>>
        %dma_wait3A_467 = arith.constant 0 : i32
        %dma_wait3A_468 = arith.constant 0 : i32
        %dma_wait3A_469 = tpu.memref_slice %arg4[%shift_right_arithmetic3A_454, %dma_wait3A_458, %and3A_456, %dma_wait3A_467, %dma_wait3A_468] : memref<20x4x128x8x128xf32, #tpu.memory_space<hbm>> -> memref<1x1x1x8x128xf32, #tpu.memory_space<hbm>>
        %dma_wait3A_470 = tpu.memref_squeeze %dma_wait3A_469 : memref<1x1x1x8x128xf32, #tpu.memory_space<hbm>> -> memref<8x128xf32, #tpu.memory_space<hbm>>
        %dma_wait3A_471 = arith.constant 0 : i32
        %dma_wait3A_472 = arith.constant 0 : i32
        %dma_wait3A_473 = tpu.memref_slice %arg7[%dma_wait3A_457, %dma_wait3A_471, %dma_wait3A_472] : memref<2x32x129xf32, #tpu.memory_space<vmem>> -> memref<1x8x128xf32, #tpu.memory_space<vmem>>
        %dma_wait3A_474 = tpu.memref_squeeze %dma_wait3A_473 : memref<1x8x128xf32, #tpu.memory_space<vmem>> -> memref<8x128xf32, #tpu.memory_space<vmem>>
        tpu.wait_dma2 semaphore(%arg12 : memref<!tpu.dma_semaphore, #tpu.memory_space<semaphore_mem>>) src(%dma_wait3A_474 : memref<8x128xf32, #tpu.memory_space<vmem>>) dst(%dma_wait3A_470 : memref<8x128xf32, #tpu.memory_space<hbm>>)
        %dma_wait3A_475 = arith.constant 0 : i32
        %dma_wait3A_476 = arith.constant 1 : i32
        %dma_wait3A_477 = arith.constant 8 : i32
        %dma_wait3A_478 = arith.constant 0 : i32
        %dma_wait3A_479 = tpu.memref_slice %arg7[%dma_wait3A_475, %dma_wait3A_477, %dma_wait3A_478] : memref<2x32x129xf32, #tpu.memory_space<vmem>> -> memref<1x8x128xf32, #tpu.memory_space<vmem>>
        %dma_wait3A_480 = tpu.memref_squeeze %dma_wait3A_479 : memref<1x8x128xf32, #tpu.memory_space<vmem>> -> memref<8x128xf32, #tpu.memory_space<vmem>>
        %dma_wait3A_481 = arith.constant 0 : i32
        %dma_wait3A_482 = arith.constant 0 : i32
        %dma_wait3A_483 = tpu.memref_slice %arg4[%shift_right_arithmetic3A_454, %dma_wait3A_476, %and3A_456, %dma_wait3A_481, %dma_wait3A_482] : memref<20x4x128x8x128xf32, #tpu.memory_space<hbm>> -> memref<1x1x1x8x128xf32, #tpu.memory_space<hbm>>
        %dma_wait3A_484 = tpu.memref_squeeze %dma_wait3A_483 : memref<1x1x1x8x128xf32, #tpu.memory_space<hbm>> -> memref<8x128xf32, #tpu.memory_space<hbm>>
        %dma_wait3A_485 = arith.constant 0 : i32
        %dma_wait3A_486 = arith.constant 0 : i32
        %dma_wait3A_487 = tpu.memref_slice %arg4[%shift_right_arithmetic3A_454, %dma_wait3A_476, %and3A_456, %dma_wait3A_485, %dma_wait3A_486] : memref<20x4x128x8x128xf32, #tpu.memory_space<hbm>> -> memref<1x1x1x8x128xf32, #tpu.memory_space<hbm>>
        %dma_wait3A_488 = tpu.memref_squeeze %dma_wait3A_487 : memref<1x1x1x8x128xf32, #tpu.memory_space<hbm>> -> memref<8x128xf32, #tpu.memory_space<hbm>>
        %dma_wait3A_489 = arith.constant 8 : i32
        %dma_wait3A_490 = arith.constant 0 : i32
        %dma_wait3A_491 = tpu.memref_slice %arg7[%dma_wait3A_475, %dma_wait3A_489, %dma_wait3A_490] : memref<2x32x129xf32, #tpu.memory_space<vmem>> -> memref<1x8x128xf32, #tpu.memory_space<vmem>>
        %dma_wait3A_492 = tpu.memref_squeeze %dma_wait3A_491 : memref<1x8x128xf32, #tpu.memory_space<vmem>> -> memref<8x128xf32, #tpu.memory_space<vmem>>
        tpu.wait_dma2 semaphore(%arg12 : memref<!tpu.dma_semaphore, #tpu.memory_space<semaphore_mem>>) src(%dma_wait3A_492 : memref<8x128xf32, #tpu.memory_space<vmem>>) dst(%dma_wait3A_488 : memref<8x128xf32, #tpu.memory_space<hbm>>)
        %dma_wait3A_493 = arith.constant 0 : i32
        %dma_wait3A_494 = arith.constant 2 : i32
        %dma_wait3A_495 = arith.constant 16 : i32
        %dma_wait3A_496 = arith.constant 0 : i32
        %dma_wait3A_497 = tpu.memref_slice %arg7[%dma_wait3A_493, %dma_wait3A_495, %dma_wait3A_496] : memref<2x32x129xf32, #tpu.memory_space<vmem>> -> memref<1x8x128xf32, #tpu.memory_space<vmem>>
        %dma_wait3A_498 = tpu.memref_squeeze %dma_wait3A_497 : memref<1x8x128xf32, #tpu.memory_space<vmem>> -> memref<8x128xf32, #tpu.memory_space<vmem>>
        %dma_wait3A_499 = arith.constant 0 : i32
        %dma_wait3A_500 = arith.constant 0 : i32
        %dma_wait3A_501 = tpu.memref_slice %arg4[%shift_right_arithmetic3A_454, %dma_wait3A_494, %and3A_456, %dma_wait3A_499, %dma_wait3A_500] : memref<20x4x128x8x128xf32, #tpu.memory_space<hbm>> -> memref<1x1x1x8x128xf32, #tpu.memory_space<hbm>>
        %dma_wait3A_502 = tpu.memref_squeeze %dma_wait3A_501 : memref<1x1x1x8x128xf32, #tpu.memory_space<hbm>> -> memref<8x128xf32, #tpu.memory_space<hbm>>
        %dma_wait3A_503 = arith.constant 0 : i32
        %dma_wait3A_504 = arith.constant 0 : i32
        %dma_wait3A_505 = tpu.memref_slice %arg4[%shift_right_arithmetic3A_454, %dma_wait3A_494, %and3A_456, %dma_wait3A_503, %dma_wait3A_504] : memref<20x4x128x8x128xf32, #tpu.memory_space<hbm>> -> memref<1x1x1x8x128xf32, #tpu.memory_space<hbm>>
        %dma_wait3A_506 = tpu.memref_squeeze %dma_wait3A_505 : memref<1x1x1x8x128xf32, #tpu.memory_space<hbm>> -> memref<8x128xf32, #tpu.memory_space<hbm>>
        %dma_wait3A_507 = arith.constant 16 : i32
        %dma_wait3A_508 = arith.constant 0 : i32
        %dma_wait3A_509 = tpu.memref_slice %arg7[%dma_wait3A_493, %dma_wait3A_507, %dma_wait3A_508] : memref<2x32x129xf32, #tpu.memory_space<vmem>> -> memref<1x8x128xf32, #tpu.memory_space<vmem>>
        %dma_wait3A_510 = tpu.memref_squeeze %dma_wait3A_509 : memref<1x8x128xf32, #tpu.memory_space<vmem>> -> memref<8x128xf32, #tpu.memory_space<vmem>>
        tpu.wait_dma2 semaphore(%arg12 : memref<!tpu.dma_semaphore, #tpu.memory_space<semaphore_mem>>) src(%dma_wait3A_510 : memref<8x128xf32, #tpu.memory_space<vmem>>) dst(%dma_wait3A_506 : memref<8x128xf32, #tpu.memory_space<hbm>>)
        %dma_wait3A_511 = arith.constant 0 : i32
        %dma_wait3A_512 = arith.constant 3 : i32
        %dma_wait3A_513 = arith.constant 24 : i32
        %dma_wait3A_514 = arith.constant 0 : i32
        %dma_wait3A_515 = tpu.memref_slice %arg7[%dma_wait3A_511, %dma_wait3A_513, %dma_wait3A_514] : memref<2x32x129xf32, #tpu.memory_space<vmem>> -> memref<1x8x128xf32, #tpu.memory_space<vmem>>
        %dma_wait3A_516 = tpu.memref_squeeze %dma_wait3A_515 : memref<1x8x128xf32, #tpu.memory_space<vmem>> -> memref<8x128xf32, #tpu.memory_space<vmem>>
        %dma_wait3A_517 = arith.constant 0 : i32
        %dma_wait3A_518 = arith.constant 0 : i32
        %dma_wait3A_519 = tpu.memref_slice %arg4[%shift_right_arithmetic3A_454, %dma_wait3A_512, %and3A_456, %dma_wait3A_517, %dma_wait3A_518] : memref<20x4x128x8x128xf32, #tpu.memory_space<hbm>> -> memref<1x1x1x8x128xf32, #tpu.memory_space<hbm>>
        %dma_wait3A_520 = tpu.memref_squeeze %dma_wait3A_519 : memref<1x1x1x8x128xf32, #tpu.memory_space<hbm>> -> memref<8x128xf32, #tpu.memory_space<hbm>>
        %dma_wait3A_521 = arith.constant 0 : i32
        %dma_wait3A_522 = arith.constant 0 : i32
        %dma_wait3A_523 = tpu.memref_slice %arg4[%shift_right_arithmetic3A_454, %dma_wait3A_512, %and3A_456, %dma_wait3A_521, %dma_wait3A_522] : memref<20x4x128x8x128xf32, #tpu.memory_space<hbm>> -> memref<1x1x1x8x128xf32, #tpu.memory_space<hbm>>
        %dma_wait3A_524 = tpu.memref_squeeze %dma_wait3A_523 : memref<1x1x1x8x128xf32, #tpu.memory_space<hbm>> -> memref<8x128xf32, #tpu.memory_space<hbm>>
        %dma_wait3A_525 = arith.constant 24 : i32
        %dma_wait3A_526 = arith.constant 0 : i32
        %dma_wait3A_527 = tpu.memref_slice %arg7[%dma_wait3A_511, %dma_wait3A_525, %dma_wait3A_526] : memref<2x32x129xf32, #tpu.memory_space<vmem>> -> memref<1x8x128xf32, #tpu.memory_space<vmem>>
        %dma_wait3A_528 = tpu.memref_squeeze %dma_wait3A_527 : memref<1x8x128xf32, #tpu.memory_space<vmem>> -> memref<8x128xf32, #tpu.memory_space<vmem>>
        tpu.wait_dma2 semaphore(%arg12 : memref<!tpu.dma_semaphore, #tpu.memory_space<semaphore_mem>>) src(%dma_wait3A_528 : memref<8x128xf32, #tpu.memory_space<vmem>>) dst(%dma_wait3A_524 : memref<8x128xf32, #tpu.memory_space<hbm>>)
      } else {
      }
      %parallel_loop3A = arith.constant 0 : i32
      %parallel_loop3A_251 = arith.constant 128 : i32
      %parallel_loop3A_252 = arith.constant 1 : i32
      scf.for %parallel_loop3A_449 = %parallel_loop3A to %parallel_loop3A_251 step %parallel_loop3A_252  : i32 {
        %parallel_loop3A_450 = vector.broadcast %parallel_loop3A_449 : i32 to vector<16xi32>
        %parallel_loop3A_451 = arith.constant 0 : i32
        %parallel_loop3A_452 = arith.index_cast %parallel_loop3A_451 : i32 to index
        %parallel_loop3A_453 = arith.index_cast %parallel_loop3A_449 : i32 to index
        %parallel_loop3A_454 = arith.constant 0 : index
        %parallel_loop3A_455 = tpu.vector_load %arg6[%parallel_loop3A_452, %parallel_loop3A_453, %parallel_loop3A_454] {strides = array<i32>} : memref<2x128x32xf32, #tpu.memory_space<vmem>>, vector<16xf32>,
        %parallel_loop3A_456 = arith.constant 3.000000e+00 : f32
        %parallel_loop3A_457 = vector.broadcast %parallel_loop3A_456 : f32 to vector<16xf32>
        %parallel_loop3A_458 = arith.mulf %parallel_loop3A_455, %parallel_loop3A_457 : vector<16xf32>
        %parallel_loop3A_459 = arith.constant 0 : i32
        %parallel_loop3A_460 = arith.constant 0 : i32
        %parallel_loop3A_461 = arith.constant 0 : i32
        %parallel_loop3A_462 = tpu.memref_slice %arg7[%parallel_loop3A_459, %parallel_loop3A_460, %parallel_loop3A_461] : memref<2x32x129xf32, #tpu.memory_space<vmem>> -> memref<1x32x129xf32, #tpu.memory_space<vmem>>
        %parallel_loop3A_463 = tpu.memref_squeeze %parallel_loop3A_462 : memref<1x32x129xf32, #tpu.memory_space<vmem>> -> memref<32x129xf32, #tpu.memory_space<vmem>>
        tpu.vector_store_idx %parallel_loop3A_463[%add3A_3, %parallel_loop3A_450], %parallel_loop3A_458 : memref<32x129xf32, #tpu.memory_space<vmem>>[vector<16xi32>, vector<16xi32>], vector<16xf32>,
        %parallel_loop3A_464 = arith.constant 0 : i32
        %parallel_loop3A_465 = arith.index_cast %parallel_loop3A_464 : i32 to index
        %parallel_loop3A_466 = arith.index_cast %parallel_loop3A_449 : i32 to index
        %parallel_loop3A_467 = arith.constant 16 : index
        %parallel_loop3A_468 = tpu.vector_load %arg6[%parallel_loop3A_465, %parallel_loop3A_466, %parallel_loop3A_467] {strides = array<i32>} : memref<2x128x32xf32, #tpu.memory_space<vmem>>, vector<16xf32>,
        %parallel_loop3A_469 = arith.constant 3.000000e+00 : f32
        %parallel_loop3A_470 = vector.broadcast %parallel_loop3A_469 : f32 to vector<16xf32>
        %parallel_loop3A_471 = arith.mulf %parallel_loop3A_468, %parallel_loop3A_470 : vector<16xf32>
        %parallel_loop3A_472 = arith.constant 0 : i32
        %parallel_loop3A_473 = arith.constant 0 : i32
        %parallel_loop3A_474 = arith.constant 0 : i32
        %parallel_loop3A_475 = tpu.memref_slice %arg7[%parallel_loop3A_472, %parallel_loop3A_473, %parallel_loop3A_474] : memref<2x32x129xf32, #tpu.memory_space<vmem>> -> memref<1x32x129xf32, #tpu.memory_space<vmem>>
        %parallel_loop3A_476 = tpu.memref_squeeze %parallel_loop3A_475 : memref<1x32x129xf32, #tpu.memory_space<vmem>> -> memref<32x129xf32, #tpu.memory_space<vmem>>
        tpu.vector_store_idx %parallel_loop3A_476[%add3A_6, %parallel_loop3A_450], %parallel_loop3A_471 : memref<32x129xf32, #tpu.memory_space<vmem>>[vector<16xi32>, vector<16xi32>], vector<16xf32>,
      } {sc.loop_unroll_factor = 8 : i64, sc.parallel_access}
      %mul3A_253 = arith.constant 80 : i32
      %mul3A_254 = arith.muli %add3A, %mul3A_253 : i32
      %add3A_255 = arith.addi %mul3A_254, %add3A_223 : i32
      %shift_right_arithmetic3A_256 = arith.constant 7 : i32
      %shift_right_arithmetic3A_257 = arith.shrsi %add3A_255, %shift_right_arithmetic3A_256 : i32
      %and3A_258 = arith.constant 127 : i32
      %and3A_259 = arith.andi %add3A_255, %and3A_258 : i32
      %dma_start3A_260 = arith.constant 0 : i32
      %dma_start3A_261 = arith.constant 0 : i32
      %dma_start3A_262 = arith.constant 0 : i32
      %dma_start3A_263 = arith.constant 0 : i32
      %dma_start3A_264 = tpu.memref_slice %arg7[%dma_start3A_260, %dma_start3A_262, %dma_start3A_263] : memref<2x32x129xf32, #tpu.memory_space<vmem>> -> memref<1x8x128xf32, #tpu.memory_space<vmem>>
      %dma_start3A_265 = tpu.memref_squeeze %dma_start3A_264 : memref<1x8x128xf32, #tpu.memory_space<vmem>> -> memref<8x128xf32, #tpu.memory_space<vmem>>
      %dma_start3A_266 = arith.constant 0 : i32
      %dma_start3A_267 = arith.constant 0 : i32
      %dma_start3A_268 = tpu.memref_slice %arg4[%shift_right_arithmetic3A_257, %dma_start3A_261, %and3A_259, %dma_start3A_266, %dma_start3A_267] : memref<20x4x128x8x128xf32, #tpu.memory_space<hbm>> -> memref<1x1x1x8x128xf32, #tpu.memory_space<hbm>>
      %dma_start3A_269 = tpu.memref_squeeze %dma_start3A_268 : memref<1x1x1x8x128xf32, #tpu.memory_space<hbm>> -> memref<8x128xf32, #tpu.memory_space<hbm>>
      %dma_start3A_270 = arith.constant 0 : i32
      %dma_start3A_271 = arith.constant 0 : i32
      %dma_start3A_272 = tpu.memref_slice %arg4[%shift_right_arithmetic3A_257, %dma_start3A_261, %and3A_259, %dma_start3A_270, %dma_start3A_271] : memref<20x4x128x8x128xf32, #tpu.memory_space<hbm>> -> memref<1x1x1x8x128xf32, #tpu.memory_space<hbm>>
      %dma_start3A_273 = tpu.memref_squeeze %dma_start3A_272 : memref<1x1x1x8x128xf32, #tpu.memory_space<hbm>> -> memref<8x128xf32, #tpu.memory_space<hbm>>
      %dma_start3A_274 = arith.constant 0 : i32
      %dma_start3A_275 = arith.constant 0 : i32
      %dma_start3A_276 = tpu.memref_slice %arg7[%dma_start3A_260, %dma_start3A_274, %dma_start3A_275] : memref<2x32x129xf32, #tpu.memory_space<vmem>> -> memref<1x8x128xf32, #tpu.memory_space<vmem>>
      %dma_start3A_277 = tpu.memref_squeeze %dma_start3A_276 : memref<1x8x128xf32, #tpu.memory_space<vmem>> -> memref<8x128xf32, #tpu.memory_space<vmem>>
      tpu.enqueue_dma source(%dma_start3A_277 : memref<8x128xf32, #tpu.memory_space<vmem>>) target(%dma_start3A_273 : memref<8x128xf32, #tpu.memory_space<hbm>>) target_semaphore(%arg12 : memref<!tpu.dma_semaphore, #tpu.memory_space<semaphore_mem>>)
      %dma_start3A_278 = arith.constant 0 : i32
      %dma_start3A_279 = arith.constant 1 : i32
      %dma_start3A_280 = arith.constant 8 : i32
      %dma_start3A_281 = arith.constant 0 : i32
      %dma_start3A_282 = tpu.memref_slice %arg7[%dma_start3A_278, %dma_start3A_280, %dma_start3A_281] : memref<2x32x129xf32, #tpu.memory_space<vmem>> -> memref<1x8x128xf32, #tpu.memory_space<vmem>>
      %dma_start3A_283 = tpu.memref_squeeze %dma_start3A_282 : memref<1x8x128xf32, #tpu.memory_space<vmem>> -> memref<8x128xf32, #tpu.memory_space<vmem>>
      %dma_start3A_284 = arith.constant 0 : i32
      %dma_start3A_285 = arith.constant 0 : i32
      %dma_start3A_286 = tpu.memref_slice %arg4[%shift_right_arithmetic3A_257, %dma_start3A_279, %and3A_259, %dma_start3A_284, %dma_start3A_285] : memref<20x4x128x8x128xf32, #tpu.memory_space<hbm>> -> memref<1x1x1x8x128xf32, #tpu.memory_space<hbm>>
      %dma_start3A_287 = tpu.memref_squeeze %dma_start3A_286 : memref<1x1x1x8x128xf32, #tpu.memory_space<hbm>> -> memref<8x128xf32, #tpu.memory_space<hbm>>
      %dma_start3A_288 = arith.constant 0 : i32
      %dma_start3A_289 = arith.constant 0 : i32
      %dma_start3A_290 = tpu.memref_slice %arg4[%shift_right_arithmetic3A_257, %dma_start3A_279, %and3A_259, %dma_start3A_288, %dma_start3A_289] : memref<20x4x128x8x128xf32, #tpu.memory_space<hbm>> -> memref<1x1x1x8x128xf32, #tpu.memory_space<hbm>>
      %dma_start3A_291 = tpu.memref_squeeze %dma_start3A_290 : memref<1x1x1x8x128xf32, #tpu.memory_space<hbm>> -> memref<8x128xf32, #tpu.memory_space<hbm>>
      %dma_start3A_292 = arith.constant 8 : i32
      %dma_start3A_293 = arith.constant 0 : i32
      %dma_start3A_294 = tpu.memref_slice %arg7[%dma_start3A_278, %dma_start3A_292, %dma_start3A_293] : memref<2x32x129xf32, #tpu.memory_space<vmem>> -> memref<1x8x128xf32, #tpu.memory_space<vmem>>
      %dma_start3A_295 = tpu.memref_squeeze %dma_start3A_294 : memref<1x8x128xf32, #tpu.memory_space<vmem>> -> memref<8x128xf32, #tpu.memory_space<vmem>>
      tpu.enqueue_dma source(%dma_start3A_295 : memref<8x128xf32, #tpu.memory_space<vmem>>) target(%dma_start3A_291 : memref<8x128xf32, #tpu.memory_space<hbm>>) target_semaphore(%arg12 : memref<!tpu.dma_semaphore, #tpu.memory_space<semaphore_mem>>)
      %dma_start3A_296 = arith.constant 0 : i32
      %dma_start3A_297 = arith.constant 2 : i32
      %dma_start3A_298 = arith.constant 16 : i32
      %dma_start3A_299 = arith.constant 0 : i32
      %dma_start3A_300 = tpu.memref_slice %arg7[%dma_start3A_296, %dma_start3A_298, %dma_start3A_299] : memref<2x32x129xf32, #tpu.memory_space<vmem>> -> memref<1x8x128xf32, #tpu.memory_space<vmem>>
      %dma_start3A_301 = tpu.memref_squeeze %dma_start3A_300 : memref<1x8x128xf32, #tpu.memory_space<vmem>> -> memref<8x128xf32, #tpu.memory_space<vmem>>
      %dma_start3A_302 = arith.constant 0 : i32
      %dma_start3A_303 = arith.constant 0 : i32
      %dma_start3A_304 = tpu.memref_slice %arg4[%shift_right_arithmetic3A_257, %dma_start3A_297, %and3A_259, %dma_start3A_302, %dma_start3A_303] : memref<20x4x128x8x128xf32, #tpu.memory_space<hbm>> -> memref<1x1x1x8x128xf32, #tpu.memory_space<hbm>>
      %dma_start3A_305 = tpu.memref_squeeze %dma_start3A_304 : memref<1x1x1x8x128xf32, #tpu.memory_space<hbm>> -> memref<8x128xf32, #tpu.memory_space<hbm>>
      %dma_start3A_306 = arith.constant 0 : i32
      %dma_start3A_307 = arith.constant 0 : i32
      %dma_start3A_308 = tpu.memref_slice %arg4[%shift_right_arithmetic3A_257, %dma_start3A_297, %and3A_259, %dma_start3A_306, %dma_start3A_307] : memref<20x4x128x8x128xf32, #tpu.memory_space<hbm>> -> memref<1x1x1x8x128xf32, #tpu.memory_space<hbm>>
      %dma_start3A_309 = tpu.memref_squeeze %dma_start3A_308 : memref<1x1x1x8x128xf32, #tpu.memory_space<hbm>> -> memref<8x128xf32, #tpu.memory_space<hbm>>
      %dma_start3A_310 = arith.constant 16 : i32
      %dma_start3A_311 = arith.constant 0 : i32
      %dma_start3A_312 = tpu.memref_slice %arg7[%dma_start3A_296, %dma_start3A_310, %dma_start3A_311] : memref<2x32x129xf32, #tpu.memory_space<vmem>> -> memref<1x8x128xf32, #tpu.memory_space<vmem>>
      %dma_start3A_313 = tpu.memref_squeeze %dma_start3A_312 : memref<1x8x128xf32, #tpu.memory_space<vmem>> -> memref<8x128xf32, #tpu.memory_space<vmem>>
      tpu.enqueue_dma source(%dma_start3A_313 : memref<8x128xf32, #tpu.memory_space<vmem>>) target(%dma_start3A_309 : memref<8x128xf32, #tpu.memory_space<hbm>>) target_semaphore(%arg12 : memref<!tpu.dma_semaphore, #tpu.memory_space<semaphore_mem>>)
      %dma_start3A_314 = arith.constant 0 : i32
      %dma_start3A_315 = arith.constant 3 : i32
      %dma_start3A_316 = arith.constant 24 : i32
      %dma_start3A_317 = arith.constant 0 : i32
      %dma_start3A_318 = tpu.memref_slice %arg7[%dma_start3A_314, %dma_start3A_316, %dma_start3A_317] : memref<2x32x129xf32, #tpu.memory_space<vmem>> -> memref<1x8x128xf32, #tpu.memory_space<vmem>>
      %dma_start3A_319 = tpu.memref_squeeze %dma_start3A_318 : memref<1x8x128xf32, #tpu.memory_space<vmem>> -> memref<8x128xf32, #tpu.memory_space<vmem>>
      %dma_start3A_320 = arith.constant 0 : i32
      %dma_start3A_321 = arith.constant 0 : i32
      %dma_start3A_322 = tpu.memref_slice %arg4[%shift_right_arithmetic3A_257, %dma_start3A_315, %and3A_259, %dma_start3A_320, %dma_start3A_321] : memref<20x4x128x8x128xf32, #tpu.memory_space<hbm>> -> memref<1x1x1x8x128xf32, #tpu.memory_space<hbm>>
      %dma_start3A_323 = tpu.memref_squeeze %dma_start3A_322 : memref<1x1x1x8x128xf32, #tpu.memory_space<hbm>> -> memref<8x128xf32, #tpu.memory_space<hbm>>
      %dma_start3A_324 = arith.constant 0 : i32
      %dma_start3A_325 = arith.constant 0 : i32
      %dma_start3A_326 = tpu.memref_slice %arg4[%shift_right_arithmetic3A_257, %dma_start3A_315, %and3A_259, %dma_start3A_324, %dma_start3A_325] : memref<20x4x128x8x128xf32, #tpu.memory_space<hbm>> -> memref<1x1x1x8x128xf32, #tpu.memory_space<hbm>>
      %dma_start3A_327 = tpu.memref_squeeze %dma_start3A_326 : memref<1x1x1x8x128xf32, #tpu.memory_space<hbm>> -> memref<8x128xf32, #tpu.memory_space<hbm>>
      %dma_start3A_328 = arith.constant 24 : i32
      %dma_start3A_329 = arith.constant 0 : i32
      %dma_start3A_330 = tpu.memref_slice %arg7[%dma_start3A_314, %dma_start3A_328, %dma_start3A_329] : memref<2x32x129xf32, #tpu.memory_space<vmem>> -> memref<1x8x128xf32, #tpu.memory_space<vmem>>
      %dma_start3A_331 = tpu.memref_squeeze %dma_start3A_330 : memref<1x8x128xf32, #tpu.memory_space<vmem>> -> memref<8x128xf32, #tpu.memory_space<vmem>>
      tpu.enqueue_dma source(%dma_start3A_331 : memref<8x128xf32, #tpu.memory_space<vmem>>) target(%dma_start3A_327 : memref<8x128xf32, #tpu.memory_space<hbm>>) target_semaphore(%arg12 : memref<!tpu.dma_semaphore, #tpu.memory_space<semaphore_mem>>)
      %mul3A_332 = arith.constant 2 : i32
      %mul3A_333 = arith.muli %mul3A_332, %scan3A_219 : i32
      %add3A_334 = arith.constant 1 : i32
      %add3A_335 = arith.addi %mul3A_333, %add3A_334 : i32
      %dma_wait3A_336 = arith.constant 1 : i32
      %dma_wait3A_337 = arith.constant 1 : i32
      %dma_wait3A_338 = arith.constant 0 : i32
      %dma_wait3A_339 = arith.constant 0 : i32
      %dma_wait3A_340 = tpu.memref_slice %arg6[%dma_wait3A_337, %dma_wait3A_338, %dma_wait3A_339] : memref<2x128x32xf32, #tpu.memory_space<vmem>> -> memref<1x128x32xf32, #tpu.memory_space<vmem>>
      %dma_wait3A_341 = tpu.memref_squeeze %dma_wait3A_340 : memref<1x128x32xf32, #tpu.memory_space<vmem>> -> memref<128x32xf32, #tpu.memory_space<vmem>>
      %dma_wait3A_342 = arith.constant 0 : i32
      %dma_wait3A_343 = tpu.memref_slice %arg5[%dma_wait3A_336, %dma_wait3A_342] : memref<2x128xi32, #tpu.memory_space<vmem>> -> memref<1x128xi32, #tpu.memory_space<vmem>>
      %dma_wait3A_344 = tpu.memref_squeeze %dma_wait3A_343 : memref<1x128xi32, #tpu.memory_space<vmem>> -> memref<128xi32, #tpu.memory_space<vmem>>
      %dma_wait3A_345 = arith.constant 0 : i32
      %dma_wait3A_346 = arith.constant 0 : i32
      %dma_wait3A_347 = tpu.memref_slice %arg2[%dma_wait3A_345, %dma_wait3A_346] : memref<1000064x32xf32, #tpu.memory_space<hbm>> -> memref<1000064x32xf32, #tpu.memory_space<hbm>>
      tpu.wait_indirect_dma semaphore(%arg11 : memref<!tpu.dma_semaphore, #tpu.memory_space<semaphore_mem>>) src(%dma_wait3A_347 : memref<1000064x32xf32, #tpu.memory_space<hbm>>) dst(%dma_wait3A_341 : memref<128x32xf32, #tpu.memory_space<vmem>>)
      %add3A_348 = arith.constant 2 : i32
      %add3A_349 = arith.addi %add3A_335, %add3A_348 : i32
      %lt3A_350 = arith.constant 80 : i32
      %lt3A_351 = arith.cmpi slt, %add3A_349, %lt3A_350 : i32
      %convert_element_type3A_352 = arith.extui %lt3A_351 : i1 to i32
      %cond3A_353 = arith.constant 0 : i32
      %cond3A_354 = arith.cmpi ne, %convert_element_type3A_352, %cond3A_353 : i32
      scf.if %cond3A_354 {
        %add3A_449 = arith.constant 2 : i32
        %add3A_450 = arith.addi %add3A_335, %add3A_449 : i32
        %mul3A_451 = arith.constant 80 : i32
        %mul3A_452 = arith.muli %add3A, %mul3A_451 : i32
        %add3A_453 = arith.addi %mul3A_452, %add3A_450 : i32
        %shift_right_arithmetic3A_454 = arith.constant 7 : i32
        %shift_right_arithmetic3A_455 = arith.shrsi %add3A_453, %shift_right_arithmetic3A_454 : i32
        %and3A_456 = arith.constant 127 : i32
        %and3A_457 = arith.andi %add3A_453, %and3A_456 : i32
        %mul3A_458 = arith.constant 128 : i32
        %mul3A_459 = arith.muli %and3A_457, %mul3A_458 : i32
        %dma_start3A_460 = arith.constant 1 : i32
        %dma_start3A_461 = arith.constant 0 : i32
        %dma_start3A_462 = tpu.memref_slice %arg5[%dma_start3A_460, %dma_start3A_461] : memref<2x128xi32, #tpu.memory_space<vmem>> -> memref<1x128xi32, #tpu.memory_space<vmem>>
        %dma_start3A_463 = tpu.memref_squeeze %dma_start3A_462 : memref<1x128xi32, #tpu.memory_space<vmem>> -> memref<128xi32, #tpu.memory_space<vmem>>
        %dma_start3A_464 = tpu.memref_slice %arg3[%shift_right_arithmetic3A_455, %mul3A_459] : memref<20x16384xi32, #tpu.memory_space<hbm>> -> memref<1x128xi32, #tpu.memory_space<hbm>>
        %dma_start3A_465 = tpu.memref_squeeze %dma_start3A_464 : memref<1x128xi32, #tpu.memory_space<hbm>> -> memref<128xi32, #tpu.memory_space<hbm>>
        %dma_start3A_466 = arith.constant 0 : i32
        %dma_start3A_467 = tpu.memref_slice %arg5[%dma_start3A_460, %dma_start3A_466] : memref<2x128xi32, #tpu.memory_space<vmem>> -> memref<1x128xi32, #tpu.memory_space<vmem>>
        %dma_start3A_468 = tpu.memref_squeeze %dma_start3A_467 : memref<1x128xi32, #tpu.memory_space<vmem>> -> memref<128xi32, #tpu.memory_space<vmem>>
        %dma_start3A_469 = tpu.memref_slice %arg3[%shift_right_arithmetic3A_455, %mul3A_459] : memref<20x16384xi32, #tpu.memory_space<hbm>> -> memref<1x128xi32, #tpu.memory_space<hbm>>
        %dma_start3A_470 = tpu.memref_squeeze %dma_start3A_469 : memref<1x128xi32, #tpu.memory_space<hbm>> -> memref<128xi32, #tpu.memory_space<hbm>>
        tpu.enqueue_dma source(%dma_start3A_470 : memref<128xi32, #tpu.memory_space<hbm>>) target(%dma_start3A_468 : memref<128xi32, #tpu.memory_space<vmem>>) target_semaphore(%arg9 : memref<!tpu.dma_semaphore, #tpu.memory_space<semaphore_mem>>)
      } else {
      }
      %add3A_355 = arith.constant 1 : i32
      %add3A_356 = arith.addi %add3A_335, %add3A_355 : i32
      %lt3A_357 = arith.constant 80 : i32
      %lt3A_358 = arith.cmpi slt, %add3A_356, %lt3A_357 : i32
      %convert_element_type3A_359 = arith.extui %lt3A_358 : i1 to i32
      %cond3A_360 = arith.constant 0 : i32
      %cond3A_361 = arith.cmpi ne, %convert_element_type3A_359, %cond3A_360 : i32
      scf.if %cond3A_361 {
        %add3A_449 = arith.constant 1 : i32
        %add3A_450 = arith.addi %add3A_335, %add3A_449 : i32
        %mul3A_451 = arith.constant 80 : i32
        %mul3A_452 = arith.muli %add3A, %mul3A_451 : i32
        %add3A_453 = arith.addi %mul3A_452, %add3A_450 : i32
        %shift_right_arithmetic3A_454 = arith.constant 7 : i32
        %shift_right_arithmetic3A_455 = arith.shrsi %add3A_453, %shift_right_arithmetic3A_454 : i32
        %and3A_456 = arith.constant 127 : i32
        %and3A_457 = arith.andi %add3A_453, %and3A_456 : i32
        %mul3A_458 = arith.constant 128 : i32
        %mul3A_459 = arith.muli %and3A_457, %mul3A_458 : i32
        %dma_wait3A_460 = arith.constant 0 : i32
        %dma_wait3A_461 = arith.constant 0 : i32
        %dma_wait3A_462 = tpu.memref_slice %arg5[%dma_wait3A_460, %dma_wait3A_461] : memref<2x128xi32, #tpu.memory_space<vmem>> -> memref<1x128xi32, #tpu.memory_space<vmem>>
        %dma_wait3A_463 = tpu.memref_squeeze %dma_wait3A_462 : memref<1x128xi32, #tpu.memory_space<vmem>> -> memref<128xi32, #tpu.memory_space<vmem>>
        %dma_wait3A_464 = tpu.memref_slice %arg3[%shift_right_arithmetic3A_455, %mul3A_459] : memref<20x16384xi32, #tpu.memory_space<hbm>> -> memref<1x128xi32, #tpu.memory_space<hbm>>
        %dma_wait3A_465 = tpu.memref_squeeze %dma_wait3A_464 : memref<1x128xi32, #tpu.memory_space<hbm>> -> memref<128xi32, #tpu.memory_space<hbm>>
        %dma_wait3A_466 = arith.constant 0 : i32
        %dma_wait3A_467 = tpu.memref_slice %arg5[%dma_wait3A_460, %dma_wait3A_466] : memref<2x128xi32, #tpu.memory_space<vmem>> -> memref<1x128xi32, #tpu.memory_space<vmem>>
        %dma_wait3A_468 = tpu.memref_squeeze %dma_wait3A_467 : memref<1x128xi32, #tpu.memory_space<vmem>> -> memref<128xi32, #tpu.memory_space<vmem>>
        %dma_wait3A_469 = tpu.memref_slice %arg3[%shift_right_arithmetic3A_455, %mul3A_459] : memref<20x16384xi32, #tpu.memory_space<hbm>> -> memref<1x128xi32, #tpu.memory_space<hbm>>
        %dma_wait3A_470 = tpu.memref_squeeze %dma_wait3A_469 : memref<1x128xi32, #tpu.memory_space<hbm>> -> memref<128xi32, #tpu.memory_space<hbm>>
        tpu.wait_dma2 semaphore(%arg8 : memref<!tpu.dma_semaphore, #tpu.memory_space<semaphore_mem>>) src(%dma_wait3A_470 : memref<128xi32, #tpu.memory_space<hbm>>) dst(%dma_wait3A_468 : memref<128xi32, #tpu.memory_space<vmem>>)
        %dma_start3A_471 = arith.constant 0 : i32
        %dma_start3A_472 = arith.constant 0 : i32
        %dma_start3A_473 = arith.constant 0 : i32
        %dma_start3A_474 = arith.constant 0 : i32
        %dma_start3A_475 = tpu.memref_slice %arg6[%dma_start3A_472, %dma_start3A_473, %dma_start3A_474] : memref<2x128x32xf32, #tpu.memory_space<vmem>> -> memref<1x128x32xf32, #tpu.memory_space<vmem>>
        %dma_start3A_476 = tpu.memref_squeeze %dma_start3A_475 : memref<1x128x32xf32, #tpu.memory_space<vmem>> -> memref<128x32xf32, #tpu.memory_space<vmem>>
        %dma_start3A_477 = arith.constant 0 : i32
        %dma_start3A_478 = tpu.memref_slice %arg5[%dma_start3A_471, %dma_start3A_477] : memref<2x128xi32, #tpu.memory_space<vmem>> -> memref<1x128xi32, #tpu.memory_space<vmem>>
        %dma_start3A_479 = tpu.memref_squeeze %dma_start3A_478 : memref<1x128xi32, #tpu.memory_space<vmem>> -> memref<128xi32, #tpu.memory_space<vmem>>
        %dma_start3A_480 = arith.constant 0 : i32
        %dma_start3A_481 = arith.constant 0 : i32
        %dma_start3A_482 = tpu.memref_slice %arg2[%dma_start3A_480, %dma_start3A_481] : memref<1000064x32xf32, #tpu.memory_space<hbm>> -> memref<1000064x32xf32, #tpu.memory_space<hbm>>
        tpu.enqueue_indirect_dma source(%dma_start3A_482 : memref<1000064x32xf32, #tpu.memory_space<hbm>>) target(%dma_start3A_476 : memref<128x32xf32, #tpu.memory_space<vmem>>) offsets(%dma_start3A_479 : memref<128xi32, #tpu.memory_space<vmem>>) semaphore(%arg10 : memref<!tpu.dma_semaphore, #tpu.memory_space<semaphore_mem>>)
      } else {
      }
      %ge3A_362 = arith.constant 2 : i32
      %ge3A_363 = arith.cmpi sge, %add3A_335, %ge3A_362 : i32
      %convert_element_type3A_364 = arith.extui %ge3A_363 : i1 to i32
      %cond3A_365 = arith.constant 0 : i32
      %cond3A_366 = arith.cmpi ne, %convert_element_type3A_364, %cond3A_365 : i32
      scf.if %cond3A_366 {
        %sub3A = arith.constant 2 : i32
        %sub3A_449 = arith.subi %add3A_335, %sub3A : i32
        %mul3A_450 = arith.constant 80 : i32
        %mul3A_451 = arith.muli %add3A, %mul3A_450 : i32
        %add3A_452 = arith.addi %mul3A_451, %sub3A_449 : i32
        %shift_right_arithmetic3A_453 = arith.constant 7 : i32
        %shift_right_arithmetic3A_454 = arith.shrsi %add3A_452, %shift_right_arithmetic3A_453 : i32
        %and3A_455 = arith.constant 127 : i32
        %and3A_456 = arith.andi %add3A_452, %and3A_455 : i32
        %dma_wait3A_457 = arith.constant 1 : i32
        %dma_wait3A_458 = arith.constant 0 : i32
        %dma_wait3A_459 = arith.constant 0 : i32
        %dma_wait3A_460 = arith.constant 0 : i32
        %dma_wait3A_461 = tpu.memref_slice %arg7[%dma_wait3A_457, %dma_wait3A_459, %dma_wait3A_460] : memref<2x32x129xf32, #tpu.memory_space<vmem>> -> memref<1x8x128xf32, #tpu.memory_space<vmem>>
        %dma_wait3A_462 = tpu.memref_squeeze %dma_wait3A_461 : memref<1x8x128xf32, #tpu.memory_space<vmem>> -> memref<8x128xf32, #tpu.memory_space<vmem>>
        %dma_wait3A_463 = arith.constant 0 : i32
        %dma_wait3A_464 = arith.constant 0 : i32
        %dma_wait3A_465 = tpu.memref_slice %arg4[%shift_right_arithmetic3A_454, %dma_wait3A_458, %and3A_456, %dma_wait3A_463, %dma_wait3A_464] : memref<20x4x128x8x128xf32, #tpu.memory_space<hbm>> -> memref<1x1x1x8x128xf32, #tpu.memory_space<hbm>>
        %dma_wait3A_466 = tpu.memref_squeeze %dma_wait3A_465 : memref<1x1x1x8x128xf32, #tpu.memory_space<hbm>> -> memref<8x128xf32, #tpu.memory_space<hbm>>
        %dma_wait3A_467 = arith.constant 0 : i32
        %dma_wait3A_468 = arith.constant 0 : i32
        %dma_wait3A_469 = tpu.memref_slice %arg4[%shift_right_arithmetic3A_454, %dma_wait3A_458, %and3A_456, %dma_wait3A_467, %dma_wait3A_468] : memref<20x4x128x8x128xf32, #tpu.memory_space<hbm>> -> memref<1x1x1x8x128xf32, #tpu.memory_space<hbm>>
        %dma_wait3A_470 = tpu.memref_squeeze %dma_wait3A_469 : memref<1x1x1x8x128xf32, #tpu.memory_space<hbm>> -> memref<8x128xf32, #tpu.memory_space<hbm>>
        %dma_wait3A_471 = arith.constant 0 : i32
        %dma_wait3A_472 = arith.constant 0 : i32
        %dma_wait3A_473 = tpu.memref_slice %arg7[%dma_wait3A_457, %dma_wait3A_471, %dma_wait3A_472] : memref<2x32x129xf32, #tpu.memory_space<vmem>> -> memref<1x8x128xf32, #tpu.memory_space<vmem>>
        %dma_wait3A_474 = tpu.memref_squeeze %dma_wait3A_473 : memref<1x8x128xf32, #tpu.memory_space<vmem>> -> memref<8x128xf32, #tpu.memory_space<vmem>>
        tpu.wait_dma2 semaphore(%arg13 : memref<!tpu.dma_semaphore, #tpu.memory_space<semaphore_mem>>) src(%dma_wait3A_474 : memref<8x128xf32, #tpu.memory_space<vmem>>) dst(%dma_wait3A_470 : memref<8x128xf32, #tpu.memory_space<hbm>>)
        %dma_wait3A_475 = arith.constant 1 : i32
        %dma_wait3A_476 = arith.constant 1 : i32
        %dma_wait3A_477 = arith.constant 8 : i32
        %dma_wait3A_478 = arith.constant 0 : i32
        %dma_wait3A_479 = tpu.memref_slice %arg7[%dma_wait3A_475, %dma_wait3A_477, %dma_wait3A_478] : memref<2x32x129xf32, #tpu.memory_space<vmem>> -> memref<1x8x128xf32, #tpu.memory_space<vmem>>
        %dma_wait3A_480 = tpu.memref_squeeze %dma_wait3A_479 : memref<1x8x128xf32, #tpu.memory_space<vmem>> -> memref<8x128xf32, #tpu.memory_space<vmem>>
        %dma_wait3A_481 = arith.constant 0 : i32
        %dma_wait3A_482 = arith.constant 0 : i32
        %dma_wait3A_483 = tpu.memref_slice %arg4[%shift_right_arithmetic3A_454, %dma_wait3A_476, %and3A_456, %dma_wait3A_481, %dma_wait3A_482] : memref<20x4x128x8x128xf32, #tpu.memory_space<hbm>> -> memref<1x1x1x8x128xf32, #tpu.memory_space<hbm>>
        %dma_wait3A_484 = tpu.memref_squeeze %dma_wait3A_483 : memref<1x1x1x8x128xf32, #tpu.memory_space<hbm>> -> memref<8x128xf32, #tpu.memory_space<hbm>>
        %dma_wait3A_485 = arith.constant 0 : i32
        %dma_wait3A_486 = arith.constant 0 : i32
        %dma_wait3A_487 = tpu.memref_slice %arg4[%shift_right_arithmetic3A_454, %dma_wait3A_476, %and3A_456, %dma_wait3A_485, %dma_wait3A_486] : memref<20x4x128x8x128xf32, #tpu.memory_space<hbm>> -> memref<1x1x1x8x128xf32, #tpu.memory_space<hbm>>
        %dma_wait3A_488 = tpu.memref_squeeze %dma_wait3A_487 : memref<1x1x1x8x128xf32, #tpu.memory_space<hbm>> -> memref<8x128xf32, #tpu.memory_space<hbm>>
        %dma_wait3A_489 = arith.constant 8 : i32
        %dma_wait3A_490 = arith.constant 0 : i32
        %dma_wait3A_491 = tpu.memref_slice %arg7[%dma_wait3A_475, %dma_wait3A_489, %dma_wait3A_490] : memref<2x32x129xf32, #tpu.memory_space<vmem>> -> memref<1x8x128xf32, #tpu.memory_space<vmem>>
        %dma_wait3A_492 = tpu.memref_squeeze %dma_wait3A_491 : memref<1x8x128xf32, #tpu.memory_space<vmem>> -> memref<8x128xf32, #tpu.memory_space<vmem>>
        tpu.wait_dma2 semaphore(%arg13 : memref<!tpu.dma_semaphore, #tpu.memory_space<semaphore_mem>>) src(%dma_wait3A_492 : memref<8x128xf32, #tpu.memory_space<vmem>>) dst(%dma_wait3A_488 : memref<8x128xf32, #tpu.memory_space<hbm>>)
        %dma_wait3A_493 = arith.constant 1 : i32
        %dma_wait3A_494 = arith.constant 2 : i32
        %dma_wait3A_495 = arith.constant 16 : i32
        %dma_wait3A_496 = arith.constant 0 : i32
        %dma_wait3A_497 = tpu.memref_slice %arg7[%dma_wait3A_493, %dma_wait3A_495, %dma_wait3A_496] : memref<2x32x129xf32, #tpu.memory_space<vmem>> -> memref<1x8x128xf32, #tpu.memory_space<vmem>>
        %dma_wait3A_498 = tpu.memref_squeeze %dma_wait3A_497 : memref<1x8x128xf32, #tpu.memory_space<vmem>> -> memref<8x128xf32, #tpu.memory_space<vmem>>
        %dma_wait3A_499 = arith.constant 0 : i32
        %dma_wait3A_500 = arith.constant 0 : i32
        %dma_wait3A_501 = tpu.memref_slice %arg4[%shift_right_arithmetic3A_454, %dma_wait3A_494, %and3A_456, %dma_wait3A_499, %dma_wait3A_500] : memref<20x4x128x8x128xf32, #tpu.memory_space<hbm>> -> memref<1x1x1x8x128xf32, #tpu.memory_space<hbm>>
        %dma_wait3A_502 = tpu.memref_squeeze %dma_wait3A_501 : memref<1x1x1x8x128xf32, #tpu.memory_space<hbm>> -> memref<8x128xf32, #tpu.memory_space<hbm>>
        %dma_wait3A_503 = arith.constant 0 : i32
        %dma_wait3A_504 = arith.constant 0 : i32
        %dma_wait3A_505 = tpu.memref_slice %arg4[%shift_right_arithmetic3A_454, %dma_wait3A_494, %and3A_456, %dma_wait3A_503, %dma_wait3A_504] : memref<20x4x128x8x128xf32, #tpu.memory_space<hbm>> -> memref<1x1x1x8x128xf32, #tpu.memory_space<hbm>>
        %dma_wait3A_506 = tpu.memref_squeeze %dma_wait3A_505 : memref<1x1x1x8x128xf32, #tpu.memory_space<hbm>> -> memref<8x128xf32, #tpu.memory_space<hbm>>
        %dma_wait3A_507 = arith.constant 16 : i32
        %dma_wait3A_508 = arith.constant 0 : i32
        %dma_wait3A_509 = tpu.memref_slice %arg7[%dma_wait3A_493, %dma_wait3A_507, %dma_wait3A_508] : memref<2x32x129xf32, #tpu.memory_space<vmem>> -> memref<1x8x128xf32, #tpu.memory_space<vmem>>
        %dma_wait3A_510 = tpu.memref_squeeze %dma_wait3A_509 : memref<1x8x128xf32, #tpu.memory_space<vmem>> -> memref<8x128xf32, #tpu.memory_space<vmem>>
        tpu.wait_dma2 semaphore(%arg13 : memref<!tpu.dma_semaphore, #tpu.memory_space<semaphore_mem>>) src(%dma_wait3A_510 : memref<8x128xf32, #tpu.memory_space<vmem>>) dst(%dma_wait3A_506 : memref<8x128xf32, #tpu.memory_space<hbm>>)
        %dma_wait3A_511 = arith.constant 1 : i32
        %dma_wait3A_512 = arith.constant 3 : i32
        %dma_wait3A_513 = arith.constant 24 : i32
        %dma_wait3A_514 = arith.constant 0 : i32
        %dma_wait3A_515 = tpu.memref_slice %arg7[%dma_wait3A_511, %dma_wait3A_513, %dma_wait3A_514] : memref<2x32x129xf32, #tpu.memory_space<vmem>> -> memref<1x8x128xf32, #tpu.memory_space<vmem>>
        %dma_wait3A_516 = tpu.memref_squeeze %dma_wait3A_515 : memref<1x8x128xf32, #tpu.memory_space<vmem>> -> memref<8x128xf32, #tpu.memory_space<vmem>>
        %dma_wait3A_517 = arith.constant 0 : i32
        %dma_wait3A_518 = arith.constant 0 : i32
        %dma_wait3A_519 = tpu.memref_slice %arg4[%shift_right_arithmetic3A_454, %dma_wait3A_512, %and3A_456, %dma_wait3A_517, %dma_wait3A_518] : memref<20x4x128x8x128xf32, #tpu.memory_space<hbm>> -> memref<1x1x1x8x128xf32, #tpu.memory_space<hbm>>
        %dma_wait3A_520 = tpu.memref_squeeze %dma_wait3A_519 : memref<1x1x1x8x128xf32, #tpu.memory_space<hbm>> -> memref<8x128xf32, #tpu.memory_space<hbm>>
        %dma_wait3A_521 = arith.constant 0 : i32
        %dma_wait3A_522 = arith.constant 0 : i32
        %dma_wait3A_523 = tpu.memref_slice %arg4[%shift_right_arithmetic3A_454, %dma_wait3A_512, %and3A_456, %dma_wait3A_521, %dma_wait3A_522] : memref<20x4x128x8x128xf32, #tpu.memory_space<hbm>> -> memref<1x1x1x8x128xf32, #tpu.memory_space<hbm>>
        %dma_wait3A_524 = tpu.memref_squeeze %dma_wait3A_523 : memref<1x1x1x8x128xf32, #tpu.memory_space<hbm>> -> memref<8x128xf32, #tpu.memory_space<hbm>>
        %dma_wait3A_525 = arith.constant 24 : i32
        %dma_wait3A_526 = arith.constant 0 : i32
        %dma_wait3A_527 = tpu.memref_slice %arg7[%dma_wait3A_511, %dma_wait3A_525, %dma_wait3A_526] : memref<2x32x129xf32, #tpu.memory_space<vmem>> -> memref<1x8x128xf32, #tpu.memory_space<vmem>>
        %dma_wait3A_528 = tpu.memref_squeeze %dma_wait3A_527 : memref<1x8x128xf32, #tpu.memory_space<vmem>> -> memref<8x128xf32, #tpu.memory_space<vmem>>
        tpu.wait_dma2 semaphore(%arg13 : memref<!tpu.dma_semaphore, #tpu.memory_space<semaphore_mem>>) src(%dma_wait3A_528 : memref<8x128xf32, #tpu.memory_space<vmem>>) dst(%dma_wait3A_524 : memref<8x128xf32, #tpu.memory_space<hbm>>)
      } else {
      }
      %parallel_loop3A_367 = arith.constant 0 : i32
      %parallel_loop3A_368 = arith.constant 128 : i32
      %parallel_loop3A_369 = arith.constant 1 : i32
      scf.for %parallel_loop3A_449 = %parallel_loop3A_367 to %parallel_loop3A_368 step %parallel_loop3A_369  : i32 {
        %parallel_loop3A_450 = vector.broadcast %parallel_loop3A_449 : i32 to vector<16xi32>
        %parallel_loop3A_451 = arith.constant 1 : i32
        %parallel_loop3A_452 = arith.index_cast %parallel_loop3A_451 : i32 to index
        %parallel_loop3A_453 = arith.index_cast %parallel_loop3A_449 : i32 to index
        %parallel_loop3A_454 = arith.constant 0 : index
        %parallel_loop3A_455 = tpu.vector_load %arg6[%parallel_loop3A_452, %parallel_loop3A_453, %parallel_loop3A_454] {strides = array<i32>} : memref<2x128x32xf32, #tpu.memory_space<vmem>>, vector<16xf32>,
        %parallel_loop3A_456 = arith.constant 3.000000e+00 : f32
        %parallel_loop3A_457 = vector.broadcast %parallel_loop3A_456 : f32 to vector<16xf32>
        %parallel_loop3A_458 = arith.mulf %parallel_loop3A_455, %parallel_loop3A_457 : vector<16xf32>
        %parallel_loop3A_459 = arith.constant 1 : i32
        %parallel_loop3A_460 = arith.constant 0 : i32
        %parallel_loop3A_461 = arith.constant 0 : i32
        %parallel_loop3A_462 = tpu.memref_slice %arg7[%parallel_loop3A_459, %parallel_loop3A_460, %parallel_loop3A_461] : memref<2x32x129xf32, #tpu.memory_space<vmem>> -> memref<1x32x129xf32, #tpu.memory_space<vmem>>
        %parallel_loop3A_463 = tpu.memref_squeeze %parallel_loop3A_462 : memref<1x32x129xf32, #tpu.memory_space<vmem>> -> memref<32x129xf32, #tpu.memory_space<vmem>>
        tpu.vector_store_idx %parallel_loop3A_463[%add3A_3, %parallel_loop3A_450], %parallel_loop3A_458 : memref<32x129xf32, #tpu.memory_space<vmem>>[vector<16xi32>, vector<16xi32>], vector<16xf32>,
        %parallel_loop3A_464 = arith.constant 1 : i32
        %parallel_loop3A_465 = arith.index_cast %parallel_loop3A_464 : i32 to index
        %parallel_loop3A_466 = arith.index_cast %parallel_loop3A_449 : i32 to index
        %parallel_loop3A_467 = arith.constant 16 : index
        %parallel_loop3A_468 = tpu.vector_load %arg6[%parallel_loop3A_465, %parallel_loop3A_466, %parallel_loop3A_467] {strides = array<i32>} : memref<2x128x32xf32, #tpu.memory_space<vmem>>, vector<16xf32>,
        %parallel_loop3A_469 = arith.constant 3.000000e+00 : f32
        %parallel_loop3A_470 = vector.broadcast %parallel_loop3A_469 : f32 to vector<16xf32>
        %parallel_loop3A_471 = arith.mulf %parallel_loop3A_468, %parallel_loop3A_470 : vector<16xf32>
        %parallel_loop3A_472 = arith.constant 1 : i32
        %parallel_loop3A_473 = arith.constant 0 : i32
        %parallel_loop3A_474 = arith.constant 0 : i32
        %parallel_loop3A_475 = tpu.memref_slice %arg7[%parallel_loop3A_472, %parallel_loop3A_473, %parallel_loop3A_474] : memref<2x32x129xf32, #tpu.memory_space<vmem>> -> memref<1x32x129xf32, #tpu.memory_space<vmem>>
        %parallel_loop3A_476 = tpu.memref_squeeze %parallel_loop3A_475 : memref<1x32x129xf32, #tpu.memory_space<vmem>> -> memref<32x129xf32, #tpu.memory_space<vmem>>
        tpu.vector_store_idx %parallel_loop3A_476[%add3A_6, %parallel_loop3A_450], %parallel_loop3A_471 : memref<32x129xf32, #tpu.memory_space<vmem>>[vector<16xi32>, vector<16xi32>], vector<16xf32>,
      } {sc.loop_unroll_factor = 8 : i64, sc.parallel_access}
      %mul3A_370 = arith.constant 80 : i32
      %mul3A_371 = arith.muli %add3A, %mul3A_370 : i32
      %add3A_372 = arith.addi %mul3A_371, %add3A_335 : i32
      %shift_right_arithmetic3A_373 = arith.constant 7 : i32
      %shift_right_arithmetic3A_374 = arith.shrsi %add3A_372, %shift_right_arithmetic3A_373 : i32
      %and3A_375 = arith.constant 127 : i32
      %and3A_376 = arith.andi %add3A_372, %and3A_375 : i32
      %dma_start3A_377 = arith.constant 1 : i32
      %dma_start3A_378 = arith.constant 0 : i32
      %dma_start3A_379 = arith.constant 0 : i32
      %dma_start3A_380 = arith.constant 0 : i32
      %dma_start3A_381 = tpu.memref_slice %arg7[%dma_start3A_377, %dma_start3A_379, %dma_start3A_380] : memref<2x32x129xf32, #tpu.memory_space<vmem>> -> memref<1x8x128xf32, #tpu.memory_space<vmem>>
      %dma_start3A_382 = tpu.memref_squeeze %dma_start3A_381 : memref<1x8x128xf32, #tpu.memory_space<vmem>> -> memref<8x128xf32, #tpu.memory_space<vmem>>
      %dma_start3A_383 = arith.constant 0 : i32
      %dma_start3A_384 = arith.constant 0 : i32
      %dma_start3A_385 = tpu.memref_slice %arg4[%shift_right_arithmetic3A_374, %dma_start3A_378, %and3A_376, %dma_start3A_383, %dma_start3A_384] : memref<20x4x128x8x128xf32, #tpu.memory_space<hbm>> -> memref<1x1x1x8x128xf32, #tpu.memory_space<hbm>>
      %dma_start3A_386 = tpu.memref_squeeze %dma_start3A_385 : memref<1x1x1x8x128xf32, #tpu.memory_space<hbm>> -> memref<8x128xf32, #tpu.memory_space<hbm>>
      %dma_start3A_387 = arith.constant 0 : i32
      %dma_start3A_388 = arith.constant 0 : i32
      %dma_start3A_389 = tpu.memref_slice %arg4[%shift_right_arithmetic3A_374, %dma_start3A_378, %and3A_376, %dma_start3A_387, %dma_start3A_388] : memref<20x4x128x8x128xf32, #tpu.memory_space<hbm>> -> memref<1x1x1x8x128xf32, #tpu.memory_space<hbm>>
      %dma_start3A_390 = tpu.memref_squeeze %dma_start3A_389 : memref<1x1x1x8x128xf32, #tpu.memory_space<hbm>> -> memref<8x128xf32, #tpu.memory_space<hbm>>
      %dma_start3A_391 = arith.constant 0 : i32
      %dma_start3A_392 = arith.constant 0 : i32
      %dma_start3A_393 = tpu.memref_slice %arg7[%dma_start3A_377, %dma_start3A_391, %dma_start3A_392] : memref<2x32x129xf32, #tpu.memory_space<vmem>> -> memref<1x8x128xf32, #tpu.memory_space<vmem>>
      %dma_start3A_394 = tpu.memref_squeeze %dma_start3A_393 : memref<1x8x128xf32, #tpu.memory_space<vmem>> -> memref<8x128xf32, #tpu.memory_space<vmem>>
      tpu.enqueue_dma source(%dma_start3A_394 : memref<8x128xf32, #tpu.memory_space<vmem>>) target(%dma_start3A_390 : memref<8x128xf32, #tpu.memory_space<hbm>>) target_semaphore(%arg13 : memref<!tpu.dma_semaphore, #tpu.memory_space<semaphore_mem>>)
      %dma_start3A_395 = arith.constant 1 : i32
      %dma_start3A_396 = arith.constant 1 : i32
      %dma_start3A_397 = arith.constant 8 : i32
      %dma_start3A_398 = arith.constant 0 : i32
      %dma_start3A_399 = tpu.memref_slice %arg7[%dma_start3A_395, %dma_start3A_397, %dma_start3A_398] : memref<2x32x129xf32, #tpu.memory_space<vmem>> -> memref<1x8x128xf32, #tpu.memory_space<vmem>>
      %dma_start3A_400 = tpu.memref_squeeze %dma_start3A_399 : memref<1x8x128xf32, #tpu.memory_space<vmem>> -> memref<8x128xf32, #tpu.memory_space<vmem>>
      %dma_start3A_401 = arith.constant 0 : i32
      %dma_start3A_402 = arith.constant 0 : i32
      %dma_start3A_403 = tpu.memref_slice %arg4[%shift_right_arithmetic3A_374, %dma_start3A_396, %and3A_376, %dma_start3A_401, %dma_start3A_402] : memref<20x4x128x8x128xf32, #tpu.memory_space<hbm>> -> memref<1x1x1x8x128xf32, #tpu.memory_space<hbm>>
      %dma_start3A_404 = tpu.memref_squeeze %dma_start3A_403 : memref<1x1x1x8x128xf32, #tpu.memory_space<hbm>> -> memref<8x128xf32, #tpu.memory_space<hbm>>
      %dma_start3A_405 = arith.constant 0 : i32
      %dma_start3A_406 = arith.constant 0 : i32
      %dma_start3A_407 = tpu.memref_slice %arg4[%shift_right_arithmetic3A_374, %dma_start3A_396, %and3A_376, %dma_start3A_405, %dma_start3A_406] : memref<20x4x128x8x128xf32, #tpu.memory_space<hbm>> -> memref<1x1x1x8x128xf32, #tpu.memory_space<hbm>>
      %dma_start3A_408 = tpu.memref_squeeze %dma_start3A_407 : memref<1x1x1x8x128xf32, #tpu.memory_space<hbm>> -> memref<8x128xf32, #tpu.memory_space<hbm>>
      %dma_start3A_409 = arith.constant 8 : i32
      %dma_start3A_410 = arith.constant 0 : i32
      %dma_start3A_411 = tpu.memref_slice %arg7[%dma_start3A_395, %dma_start3A_409, %dma_start3A_410] : memref<2x32x129xf32, #tpu.memory_space<vmem>> -> memref<1x8x128xf32, #tpu.memory_space<vmem>>
      %dma_start3A_412 = tpu.memref_squeeze %dma_start3A_411 : memref<1x8x128xf32, #tpu.memory_space<vmem>> -> memref<8x128xf32, #tpu.memory_space<vmem>>
      tpu.enqueue_dma source(%dma_start3A_412 : memref<8x128xf32, #tpu.memory_space<vmem>>) target(%dma_start3A_408 : memref<8x128xf32, #tpu.memory_space<hbm>>) target_semaphore(%arg13 : memref<!tpu.dma_semaphore, #tpu.memory_space<semaphore_mem>>)
      %dma_start3A_413 = arith.constant 1 : i32
      %dma_start3A_414 = arith.constant 2 : i32
      %dma_start3A_415 = arith.constant 16 : i32
      %dma_start3A_416 = arith.constant 0 : i32
      %dma_start3A_417 = tpu.memref_slice %arg7[%dma_start3A_413, %dma_start3A_415, %dma_start3A_416] : memref<2x32x129xf32, #tpu.memory_space<vmem>> -> memref<1x8x128xf32, #tpu.memory_space<vmem>>
      %dma_start3A_418 = tpu.memref_squeeze %dma_start3A_417 : memref<1x8x128xf32, #tpu.memory_space<vmem>> -> memref<8x128xf32, #tpu.memory_space<vmem>>
      %dma_start3A_419 = arith.constant 0 : i32
      %dma_start3A_420 = arith.constant 0 : i32
      %dma_start3A_421 = tpu.memref_slice %arg4[%shift_right_arithmetic3A_374, %dma_start3A_414, %and3A_376, %dma_start3A_419, %dma_start3A_420] : memref<20x4x128x8x128xf32, #tpu.memory_space<hbm>> -> memref<1x1x1x8x128xf32, #tpu.memory_space<hbm>>
      %dma_start3A_422 = tpu.memref_squeeze %dma_start3A_421 : memref<1x1x1x8x128xf32, #tpu.memory_space<hbm>> -> memref<8x128xf32, #tpu.memory_space<hbm>>
      %dma_start3A_423 = arith.constant 0 : i32
      %dma_start3A_424 = arith.constant 0 : i32
      %dma_start3A_425 = tpu.memref_slice %arg4[%shift_right_arithmetic3A_374, %dma_start3A_414, %and3A_376, %dma_start3A_423, %dma_start3A_424] : memref<20x4x128x8x128xf32, #tpu.memory_space<hbm>> -> memref<1x1x1x8x128xf32, #tpu.memory_space<hbm>>
      %dma_start3A_426 = tpu.memref_squeeze %dma_start3A_425 : memref<1x1x1x8x128xf32, #tpu.memory_space<hbm>> -> memref<8x128xf32, #tpu.memory_space<hbm>>
      %dma_start3A_427 = arith.constant 16 : i32
      %dma_start3A_428 = arith.constant 0 : i32
      %dma_start3A_429 = tpu.memref_slice %arg7[%dma_start3A_413, %dma_start3A_427, %dma_start3A_428] : memref<2x32x129xf32, #tpu.memory_space<vmem>> -> memref<1x8x128xf32, #tpu.memory_space<vmem>>
      %dma_start3A_430 = tpu.memref_squeeze %dma_start3A_429 : memref<1x8x128xf32, #tpu.memory_space<vmem>> -> memref<8x128xf32, #tpu.memory_space<vmem>>
      tpu.enqueue_dma source(%dma_start3A_430 : memref<8x128xf32, #tpu.memory_space<vmem>>) target(%dma_start3A_426 : memref<8x128xf32, #tpu.memory_space<hbm>>) target_semaphore(%arg13 : memref<!tpu.dma_semaphore, #tpu.memory_space<semaphore_mem>>)
      %dma_start3A_431 = arith.constant 1 : i32
      %dma_start3A_432 = arith.constant 3 : i32
      %dma_start3A_433 = arith.constant 24 : i32
      %dma_start3A_434 = arith.constant 0 : i32
      %dma_start3A_435 = tpu.memref_slice %arg7[%dma_start3A_431, %dma_start3A_433, %dma_start3A_434] : memref<2x32x129xf32, #tpu.memory_space<vmem>> -> memref<1x8x128xf32, #tpu.memory_space<vmem>>
      %dma_start3A_436 = tpu.memref_squeeze %dma_start3A_435 : memref<1x8x128xf32, #tpu.memory_space<vmem>> -> memref<8x128xf32, #tpu.memory_space<vmem>>
      %dma_start3A_437 = arith.constant 0 : i32
      %dma_start3A_438 = arith.constant 0 : i32
      %dma_start3A_439 = tpu.memref_slice %arg4[%shift_right_arithmetic3A_374, %dma_start3A_432, %and3A_376, %dma_start3A_437, %dma_start3A_438] : memref<20x4x128x8x128xf32, #tpu.memory_space<hbm>> -> memref<1x1x1x8x128xf32, #tpu.memory_space<hbm>>
      %dma_start3A_440 = tpu.memref_squeeze %dma_start3A_439 : memref<1x1x1x8x128xf32, #tpu.memory_space<hbm>> -> memref<8x128xf32, #tpu.memory_space<hbm>>
      %dma_start3A_441 = arith.constant 0 : i32
      %dma_start3A_442 = arith.constant 0 : i32
      %dma_start3A_443 = tpu.memref_slice %arg4[%shift_right_arithmetic3A_374, %dma_start3A_432, %and3A_376, %dma_start3A_441, %dma_start3A_442] : memref<20x4x128x8x128xf32, #tpu.memory_space<hbm>> -> memref<1x1x1x8x128xf32, #tpu.memory_space<hbm>>
      %dma_start3A_444 = tpu.memref_squeeze %dma_start3A_443 : memref<1x1x1x8x128xf32, #tpu.memory_space<hbm>> -> memref<8x128xf32, #tpu.memory_space<hbm>>
      %dma_start3A_445 = arith.constant 24 : i32
      %dma_start3A_446 = arith.constant 0 : i32
      %dma_start3A_447 = tpu.memref_slice %arg7[%dma_start3A_431, %dma_start3A_445, %dma_start3A_446] : memref<2x32x129xf32, #tpu.memory_space<vmem>> -> memref<1x8x128xf32, #tpu.memory_space<vmem>>
      %dma_start3A_448 = tpu.memref_squeeze %dma_start3A_447 : memref<1x8x128xf32, #tpu.memory_space<vmem>> -> memref<8x128xf32, #tpu.memory_space<vmem>>
      tpu.enqueue_dma source(%dma_start3A_448 : memref<8x128xf32, #tpu.memory_space<vmem>>) target(%dma_start3A_444 : memref<8x128xf32, #tpu.memory_space<hbm>>) target_semaphore(%arg13 : memref<!tpu.dma_semaphore, #tpu.memory_space<semaphore_mem>>)
    }
    %scan3A_59 = arith.constant 40 : i32
    %mul3A_60 = arith.constant 80 : i32
    %mul3A_61 = arith.muli %add3A, %mul3A_60 : i32
    %add3A_62 = arith.constant 78 : i32
    %add3A_63 = arith.addi %mul3A_61, %add3A_62 : i32
    %shift_right_arithmetic3A_64 = arith.constant 7 : i32
    %shift_right_arithmetic3A_65 = arith.shrsi %add3A_63, %shift_right_arithmetic3A_64 : i32
    %and3A_66 = arith.constant 127 : i32
    %and3A_67 = arith.andi %add3A_63, %and3A_66 : i32
    %dma_wait3A = arith.constant 0 : i32
    %dma_wait3A_68 = arith.constant 0 : i32
    %dma_wait3A_69 = arith.constant 0 : i32
    %dma_wait3A_70 = arith.constant 0 : i32
    %dma_wait3A_71 = tpu.memref_slice %arg7[%dma_wait3A, %dma_wait3A_69, %dma_wait3A_70] : memref<2x32x129xf32, #tpu.memory_space<vmem>> -> memref<1x8x128xf32, #tpu.memory_space<vmem>>
    %dma_wait3A_72 = tpu.memref_squeeze %dma_wait3A_71 : memref<1x8x128xf32, #tpu.memory_space<vmem>> -> memref<8x128xf32, #tpu.memory_space<vmem>>
    %dma_wait3A_73 = arith.constant 0 : i32
    %dma_wait3A_74 = arith.constant 0 : i32
    %dma_wait3A_75 = tpu.memref_slice %arg4[%shift_right_arithmetic3A_65, %dma_wait3A_68, %and3A_67, %dma_wait3A_73, %dma_wait3A_74] : memref<20x4x128x8x128xf32, #tpu.memory_space<hbm>> -> memref<1x1x1x8x128xf32, #tpu.memory_space<hbm>>
    %dma_wait3A_76 = tpu.memref_squeeze %dma_wait3A_75 : memref<1x1x1x8x128xf32, #tpu.memory_space<hbm>> -> memref<8x128xf32, #tpu.memory_space<hbm>>
    %dma_wait3A_77 = arith.constant 0 : i32
    %dma_wait3A_78 = arith.constant 0 : i32
    %dma_wait3A_79 = tpu.memref_slice %arg4[%shift_right_arithmetic3A_65, %dma_wait3A_68, %and3A_67, %dma_wait3A_77, %dma_wait3A_78] : memref<20x4x128x8x128xf32, #tpu.memory_space<hbm>> -> memref<1x1x1x8x128xf32, #tpu.memory_space<hbm>>
    %dma_wait3A_80 = tpu.memref_squeeze %dma_wait3A_79 : memref<1x1x1x8x128xf32, #tpu.memory_space<hbm>> -> memref<8x128xf32, #tpu.memory_space<hbm>>
    %dma_wait3A_81 = arith.constant 0 : i32
    %dma_wait3A_82 = arith.constant 0 : i32
    %dma_wait3A_83 = tpu.memref_slice %arg7[%dma_wait3A, %dma_wait3A_81, %dma_wait3A_82] : memref<2x32x129xf32, #tpu.memory_space<vmem>> -> memref<1x8x128xf32, #tpu.memory_space<vmem>>
    %dma_wait3A_84 = tpu.memref_squeeze %dma_wait3A_83 : memref<1x8x128xf32, #tpu.memory_space<vmem>> -> memref<8x128xf32, #tpu.memory_space<vmem>>
    tpu.wait_dma2 semaphore(%arg12 : memref<!tpu.dma_semaphore, #tpu.memory_space<semaphore_mem>>) src(%dma_wait3A_84 : memref<8x128xf32, #tpu.memory_space<vmem>>) dst(%dma_wait3A_80 : memref<8x128xf32, #tpu.memory_space<hbm>>)
    %dma_wait3A_85 = arith.constant 0 : i32
    %dma_wait3A_86 = arith.constant 1 : i32
    %dma_wait3A_87 = arith.constant 8 : i32
    %dma_wait3A_88 = arith.constant 0 : i32
    %dma_wait3A_89 = tpu.memref_slice %arg7[%dma_wait3A_85, %dma_wait3A_87, %dma_wait3A_88] : memref<2x32x129xf32, #tpu.memory_space<vmem>> -> memref<1x8x128xf32, #tpu.memory_space<vmem>>
    %dma_wait3A_90 = tpu.memref_squeeze %dma_wait3A_89 : memref<1x8x128xf32, #tpu.memory_space<vmem>> -> memref<8x128xf32, #tpu.memory_space<vmem>>
    %dma_wait3A_91 = arith.constant 0 : i32
    %dma_wait3A_92 = arith.constant 0 : i32
    %dma_wait3A_93 = tpu.memref_slice %arg4[%shift_right_arithmetic3A_65, %dma_wait3A_86, %and3A_67, %dma_wait3A_91, %dma_wait3A_92] : memref<20x4x128x8x128xf32, #tpu.memory_space<hbm>> -> memref<1x1x1x8x128xf32, #tpu.memory_space<hbm>>
    %dma_wait3A_94 = tpu.memref_squeeze %dma_wait3A_93 : memref<1x1x1x8x128xf32, #tpu.memory_space<hbm>> -> memref<8x128xf32, #tpu.memory_space<hbm>>
    %dma_wait3A_95 = arith.constant 0 : i32
    %dma_wait3A_96 = arith.constant 0 : i32
    %dma_wait3A_97 = tpu.memref_slice %arg4[%shift_right_arithmetic3A_65, %dma_wait3A_86, %and3A_67, %dma_wait3A_95, %dma_wait3A_96] : memref<20x4x128x8x128xf32, #tpu.memory_space<hbm>> -> memref<1x1x1x8x128xf32, #tpu.memory_space<hbm>>
    %dma_wait3A_98 = tpu.memref_squeeze %dma_wait3A_97 : memref<1x1x1x8x128xf32, #tpu.memory_space<hbm>> -> memref<8x128xf32, #tpu.memory_space<hbm>>
    %dma_wait3A_99 = arith.constant 8 : i32
    %dma_wait3A_100 = arith.constant 0 : i32
    %dma_wait3A_101 = tpu.memref_slice %arg7[%dma_wait3A_85, %dma_wait3A_99, %dma_wait3A_100] : memref<2x32x129xf32, #tpu.memory_space<vmem>> -> memref<1x8x128xf32, #tpu.memory_space<vmem>>
    %dma_wait3A_102 = tpu.memref_squeeze %dma_wait3A_101 : memref<1x8x128xf32, #tpu.memory_space<vmem>> -> memref<8x128xf32, #tpu.memory_space<vmem>>
    tpu.wait_dma2 semaphore(%arg12 : memref<!tpu.dma_semaphore, #tpu.memory_space<semaphore_mem>>) src(%dma_wait3A_102 : memref<8x128xf32, #tpu.memory_space<vmem>>) dst(%dma_wait3A_98 : memref<8x128xf32, #tpu.memory_space<hbm>>)
    %dma_wait3A_103 = arith.constant 0 : i32
    %dma_wait3A_104 = arith.constant 2 : i32
    %dma_wait3A_105 = arith.constant 16 : i32
    %dma_wait3A_106 = arith.constant 0 : i32
    %dma_wait3A_107 = tpu.memref_slice %arg7[%dma_wait3A_103, %dma_wait3A_105, %dma_wait3A_106] : memref<2x32x129xf32, #tpu.memory_space<vmem>> -> memref<1x8x128xf32, #tpu.memory_space<vmem>>
    %dma_wait3A_108 = tpu.memref_squeeze %dma_wait3A_107 : memref<1x8x128xf32, #tpu.memory_space<vmem>> -> memref<8x128xf32, #tpu.memory_space<vmem>>
    %dma_wait3A_109 = arith.constant 0 : i32
    %dma_wait3A_110 = arith.constant 0 : i32
    %dma_wait3A_111 = tpu.memref_slice %arg4[%shift_right_arithmetic3A_65, %dma_wait3A_104, %and3A_67, %dma_wait3A_109, %dma_wait3A_110] : memref<20x4x128x8x128xf32, #tpu.memory_space<hbm>> -> memref<1x1x1x8x128xf32, #tpu.memory_space<hbm>>
    %dma_wait3A_112 = tpu.memref_squeeze %dma_wait3A_111 : memref<1x1x1x8x128xf32, #tpu.memory_space<hbm>> -> memref<8x128xf32, #tpu.memory_space<hbm>>
    %dma_wait3A_113 = arith.constant 0 : i32
    %dma_wait3A_114 = arith.constant 0 : i32
    %dma_wait3A_115 = tpu.memref_slice %arg4[%shift_right_arithmetic3A_65, %dma_wait3A_104, %and3A_67, %dma_wait3A_113, %dma_wait3A_114] : memref<20x4x128x8x128xf32, #tpu.memory_space<hbm>> -> memref<1x1x1x8x128xf32, #tpu.memory_space<hbm>>
    %dma_wait3A_116 = tpu.memref_squeeze %dma_wait3A_115 : memref<1x1x1x8x128xf32, #tpu.memory_space<hbm>> -> memref<8x128xf32, #tpu.memory_space<hbm>>
    %dma_wait3A_117 = arith.constant 16 : i32
    %dma_wait3A_118 = arith.constant 0 : i32
    %dma_wait3A_119 = tpu.memref_slice %arg7[%dma_wait3A_103, %dma_wait3A_117, %dma_wait3A_118] : memref<2x32x129xf32, #tpu.memory_space<vmem>> -> memref<1x8x128xf32, #tpu.memory_space<vmem>>
    %dma_wait3A_120 = tpu.memref_squeeze %dma_wait3A_119 : memref<1x8x128xf32, #tpu.memory_space<vmem>> -> memref<8x128xf32, #tpu.memory_space<vmem>>
    tpu.wait_dma2 semaphore(%arg12 : memref<!tpu.dma_semaphore, #tpu.memory_space<semaphore_mem>>) src(%dma_wait3A_120 : memref<8x128xf32, #tpu.memory_space<vmem>>) dst(%dma_wait3A_116 : memref<8x128xf32, #tpu.memory_space<hbm>>)
    %dma_wait3A_121 = arith.constant 0 : i32
    %dma_wait3A_122 = arith.constant 3 : i32
    %dma_wait3A_123 = arith.constant 24 : i32
    %dma_wait3A_124 = arith.constant 0 : i32
    %dma_wait3A_125 = tpu.memref_slice %arg7[%dma_wait3A_121, %dma_wait3A_123, %dma_wait3A_124] : memref<2x32x129xf32, #tpu.memory_space<vmem>> -> memref<1x8x128xf32, #tpu.memory_space<vmem>>
    %dma_wait3A_126 = tpu.memref_squeeze %dma_wait3A_125 : memref<1x8x128xf32, #tpu.memory_space<vmem>> -> memref<8x128xf32, #tpu.memory_space<vmem>>
    %dma_wait3A_127 = arith.constant 0 : i32
    %dma_wait3A_128 = arith.constant 0 : i32
    %dma_wait3A_129 = tpu.memref_slice %arg4[%shift_right_arithmetic3A_65, %dma_wait3A_122, %and3A_67, %dma_wait3A_127, %dma_wait3A_128] : memref<20x4x128x8x128xf32, #tpu.memory_space<hbm>> -> memref<1x1x1x8x128xf32, #tpu.memory_space<hbm>>
    %dma_wait3A_130 = tpu.memref_squeeze %dma_wait3A_129 : memref<1x1x1x8x128xf32, #tpu.memory_space<hbm>> -> memref<8x128xf32, #tpu.memory_space<hbm>>
    %dma_wait3A_131 = arith.constant 0 : i32
    %dma_wait3A_132 = arith.constant 0 : i32
    %dma_wait3A_133 = tpu.memref_slice %arg4[%shift_right_arithmetic3A_65, %dma_wait3A_122, %and3A_67, %dma_wait3A_131, %dma_wait3A_132] : memref<20x4x128x8x128xf32, #tpu.memory_space<hbm>> -> memref<1x1x1x8x128xf32, #tpu.memory_space<hbm>>
    %dma_wait3A_134 = tpu.memref_squeeze %dma_wait3A_133 : memref<1x1x1x8x128xf32, #tpu.memory_space<hbm>> -> memref<8x128xf32, #tpu.memory_space<hbm>>
    %dma_wait3A_135 = arith.constant 24 : i32
    %dma_wait3A_136 = arith.constant 0 : i32
    %dma_wait3A_137 = tpu.memref_slice %arg7[%dma_wait3A_121, %dma_wait3A_135, %dma_wait3A_136] : memref<2x32x129xf32, #tpu.memory_space<vmem>> -> memref<1x8x128xf32, #tpu.memory_space<vmem>>
    %dma_wait3A_138 = tpu.memref_squeeze %dma_wait3A_137 : memref<1x8x128xf32, #tpu.memory_space<vmem>> -> memref<8x128xf32, #tpu.memory_space<vmem>>
    tpu.wait_dma2 semaphore(%arg12 : memref<!tpu.dma_semaphore, #tpu.memory_space<semaphore_mem>>) src(%dma_wait3A_138 : memref<8x128xf32, #tpu.memory_space<vmem>>) dst(%dma_wait3A_134 : memref<8x128xf32, #tpu.memory_space<hbm>>)
    %mul3A_139 = arith.constant 80 : i32
    %mul3A_140 = arith.muli %add3A, %mul3A_139 : i32
    %add3A_141 = arith.constant 79 : i32
    %add3A_142 = arith.addi %mul3A_140, %add3A_141 : i32
    %shift_right_arithmetic3A_143 = arith.constant 7 : i32
    %shift_right_arithmetic3A_144 = arith.shrsi %add3A_142, %shift_right_arithmetic3A_143 : i32
    %and3A_145 = arith.constant 127 : i32
    %and3A_146 = arith.andi %add3A_142, %and3A_145 : i32
    %dma_wait3A_147 = arith.constant 1 : i32
    %dma_wait3A_148 = arith.constant 0 : i32
    %dma_wait3A_149 = arith.constant 0 : i32
    %dma_wait3A_150 = arith.constant 0 : i32
    %dma_wait3A_151 = tpu.memref_slice %arg7[%dma_wait3A_147, %dma_wait3A_149, %dma_wait3A_150] : memref<2x32x129xf32, #tpu.memory_space<vmem>> -> memref<1x8x128xf32, #tpu.memory_space<vmem>>
    %dma_wait3A_152 = tpu.memref_squeeze %dma_wait3A_151 : memref<1x8x128xf32, #tpu.memory_space<vmem>> -> memref<8x128xf32, #tpu.memory_space<vmem>>
    %dma_wait3A_153 = arith.constant 0 : i32
    %dma_wait3A_154 = arith.constant 0 : i32
    %dma_wait3A_155 = tpu.memref_slice %arg4[%shift_right_arithmetic3A_144, %dma_wait3A_148, %and3A_146, %dma_wait3A_153, %dma_wait3A_154] : memref<20x4x128x8x128xf32, #tpu.memory_space<hbm>> -> memref<1x1x1x8x128xf32, #tpu.memory_space<hbm>>
    %dma_wait3A_156 = tpu.memref_squeeze %dma_wait3A_155 : memref<1x1x1x8x128xf32, #tpu.memory_space<hbm>> -> memref<8x128xf32, #tpu.memory_space<hbm>>
    %dma_wait3A_157 = arith.constant 0 : i32
    %dma_wait3A_158 = arith.constant 0 : i32
    %dma_wait3A_159 = tpu.memref_slice %arg4[%shift_right_arithmetic3A_144, %dma_wait3A_148, %and3A_146, %dma_wait3A_157, %dma_wait3A_158] : memref<20x4x128x8x128xf32, #tpu.memory_space<hbm>> -> memref<1x1x1x8x128xf32, #tpu.memory_space<hbm>>
    %dma_wait3A_160 = tpu.memref_squeeze %dma_wait3A_159 : memref<1x1x1x8x128xf32, #tpu.memory_space<hbm>> -> memref<8x128xf32, #tpu.memory_space<hbm>>
    %dma_wait3A_161 = arith.constant 0 : i32
    %dma_wait3A_162 = arith.constant 0 : i32
    %dma_wait3A_163 = tpu.memref_slice %arg7[%dma_wait3A_147, %dma_wait3A_161, %dma_wait3A_162] : memref<2x32x129xf32, #tpu.memory_space<vmem>> -> memref<1x8x128xf32, #tpu.memory_space<vmem>>
    %dma_wait3A_164 = tpu.memref_squeeze %dma_wait3A_163 : memref<1x8x128xf32, #tpu.memory_space<vmem>> -> memref<8x128xf32, #tpu.memory_space<vmem>>
    tpu.wait_dma2 semaphore(%arg13 : memref<!tpu.dma_semaphore, #tpu.memory_space<semaphore_mem>>) src(%dma_wait3A_164 : memref<8x128xf32, #tpu.memory_space<vmem>>) dst(%dma_wait3A_160 : memref<8x128xf32, #tpu.memory_space<hbm>>)
    %dma_wait3A_165 = arith.constant 1 : i32
    %dma_wait3A_166 = arith.constant 1 : i32
    %dma_wait3A_167 = arith.constant 8 : i32
    %dma_wait3A_168 = arith.constant 0 : i32
    %dma_wait3A_169 = tpu.memref_slice %arg7[%dma_wait3A_165, %dma_wait3A_167, %dma_wait3A_168] : memref<2x32x129xf32, #tpu.memory_space<vmem>> -> memref<1x8x128xf32, #tpu.memory_space<vmem>>
    %dma_wait3A_170 = tpu.memref_squeeze %dma_wait3A_169 : memref<1x8x128xf32, #tpu.memory_space<vmem>> -> memref<8x128xf32, #tpu.memory_space<vmem>>
    %dma_wait3A_171 = arith.constant 0 : i32
    %dma_wait3A_172 = arith.constant 0 : i32
    %dma_wait3A_173 = tpu.memref_slice %arg4[%shift_right_arithmetic3A_144, %dma_wait3A_166, %and3A_146, %dma_wait3A_171, %dma_wait3A_172] : memref<20x4x128x8x128xf32, #tpu.memory_space<hbm>> -> memref<1x1x1x8x128xf32, #tpu.memory_space<hbm>>
    %dma_wait3A_174 = tpu.memref_squeeze %dma_wait3A_173 : memref<1x1x1x8x128xf32, #tpu.memory_space<hbm>> -> memref<8x128xf32, #tpu.memory_space<hbm>>
    %dma_wait3A_175 = arith.constant 0 : i32
    %dma_wait3A_176 = arith.constant 0 : i32
    %dma_wait3A_177 = tpu.memref_slice %arg4[%shift_right_arithmetic3A_144, %dma_wait3A_166, %and3A_146, %dma_wait3A_175, %dma_wait3A_176] : memref<20x4x128x8x128xf32, #tpu.memory_space<hbm>> -> memref<1x1x1x8x128xf32, #tpu.memory_space<hbm>>
    %dma_wait3A_178 = tpu.memref_squeeze %dma_wait3A_177 : memref<1x1x1x8x128xf32, #tpu.memory_space<hbm>> -> memref<8x128xf32, #tpu.memory_space<hbm>>
    %dma_wait3A_179 = arith.constant 8 : i32
    %dma_wait3A_180 = arith.constant 0 : i32
    %dma_wait3A_181 = tpu.memref_slice %arg7[%dma_wait3A_165, %dma_wait3A_179, %dma_wait3A_180] : memref<2x32x129xf32, #tpu.memory_space<vmem>> -> memref<1x8x128xf32, #tpu.memory_space<vmem>>
    %dma_wait3A_182 = tpu.memref_squeeze %dma_wait3A_181 : memref<1x8x128xf32, #tpu.memory_space<vmem>> -> memref<8x128xf32, #tpu.memory_space<vmem>>
    tpu.wait_dma2 semaphore(%arg13 : memref<!tpu.dma_semaphore, #tpu.memory_space<semaphore_mem>>) src(%dma_wait3A_182 : memref<8x128xf32, #tpu.memory_space<vmem>>) dst(%dma_wait3A_178 : memref<8x128xf32, #tpu.memory_space<hbm>>)
    %dma_wait3A_183 = arith.constant 1 : i32
    %dma_wait3A_184 = arith.constant 2 : i32
    %dma_wait3A_185 = arith.constant 16 : i32
    %dma_wait3A_186 = arith.constant 0 : i32
    %dma_wait3A_187 = tpu.memref_slice %arg7[%dma_wait3A_183, %dma_wait3A_185, %dma_wait3A_186] : memref<2x32x129xf32, #tpu.memory_space<vmem>> -> memref<1x8x128xf32, #tpu.memory_space<vmem>>
    %dma_wait3A_188 = tpu.memref_squeeze %dma_wait3A_187 : memref<1x8x128xf32, #tpu.memory_space<vmem>> -> memref<8x128xf32, #tpu.memory_space<vmem>>
    %dma_wait3A_189 = arith.constant 0 : i32
    %dma_wait3A_190 = arith.constant 0 : i32
    %dma_wait3A_191 = tpu.memref_slice %arg4[%shift_right_arithmetic3A_144, %dma_wait3A_184, %and3A_146, %dma_wait3A_189, %dma_wait3A_190] : memref<20x4x128x8x128xf32, #tpu.memory_space<hbm>> -> memref<1x1x1x8x128xf32, #tpu.memory_space<hbm>>
    %dma_wait3A_192 = tpu.memref_squeeze %dma_wait3A_191 : memref<1x1x1x8x128xf32, #tpu.memory_space<hbm>> -> memref<8x128xf32, #tpu.memory_space<hbm>>
    %dma_wait3A_193 = arith.constant 0 : i32
    %dma_wait3A_194 = arith.constant 0 : i32
    %dma_wait3A_195 = tpu.memref_slice %arg4[%shift_right_arithmetic3A_144, %dma_wait3A_184, %and3A_146, %dma_wait3A_193, %dma_wait3A_194] : memref<20x4x128x8x128xf32, #tpu.memory_space<hbm>> -> memref<1x1x1x8x128xf32, #tpu.memory_space<hbm>>
    %dma_wait3A_196 = tpu.memref_squeeze %dma_wait3A_195 : memref<1x1x1x8x128xf32, #tpu.memory_space<hbm>> -> memref<8x128xf32, #tpu.memory_space<hbm>>
    %dma_wait3A_197 = arith.constant 16 : i32
    %dma_wait3A_198 = arith.constant 0 : i32
    %dma_wait3A_199 = tpu.memref_slice %arg7[%dma_wait3A_183, %dma_wait3A_197, %dma_wait3A_198] : memref<2x32x129xf32, #tpu.memory_space<vmem>> -> memref<1x8x128xf32, #tpu.memory_space<vmem>>
    %dma_wait3A_200 = tpu.memref_squeeze %dma_wait3A_199 : memref<1x8x128xf32, #tpu.memory_space<vmem>> -> memref<8x128xf32, #tpu.memory_space<vmem>>
    tpu.wait_dma2 semaphore(%arg13 : memref<!tpu.dma_semaphore, #tpu.memory_space<semaphore_mem>>) src(%dma_wait3A_200 : memref<8x128xf32, #tpu.memory_space<vmem>>) dst(%dma_wait3A_196 : memref<8x128xf32, #tpu.memory_space<hbm>>)
    %dma_wait3A_201 = arith.constant 1 : i32
    %dma_wait3A_202 = arith.constant 3 : i32
    %dma_wait3A_203 = arith.constant 24 : i32
    %dma_wait3A_204 = arith.constant 0 : i32
    %dma_wait3A_205 = tpu.memref_slice %arg7[%dma_wait3A_201, %dma_wait3A_203, %dma_wait3A_204] : memref<2x32x129xf32, #tpu.memory_space<vmem>> -> memref<1x8x128xf32, #tpu.memory_space<vmem>>
    %dma_wait3A_206 = tpu.memref_squeeze %dma_wait3A_205 : memref<1x8x128xf32, #tpu.memory_space<vmem>> -> memref<8x128xf32, #tpu.memory_space<vmem>>
    %dma_wait3A_207 = arith.constant 0 : i32
    %dma_wait3A_208 = arith.constant 0 : i32
    %dma_wait3A_209 = tpu.memref_slice %arg4[%shift_right_arithmetic3A_144, %dma_wait3A_202, %and3A_146, %dma_wait3A_207, %dma_wait3A_208] : memref<20x4x128x8x128xf32, #tpu.memory_space<hbm>> -> memref<1x1x1x8x128xf32, #tpu.memory_space<hbm>>
    %dma_wait3A_210 = tpu.memref_squeeze %dma_wait3A_209 : memref<1x1x1x8x128xf32, #tpu.memory_space<hbm>> -> memref<8x128xf32, #tpu.memory_space<hbm>>
    %dma_wait3A_211 = arith.constant 0 : i32
    %dma_wait3A_212 = arith.constant 0 : i32
    %dma_wait3A_213 = tpu.memref_slice %arg4[%shift_right_arithmetic3A_144, %dma_wait3A_202, %and3A_146, %dma_wait3A_211, %dma_wait3A_212] : memref<20x4x128x8x128xf32, #tpu.memory_space<hbm>> -> memref<1x1x1x8x128xf32, #tpu.memory_space<hbm>>
    %dma_wait3A_214 = tpu.memref_squeeze %dma_wait3A_213 : memref<1x1x1x8x128xf32, #tpu.memory_space<hbm>> -> memref<8x128xf32, #tpu.memory_space<hbm>>
    %dma_wait3A_215 = arith.constant 24 : i32
    %dma_wait3A_216 = arith.constant 0 : i32
    %dma_wait3A_217 = tpu.memref_slice %arg7[%dma_wait3A_201, %dma_wait3A_215, %dma_wait3A_216] : memref<2x32x129xf32, #tpu.memory_space<vmem>> -> memref<1x8x128xf32, #tpu.memory_space<vmem>>
    %dma_wait3A_218 = tpu.memref_squeeze %dma_wait3A_217 : memref<1x8x128xf32, #tpu.memory_space<vmem>> -> memref<8x128xf32, #tpu.memory_space<vmem>>
    tpu.wait_dma2 semaphore(%arg13 : memref<!tpu.dma_semaphore, #tpu.memory_space<semaphore_mem>>) src(%dma_wait3A_218 : memref<8x128xf32, #tpu.memory_space<vmem>>) dst(%dma_wait3A_214 : memref<8x128xf32, #tpu.memory_space<hbm>>)
    return
  }
}

</mosaic_0001>

<sc_bundles>
// kernel: kernel.4.cloned.1.call-start
scs
__scs_entry_jumppad:
0x0: {  	(pc) =	sbr.rel $0x88, $3  }
0x1: {  	(tag) =	ssettag $0x0;
	lr =	simm.s32 $0x1  }
0x2: {  	[smem:$0x3F9F] =	sst lr;
	_ =	strace $0xD0000000  }
0x3: {  	_ = 	snop  }
0x4: {  	_ = 	snop  }
0x5: {  	_ = 	snop  }
0x6: {  	_ = 	snop  }
0x7: {  	_ = 	snop  }
__scs_overlays_trampoline_lowered:
0x8: {  	[smem:$0x3FAE] =	sst s0  }
0x9: {  	[smem:$0x3FAF] =	sst s1  }
0xa: {  	[smem:$0x3FB0] =	sst s2  }
0xb: {  	[smem:$0x3FB1] =	sst s3  }
0xc: {  	[smem:$0x3FB2] =	sst s4  }
0xd: {  	[smem:$0x3FB3] =	sst s5  }
0xe: {  	[smem:$0x3FB4] =	sst s6  }
0xf: {  	[smem:$0x3FB5] =	sst s7  }
0x10: {  	[smem:$0x3FB6] =	sst s8  }
0x11: {  	[smem:$0x3FB7] =	sst s9;
	s0 =	simm.s32 @!p0 $0x0  }
0x12: {  	s1 =	sld [smem:$0x3F9D];
	s0 =	simm.s32 @p0 $0x1  }
0x13: {  	[smem:$0x3FB8] =	sst s0;
	s0 =	simm.s32 @!p1 $0x0  }
0x14: {  	s2 =	sld [smem:$0x3F9C];
	s0 =	simm.s32 @p1 $0x1  }
0x15: {  	[smem:$0x3FB9] =	sst s0;
	s0 =	simm.s32 @!p2 $0x0  }
0x16: {  	s3 =	sld [smem:$0x3FDB];
	s0 =	simm.s32 @p2 $0x1  }
0x17: {  	s4 =	simm.s32 $0x1BF5;
	[smem:$0x3FBB] =	sst s0  }
0x18: {  	s0 =	sld [smem:$0x3F9E];
	_ =	swait.ge [sflag:s4], $0x0  }
0x19: {  	s7 =	sld [smem:$0x3F9F]  }
0x1a: {  	s8 =	sadd.s32 $0xFFFFE003, lr  }
0x1b: {  	s9 =	sadd.s32 $0xFFFFFEF7, lr;
	s5 =	simm.s32 $0xFFFFFFFF;
	p2 =	slt.u32 s8, $0xFFFFF086  }
0x1c: {  	p1 =	slt.u32 s9, $0xF7A;
	s5 =	simm.s32 @!p2 $0x0  }
0x1d: {  	s5 =	simm.s32 @p1 $0x1;
	p0 =	seq.s32 s7, s2  }
0x1e: {  	s7 =	smul.u32 @!p0 $0xF7A, s2;
	p2 =	seq.s32 @!p0 s5, $0x0  }
0x1f: {  	s9 =	smul.u32 $0xF7A, s1;
	s8 =	simm.s32 @!p0 $0x1BF5;
	p2 =	por !p2, p0  }
0x20: {  	[sflag:s8] =	ssyncset.s32 @!p0 $0xFFFFF086;
	s6 =	sadd.s32 @!p0 s3, s7;
	s7 =	simm.s32 @!p0 $0x108  }
0x21: {  	s3 =	sadd.s32 s3, s9;
	s6 =	sadd.s32 @!p0 $0x88, s6;
	s7 =	simm.s32 @p2 $0x1082  }
0x22: {  	[simem:s7], [sflag:s8] =	dma.local @!p0 [hbm:s6], $0xF7A  }
0x23: {  	s9 =	sor.u32 $0xD0000000, s2;
	s6 =	simm.s32 $0x108;
	_ =	swait.ge @!p0 [sflag:s8], $0x0  }
0x24: {  	s3 =	sadd.s32 $0x88, s3;
	s6 =	simm.s32 @!p1 $0x1082;
	[sflag:s4] =	ssyncset.s32 $0xFFFFF086  }
0x25: {  	[simem:s6], [sflag:s4] =	dma.local [hbm:s3], $0xF7A  }
0x26: {  	[smem:$0x3F9F] =	sst s1;
	(tag) =	ssettag s2;
	_ =	strace s9  }
0x27: {  	s1 =	sld [smem:$0x3FAF]  }
0x28: {  	s2 =	sld [smem:$0x3FB0]  }
0x29: {  	s4 =	sld [smem:$0x3FB2]  }
0x2a: {  	p0 =	seq.s32 s5, $0x0;
	s5 =	sld [smem:$0x3FB3]  }
0x2b: {  	s6 =	sld [smem:$0x3FB4]  }
0x2c: {  	s7 =	sld [smem:$0x3FB5]  }
0x2d: {  	s3 =	simm.s32 $0x108;
	s8 =	sld [smem:$0x3FB6]  }
0x2e: {  	s3 =	simm.s32 @!p0 $0x1082;
	s9 =	sld [smem:$0x3FB7]  }
0x2f: {  	lr =	sadd.s32 s0, s3;
	s0 =	sld [smem:$0x3FAE]  }
0x30: {  	s3 =	sld [smem:$0x3FB1]  }
0x31: {  	[smem:$0x3FBA] =	sst s10  }
0x32: {  	s10 =	sld [smem:$0x3FB8];
	_ =	sdelay $0x3  }
0x33: {  	p0 =	seq.s32 s10, $0x1;
	s10 =	sld [smem:$0x3FBA];
	_ =	sdelay $0x3  }
0x34: {  	[smem:$0x3FBA] =	sst s10  }
0x35: {  	s10 =	sld [smem:$0x3FB9];
	_ =	sdelay $0x3  }
0x36: {  	p1 =	seq.s32 s10, $0x1;
	s10 =	sld [smem:$0x3FBA];
	_ =	sdelay $0x3  }
0x37: {  	[smem:$0x3FBA] =	sst s10  }
0x38: {  	s10 =	sld [smem:$0x3FBB]  }
0x39: {  	_ = 	snop;
	(pc) =	sbr.ind lr, $3  }
0x3a: {  	_ = 	snop  }
0x3b: {  	_ = 	snop  }
0x3c: {  	p2 =	seq.s32 s10, $0x1;
	s10 =	sld [smem:$0x3FBA]  }
0x3d: {  	_ =	shalt  }
0x3e: {  	_ =	shalt  }
0x3f: {  	_ =	shalt  }
0x40: {  	_ =	shalt  }
0x41: {  	_ =	shalt  }
0x42: {  	_ =	shalt  }
0x43: {  	_ =	shalt  }
0x44: {  	_ =	shalt  }
0x45: {  	_ =	shalt  }
0x46: {  	_ =	shalt  }
0x47: {  	_ =	shalt  }
0x48: {  	_ =	shalt  }
0x49: {  	_ =	shalt  }
0x4a: {  	_ =	shalt  }
0x4b: {  	_ =	shalt  }
0x4c: {  	_ =	shalt  }
0x4d: {  	_ =	shalt  }
0x4e: {  	_ =	shalt  }
0x4f: {  	_ =	shalt  }
0x50: {  	_ =	shalt  }
0x51: {  	_ =	shalt  }
0x52: {  	_ =	shalt  }
0x53: {  	_ =	shalt  }
0x54: {  	_ =	shalt  }
0x55: {  	_ =	shalt  }
0x56: {  	_ =	shalt  }
0x57: {  	_ =	shalt  }
0x58: {  	_ =	shalt  }
0x59: {  	_ =	shalt  }
0x5a: {  	_ =	shalt  }
0x5b: {  	_ =	shalt  }
0x5c: {  	_ =	shalt  }
0x5d: {  	_ =	shalt  }
0x5e: {  	_ =	shalt  }
0x5f: {  	_ =	shalt  }
0x60: {  	_ =	shalt  }
0x61: {  	_ =	shalt  }
0x62: {  	_ =	shalt  }
0x63: {  	_ =	shalt  }
0x64: {  	_ =	shalt  }
0x65: {  	_ =	shalt  }
0x66: {  	_ =	shalt  }
0x67: {  	_ =	shalt  }
0x68: {  	_ =	shalt  }
0x69: {  	_ =	shalt  }
0x6a: {  	_ =	shalt  }
0x6b: {  	_ =	shalt  }
0x6c: {  	_ =	shalt  }
0x6d: {  	_ =	shalt  }
0x6e: {  	_ =	shalt  }
0x6f: {  	_ =	shalt  }
0x70: {  	_ =	shalt  }
0x71: {  	_ =	shalt  }
0x72: {  	_ =	shalt  }
0x73: {  	_ =	shalt  }
0x74: {  	_ =	shalt  }
0x75: {  	_ =	shalt  }
0x76: {  	_ =	shalt  }
0x77: {  	_ =	shalt  }
0x78: {  	_ =	shalt  }
0x79: {  	_ =	shalt  }
0x7a: {  	_ =	shalt  }
0x7b: {  	_ =	shalt  }
0x7c: {  	_ =	shalt  }
0x7d: {  	_ =	shalt  }
0x7e: {  	_ =	shalt  }
0x7f: {  	_ =	shalt  }
0x80: {  	_ =	shalt  }
0x81: {  	_ =	shalt  }
0x82: {  	_ =	shalt  }
0x83: {  	_ =	shalt  }
0x84: {  	_ =	shalt  }
0x85: {  	_ =	shalt  }
0x86: {  	_ =	shalt  }
0x87: {  	_ =	shalt  }
.Lfunc_end0:
.L_simem_size_0:
called_computation_lowered:
.L_overlay_start_0:
0x88: {  	s2 =	sld [smem:$0x3FD9]  }
0x89: {  	s3 =	sld [smem:$0x3FFE];
	_ =	sdelay $0x1  }
0x8a: {  	s1 =	srdreg.scid  }
0x8b: {  	s0 =	sand.u32 $0x1, s1  }
0x8c: {  	s17 =	sshll.u32 s0, $0xA;
	s2 =	sadd.s32 s3, s2  }
0x8d: {  	s2 =	sadd.s32 s2, s17  }
0x8e: {  	[smem:$0x3FC6] =	sst s2  }
0x8f: {  	_ = 	snop  }
0x90: {  	s2 =	sld [smem:$0x3FC8];
	(tm) =	ssettm $0x1  }
0x91: {  	s18 =	sld [smem:$0x3FFB];
	_ =	sdelay $0x3  }
0x92: {  	_ =	strace s18  }
0x93: {  	s3 =	sld [smem:$0x3FFC];
	_ =	sdelay $0x3  }
0x94: {  	_ =	strace s3  }
0x95: {  	s3 =	sld [smem:$0x3FFD];
	_ =	sdelay $0x3  }
0x96: {  	_ =	strace s3  }
0x97: {  	_ =	strace $0x8FFFFFFF  }
0x98: {  	s19 =	sld [smem:$0x3FDB];
	_ =	sdelay $0x1  }
0x99: {  	s4 =	simm.s32 $_scs_section_size  }
0x9a: {  	s5 =	simm.s32 $_size__tile_overlayer_lowered;
	s6 =	simm.s32 $_tile_overlayer_lowered  }
0x9b: {  	s22 =	simm.s32 $0x1BFF;
	s21 =	sshll.u32 s6, $0x1;
	s3 =	sadd.s32 s4, s19  }
0x9c: {  	s7 =	simm.s32 $0x0;
	s20 =	sshll.u32 s5, $0x1;
	s5 =	sadd.s32 s21, s3  }
0x9d: {  	[timem:s7], [sflag:s22] =	dma.local [hbm:s5], s20  }
0x9e: {  	_ =	swait.ge [sflag:s22], s20  }
0x9f: {  	s4 =	ssub.s32 $0x0, s20;
	[sflag:s22] =	ssyncset.done $0x0  }
0xa0: {  	[sflag:s22] =	ssyncadd.s32 s4;
	_ =	sdelay $0x1  }
0xa1: {  	s23 =	simm.s32 $0x1B8B  }
0xa2: {  	_ =	swait.ge [sflag:s23], $0x1  }
0xa3: {  	[sflag:s23] =	ssyncset.done $0x0  }
0xa4: {  	s25 =	simm.s32 $0x1B8E;
	s24 =	sld [smem:$0x3FFE];
	[sflag:s23] =	ssyncadd.s32 $0xFFFFFFFF  }
0xa5: {  	s26 =	simm.s32 $execute0_lowered;
	[smem:$0x3FD2] =	sst s25  }
0xa6: {  	s5 =	sshll.u32 s26, $0x1;
	_ =	strace $0x80000046;
	[dreg:$0x1] =	wrdreg $0xFFFFFFFF  }
0xa7: {  	s28 =	simm.s32 $_size_execute0_lowered;
	s3 =	sadd.s32 s3, s5;
	[dreg:$0x0] =	wrdreg $0x0  }
0xa8: {  	s5 =	sshll.u32 s28, $0x1;
	[dreg:$0x2] =	wrdreg s3  }
0xa9: {  	[dreg:$0x3] =	wrdreg s5  }
0xaa: {  	[dreg:$0x4] =	wrdreg $0xC0  }
0xab: {  	_ =	task [dreg:s7], $0x5FFFF  }
0xac: {  	[dreg:$0x1] =	wrdreg $0xFFFFFFFF  }
0xad: {  	[dreg:$0x0] =	wrdreg $0x60  }
0xae: {  	[dreg:$0x2] =	wrdreg s2  }
0xaf: {  	[dreg:$0x3] =	wrdreg s24  }
0xb0: {  	[dreg:$0x4] =	wrdreg $0x9  }
0xb1: {  	_ =	task.clear_ibuf [dreg:s7], $0x5FFFF;
	_ =	strace $0x90000046  }
0xb2: {  	s29 =	simm.s32 $0x9;
	_ =	strace $0x80000048  }
0xb3: {  	_ =	swait.ge [sflag:s29], $0x1  }
0xb4: {  	[sflag:s29] =	ssyncadd.s32 $0xFFFFFFFF  }
0xb5: {  	_ =	strace $0x90000048  }
0xb6: {  	_ =	sfence  }
0xb7: {  	s30 =	sld [smem:$0x0];
	_ =	sdelay $0x2  }
0xb8: {  	s31 =	sshll.u32 s1, $0xD;
	s1 =	sshrl.u32 s1, $0x2  }
0xb9: {  	s3 =	sand.u32 $0x4000, s31;
	s1 =	sadd.s32 s1, s30  }
0xba: {  	s0 =	sor.u32 s3, s0;
	s1 =	sshll.u32 s1, $0x11  }
0xbb: {  	s0 =	sor.u32 s1, s0  }
0xbc: {  	s0 =	sadd.s32 $0x8F2B, s0  }
0xbd: {  	[sflag:s0] =	ssyncadd.remote.s32 $0x1  }
0xbe: {  	_ =	sfence.sel $0xFFFF  }
0xbf: {  	[dreg:$0x0] =	wrdreg $0xFFFFFFFF;
	(pc) =	sbr.abs _section_cstart, $3  }
0xc0: {  	[dreg:$0x1] =	wrdreg $0xFFFFFFFF  }
0xc1: {  	_ =	task.clear_ibuf [dreg:s7], $0x2FFFF;
	_ =	strace $0x9FFFFFFF  }
0xc2: {  	(tm) =	ssettm $0x7FFFFFFF  }
0xc3: {  	_ =	shalt  }
tec
execute0_lowered:
.L_overlay_start_1:
0x0: {  	(tag) =	ssettag $0x1  }
0x1: {  	s31 =	rddreg [dreg:$0x0]  }
0x2: {  	s0 =	rddreg [dreg:$0x1]  }
0x3: {  	s1 =	srdreg.scid;
	s7 =	stileid.u32  }
0x4: {  	v0 =	vimm.s32 $0xB80;
	vm0 =	vcmask $0x300;
	v1 =	vimm.s32 $0x1B80;
	s3 =	simm.s32 $0x0;
	s1 =	sand.u32 $0x1, s1;
	s2 =	sshll.u32 s7, $0x1  }
0x5: {  	vm1 =	vcmask $0x704;
	v0 =	vsel vm0, $0x0, v0;
	v1 =	vsel vm0, $0x1000, v1;
	[smem:$0x7FF] =	sst s3;
	s2 =	sor.u32 s1, s2  }
0x6: {  	vm15 =	vcmask $0xB08;
	s0 =	sadd.s32 $0xA00, s0;
	v0 =	vsel vm1, $0x80, v0;
	v1 =	vsel vm1, $0x1080, v1;
	_ =	strace $0x80000047;
	s24 =	sor.u32 $0x40, s2  }
0x7: {  	vm4 =	vcmask $0xF0C;
	s4 =	sshll.u32 s2, $0x7;
	v0 =	vsel vm15, $0x100, v0;
	v1 =	vsel vm15, $0x1100, v1;
	s30 =	sor.u32 $0x20, s2;
	[dreg:$0x7] =	wrdreg s24  }
0x8: {  	vm5 =	vcmask $0x1310;
	s1 =	ssub.s32 $0x2, s1;
	s6 =	sadd.s32 s31, s4;
	v0 =	vsel vm4, $0x180, v0;
	v1 =	vsel vm4, $0x1180, v1;
	[dreg:$0xf] =	wrdreg s30  }
0x9: {  	vm6 =	vcmask $0x1714;
	s5 =	sshrl.u32 s1, $0x1;
	s4 =	sadd.s32 $0x1E8500, s6;
	v0 =	vsel vm5, $0x200, v0;
	v1 =	vsel vm5, $0x1200, v1;
	[dreg:$0x3] =	wrdreg s6  }
0xa: {  	vm7 =	vcmask $0x1B18;
	s20 =	sor.u32 $0x1E80, s2;
	s21 =	sadd.s32 $0xF4280, s6;
	[dreg:$0x4] =	wrdreg s4;
	v0 =	vsel vm6, $0x280, v0;
	v1 =	vsel vm6, $0x1280, v1  }
0xb: {  	vm8 =	vcmask $0x1F1C;
	s25 =	sshll.u32 s2, $0x9;
	s22 =	sadd.s32 $0x2DC780, s6;
	[dreg:$0x5] =	wrdreg s21;
	v0 =	vsel vm7, $0x300, v0;
	v1 =	vsel vm7, $0x1300, v1  }
0xc: {  	vm9 =	vcmask $0x2320;
	s23 =	sshll.u32 s20, $0x7;
	s6 =	sadd.s32 s0, s25;
	[dreg:$0x6] =	wrdreg s22;
	v0 =	vsel vm8, $0x380, v0;
	v1 =	vsel vm8, $0x1380, v1  }
0xd: {  	vm10 =	vcmask $0x2724;
	s1 =	ssub.s32 s1, s5;
	s5 =	sadd.s32 s31, s23;
	[dreg:$0x9] =	wrdreg s6;
	v0 =	vsel vm9, $0x800, v0;
	v1 =	vsel vm9, $0x1800, v1  }
0xe: {  	vm11 =	vcmask $0x2B28;
	s29 =	smax.u32 s1, $0x1;
	[dreg:$0x8] =	wrdreg s5;
	v0 =	vsel vm10, $0x880, v0;
	v1 =	vsel vm10, $0x1880, v1  }
.Ltmp0:
0xf: {  	vm12 =	vcmask $0x2F2C;
	s26 =	sadd.s32 $0x1E8500, s5;
	[dreg:$0xe] =	wrdreg s29;
	v0 =	vsel vm11, $0x900, v0;
	v1 =	vsel vm11, $0x1900, v1;
	(pc) =	sbr.rel .LBB2_1-.Ltmp0, $4  }
0x10: {  	vm13 =	vcmask $0x3330;
	s28 =	sadd.s32 $0xF4280, s5;
	[dreg:$0xa] =	wrdreg s26;
	v0 =	vsel vm12, $0x980, v0;
	v1 =	vsel vm12, $0x1980, v1  }
0x11: {  	vm14 =	vcmask $0x3734;
	s4 =	sshll.u32 s20, $0x9;
	s5 =	sadd.s32 $0x2DC780, s5;
	[dreg:$0xb] =	wrdreg s28;
	v0 =	vsel vm13, $0xA00, v0;
	v1 =	vsel vm13, $0x1A00, v1  }
0x12: {  	p0 =	sgt.u32 s7, $0x1;
	vm15 =	vcmask $0x3B38;
	[dreg:$0xc] =	wrdreg s5;
	s0 =	sadd.s32 s0, s4;
	v0 =	vsel vm14, $0xA80, v0;
	v1 =	vsel vm14, $0x1A80, v1  }
0x13: {  	s1 =	simm.s32 $0x0;
	s21 =	simm.s32 $0x2000;
	[dreg:$0xd] =	wrdreg s0;
	v0 =	vsel vm15, $0xB00, v0;
	v1 =	vsel vm15, $0x1B00, v1  }
.LBB2_11:
0x14: {  	s1 =	sadd.s32 $0x1, s1;
	s0 =	rddreg [dreg:$0xe]  }
0x15: {  	p1 =	sne.s32 s1, s0  }
.Ltmp1:
0x16: {  	_ = 	snop;
	(pc) =	sbr.rel @!p1 .LBB2_12-.Ltmp1, $1  }
0x17: {  	_ =	sdelay $0x3  }
.LBB2_1:
0x18: {  	[dreg:$0x10] =	wrdreg s1  }
0x19: {  	s0 =	rddreg [dreg:$0x3]  }
0x1a: {  	[tilespmem:s3], [sflag:$0x1] =	stream.linear.gather [hbm4b:s0+s3], $0x400, $0x38;
	[tilespmem:$0x6000] =	vst v63  }
0x1b: {  	s24 =	rddreg [dreg:$0x5];
	s25 =	simm.s32 $0x800  }
0x1c: {  	[tilespmem:s25], [sflag:$0x1] =	stream.linear.gather [hbm4b:s24+s3], $0x400, $0x38;
	[tilespmem:$0x6000] =	vst v63  }
0x1d: {  	s26 =	rddreg [dreg:$0x4];
	s28 =	simm.s32 $0x1000  }
0x1e: {  	[tilespmem:s28], [sflag:$0x1] =	stream.linear.gather [hbm4b:s26+s3], $0x400, $0x38;
	[tilespmem:$0x6000] =	vst v63  }
0x1f: {  	s29 =	rddreg [dreg:$0x6];
	s30 =	simm.s32 $0x1800;
	s1 =	simm.s32 $0x0  }
0x20: {  	[tilespmem:s30], [sflag:$0x1] =	stream.linear.gather [hbm4b:s29+s3], $0x400, $0x38;
	[tilespmem:$0x6000] =	vst v63  }
.LBB2_2:
0x21: {  	s2 =	simm.s32 $0x1  }
0x22: {  	_ =	swait.ge [sflag:s2], $0x400  }
0x23: {  	[sflag:s2] =	ssyncset.done $0x0  }
0x24: {  	[sflag:s2] =	ssyncadd.s32 $0xFFFFFC00  }
0x25: {  	_ =	swait.ge [sflag:s2], $0x400  }
0x26: {  	[sflag:s2] =	ssyncset.done $0x0  }
0x27: {  	[sflag:s2] =	ssyncadd.s32 $0xFFFFFC00  }
0x28: {  	_ =	swait.ge [sflag:s2], $0x400  }
0x29: {  	[sflag:s2] =	ssyncset.done $0x0  }
0x2a: {  	[sflag:s2] =	ssyncadd.s32 $0xFFFFFC00  }
0x2b: {  	_ =	swait.ge [sflag:s2], $0x400  }
0x2c: {  	s11 =	sshll.u32 s1, $0x6;
	s0 =	rddreg [dreg:$0xf]  }
0x2d: {  	s0 =	sor.u32 s0, s11  }
0x2e: {  	[sflag:s2] =	ssyncset.done $0x0;
	s0 =	sshll.u32 s0, $0x7  }
0x2f: {  	[sflag:s2] =	ssyncadd.s32 $0xFFFFFC00;
	s18 =	sadd.s32 s31, s0;
	s0 =	sand.u32 $0x1FFFFF80, s0  }
0x30: {  	[tilespmem:s21], [sflag:$0x2] =	stream.linear.gather [hbm4b:s18+s3], $0x400, $0x38;
	[tilespmem:$0x6000] =	vst v63  }
0x31: {  	s4 =	simm.s32 $0x2800;
	s22 =	simm.s32 $0x3000;
	s0 =	sadd.s32 s31, s0  }
0x32: {  	s23 =	simm.s32 $0x3800;
	s24 =	simm.s32 $0x1C;
	s19 =	sadd.s32 $0xF4280, s0  }
0x33: {  	[tilespmem:s4], [sflag:$0x2] =	stream.linear.gather [hbm4b:s19+s3], $0x400, $0x38;
	[tilespmem:$0x6000] =	vst v63  }
0x34: {  	p1 =	seq.s32 s1, $0x0;
	s25 =	simm.s32 $0x4;
	s20 =	sadd.s32 $0x1E8500, s0  }
0x35: {  	[tilespmem:s22], [sflag:$0x2] =	stream.linear.gather [hbm4b:s20+s3], $0x400, $0x38;
	[tilespmem:$0x6000] =	vst v63  }
0x36: {  	s5 =	simm.s32 $0x8;
	v2 =	vor.u32 s24, v0;
	s0 =	sadd.s32 $0x2DC780, s0;
	s4 =	simm.s32 @!p1 $0x3  }
0x37: {  	v3 =	vor.u32 s25, v0;
	[tilespmem:s23], [sflag:$0x2] =	stream.linear.gather [hbm4b:s0+s3], $0x400, $0x38;
	[tilespmem:$0x6000] =	vst v63  }
0x38: {  	s6 =	simm.s32 $0x0;
	v4 =	vor.u32 s5, v0;
	_ =	swait.ge @!p1 [sflag:s4], $0x1000  }
0x39: {  	s7 =	simm.s32 $0xC;
	v5 =	vor.u32 s6, v0;
	[sflag:s4] =	ssyncset.done @!p1 $0x0  }
0x3a: {  	s28 =	simm.s32 $0x10;
	v6 =	vor.u32 s7, v0;
	[sflag:s4] =	ssyncadd.s32 @!p1 $0xFFFFF000  }
0x3b: {  	s8 =	simm.s32 $0x14;
	v7 =	vor.u32 s28, v0;
	v2 =	vld.idx.msk [tilespmem:v2+s3+$0x0], $0xffff  }
0x3c: {  	s29 =	simm.s32 $0x18;
	v8 =	vor.u32 s8, v0;
	v3 =	vld.idx.msk [tilespmem:v3+s3+$0x0], $0xffff  }
0x3d: {  	v10 =	vor.u32 s29, v0;
	v4 =	vld.idx.msk [tilespmem:v4+s3+$0x0], $0xffff  }
0x3e: {  	v9 =	vor.u32 s24, v1;
	v5 =	vld.idx.msk [tilespmem:v5+s3+$0x0], $0xffff  }
0x3f: {  	s30 =	simm.s32 $0x1D;
	s12 =	simm.s32 $0x4200;
	v11 =	vor.u32 s25, v1;
	v12 =	vor.u32 s5, v1;
	v13 =	vor.u32 s6, v1;
	v6 =	vld.idx.msk [tilespmem:v6+s3+$0x0], $0xffff  }
0x40: {  	v14 =	vor.u32 s7, v1;
	v15 =	vmov s30;
	v7 =	vld.idx.msk [tilespmem:v7+s3+$0x0], $0xffff;
	[tilespmem:s12+$0x180] =	vst v2  }
0x41: {  	s26 =	smov.u32 s31;
	v16 =	vor.u32 s28, v1;
	v17 =	vor.u32 s8, v1;
	s31 =	simm.s32 $0x5;
	v8 =	vld.idx.msk [tilespmem:v8+s3+$0x0], $0xffff;
	[tilespmem:s12+$0xFFFFFE80] =	vst v3  }
0x42: {  	v63 =	vor.u32 s29, v1;
	s6 =	simm.s32 $0xD;
	s8 =	simm.s32 $0x1;
	v18 =	vmov s31;
	[tilespmem:s12+$0xFFFFFF00] =	vst v4;
	v4 =	vld.idx.msk [tilespmem:v10+s3+$0x0], $0xffff  }
0x43: {  	s5 =	simm.s32 $0x9;
	v23 =	vmov s6;
	v24 =	vor.u32 s8, v0;
	v18 =	vshll.u32 v18, $0x3;
	[tilespmem:s12+$0xFFFFFE00] =	vst v5;
	v3 =	vld.idx.msk [tilespmem:v9+s3+$0x0], $0xffff  }
0x44: {  	v2 =	vshll.u32 v15, $0x3;
	v10 =	vand.u32 $0x7FFFFC00, v18;
	[tilespmem:s12+$0xFFFFFF80] =	vst v6;
	v9 =	vmov s5;
	v5 =	vld.idx.msk [tilespmem:v11+s3+$0x0], $0xffff  }
0x45: {  	v18 =	vshll.u32 v23, $0x3;
	[tilespmem:s12+$0x0] =	vst v7;
	v2 =	vand.u32 $0x7FFFFC00, v2;
	v13 =	vld.idx.msk [tilespmem:v13+s3+$0x0], $0xffff;
	v9 =	vshll.u32 v9, $0x3  }
0x46: {  	s7 =	simm.s32 $0x11;
	[tilespmem:s12+$0x80] =	vst v8;
	v10 =	vadd.s32 s31, v10;
	v12 =	vld.idx.msk [tilespmem:v12+s3+$0x0], $0xffff;
	v2 =	vadd.s32 s30, v2;
	v9 =	vand.u32 $0x7FFFFC00, v9  }
0x47: {  	v14 =	vld.idx.msk [tilespmem:v14+s3+$0x0], $0xffff;
	v11 =	vadd.s32 v0, v2;
	v6 =	vadd.s32 s5, v9;
	v9 =	vmov s7;
	[tilespmem:s12+$0x100] =	vst v4  }
0x48: {  	v16 =	vld.idx.msk [tilespmem:v16+s3+$0x0], $0xffff;
	v7 =	vshll.u32 v9, $0x3;
	v9 =	vand.u32 $0x7FFFFC00, v18;
	v19 =	vadd.s32 v0, v6;
	[tilespmem:s12+$0x190] =	vst v3  }
0x49: {  	s9 =	simm.s32 $0x15;
	v8 =	vadd.s32 s6, v9;
	v7 =	vand.u32 $0x7FFFFC00, v7;
	v9 =	vadd.s32 v0, v10;
	[tilespmem:s12+$0xFFFFFE90] =	vst v5;
	v5 =	vld.idx.msk [tilespmem:v17+s3+$0x0], $0xffff  }
0x4a: {  	[tilespmem:s12+$0xFFFFFE10] =	vst v13;
	v25 =	vld.idx.msk [tilespmem:v63+s3+$0x0], $0xffff;
	v3 =	vadd.s32 s7, v7;
	v7 =	vmov s9;
	v20 =	vadd.s32 v0, v8  }
0x4b: {  	s10 =	simm.s32 $0x19;
	v27 =	vld.idx.msk [tilespmem:v24+s3+$0x0], $0xffff;
	v7 =	vshll.u32 v7, $0x3;
	v26 =	vadd.s32 v0, v3  }
0x4c: {  	v32 =	vor.u32 s8, v1;
	[tilespmem:s12+$0xFFFFFF10] =	vst v12;
	v4 =	vld.idx.msk [tilespmem:v11+s3+$0x0], $0xffff;
	v11 =	vmov s10;
	v7 =	vand.u32 $0x7FFFFC00, v7  }
0x4d: {  	v2 =	vadd.s32 v1, v2;
	[tilespmem:s12+$0xFFFFFF90] =	vst v14;
	v11 =	vshll.u32 v11, $0x3;
	v7 =	vadd.s32 s9, v7;
	v30 =	vld.idx.msk [tilespmem:v19+s3+$0x0], $0xffff  }
0x4e: {  	[tilespmem:s12+$0x10] =	vst v16;
	v11 =	vand.u32 $0x7FFFFC00, v11;
	v28 =	vadd.s32 v0, v7;
	v9 =	vld.idx.msk [tilespmem:v9+s3+$0x0], $0xffff  }
0x4f: {  	v11 =	vadd.s32 s10, v11;
	[tilespmem:s12+$0x90] =	vst v5;
	v5 =	vadd.s32 v1, v6;
	v20 =	vld.idx.msk [tilespmem:v20+s3+$0x0], $0xffff  }
0x50: {  	s13 =	simm.s32 $0x1E;
	v6 =	vadd.s32 v1, v8;
	v29 =	vadd.s32 v0, v11;
	[tilespmem:s12+$0xFFFFFE20] =	vst v27;
	v8 =	vld.idx.msk [tilespmem:v26+s3+$0x0], $0xffff  }
0x51: {  	s14 =	simm.s32 $0x6;
	s15 =	simm.s32 $0xA;
	v31 =	vmov s13;
	v10 =	vadd.s32 v1, v10;
	[tilespmem:s12+$0x1A0] =	vst v4;
	v17 =	vld.idx.msk [tilespmem:v32+s3+$0x0], $0xffff  }
0x52: {  	s16 =	simm.s32 $0xE;
	v33 =	vmov s14;
	v34 =	vmov s15;
	[tilespmem:s12+$0x110] =	vst v25;
	v4 =	vshll.u32 v31, $0x3;
	v2 =	vld.idx.msk [tilespmem:v2+s3+$0x0], $0xffff  }
0x53: {  	v37 =	vmov s16;
	s18 =	simm.s32 $0x2;
	v3 =	vadd.s32 v1, v3;
	v4 =	vand.u32 $0x7FFFFC00, v4;
	[tilespmem:s12+$0xFFFFFF20] =	vst v30;
	v12 =	vld.idx.msk [tilespmem:v28+s3+$0x0], $0xffff  }
0x54: {  	s17 =	simm.s32 $0x12;
	v40 =	vor.u32 s18, v0;
	v13 =	vshll.u32 v34, $0x3;
	v4 =	vadd.s32 s13, v4;
	[tilespmem:s12+$0xFFFFFEA0] =	vst v9;
	v5 =	vld.idx.msk [tilespmem:v5+s3+$0x0], $0xffff  }
0x55: {  	v38 =	vmov s17;
	v13 =	vand.u32 $0x7FFFFC00, v13;
	v36 =	vadd.s32 v0, v4;
	v9 =	vld.idx.msk [tilespmem:v29+s3+$0x0], $0xffff;
	[tilespmem:s12+$0xFFFFFFA0] =	vst v20  }
0x56: {  	v35 =	vshll.u32 v33, $0x3;
	s19 =	simm.s32 $0x16;
	v13 =	vadd.s32 s15, v13;
	v7 =	vadd.s32 v1, v7;
	v10 =	vld.idx.msk [tilespmem:v10+s3+$0x0], $0xffff;
	[tilespmem:s12+$0x20] =	vst v8  }
0x57: {  	v39 =	vshll.u32 v38, $0x3;
	v41 =	vmov s19;
	v45 =	vadd.s32 v0, v13;
	v6 =	vld.idx.msk [tilespmem:v6+s3+$0x0], $0xffff;
	[tilespmem:s12+$0xFFFFFE30] =	vst v17  }
0x58: {  	v15 =	vand.u32 $0x7FFFFC00, v35;
	v14 =	vshll.u32 v37, $0x3;
	v11 =	vadd.s32 v1, v11;
	[tilespmem:s12+$0x1B0] =	vst v2;
	v3 =	vld.idx.msk [tilespmem:v3+s3+$0x0], $0xffff  }
0x59: {  	v44 =	vshll.u32 v41, $0x3;
	v15 =	vadd.s32 s14, v15;
	v14 =	vand.u32 $0x7FFFFC00, v14;
	v18 =	vld.idx.msk [tilespmem:v40+s3+$0x0], $0xffff;
	[tilespmem:s12+$0xA0] =	vst v12  }
0x5a: {  	v42 =	vadd.s32 v0, v15;
	v2 =	vadd.s32 s16, v14;
	v14 =	vand.u32 $0x7FFFFC00, v39;
	v8 =	vld.idx.msk [tilespmem:v36+s3+$0x0], $0xffff;
	[tilespmem:s12+$0xFFFFFF30] =	vst v5  }
0x5b: {  	v43 =	vadd.s32 s17, v14;
	v14 =	vand.u32 $0x7FFFFC00, v44;
	v46 =	vadd.s32 v0, v2;
	[tilespmem:s12+$0x120] =	vst v9;
	v7 =	vld.idx.msk [tilespmem:v7+s3+$0x0], $0xffff  }
0x5c: {  	s20 =	simm.s32 $0x1A;
	s22 =	simm.s32 $0x1F;
	v4 =	vadd.s32 v1, v4;
	v14 =	vadd.s32 s19, v14;
	[tilespmem:s12+$0xFFFFFEB0] =	vst v10;
	v16 =	vld.idx.msk [tilespmem:v45+s3+$0x0], $0xffff  }
0x5d: {  	v5 =	vmov s22;
	v9 =	vmov s20;
	v10 =	vld.idx.msk [tilespmem:v11+s3+$0x0], $0xffff;
	v11 =	vadd.s32 v0, v43;
	[tilespmem:s12+$0xFFFFFFB0] =	vst v6  }
0x5e: {  	v47 =	vadd.s32 v0, v14;
	v5 =	vshll.u32 v5, $0x3;
	v9 =	vshll.u32 v9, $0x3;
	[tilespmem:s12+$0x30] =	vst v3  }
0x5f: {  	v19 =	vld.idx.msk [tilespmem:v42+s3+$0x0], $0xffff;
	v5 =	vand.u32 $0x7FFFFC00, v5;
	v6 =	vor.u32 s18, v1;
	v9 =	vand.u32 $0x7FFFFC00, v9;
	[tilespmem:s12+$0xFFFFFE40] =	vst v18  }
0x60: {  	v15 =	vadd.s32 v1, v15;
	v3 =	vadd.s32 s22, v5;
	v9 =	vadd.s32 s20, v9;
	v5 =	vld.idx.msk [tilespmem:v46+s3+$0x0], $0xffff;
	[tilespmem:s12+$0x1C0] =	vst v8  }
0x61: {  	s24 =	simm.s32 $0xB;
	v8 =	vadd.s32 v0, v9;
	v4 =	vld.idx.msk [tilespmem:v4+s3+$0x0], $0xffff;
	[tilespmem:s12+$0xB0] =	vst v7  }
0x62: {  	s28 =	simm.s32 $0x13;
	v51 =	vmov s24;
	s23 =	simm.s32 $0x7;
	v2 =	vadd.s32 v1, v2;
	[tilespmem:s12+$0xFFFFFF40] =	vst v16;
	v11 =	vld.idx.msk [tilespmem:v11+s3+$0x0], $0xffff  }
0x63: {  	v52 =	vmov s28;
	v48 =	vmov s23;
	s30 =	simm.s32 $0x17;
	v7 =	vadd.s32 v0, v3;
	[tilespmem:s12+$0x130] =	vst v10;
	v50 =	vld.idx.msk [tilespmem:v47+s3+$0x0], $0xffff  }
0x64: {  	v49 =	vshll.u32 v48, $0x3;
	v53 =	vmov s30;
	v10 =	vadd.s32 v1, v13;
	[tilespmem:s12+$0xFFFFFEC0] =	vst v19;
	v6 =	vld.idx.msk [tilespmem:v6+s3+$0x0], $0xffff  }
0x65: {  	v12 =	vadd.s32 v1, v43;
	v18 =	vshll.u32 v51, $0x3;
	v13 =	vand.u32 $0x7FFFFC00, v49;
	v15 =	vld.idx.msk [tilespmem:v15+s3+$0x0], $0xffff;
	[tilespmem:s12+$0xFFFFFFC0] =	vst v5  }
0x66: {  	v14 =	vadd.s32 v1, v14;
	v18 =	vand.u32 $0x7FFFFC00, v18;
	v13 =	vadd.s32 s23, v13;
	v8 =	vld.idx.msk [tilespmem:v8+s3+$0x0], $0xffff;
	[tilespmem:s12+$0x1D0] =	vst v4  }
0x67: {  	s25 =	simm.s32 $0xF;
	v9 =	vadd.s32 v1, v9;
	v18 =	vadd.s32 s24, v18;
	v54 =	vadd.s32 v0, v13;
	v2 =	vld.idx.msk [tilespmem:v2+s3+$0x0], $0xffff;
	[tilespmem:s12+$0x40] =	vst v11  }
0x68: {  	s29 =	simm.s32 $0x3;
	v3 =	vadd.s32 v1, v3;
	v16 =	vshll.u32 v53, $0x3;
	v4 =	vmov s25;
	v7 =	vld.idx.msk [tilespmem:v7+s3+$0x0], $0xffff;
	[tilespmem:s12+$0xC0] =	vst v50  }
0x69: {  	v55 =	vadd.s32 v0, v18;
	v4 =	vshll.u32 v4, $0x3;
	v10 =	vld.idx.msk [tilespmem:v10+s3+$0x0], $0xffff;
	v11 =	vor.u32 s29, v0;
	[tilespmem:s12+$0xFFFFFE50] =	vst v6  }
0x6a: {  	s31 =	simm.s32 $0x1B;
	v56 =	vand.u32 $0x7FFFFC00, v16;
	v5 =	vshll.u32 v52, $0x3;
	v4 =	vand.u32 $0x7FFFFC00, v4;
	v12 =	vld.idx.msk [tilespmem:v12+s3+$0x0], $0xffff;
	[tilespmem:s12+$0xFFFFFED0] =	vst v15  }
0x6b: {  	v5 =	vand.u32 $0x7FFFFC00, v5;
	v6 =	vld.idx.msk [tilespmem:v14+s3+$0x0], $0xffff;
	v4 =	vadd.s32 s25, v4;
	[tilespmem:s12+$0x140] =	vst v8;
	v8 =	vmov s31  }
0x6c: {  	v5 =	vadd.s32 s28, v5;
	v17 =	vld.idx.msk [tilespmem:v54+s3+$0x0], $0xffff;
	v57 =	vadd.s32 v0, v4;
	v8 =	vshll.u32 v8, $0x3  }
0x6d: {  	v14 =	vadd.s32 s30, v56;
	v9 =	vld.idx.msk [tilespmem:v9+s3+$0x0], $0xffff;
	[tilespmem:s12+$0x1E0] =	vst v7;
	v7 =	vand.u32 $0x7FFFFC00, v8;
	v8 =	vadd.s32 v0, v5  }
0x6e: {  	[tilespmem:s12+$0xFFFFFFD0] =	vst v2;
	v11 =	vld.idx.msk [tilespmem:v11+s3+$0x0], $0xffff;
	v58 =	vadd.s32 s31, v7;
	v7 =	vadd.s32 v0, v14  }
0x6f: {  	v2 =	vor.u32 s29, v1;
	[tilespmem:s12+$0xFFFFFF50] =	vst v10;
	v3 =	vld.idx.msk [tilespmem:v3+s3+$0x0], $0xffff  }
0x70: {  	v19 =	vld.idx.msk [tilespmem:v55+s3+$0x0], $0xffff;
	[tilespmem:s12+$0x50] =	vst v12;
	v59 =	vadd.s32 v0, v58  }
0x71: {  	v60 =	vadd.s32 v1, v13;
	[tilespmem:s12+$0xD0] =	vst v6;
	v61 =	vld.idx.msk [tilespmem:v57+s3+$0x0], $0xffff  }
0x72: {  	v6 =	vadd.s32 v1, v18;
	[tilespmem:s12+$0xFFFFFEE0] =	vst v17;
	v62 =	vld.idx.msk [tilespmem:v8+s3+$0x0], $0xffff  }
0x73: {  	v63 =	vadd.s32 v1, v4;
	[tilespmem:s12+$0xFFFFFE60] =	vst v11;
	v10 =	vld.idx.msk [tilespmem:v7+s3+$0x0], $0xffff  }
0x74: {  	v4 =	vadd.s32 v1, v5;
	[tilespmem:s12+$0x150] =	vst v9;
	v8 =	vld.idx.msk [tilespmem:v2+s3+$0x0], $0xffff  }
0x75: {  	[tilespmem:s12+$0x1F0] =	vst v3;
	v3 =	vadd.s32 v1, v14;
	v9 =	vld.idx.msk [tilespmem:v59+s3+$0x0], $0xffff  }
0x76: {  	v7 =	vld.idx.msk [tilespmem:v60+s3+$0x0], $0xffff;
	[tilespmem:s12+$0xFFFFFF60] =	vst v19;
	v2 =	vadd.s32 v1, v58  }
0x77: {  	v5 =	vld.idx.msk [tilespmem:v6+s3+$0x0], $0xffff;
	[tilespmem:s12+$0xFFFFFFE0] =	vst v61  }
0x78: {  	s14 =	simm.s32 $0x0;
	s9 =	simm.s32 $0x3F;
	s13 =	sshll.u32 s1, $0x1;
	v6 =	vld.idx.msk [tilespmem:v63+s3+$0x0], $0xffff;
	[tilespmem:s12+$0x60] =	vst v62  }
.LBB2_3:
0x79: {  	s0 =	sadd.s32 $0xFFFFFFE5, s9;
	s6 =	sadd.s32 $0xFFFFFFFD, s9;
	s14 =	sadd.s32 $0x8, s14;
	v4 =	vld.idx.msk [tilespmem:v4+s3+$0x0], $0xffff;
	[tilespmem:s12+$0xE0] =	vst v10  }
0x7a: {  	s4 =	sadd.s32 $0xFFFFFFED, s9;
	v10 =	vor.u32 s0, v0;
	v11 =	vor.u32 s0, v1;
	s0 =	sadd.s32 $0xFFFFFFE9, s9;
	v12 =	vor.u32 s6, v0;
	p2 =	slt.u32 s14, $0x18;
	v3 =	vld.idx.msk [tilespmem:v3+s3+$0x0], $0xffff;
	[tilespmem:s12+$0x160] =	vst v9  }
0x7b: {  	s5 =	sadd.s32 $0xFFFFFFF5, s9;
	s7 =	sadd.s32 $0xFFFFFFF9, s9;
	v14 =	vor.u32 s4, v0;
	v9 =	vor.u32 s0, v0;
	v13 =	vor.u32 s0, v1;
	s0 =	sadd.s32 $0xFFFFFFF1, s9;
	[tilespmem:s12+$0xFFFFFE70] =	vst v8;
	v2 =	vld.idx.msk [tilespmem:v2+s3+$0x0], $0xffff  }
0x7c: {  	s8 =	sadd.s32 $0xFFFFFFE1, s9;
	s16 =	sadd.s32 $0xFFFFFFE6, s9;
	s2 =	sadd.s32 $0xFFFFFFEA, s9;
	v15 =	vor.u32 s5, v0;
	v16 =	vor.u32 s7, v0;
	v8 =	vor.u32 s0, v0;
	[tilespmem:s12+$0xFFFFFEF0] =	vst v7  }
0x7d: {  	s10 =	sadd.s32 $0xFFFFFFEE, s9;
	s28 =	sadd.s32 $0xFFFFFFF2, s9;
	s25 =	sadd.s32 $0xFFFFFFF6, s9;
	v17 =	vor.u32 s8, v1;
	v18 =	vor.u32 s4, v1;
	v7 =	vor.u32 s8, v0;
	[tilespmem:s12+$0xFFFFFF70] =	vst v5  }
0x7e: {  	s24 =	sadd.s32 $0xFFFFFFE2, s9;
	s30 =	sadd.s32 $0xFFFFFFE7, s9;
	v19 =	vor.u32 s5, v1;
	v20 =	vor.u32 s7, v1;
	s8 =	sadd.s32 $0xFFFFFFFA, s9;
	v5 =	vor.u32 s0, v1;
	[tilespmem:s12+$0xFFFFFFF0] =	vst v6  }
0x7f: {  	s22 =	sadd.s32 $0xFFFFFFEF, s9;
	s29 =	sadd.s32 $0xFFFFFFF3, s9;
	v21 =	vmov s2;
	v22 =	vmov s10;
	s0 =	sadd.s32 $0xFFFFFFEB, s9;
	v6 =	vmov s16;
	v12 =	vld.idx.msk [tilespmem:v12+s3+$0x0], $0xffff  }
0x80: {  	s23 =	sadd.s32 $0xFFFFFFF7, s9;
	s31 =	sadd.s32 $0xFFFFFFFB, s9;
	s4 =	sadd.s32 $0xFFFFFFE3, s9;
	v23 =	vmov s28;
	v24 =	vmov s25;
	v25 =	vmov s8;
	v10 =	vld.idx.msk [tilespmem:v10+s3+$0x0], $0xffff  }
0x81: {  	s15 =	sadd.s32 $0xFFFFFFE8, s9;
	s19 =	sadd.s32 $0xFFFFFFEC, s9;
	s5 =	sadd.s32 $0xFFFFFFF0, s9;
	v26 =	vor.u32 s6, v1;
	v21 =	vshll.u32 v21, $0x3;
	v6 =	vshll.u32 v6, $0x3;
	v9 =	vld.idx.msk [tilespmem:v9+s3+$0x0], $0xffff;
	[tilespmem:s12+$0x70] =	vst v4  }
0x82: {  	s18 =	sadd.s32 $0xFFFFFFFC, s9;
	s6 =	sadd.s32 $0xFFFFFFF4, s9;
	s7 =	sadd.s32 $0xFFFFFFF8, s9;
	v4 =	vld.idx.msk [tilespmem:v7+s3+$0x0], $0xffff;
	v7 =	vshll.u32 v22, $0x3;
	v22 =	vshll.u32 v23, $0x3;
	v23 =	vshll.u32 v24, $0x3;
	[tilespmem:s12+$0xF0] =	vst v3  }
0x83: {  	s17 =	sadd.s32 $0xFFFFFFE4, s9;
	s20 =	sadd.s32 $0xFFFFFFFE, s9;
	v3 =	vand.u32 $0x7FFFFC00, v6;
	v6 =	vand.u32 $0x7FFFFC00, v21;
	v21 =	vshll.u32 v25, $0x3;
	v14 =	vld.idx.msk [tilespmem:v14+s3+$0x0], $0xffff;
	[tilespmem:s12+$0x170] =	vst v2  }
0x84: {  	v2 =	vand.u32 $0x7FFFFC00, v7;
	s12 =	sadd.s32 $0x400, s12;
	v7 =	vld.idx.msk [tilespmem:v8+s3+$0x0], $0xffff;
	v8 =	vand.u32 $0x7FFFFC00, v22;
	v22 =	vmov s20  }
0x85: {  	v23 =	vand.u32 $0x7FFFFC00, v23;
	v21 =	vand.u32 $0x7FFFFC00, v21;
	v15 =	vld.idx.msk [tilespmem:v15+s3+$0x0], $0xffff;
	[tilespmem:s12+$0x180] =	vst v12;
	v12 =	vshll.u32 v22, $0x3  }
0x86: {  	v3 =	vadd.s32 s16, v3;
	v6 =	vadd.s32 s2, v6;
	[tilespmem:s12+$0xFFFFFE80] =	vst v10;
	v10 =	vld.idx.msk [tilespmem:v26+s3+$0x0], $0xffff;
	v12 =	vand.u32 $0x7FFFFC00, v12  }
0x87: {  	v2 =	vadd.s32 s10, v2;
	v22 =	vadd.s32 v0, v3;
	[tilespmem:s12+$0xFFFFFF00] =	vst v9;
	v9 =	vld.idx.msk [tilespmem:v16+s3+$0x0], $0xffff;
	v12 =	vadd.s32 s20, v12  }
0x88: {  	v8 =	vadd.s32 s28, v8;
	[tilespmem:s12+$0xFFFFFE00] =	vst v4;
	v4 =	vld.idx.msk [tilespmem:v11+s3+$0x0], $0xffff;
	v11 =	vadd.s32 s25, v23;
	v16 =	vadd.s32 v0, v12  }
0x89: {  	v21 =	vadd.s32 s8, v21;
	v23 =	vadd.s32 v0, v6;
	v17 =	vld.idx.msk [tilespmem:v17+s3+$0x0], $0xffff;
	[tilespmem:s12+$0xFFFFFF80] =	vst v14;
	v14 =	vadd.s32 v0, v2  }
0x8a: {  	v24 =	vor.u32 s24, v0;
	v25 =	vadd.s32 v0, v11;
	v13 =	vld.idx.msk [tilespmem:v13+s3+$0x0], $0xffff;
	[tilespmem:s12+$0x0] =	vst v7;
	v7 =	vadd.s32 v0, v8  }
0x8b: {  	v3 =	vadd.s32 v1, v3;
	v26 =	vor.u32 s24, v1;
	v18 =	vld.idx.msk [tilespmem:v18+s3+$0x0], $0xffff;
	[tilespmem:s12+$0x80] =	vst v15;
	v15 =	vadd.s32 v0, v21  }
0x8c: {  	v27 =	vmov s30;
	v6 =	vadd.s32 v1, v6;
	v2 =	vadd.s32 v1, v2;
	v5 =	vld.idx.msk [tilespmem:v5+s3+$0x0], $0xffff;
	[tilespmem:s12+$0x190] =	vst v10  }
0x8d: {  	v11 =	vadd.s32 v1, v11;
	v8 =	vadd.s32 v1, v8;
	v10 =	vmov s0;
	[tilespmem:s12+$0x100] =	vst v9;
	v9 =	vld.idx.msk [tilespmem:v16+s3+$0x0], $0xffff  }
0x8e: {  	v21 =	vadd.s32 v1, v21;
	v16 =	vmov s29;
	[tilespmem:s12+$0xFFFFFE90] =	vst v4;
	v4 =	vmov s22;
	v19 =	vld.idx.msk [tilespmem:v19+s3+$0x0], $0xffff  }
0x8f: {  	v28 =	vmov s31;
	v12 =	vadd.s32 v1, v12;
	[tilespmem:s12+$0xFFFFFE10] =	vst v17;
	v17 =	vmov s23;
	v20 =	vld.idx.msk [tilespmem:v20+s3+$0x0], $0xffff  }
0x90: {  	v27 =	vshll.u32 v27, $0x3;
	v10 =	vshll.u32 v10, $0x3;
	v4 =	vshll.u32 v4, $0x3;
	v24 =	vld.idx.msk [tilespmem:v24+s3+$0x0], $0xffff;
	[tilespmem:s12+$0xFFFFFF10] =	vst v13  }
0x91: {  	s2 =	sadd.s32 $0xFFFFFFFF, s9;
	v16 =	vshll.u32 v16, $0x3;
	v17 =	vshll.u32 v17, $0x3;
	v13 =	vld.idx.msk [tilespmem:v22+s3+$0x0], $0xffff;
	[tilespmem:s12+$0xFFFFFF90] =	vst v18;
	v18 =	vshll.u32 v28, $0x3  }
0x92: {  	v10 =	vand.u32 $0x7FFFFC00, v10;
	v22 =	vand.u32 $0x7FFFFC00, v27;
	v23 =	vld.idx.msk [tilespmem:v23+s3+$0x0], $0xffff;
	[tilespmem:s12+$0x10] =	vst v5;
	v5 =	vmov s2  }
0x93: {  	v16 =	vand.u32 $0x7FFFFC00, v16;
	v4 =	vand.u32 $0x7FFFFC00, v4;
	v14 =	vld.idx.msk [tilespmem:v14+s3+$0x0], $0xffff;
	[tilespmem:s12+$0x1A0] =	vst v9;
	v5 =	vshll.u32 v5, $0x3  }
0x94: {  	v9 =	vand.u32 $0x7FFFFC00, v17;
	v17 =	vand.u32 $0x7FFFFC00, v18;
	[tilespmem:s12+$0x90] =	vst v19;
	v12 =	vld.idx.msk [tilespmem:v12+s3+$0x0], $0xffff;
	v5 =	vand.u32 $0x7FFFFC00, v5  }
0x95: {  	v18 =	vadd.s32 s30, v22;
	v7 =	vld.idx.msk [tilespmem:v7+s3+$0x0], $0xffff;
	[tilespmem:s12+$0x110] =	vst v20;
	v5 =	vadd.s32 s2, v5  }
0x96: {  	v10 =	vadd.s32 s0, v10;
	v4 =	vadd.s32 s22, v4;
	[tilespmem:s12+$0xFFFFFE20] =	vst v24;
	v19 =	vld.idx.msk [tilespmem:v25+s3+$0x0], $0xffff;
	v20 =	vadd.s32 v0, v5  }
0x97: {  	v16 =	vadd.s32 s29, v16;
	v9 =	vadd.s32 s23, v9;
	[tilespmem:s12+$0xFFFFFEA0] =	vst v13;
	v13 =	vadd.s32 v0, v18;
	v15 =	vld.idx.msk [tilespmem:v15+s3+$0x0], $0xffff  }
0x98: {  	v17 =	vadd.s32 s31, v17;
	v24 =	vadd.s32 v0, v4;
	v22 =	vld.idx.msk [tilespmem:v26+s3+$0x0], $0xffff;
	[tilespmem:s12+$0xFFFFFF20] =	vst v23;
	v23 =	vadd.s32 v0, v10  }
0x99: {  	v25 =	vor.u32 s4, v0;
	v26 =	vadd.s32 v0, v9;
	v3 =	vld.idx.msk [tilespmem:v3+s3+$0x0], $0xffff;
	[tilespmem:s12+$0xFFFFFFA0] =	vst v14;
	v14 =	vadd.s32 v0, v16  }
0x9a: {  	v27 =	vor.u32 s4, v1;
	v28 =	vadd.s32 v0, v17;
	v18 =	vadd.s32 v1, v18;
	v6 =	vld.idx.msk [tilespmem:v6+s3+$0x0], $0xffff;
	[tilespmem:s12+$0x1B0] =	vst v12  }
0x9b: {  	v29 =	vadd.s32 v1, v4;
	v10 =	vadd.s32 v1, v10;
	v12 =	vmov s15;
	[tilespmem:s12+$0x20] =	vst v7;
	v4 =	vld.idx.msk [tilespmem:v20+s3+$0x0], $0xffff  }
0x9c: {  	v9 =	vadd.s32 v1, v9;
	v16 =	vadd.s32 v1, v16;
	v7 =	vmov s19;
	v2 =	vld.idx.msk [tilespmem:v2+s3+$0x0], $0xffff;
	[tilespmem:s12+$0xA0] =	vst v19  }
0x9d: {  	v5 =	vadd.s32 v1, v5;
	v19 =	vmov s5;
	v8 =	vld.idx.msk [tilespmem:v8+s3+$0x0], $0xffff;
	[tilespmem:s12+$0x120] =	vst v15;
	v15 =	vadd.s32 v1, v17  }
0x9e: {  	v12 =	vshll.u32 v12, $0x3;
	v20 =	vmov s7;
	v17 =	vmov s6;
	[tilespmem:s12+$0xFFFFFE30] =	vst v22;
	v11 =	vld.idx.msk [tilespmem:v11+s3+$0x0], $0xffff  }
0x9f: {  	[tilespmem:s12+$0xFFFFFEB0] =	vst v3;
	v3 =	vshll.u32 v7, $0x3;
	v7 =	vshll.u32 v19, $0x3;
	v19 =	vld.idx.msk [tilespmem:v21+s3+$0x0], $0xffff;
	v21 =	vmov s18  }
0xa0: {  	v22 =	vld.idx.msk [tilespmem:v25+s3+$0x0], $0xffff;
	[tilespmem:s12+$0xFFFFFF30] =	vst v6;
	v6 =	vshll.u32 v17, $0x3;
	v17 =	vshll.u32 v20, $0x3;
	v20 =	vmov s9  }
0xa1: {  	v12 =	vand.u32 $0x7FFFFC00, v12;
	v21 =	vshll.u32 v21, $0x3;
	v13 =	vld.idx.msk [tilespmem:v13+s3+$0x0], $0xffff;
	[tilespmem:s12+$0x1C0] =	vst v4;
	v4 =	vshll.u32 v20, $0x3  }
0xa2: {  	v3 =	vand.u32 $0x7FFFFC00, v3;
	[tilespmem:s12+$0xFFFFFFB0] =	vst v2;
	v2 =	vand.u32 $0x7FFFFC00, v7;
	v5 =	vld.idx.msk [tilespmem:v5+s3+$0x0], $0xffff;
	v4 =	vand.u32 $0x7FFFFC00, v4  }
0xa3: {  	v6 =	vand.u32 $0x7FFFFC00, v6;
	v7 =	vld.idx.msk [tilespmem:v23+s3+$0x0], $0xffff;
	[tilespmem:s12+$0x30] =	vst v8;
	v8 =	vand.u32 $0x7FFFFC00, v17;
	v17 =	vadd.s32 s9, v4  }
0xa4: {  	v4 =	vadd.s32 s15, v12;
	v12 =	vld.idx.msk [tilespmem:v24+s3+$0x0], $0xffff;
	[tilespmem:s12+$0xB0] =	vst v11;
	v11 =	vand.u32 $0x7FFFFC00, v21;
	v20 =	vadd.s32 v0, v17  }
0xa5: {  	v3 =	vadd.s32 s19, v3;
	v2 =	vadd.s32 s5, v2;
	v21 =	vadd.s32 v0, v4;
	v14 =	vld.idx.msk [tilespmem:v14+s3+$0x0], $0xffff;
	[tilespmem:s12+$0x130] =	vst v19  }
0xa6: {  	v6 =	vadd.s32 s6, v6;
	v8 =	vadd.s32 s7, v8;
	v19 =	vadd.s32 v0, v3;
	[tilespmem:s12+$0xFFFFFE40] =	vst v22;
	v22 =	vld.idx.msk [tilespmem:v26+s3+$0x0], $0xffff  }
0xa7: {  	v23 =	vadd.s32 v0, v6;
	v11 =	vadd.s32 s18, v11;
	[tilespmem:s12+$0xFFFFFEC0] =	vst v13;
	v13 =	vadd.s32 v0, v2;
	v24 =	vld.idx.msk [tilespmem:v28+s3+$0x0], $0xffff  }
0xa8: {  	v26 =	vor.u32 s17, v0;
	v28 =	vadd.s32 v0, v11;
	v25 =	vld.idx.msk [tilespmem:v27+s3+$0x0], $0xffff;
	v27 =	vadd.s32 v0, v8;
	[tilespmem:s12+$0x1D0] =	vst v5  }
0xa9: {  	v31 =	vadd.s32 v1, v3;
	v30 =	vadd.s32 v1, v4;
	v5 =	vor.u32 s17, v1;
	[tilespmem:s12+$0xFFFFFF40] =	vst v7;
	v7 =	vld.idx.msk [tilespmem:v20+s3+$0x0], $0xffff  }
0xaa: {  	v4 =	vadd.s32 v1, v6;
	v18 =	vld.idx.msk [tilespmem:v18+s3+$0x0], $0xffff;
	[tilespmem:s12+$0xFFFFFFC0] =	vst v12;
	v12 =	vadd.s32 v1, v2  }
0xab: {  	v3 =	vadd.s32 v1, v8;
	v8 =	vadd.s32 v1, v17;
	v6 =	vld.idx.msk [tilespmem:v10+s3+$0x0], $0xffff;
	[tilespmem:s12+$0x40] =	vst v14  }
0xac: {  	v2 =	vadd.s32 v1, v11;
	v10 =	vld.idx.msk [tilespmem:v29+s3+$0x0], $0xffff;
	[tilespmem:s12+$0xC0] =	vst v22  }
0xad: {  	v11 =	vld.idx.msk [tilespmem:v16+s3+$0x0], $0xffff;
	[tilespmem:s12+$0x140] =	vst v24  }
0xae: {  	[tilespmem:s12+$0xFFFFFE50] =	vst v25;
	v9 =	vld.idx.msk [tilespmem:v9+s3+$0x0], $0xffff  }
0xaf: {  	v14 =	vld.idx.msk [tilespmem:v15+s3+$0x0], $0xffff;
	[tilespmem:s12+$0x1E0] =	vst v7  }
0xb0: {  	[tilespmem:s12+$0xFFFFFED0] =	vst v18;
	v7 =	vld.idx.msk [tilespmem:v8+s3+$0x0], $0xffff  }
0xb1: {  	v8 =	vld.idx.msk [tilespmem:v26+s3+$0x0], $0xffff;
	[tilespmem:s12+$0xFFFFFF50] =	vst v6  }
0xb2: {  	v6 =	vld.idx.msk [tilespmem:v21+s3+$0x0], $0xffff;
	[tilespmem:s12+$0xFFFFFFD0] =	vst v10  }
0xb3: {  	v15 =	vld.idx.msk [tilespmem:v19+s3+$0x0], $0xffff;
	[tilespmem:s12+$0x50] =	vst v11  }
0xb4: {  	v11 =	vld.idx.msk [tilespmem:v13+s3+$0x0], $0xffff;
	[tilespmem:s12+$0xD0] =	vst v9  }
0xb5: {  	v13 =	vld.idx.msk [tilespmem:v23+s3+$0x0], $0xffff;
	[tilespmem:s12+$0x150] =	vst v14  }
0xb6: {  	v10 =	vld.idx.msk [tilespmem:v27+s3+$0x0], $0xffff;
	[tilespmem:s12+$0x1F0] =	vst v7  }
.Ltmp2:
0xb7: {  	[tilespmem:s12+$0xFFFFFE60] =	vst v8;
	v9 =	vld.idx.msk [tilespmem:v28+s3+$0x0], $0xffff;
	(pc) =	sbr.rel @p2 .LBB2_3-.Ltmp2, $4  }
0xb8: {  	v8 =	vld.idx.msk [tilespmem:v5+s3+$0x0], $0xffff;
	[tilespmem:s12+$0xFFFFFEE0] =	vst v6  }
0xb9: {  	v7 =	vld.idx.msk [tilespmem:v30+s3+$0x0], $0xffff;
	[tilespmem:s12+$0xFFFFFF60] =	vst v15  }
0xba: {  	v5 =	vld.idx.msk [tilespmem:v31+s3+$0x0], $0xffff;
	[tilespmem:s12+$0xFFFFFFE0] =	vst v11  }
0xbb: {  	s9 =	sadd.s32 $0x20, s9;
	v6 =	vld.idx.msk [tilespmem:v12+s3+$0x0], $0xffff;
	[tilespmem:s12+$0x60] =	vst v13  }
0xbc: {  	_ =	sdelay $0x2  }
0xbd: {  	[tilespmem:s12+$0xE0] =	vst v10  }
0xbe: {  	v4 =	vld.idx.msk [tilespmem:v4+s3+$0x0], $0xffff;
	[tilespmem:s12+$0x160] =	vst v9  }
0xbf: {  	v3 =	vld.idx.msk [tilespmem:v3+s3+$0x0], $0xffff;
	[tilespmem:s12+$0xFFFFFE70] =	vst v8  }
0xc0: {  	v2 =	vld.idx.msk [tilespmem:v2+s3+$0x0], $0xffff;
	[tilespmem:s12+$0xFFFFFEF0] =	vst v7  }
0xc1: {  	[tilespmem:s12+$0xFFFFFF70] =	vst v5  }
0xc2: {  	[tilespmem:s12+$0xFFFFFFF0] =	vst v6  }
0xc3: {  	[tilespmem:s12+$0x70] =	vst v4  }
0xc4: {  	[tilespmem:s12+$0xF0] =	vst v3  }
0xc5: {  	[tilespmem:s12+$0x170] =	vst v2  }
0xc6: {  	s0 =	sshll.u32 s1, $0xF;
	s2 =	rddreg [dreg:$0x9]  }
0xc7: {  	s20 =	simm.s32 $0x4000;
	s22 =	simm.s32 $0x2;
	s0 =	sadd.s32 s0, s2  }
0xc8: {  	[hbm4b:s0+s3] =	stream.linear.scatter [tilespmem:s20], [sflag:$0x3], $0x1000, $0x38;
	[tilespmem:$0x6000] =	vst v63  }
0xc9: {  	_ =	swait.ge [sflag:s22], $0x400  }
0xca: {  	[sflag:s22] =	ssyncset.done $0x0  }
0xcb: {  	[sflag:s22] =	ssyncadd.s32 $0xFFFFFC00  }
0xcc: {  	_ =	swait.ge [sflag:s22], $0x400  }
0xcd: {  	[sflag:s22] =	ssyncset.done $0x0  }
0xce: {  	[sflag:s22] =	ssyncadd.s32 $0xFFFFFC00  }
0xcf: {  	_ =	swait.ge [sflag:s22], $0x400  }
0xd0: {  	[sflag:s22] =	ssyncset.done $0x0  }
0xd1: {  	[sflag:s22] =	ssyncadd.s32 $0xFFFFFC00  }
0xd2: {  	s12 =	sor.u32 $0x1, s13;
	_ =	swait.ge [sflag:s22], $0x400  }
0xd3: {  	p2 =	sgt.u32 s12, $0xF2;
	s0 =	rddreg [dreg:$0x7]  }
0xd4: {  	s0 =	sadd.s32 @!p2 s0, s11  }
0xd5: {  	s4 =	simm.s32 @!p2 $0x0;
	[sflag:s22] =	ssyncset.done $0x0;
	s0 =	sshll.u32 @!p2 s0, $0x7  }
0xd6: {  	[sflag:s22] =	ssyncadd.s32 $0xFFFFFC00;
	s2 =	sadd.s32 @!p2 s26, s0;
	s0 =	sand.u32 @!p2 $0x1FFFFF80, s0  }
0xd7: {  	[tilespmem:s4], [sflag:$0x1] =	stream.linear.gather @!p2 [hbm4b:s2+s4], $0x400, $0x38;
	[tilespmem:$0x6000] =	vst v63  }
0xd8: {  	s0 =	sadd.s32 @!p2 s26, s0  }
0xd9: {  	s5 =	simm.s32 @!p2 $0x800;
	s2 =	sadd.s32 @!p2 $0xF4280, s0  }
0xda: {  	[tilespmem:s5], [sflag:$0x1] =	stream.linear.gather @!p2 [hbm4b:s2+s4], $0x400, $0x38;
	[tilespmem:$0x6000] =	vst v63  }
0xdb: {  	s23 =	simm.s32 $0x1C;
	s2 =	sadd.s32 @!p2 $0x1E8500, s0;
	s5 =	simm.s32 @!p2 $0x1000  }
0xdc: {  	[tilespmem:s5], [sflag:$0x1] =	stream.linear.gather @!p2 [hbm4b:s2+s4], $0x400, $0x38;
	[tilespmem:$0x6000] =	vst v63  }
0xdd: {  	s24 =	simm.s32 $0x4;
	s0 =	sadd.s32 @!p2 $0x2DC780, s0;
	s2 =	simm.s32 @!p2 $0x1800  }
0xde: {  	v2 =	vor.u32 s23, v0;
	[tilespmem:s2], [sflag:$0x1] =	stream.linear.gather @!p2 [hbm4b:s0+s4], $0x400, $0x38;
	[tilespmem:$0x6000] =	vst v63  }
0xdf: {  	s25 =	simm.s32 $0x8;
	v3 =	vor.u32 s24, v0;
	s4 =	simm.s32 @!p1 $0x4  }
0xe0: {  	s6 =	simm.s32 $0x0;
	v4 =	vor.u32 s25, v0;
	_ =	swait.ge @!p1 [sflag:s4], $0x1000  }
0xe1: {  	s7 =	simm.s32 $0xC;
	v5 =	vor.u32 s6, v0;
	[sflag:s4] =	ssyncset.done @!p1 $0x0  }
0xe2: {  	s31 =	smov.u32 s26;
	v6 =	vor.u32 s7, v0;
	s26 =	simm.s32 $0x10;
	[sflag:s4] =	ssyncadd.s32 @!p1 $0xFFFFF000  }
0xe3: {  	s8 =	simm.s32 $0x14;
	v7 =	vor.u32 s26, v0;
	v2 =	vld.idx.msk [tilespmem:v2+s21+$0x0], $0xffff  }
0xe4: {  	s28 =	simm.s32 $0x18;
	v8 =	vor.u32 s8, v0;
	v3 =	vld.idx.msk [tilespmem:v3+s21+$0x0], $0xffff  }
0xe5: {  	v10 =	vor.u32 s28, v0;
	v4 =	vld.idx.msk [tilespmem:v4+s21+$0x0], $0xffff  }
0xe6: {  	v9 =	vor.u32 s23, v1;
	v5 =	vld.idx.msk [tilespmem:v5+s21+$0x0], $0xffff  }
0xe7: {  	s29 =	simm.s32 $0x1D;
	v11 =	vor.u32 s24, v1;
	v12 =	vor.u32 s25, v1;
	v13 =	vor.u32 s6, v1;
	s11 =	simm.s32 $0x53F0;
	v6 =	vld.idx.msk [tilespmem:v6+s21+$0x0], $0xffff  }
0xe8: {  	v14 =	vor.u32 s7, v1;
	v15 =	vmov s29;
	v7 =	vld.idx.msk [tilespmem:v7+s21+$0x0], $0xffff;
	[tilespmem:s11+$0xFFFFFF90] =	vst v2  }
0xe9: {  	s30 =	simm.s32 $0x5;
	v17 =	vor.u32 s8, v1;
	v63 =	vor.u32 s28, v1;
	s8 =	simm.s32 $0x1;
	v8 =	vld.idx.msk [tilespmem:v8+s21+$0x0], $0xffff;
	[tilespmem:s11+$0xFFFFFC90] =	vst v3  }
0xea: {  	v18 =	vmov s30;
	v24 =	vor.u32 s8, v0;
	s6 =	simm.s32 $0xD;
	[tilespmem:s11+$0xFFFFFD10] =	vst v4;
	v4 =	vld.idx.msk [tilespmem:v10+s21+$0x0], $0xffff  }
0xeb: {  	v18 =	vshll.u32 v18, $0x3;
	v23 =	vmov s6;
	v16 =	vor.u32 s26, v1;
	s5 =	simm.s32 $0x9;
	[tilespmem:s11+$0xFFFFFC10] =	vst v5;
	v3 =	vld.idx.msk [tilespmem:v9+s21+$0x0], $0xffff  }
0xec: {  	v2 =	vshll.u32 v15, $0x3;
	v10 =	vand.u32 $0x7FFFFC00, v18;
	[tilespmem:s11+$0xFFFFFD90] =	vst v6;
	v9 =	vmov s5;
	v5 =	vld.idx.msk [tilespmem:v11+s21+$0x0], $0xffff  }
0xed: {  	v18 =	vshll.u32 v23, $0x3;
	[tilespmem:s11+$0xFFFFFE10] =	vst v7;
	v2 =	vand.u32 $0x7FFFFC00, v2;
	v13 =	vld.idx.msk [tilespmem:v13+s21+$0x0], $0xffff;
	v9 =	vshll.u32 v9, $0x3  }
0xee: {  	s7 =	simm.s32 $0x11;
	[tilespmem:s11+$0xFFFFFE90] =	vst v8;
	v10 =	vadd.s32 s30, v10;
	v12 =	vld.idx.msk [tilespmem:v12+s21+$0x0], $0xffff;
	v2 =	vadd.s32 s29, v2;
	v9 =	vand.u32 $0x7FFFFC00, v9  }
0xef: {  	v14 =	vld.idx.msk [tilespmem:v14+s21+$0x0], $0xffff;
	v11 =	vadd.s32 v0, v2;
	v6 =	vadd.s32 s5, v9;
	v9 =	vmov s7;
	[tilespmem:s11+$0xFFFFFF10] =	vst v4  }
0xf0: {  	v16 =	vld.idx.msk [tilespmem:v16+s21+$0x0], $0xffff;
	v7 =	vshll.u32 v9, $0x3;
	v9 =	vand.u32 $0x7FFFFC00, v18;
	v19 =	vadd.s32 v0, v6;
	[tilespmem:s11+$0xFFFFFFA0] =	vst v3  }
0xf1: {  	s9 =	simm.s32 $0x15;
	v8 =	vadd.s32 s6, v9;
	v7 =	vand.u32 $0x7FFFFC00, v7;
	v9 =	vadd.s32 v0, v10;
	[tilespmem:s11+$0xFFFFFCA0] =	vst v5;
	v5 =	vld.idx.msk [tilespmem:v17+s21+$0x0], $0xffff  }
0xf2: {  	[tilespmem:s11+$0xFFFFFC20] =	vst v13;
	v25 =	vld.idx.msk [tilespmem:v63+s21+$0x0], $0xffff;
	v3 =	vadd.s32 s7, v7;
	v7 =	vmov s9;
	v20 =	vadd.s32 v0, v8  }
0xf3: {  	s10 =	simm.s32 $0x19;
	v27 =	vld.idx.msk [tilespmem:v24+s21+$0x0], $0xffff;
	v7 =	vshll.u32 v7, $0x3;
	v26 =	vadd.s32 v0, v3  }
0xf4: {  	v32 =	vor.u32 s8, v1;
	[tilespmem:s11+$0xFFFFFD20] =	vst v12;
	v4 =	vld.idx.msk [tilespmem:v11+s21+$0x0], $0xffff;
	v11 =	vmov s10;
	v7 =	vand.u32 $0x7FFFFC00, v7  }
0xf5: {  	v2 =	vadd.s32 v1, v2;
	[tilespmem:s11+$0xFFFFFDA0] =	vst v14;
	v11 =	vshll.u32 v11, $0x3;
	v7 =	vadd.s32 s9, v7;
	v30 =	vld.idx.msk [tilespmem:v19+s21+$0x0], $0xffff  }
0xf6: {  	[tilespmem:s11+$0xFFFFFE20] =	vst v16;
	v11 =	vand.u32 $0x7FFFFC00, v11;
	v28 =	vadd.s32 v0, v7;
	v9 =	vld.idx.msk [tilespmem:v9+s21+$0x0], $0xffff  }
0xf7: {  	v11 =	vadd.s32 s10, v11;
	[tilespmem:s11+$0xFFFFFEA0] =	vst v5;
	v5 =	vadd.s32 v1, v6;
	v20 =	vld.idx.msk [tilespmem:v20+s21+$0x0], $0xffff  }
0xf8: {  	s13 =	simm.s32 $0x1E;
	v6 =	vadd.s32 v1, v8;
	v29 =	vadd.s32 v0, v11;
	[tilespmem:s11+$0xFFFFFC30] =	vst v27;
	v8 =	vld.idx.msk [tilespmem:v26+s21+$0x0], $0xffff  }
0xf9: {  	s14 =	simm.s32 $0x6;
	s15 =	simm.s32 $0xA;
	v31 =	vmov s13;
	v10 =	vadd.s32 v1, v10;
	[tilespmem:s11+$0xFFFFFFB0] =	vst v4;
	v17 =	vld.idx.msk [tilespmem:v32+s21+$0x0], $0xffff  }
0xfa: {  	s16 =	simm.s32 $0xE;
	v33 =	vmov s14;
	v34 =	vmov s15;
	[tilespmem:s11+$0xFFFFFF20] =	vst v25;
	v4 =	vshll.u32 v31, $0x3;
	v2 =	vld.idx.msk [tilespmem:v2+s21+$0x0], $0xffff  }
0xfb: {  	s18 =	simm.s32 $0x2;
	v37 =	vmov s16;
	v3 =	vadd.s32 v1, v3;
	v4 =	vand.u32 $0x7FFFFC00, v4;
	[tilespmem:s11+$0xFFFFFD30] =	vst v30;
	v12 =	vld.idx.msk [tilespmem:v28+s21+$0x0], $0xffff  }
0xfc: {  	s17 =	simm.s32 $0x12;
	v40 =	vor.u32 s18, v0;
	v13 =	vshll.u32 v34, $0x3;
	v4 =	vadd.s32 s13, v4;
	[tilespmem:s11+$0xFFFFFCB0] =	vst v9;
	v5 =	vld.idx.msk [tilespmem:v5+s21+$0x0], $0xffff  }
0xfd: {  	s19 =	simm.s32 $0x16;
	v38 =	vmov s17;
	v13 =	vand.u32 $0x7FFFFC00, v13;
	v36 =	vadd.s32 v0, v4;
	v9 =	vld.idx.msk [tilespmem:v29+s21+$0x0], $0xffff;
	[tilespmem:s11+$0xFFFFFDB0] =	vst v20  }
0xfe: {  	v41 =	vmov s19;
	v13 =	vadd.s32 s15, v13;
	v7 =	vadd.s32 v1, v7;
	v10 =	vld.idx.msk [tilespmem:v10+s21+$0x0], $0xffff;
	[tilespmem:s11+$0xFFFFFE30] =	vst v8  }
0xff: {  	v35 =	vshll.u32 v33, $0x3;
	v39 =	vshll.u32 v38, $0x3;
	v45 =	vadd.s32 v0, v13;
	v6 =	vld.idx.msk [tilespmem:v6+s21+$0x0], $0xffff;
	[tilespmem:s11+$0xFFFFFC40] =	vst v17  }
0x100: {  	v15 =	vand.u32 $0x7FFFFC00, v35;
	v14 =	vshll.u32 v37, $0x3;
	v11 =	vadd.s32 v1, v11;
	[tilespmem:s11+$0xFFFFFFC0] =	vst v2;
	v3 =	vld.idx.msk [tilespmem:v3+s21+$0x0], $0xffff  }
0x101: {  	v44 =	vshll.u32 v41, $0x3;
	v15 =	vadd.s32 s14, v15;
	v14 =	vand.u32 $0x7FFFFC00, v14;
	v18 =	vld.idx.msk [tilespmem:v40+s21+$0x0], $0xffff;
	[tilespmem:s11+$0xFFFFFEB0] =	vst v12  }
0x102: {  	v42 =	vadd.s32 v0, v15;
	v2 =	vadd.s32 s16, v14;
	v14 =	vand.u32 $0x7FFFFC00, v39;
	v8 =	vld.idx.msk [tilespmem:v36+s21+$0x0], $0xffff;
	[tilespmem:s11+$0xFFFFFD40] =	vst v5  }
0x103: {  	v43 =	vadd.s32 s17, v14;
	v14 =	vand.u32 $0x7FFFFC00, v44;
	v46 =	vadd.s32 v0, v2;
	[tilespmem:s11+$0xFFFFFF30] =	vst v9;
	v7 =	vld.idx.msk [tilespmem:v7+s21+$0x0], $0xffff  }
0x104: {  	s20 =	simm.s32 $0x1A;
	s22 =	simm.s32 $0x1F;
	v4 =	vadd.s32 v1, v4;
	v14 =	vadd.s32 s19, v14;
	[tilespmem:s11+$0xFFFFFCC0] =	vst v10;
	v16 =	vld.idx.msk [tilespmem:v45+s21+$0x0], $0xffff  }
0x105: {  	v5 =	vmov s22;
	v9 =	vmov s20;
	v10 =	vld.idx.msk [tilespmem:v11+s21+$0x0], $0xffff;
	v11 =	vadd.s32 v0, v43;
	[tilespmem:s11+$0xFFFFFDC0] =	vst v6  }
0x106: {  	v47 =	vadd.s32 v0, v14;
	v5 =	vshll.u32 v5, $0x3;
	v9 =	vshll.u32 v9, $0x3;
	[tilespmem:s11+$0xFFFFFE40] =	vst v3  }
0x107: {  	v19 =	vld.idx.msk [tilespmem:v42+s21+$0x0], $0xffff;
	v5 =	vand.u32 $0x7FFFFC00, v5;
	v6 =	vor.u32 s18, v1;
	v9 =	vand.u32 $0x7FFFFC00, v9;
	[tilespmem:s11+$0xFFFFFC50] =	vst v18  }
0x108: {  	v15 =	vadd.s32 v1, v15;
	v3 =	vadd.s32 s22, v5;
	v9 =	vadd.s32 s20, v9;
	v5 =	vld.idx.msk [tilespmem:v46+s21+$0x0], $0xffff;
	[tilespmem:s11+$0xFFFFFFD0] =	vst v8  }
0x109: {  	s23 =	simm.s32 $0x7;
	v8 =	vadd.s32 v0, v9;
	v4 =	vld.idx.msk [tilespmem:v4+s21+$0x0], $0xffff;
	[tilespmem:s11+$0xFFFFFEC0] =	vst v7  }
0x10a: {  	s24 =	simm.s32 $0xB;
	v48 =	vmov s23;
	v2 =	vadd.s32 v1, v2;
	[tilespmem:s11+$0xFFFFFD50] =	vst v16;
	v11 =	vld.idx.msk [tilespmem:v11+s21+$0x0], $0xffff  }
0x10b: {  	v51 =	vmov s24;
	v49 =	vshll.u32 v48, $0x3;
	s26 =	simm.s32 $0x13;
	s29 =	simm.s32 $0x17;
	v7 =	vadd.s32 v0, v3;
	[tilespmem:s11+$0xFFFFFF40] =	vst v10;
	v50 =	vld.idx.msk [tilespmem:v47+s21+$0x0], $0xffff  }
0x10c: {  	v52 =	vmov s26;
	v53 =	vmov s29;
	v10 =	vadd.s32 v1, v13;
	[tilespmem:s11+$0xFFFFFCD0] =	vst v19;
	v6 =	vld.idx.msk [tilespmem:v6+s21+$0x0], $0xffff  }
0x10d: {  	v12 =	vadd.s32 v1, v43;
	v18 =	vshll.u32 v51, $0x3;
	v13 =	vand.u32 $0x7FFFFC00, v49;
	v15 =	vld.idx.msk [tilespmem:v15+s21+$0x0], $0xffff;
	[tilespmem:s11+$0xFFFFFDD0] =	vst v5  }
0x10e: {  	v14 =	vadd.s32 v1, v14;
	v18 =	vand.u32 $0x7FFFFC00, v18;
	v13 =	vadd.s32 s23, v13;
	v8 =	vld.idx.msk [tilespmem:v8+s21+$0x0], $0xffff;
	[tilespmem:s11+$0xFFFFFFE0] =	vst v4  }
0x10f: {  	s25 =	simm.s32 $0xF;
	v9 =	vadd.s32 v1, v9;
	v18 =	vadd.s32 s24, v18;
	v54 =	vadd.s32 v0, v13;
	v2 =	vld.idx.msk [tilespmem:v2+s21+$0x0], $0xffff;
	[tilespmem:s11+$0xFFFFFE50] =	vst v11  }
0x110: {  	s28 =	simm.s32 $0x3;
	v3 =	vadd.s32 v1, v3;
	v16 =	vshll.u32 v53, $0x3;
	v4 =	vmov s25;
	v7 =	vld.idx.msk [tilespmem:v7+s21+$0x0], $0xffff;
	[tilespmem:s11+$0xFFFFFED0] =	vst v50  }
0x111: {  	v55 =	vadd.s32 v0, v18;
	v4 =	vshll.u32 v4, $0x3;
	v10 =	vld.idx.msk [tilespmem:v10+s21+$0x0], $0xffff;
	v11 =	vor.u32 s28, v0;
	[tilespmem:s11+$0xFFFFFC60] =	vst v6  }
0x112: {  	s30 =	simm.s32 $0x1B;
	v56 =	vand.u32 $0x7FFFFC00, v16;
	v5 =	vshll.u32 v52, $0x3;
	v4 =	vand.u32 $0x7FFFFC00, v4;
	v12 =	vld.idx.msk [tilespmem:v12+s21+$0x0], $0xffff;
	[tilespmem:s11+$0xFFFFFCE0] =	vst v15  }
0x113: {  	v5 =	vand.u32 $0x7FFFFC00, v5;
	v6 =	vld.idx.msk [tilespmem:v14+s21+$0x0], $0xffff;
	v4 =	vadd.s32 s25, v4;
	[tilespmem:s11+$0xFFFFFF50] =	vst v8;
	v8 =	vmov s30  }
0x114: {  	v5 =	vadd.s32 s26, v5;
	v17 =	vld.idx.msk [tilespmem:v54+s21+$0x0], $0xffff;
	v57 =	vadd.s32 v0, v4;
	v8 =	vshll.u32 v8, $0x3  }
0x115: {  	v14 =	vadd.s32 s29, v56;
	v9 =	vld.idx.msk [tilespmem:v9+s21+$0x0], $0xffff;
	[tilespmem:s11+$0xFFFFFFF0] =	vst v7;
	v7 =	vand.u32 $0x7FFFFC00, v8;
	v8 =	vadd.s32 v0, v5  }
0x116: {  	[tilespmem:s11+$0xFFFFFDE0] =	vst v2;
	v11 =	vld.idx.msk [tilespmem:v11+s21+$0x0], $0xffff;
	v58 =	vadd.s32 s30, v7;
	v7 =	vadd.s32 v0, v14  }
0x117: {  	v2 =	vor.u32 s28, v1;
	[tilespmem:s11+$0xFFFFFD60] =	vst v10;
	v3 =	vld.idx.msk [tilespmem:v3+s21+$0x0], $0xffff  }
0x118: {  	v19 =	vld.idx.msk [tilespmem:v55+s21+$0x0], $0xffff;
	[tilespmem:s11+$0xFFFFFE60] =	vst v12;
	v59 =	vadd.s32 v0, v58  }
0x119: {  	v60 =	vadd.s32 v1, v13;
	[tilespmem:s11+$0xFFFFFEE0] =	vst v6;
	v61 =	vld.idx.msk [tilespmem:v57+s21+$0x0], $0xffff  }
0x11a: {  	v6 =	vadd.s32 v1, v18;
	[tilespmem:s11+$0xFFFFFCF0] =	vst v17;
	v62 =	vld.idx.msk [tilespmem:v8+s21+$0x0], $0xffff  }
0x11b: {  	v63 =	vadd.s32 v1, v4;
	[tilespmem:s11+$0xFFFFFC70] =	vst v11;
	v10 =	vld.idx.msk [tilespmem:v7+s21+$0x0], $0xffff  }
0x11c: {  	v4 =	vadd.s32 v1, v5;
	[tilespmem:s11+$0xFFFFFF60] =	vst v9;
	v8 =	vld.idx.msk [tilespmem:v2+s21+$0x0], $0xffff  }
0x11d: {  	[tilespmem:s11+$0x0] =	vst v3;
	v3 =	vadd.s32 v1, v14;
	v9 =	vld.idx.msk [tilespmem:v59+s21+$0x0], $0xffff  }
0x11e: {  	v7 =	vld.idx.msk [tilespmem:v60+s21+$0x0], $0xffff;
	[tilespmem:s11+$0xFFFFFD70] =	vst v19;
	v2 =	vadd.s32 v1, v58  }
0x11f: {  	v6 =	vld.idx.msk [tilespmem:v6+s21+$0x0], $0xffff;
	[tilespmem:s11+$0xFFFFFDF0] =	vst v61  }
0x120: {  	s9 =	simm.s32 $0x3F;
	s13 =	simm.s32 $0x0;
	v5 =	vld.idx.msk [tilespmem:v63+s21+$0x0], $0xffff;
	[tilespmem:s11+$0xFFFFFE70] =	vst v62  }
.LBB2_5:
0x121: {  	s0 =	sadd.s32 $0xFFFFFFE5, s9;
	s6 =	sadd.s32 $0xFFFFFFFD, s9;
	s13 =	sadd.s32 $0x8, s13;
	v4 =	vld.idx.msk [tilespmem:v4+s21+$0x0], $0xffff;
	[tilespmem:s11+$0xFFFFFEF0] =	vst v10  }
0x122: {  	s4 =	sadd.s32 $0xFFFFFFED, s9;
	v10 =	vor.u32 s0, v0;
	v11 =	vor.u32 s0, v1;
	s0 =	sadd.s32 $0xFFFFFFE9, s9;
	v12 =	vor.u32 s6, v0;
	p1 =	slt.u32 s13, $0x18;
	v3 =	vld.idx.msk [tilespmem:v3+s21+$0x0], $0xffff;
	[tilespmem:s11+$0xFFFFFF70] =	vst v9  }
0x123: {  	s5 =	sadd.s32 $0xFFFFFFF5, s9;
	s7 =	sadd.s32 $0xFFFFFFF9, s9;
	v14 =	vor.u32 s4, v0;
	v9 =	vor.u32 s0, v0;
	v13 =	vor.u32 s0, v1;
	s0 =	sadd.s32 $0xFFFFFFF1, s9;
	[tilespmem:s11+$0xFFFFFC80] =	vst v8;
	v2 =	vld.idx.msk [tilespmem:v2+s21+$0x0], $0xffff  }
0x124: {  	s8 =	sadd.s32 $0xFFFFFFE1, s9;
	s2 =	sadd.s32 $0xFFFFFFE6, s9;
	s16 =	sadd.s32 $0xFFFFFFEA, s9;
	v15 =	vor.u32 s5, v0;
	v16 =	vor.u32 s7, v0;
	v8 =	vor.u32 s0, v0;
	[tilespmem:s11+$0xFFFFFD00] =	vst v7  }
0x125: {  	s10 =	sadd.s32 $0xFFFFFFEE, s9;
	s25 =	sadd.s32 $0xFFFFFFF2, s9;
	s28 =	sadd.s32 $0xFFFFFFF6, s9;
	v17 =	vor.u32 s8, v1;
	v18 =	vor.u32 s4, v1;
	v7 =	vor.u32 s8, v0;
	[tilespmem:s11+$0xFFFFFD80] =	vst v6  }
0x126: {  	s24 =	sadd.s32 $0xFFFFFFE2, s9;
	s29 =	sadd.s32 $0xFFFFFFE7, s9;
	v19 =	vor.u32 s5, v1;
	v20 =	vor.u32 s7, v1;
	s8 =	sadd.s32 $0xFFFFFFFA, s9;
	v6 =	vor.u32 s0, v1;
	[tilespmem:s11+$0xFFFFFE00] =	vst v5  }
0x127: {  	s22 =	sadd.s32 $0xFFFFFFEF, s9;
	s19 =	sadd.s32 $0xFFFFFFF3, s9;
	v21 =	vmov s16;
	v22 =	vmov s10;
	s0 =	sadd.s32 $0xFFFFFFEB, s9;
	v5 =	vmov s2;
	v12 =	vld.idx.msk [tilespmem:v12+s21+$0x0], $0xffff  }
0x128: {  	s23 =	sadd.s32 $0xFFFFFFF7, s9;
	s30 =	sadd.s32 $0xFFFFFFFB, s9;
	s4 =	sadd.s32 $0xFFFFFFE3, s9;
	v23 =	vmov s25;
	v24 =	vmov s28;
	v25 =	vmov s8;
	v10 =	vld.idx.msk [tilespmem:v10+s21+$0x0], $0xffff  }
0x129: {  	s15 =	sadd.s32 $0xFFFFFFE8, s9;
	s18 =	sadd.s32 $0xFFFFFFF0, s9;
	s5 =	sadd.s32 $0xFFFFFFEC, s9;
	v26 =	vor.u32 s6, v1;
	v21 =	vshll.u32 v21, $0x3;
	v5 =	vshll.u32 v5, $0x3;
	v9 =	vld.idx.msk [tilespmem:v9+s21+$0x0], $0xffff;
	[tilespmem:s11+$0xFFFFFE80] =	vst v4  }
0x12a: {  	s17 =	sadd.s32 $0xFFFFFFFC, s9;
	s6 =	sadd.s32 $0xFFFFFFF4, s9;
	s7 =	sadd.s32 $0xFFFFFFF8, s9;
	v4 =	vld.idx.msk [tilespmem:v7+s21+$0x0], $0xffff;
	v7 =	vshll.u32 v22, $0x3;
	v22 =	vshll.u32 v23, $0x3;
	v23 =	vshll.u32 v24, $0x3;
	[tilespmem:s11+$0xFFFFFF00] =	vst v3  }
0x12b: {  	s14 =	sadd.s32 $0xFFFFFFE4, s9;
	s20 =	sadd.s32 $0xFFFFFFFE, s9;
	v3 =	vand.u32 $0x7FFFFC00, v5;
	v5 =	vand.u32 $0x7FFFFC00, v21;
	v21 =	vshll.u32 v25, $0x3;
	v14 =	vld.idx.msk [tilespmem:v14+s21+$0x0], $0xffff;
	[tilespmem:s11+$0xFFFFFF80] =	vst v2  }
0x12c: {  	v2 =	vand.u32 $0x7FFFFC00, v7;
	s11 =	sadd.s32 $0x400, s11;
	v7 =	vld.idx.msk [tilespmem:v8+s21+$0x0], $0xffff;
	v8 =	vand.u32 $0x7FFFFC00, v22;
	v22 =	vmov s20  }
0x12d: {  	v23 =	vand.u32 $0x7FFFFC00, v23;
	v21 =	vand.u32 $0x7FFFFC00, v21;
	v15 =	vld.idx.msk [tilespmem:v15+s21+$0x0], $0xffff;
	[tilespmem:s11+$0xFFFFFF90] =	vst v12;
	v12 =	vshll.u32 v22, $0x3  }
0x12e: {  	v3 =	vadd.s32 s2, v3;
	v5 =	vadd.s32 s16, v5;
	[tilespmem:s11+$0xFFFFFC90] =	vst v10;
	v10 =	vld.idx.msk [tilespmem:v26+s21+$0x0], $0xffff;
	v12 =	vand.u32 $0x7FFFFC00, v12  }
0x12f: {  	v2 =	vadd.s32 s10, v2;
	v22 =	vadd.s32 v0, v3;
	[tilespmem:s11+$0xFFFFFD10] =	vst v9;
	v9 =	vld.idx.msk [tilespmem:v16+s21+$0x0], $0xffff;
	v12 =	vadd.s32 s20, v12  }
0x130: {  	v8 =	vadd.s32 s25, v8;
	[tilespmem:s11+$0xFFFFFC10] =	vst v4;
	v4 =	vld.idx.msk [tilespmem:v11+s21+$0x0], $0xffff;
	v11 =	vadd.s32 s28, v23;
	v16 =	vadd.s32 v0, v12  }
0x131: {  	v21 =	vadd.s32 s8, v21;
	v23 =	vadd.s32 v0, v5;
	v17 =	vld.idx.msk [tilespmem:v17+s21+$0x0], $0xffff;
	[tilespmem:s11+$0xFFFFFD90] =	vst v14;
	v14 =	vadd.s32 v0, v2  }
0x132: {  	v24 =	vor.u32 s24, v0;
	v25 =	vadd.s32 v0, v11;
	v13 =	vld.idx.msk [tilespmem:v13+s21+$0x0], $0xffff;
	[tilespmem:s11+$0xFFFFFE10] =	vst v7;
	v7 =	vadd.s32 v0, v8  }
0x133: {  	v3 =	vadd.s32 v1, v3;
	v26 =	vor.u32 s24, v1;
	v18 =	vld.idx.msk [tilespmem:v18+s21+$0x0], $0xffff;
	[tilespmem:s11+$0xFFFFFE90] =	vst v15;
	v15 =	vadd.s32 v0, v21  }
0x134: {  	v27 =	vmov s29;
	v5 =	vadd.s32 v1, v5;
	v2 =	vadd.s32 v1, v2;
	v6 =	vld.idx.msk [tilespmem:v6+s21+$0x0], $0xffff;
	[tilespmem:s11+$0xFFFFFFA0] =	vst v10  }
0x135: {  	v11 =	vadd.s32 v1, v11;
	v8 =	vadd.s32 v1, v8;
	v10 =	vmov s0;
	[tilespmem:s11+$0xFFFFFF10] =	vst v9;
	v9 =	vld.idx.msk [tilespmem:v16+s21+$0x0], $0xffff  }
0x136: {  	v21 =	vadd.s32 v1, v21;
	v16 =	vmov s19;
	[tilespmem:s11+$0xFFFFFCA0] =	vst v4;
	v4 =	vmov s22;
	v19 =	vld.idx.msk [tilespmem:v19+s21+$0x0], $0xffff  }
0x137: {  	v28 =	vmov s30;
	v12 =	vadd.s32 v1, v12;
	[tilespmem:s11+$0xFFFFFC20] =	vst v17;
	v17 =	vmov s23;
	v20 =	vld.idx.msk [tilespmem:v20+s21+$0x0], $0xffff  }
0x138: {  	v27 =	vshll.u32 v27, $0x3;
	v10 =	vshll.u32 v10, $0x3;
	v4 =	vshll.u32 v4, $0x3;
	v24 =	vld.idx.msk [tilespmem:v24+s21+$0x0], $0xffff;
	[tilespmem:s11+$0xFFFFFD20] =	vst v13  }
0x139: {  	s2 =	sadd.s32 $0xFFFFFFFF, s9;
	v16 =	vshll.u32 v16, $0x3;
	v17 =	vshll.u32 v17, $0x3;
	v13 =	vld.idx.msk [tilespmem:v22+s21+$0x0], $0xffff;
	[tilespmem:s11+$0xFFFFFDA0] =	vst v18;
	v18 =	vshll.u32 v28, $0x3  }
0x13a: {  	v10 =	vand.u32 $0x7FFFFC00, v10;
	v22 =	vand.u32 $0x7FFFFC00, v27;
	v23 =	vld.idx.msk [tilespmem:v23+s21+$0x0], $0xffff;
	[tilespmem:s11+$0xFFFFFE20] =	vst v6;
	v6 =	vmov s2  }
0x13b: {  	v16 =	vand.u32 $0x7FFFFC00, v16;
	v4 =	vand.u32 $0x7FFFFC00, v4;
	v14 =	vld.idx.msk [tilespmem:v14+s21+$0x0], $0xffff;
	[tilespmem:s11+$0xFFFFFFB0] =	vst v9;
	v6 =	vshll.u32 v6, $0x3  }
0x13c: {  	v9 =	vand.u32 $0x7FFFFC00, v17;
	v17 =	vand.u32 $0x7FFFFC00, v18;
	[tilespmem:s11+$0xFFFFFEA0] =	vst v19;
	v12 =	vld.idx.msk [tilespmem:v12+s21+$0x0], $0xffff;
	v6 =	vand.u32 $0x7FFFFC00, v6  }
0x13d: {  	v18 =	vadd.s32 s29, v22;
	v7 =	vld.idx.msk [tilespmem:v7+s21+$0x0], $0xffff;
	[tilespmem:s11+$0xFFFFFF20] =	vst v20;
	v6 =	vadd.s32 s2, v6  }
0x13e: {  	v10 =	vadd.s32 s0, v10;
	v4 =	vadd.s32 s22, v4;
	[tilespmem:s11+$0xFFFFFC30] =	vst v24;
	v19 =	vld.idx.msk [tilespmem:v25+s21+$0x0], $0xffff;
	v20 =	vadd.s32 v0, v6  }
0x13f: {  	v16 =	vadd.s32 s19, v16;
	v9 =	vadd.s32 s23, v9;
	[tilespmem:s11+$0xFFFFFCB0] =	vst v13;
	v13 =	vadd.s32 v0, v18;
	v15 =	vld.idx.msk [tilespmem:v15+s21+$0x0], $0xffff  }
0x140: {  	v17 =	vadd.s32 s30, v17;
	v24 =	vadd.s32 v0, v4;
	v22 =	vld.idx.msk [tilespmem:v26+s21+$0x0], $0xffff;
	[tilespmem:s11+$0xFFFFFD30] =	vst v23;
	v23 =	vadd.s32 v0, v10  }
0x141: {  	v25 =	vor.u32 s4, v0;
	v26 =	vadd.s32 v0, v9;
	v3 =	vld.idx.msk [tilespmem:v3+s21+$0x0], $0xffff;
	[tilespmem:s11+$0xFFFFFDB0] =	vst v14;
	v14 =	vadd.s32 v0, v16  }
0x142: {  	v27 =	vor.u32 s4, v1;
	v28 =	vadd.s32 v0, v17;
	v18 =	vadd.s32 v1, v18;
	v5 =	vld.idx.msk [tilespmem:v5+s21+$0x0], $0xffff;
	[tilespmem:s11+$0xFFFFFFC0] =	vst v12  }
0x143: {  	v29 =	vadd.s32 v1, v4;
	v10 =	vadd.s32 v1, v10;
	v12 =	vmov s15;
	[tilespmem:s11+$0xFFFFFE30] =	vst v7;
	v4 =	vld.idx.msk [tilespmem:v20+s21+$0x0], $0xffff  }
0x144: {  	v9 =	vadd.s32 v1, v9;
	v16 =	vadd.s32 v1, v16;
	v7 =	vmov s5;
	v2 =	vld.idx.msk [tilespmem:v2+s21+$0x0], $0xffff;
	[tilespmem:s11+$0xFFFFFEB0] =	vst v19  }
0x145: {  	v6 =	vadd.s32 v1, v6;
	v19 =	vmov s18;
	v8 =	vld.idx.msk [tilespmem:v8+s21+$0x0], $0xffff;
	[tilespmem:s11+$0xFFFFFF30] =	vst v15;
	v15 =	vadd.s32 v1, v17  }
0x146: {  	v12 =	vshll.u32 v12, $0x3;
	v20 =	vmov s7;
	v17 =	vmov s6;
	[tilespmem:s11+$0xFFFFFC40] =	vst v22;
	v11 =	vld.idx.msk [tilespmem:v11+s21+$0x0], $0xffff  }
0x147: {  	[tilespmem:s11+$0xFFFFFCC0] =	vst v3;
	v3 =	vshll.u32 v7, $0x3;
	v7 =	vshll.u32 v19, $0x3;
	v19 =	vld.idx.msk [tilespmem:v21+s21+$0x0], $0xffff;
	v21 =	vmov s17  }
0x148: {  	v22 =	vld.idx.msk [tilespmem:v25+s21+$0x0], $0xffff;
	[tilespmem:s11+$0xFFFFFD40] =	vst v5;
	v5 =	vshll.u32 v17, $0x3;
	v17 =	vshll.u32 v20, $0x3;
	v20 =	vmov s9  }
0x149: {  	v12 =	vand.u32 $0x7FFFFC00, v12;
	v21 =	vshll.u32 v21, $0x3;
	v13 =	vld.idx.msk [tilespmem:v13+s21+$0x0], $0xffff;
	[tilespmem:s11+$0xFFFFFFD0] =	vst v4;
	v4 =	vshll.u32 v20, $0x3  }
0x14a: {  	v3 =	vand.u32 $0x7FFFFC00, v3;
	[tilespmem:s11+$0xFFFFFDC0] =	vst v2;
	v2 =	vand.u32 $0x7FFFFC00, v7;
	v6 =	vld.idx.msk [tilespmem:v6+s21+$0x0], $0xffff;
	v4 =	vand.u32 $0x7FFFFC00, v4  }
0x14b: {  	v5 =	vand.u32 $0x7FFFFC00, v5;
	v7 =	vld.idx.msk [tilespmem:v23+s21+$0x0], $0xffff;
	[tilespmem:s11+$0xFFFFFE40] =	vst v8;
	v8 =	vand.u32 $0x7FFFFC00, v17;
	v17 =	vadd.s32 s9, v4  }
0x14c: {  	v4 =	vadd.s32 s15, v12;
	v12 =	vld.idx.msk [tilespmem:v24+s21+$0x0], $0xffff;
	[tilespmem:s11+$0xFFFFFEC0] =	vst v11;
	v11 =	vand.u32 $0x7FFFFC00, v21;
	v20 =	vadd.s32 v0, v17  }
0x14d: {  	v3 =	vadd.s32 s5, v3;
	v2 =	vadd.s32 s18, v2;
	v21 =	vadd.s32 v0, v4;
	v14 =	vld.idx.msk [tilespmem:v14+s21+$0x0], $0xffff;
	[tilespmem:s11+$0xFFFFFF40] =	vst v19  }
0x14e: {  	v5 =	vadd.s32 s6, v5;
	v8 =	vadd.s32 s7, v8;
	v19 =	vadd.s32 v0, v3;
	[tilespmem:s11+$0xFFFFFC50] =	vst v22;
	v22 =	vld.idx.msk [tilespmem:v26+s21+$0x0], $0xffff  }
0x14f: {  	v23 =	vadd.s32 v0, v5;
	v11 =	vadd.s32 s17, v11;
	[tilespmem:s11+$0xFFFFFCD0] =	vst v13;
	v13 =	vadd.s32 v0, v2;
	v24 =	vld.idx.msk [tilespmem:v28+s21+$0x0], $0xffff  }
0x150: {  	v26 =	vor.u32 s14, v0;
	v28 =	vadd.s32 v0, v11;
	v25 =	vld.idx.msk [tilespmem:v27+s21+$0x0], $0xffff;
	v27 =	vadd.s32 v0, v8;
	[tilespmem:s11+$0xFFFFFFE0] =	vst v6  }
0x151: {  	v31 =	vadd.s32 v1, v3;
	v30 =	vadd.s32 v1, v4;
	v6 =	vor.u32 s14, v1;
	[tilespmem:s11+$0xFFFFFD50] =	vst v7;
	v7 =	vld.idx.msk [tilespmem:v20+s21+$0x0], $0xffff  }
0x152: {  	v4 =	vadd.s32 v1, v5;
	v18 =	vld.idx.msk [tilespmem:v18+s21+$0x0], $0xffff;
	[tilespmem:s11+$0xFFFFFDD0] =	vst v12;
	v12 =	vadd.s32 v1, v2  }
0x153: {  	v3 =	vadd.s32 v1, v8;
	v8 =	vadd.s32 v1, v17;
	v5 =	vld.idx.msk [tilespmem:v10+s21+$0x0], $0xffff;
	[tilespmem:s11+$0xFFFFFE50] =	vst v14  }
0x154: {  	v2 =	vadd.s32 v1, v11;
	v10 =	vld.idx.msk [tilespmem:v29+s21+$0x0], $0xffff;
	[tilespmem:s11+$0xFFFFFED0] =	vst v22  }
0x155: {  	v11 =	vld.idx.msk [tilespmem:v16+s21+$0x0], $0xffff;
	[tilespmem:s11+$0xFFFFFF50] =	vst v24  }
0x156: {  	[tilespmem:s11+$0xFFFFFC60] =	vst v25;
	v9 =	vld.idx.msk [tilespmem:v9+s21+$0x0], $0xffff  }
0x157: {  	v14 =	vld.idx.msk [tilespmem:v15+s21+$0x0], $0xffff;
	[tilespmem:s11+$0xFFFFFFF0] =	vst v7  }
0x158: {  	[tilespmem:s11+$0xFFFFFCE0] =	vst v18;
	v7 =	vld.idx.msk [tilespmem:v8+s21+$0x0], $0xffff  }
0x159: {  	v8 =	vld.idx.msk [tilespmem:v26+s21+$0x0], $0xffff;
	[tilespmem:s11+$0xFFFFFD60] =	vst v5  }
0x15a: {  	v5 =	vld.idx.msk [tilespmem:v21+s21+$0x0], $0xffff;
	[tilespmem:s11+$0xFFFFFDE0] =	vst v10  }
0x15b: {  	v15 =	vld.idx.msk [tilespmem:v19+s21+$0x0], $0xffff;
	[tilespmem:s11+$0xFFFFFE60] =	vst v11  }
0x15c: {  	v11 =	vld.idx.msk [tilespmem:v13+s21+$0x0], $0xffff;
	[tilespmem:s11+$0xFFFFFEE0] =	vst v9  }
0x15d: {  	v13 =	vld.idx.msk [tilespmem:v23+s21+$0x0], $0xffff;
	[tilespmem:s11+$0xFFFFFF60] =	vst v14  }
0x15e: {  	v10 =	vld.idx.msk [tilespmem:v27+s21+$0x0], $0xffff;
	[tilespmem:s11+$0x0] =	vst v7  }
.Ltmp3:
0x15f: {  	[tilespmem:s11+$0xFFFFFC70] =	vst v8;
	v9 =	vld.idx.msk [tilespmem:v28+s21+$0x0], $0xffff;
	(pc) =	sbr.rel @p1 .LBB2_5-.Ltmp3, $4  }
0x160: {  	v8 =	vld.idx.msk [tilespmem:v6+s21+$0x0], $0xffff;
	[tilespmem:s11+$0xFFFFFCF0] =	vst v5  }
0x161: {  	v7 =	vld.idx.msk [tilespmem:v30+s21+$0x0], $0xffff;
	[tilespmem:s11+$0xFFFFFD70] =	vst v15  }
0x162: {  	v6 =	vld.idx.msk [tilespmem:v31+s21+$0x0], $0xffff;
	[tilespmem:s11+$0xFFFFFDF0] =	vst v11  }
0x163: {  	s9 =	sadd.s32 $0x20, s9;
	v5 =	vld.idx.msk [tilespmem:v12+s21+$0x0], $0xffff;
	[tilespmem:s11+$0xFFFFFE70] =	vst v13  }
0x164: {  	_ =	sdelay $0x2  }
0x165: {  	[tilespmem:s11+$0xFFFFFEF0] =	vst v10  }
0x166: {  	v4 =	vld.idx.msk [tilespmem:v4+s21+$0x0], $0xffff;
	[tilespmem:s11+$0xFFFFFF70] =	vst v9  }
0x167: {  	v3 =	vld.idx.msk [tilespmem:v3+s21+$0x0], $0xffff;
	[tilespmem:s11+$0xFFFFFC80] =	vst v8  }
0x168: {  	v2 =	vld.idx.msk [tilespmem:v2+s21+$0x0], $0xffff;
	[tilespmem:s11+$0xFFFFFD00] =	vst v7  }
0x169: {  	[tilespmem:s11+$0xFFFFFD80] =	vst v6  }
0x16a: {  	s1 =	sadd.s32 $0x1, s1;
	[tilespmem:s11+$0xFFFFFE00] =	vst v5  }
0x16b: {  	p1 =	sne.s32 s1, $0x7A;
	[tilespmem:s11+$0xFFFFFE80] =	vst v4  }
.Ltmp4:
0x16c: {  	[tilespmem:s11+$0xFFFFFF00] =	vst v3;
	(pc) =	sbr.rel @p1 .LBB2_2-.Ltmp4, $4  }
0x16d: {  	[tilespmem:s11+$0xFFFFFF80] =	vst v2  }
0x16e: {  	s0 =	sshll.u32 s12, $0xE;
	s2 =	rddreg [dreg:$0x9]  }
0x16f: {  	s30 =	simm.s32 $0x5000;
	s0 =	sadd.s32 s0, s2  }
0x170: {  	[hbm4b:s0+s3] =	stream.linear.scatter [tilespmem:s30], [sflag:$0x4], $0x1000, $0x38;
	[tilespmem:$0x6000] =	vst v63  }
0x171: {  	s0 =	simm.s32 $0x3  }
0x172: {  	_ =	swait.ge [sflag:s0], $0x1000  }
.Ltmp5:
0x173: {  	[sflag:s0] =	ssyncset.done $0x0;
	(pc) =	sbr.rel @p0 .LBB2_11-.Ltmp5, $4  }
0x174: {  	s30 =	simm.s32 $0x4;
	[sflag:s0] =	ssyncadd.s32 $0xFFFFF000  }
0x175: {  	_ =	swait.ge [sflag:s30], $0x1000  }
0x176: {  	[sflag:s30] =	ssyncset.done $0x0  }
0x177: {  	s1 =	rddreg [dreg:$0x10];
	[sflag:s30] =	ssyncadd.s32 $0xFFFFF000  }
0x178: {  	s0 =	rddreg [dreg:$0x8];
	s6 =	simm.s32 $0x5  }
0x179: {  	[tilespmem:s3], [sflag:$0x5] =	stream.linear.gather [hbm4b:s0+s3], $0x400, $0x38;
	[tilespmem:$0x6000] =	vst v63  }
0x17a: {  	_ =	swait.ge [sflag:s6], $0x400  }
0x17b: {  	[sflag:s6] =	ssyncset.done $0x0  }
0x17c: {  	s1 =	simm.s32 $0x800;
	s19 =	rddreg [dreg:$0xb];
	[sflag:s6] =	ssyncadd.s32 $0xFFFFFC00  }
0x17d: {  	[tilespmem:s1], [sflag:$0x5] =	stream.linear.gather [hbm4b:s19+s3], $0x400, $0x38;
	[tilespmem:$0x6000] =	vst v63  }
0x17e: {  	_ =	swait.ge [sflag:s6], $0x400  }
0x17f: {  	[sflag:s6] =	ssyncset.done $0x0  }
0x180: {  	s22 =	simm.s32 $0x1000;
	s20 =	rddreg [dreg:$0xa];
	[sflag:s6] =	ssyncadd.s32 $0xFFFFFC00  }
0x181: {  	[tilespmem:s22], [sflag:$0x5] =	stream.linear.gather [hbm4b:s20+s3], $0x400, $0x38;
	[tilespmem:$0x6000] =	vst v63  }
0x182: {  	s24 =	simm.s32 $0x1800;
	_ =	swait.ge [sflag:s6], $0x400  }
0x183: {  	s25 =	simm.s32 $0x1C;
	s26 =	simm.s32 $0x4;
	[sflag:s6] =	ssyncset.done $0x0  }
0x184: {  	s2 =	simm.s32 $0x8;
	v2 =	vor.u32 s25, v0;
	s23 =	rddreg [dreg:$0xc];
	[sflag:s6] =	ssyncadd.s32 $0xFFFFFC00  }
0x185: {  	v3 =	vor.u32 s26, v0;
	[tilespmem:s24], [sflag:$0x5] =	stream.linear.gather [hbm4b:s23+s3], $0x400, $0x38;
	[tilespmem:$0x6000] =	vst v63  }
0x186: {  	s4 =	simm.s32 $0x0;
	v4 =	vor.u32 s2, v0;
	_ =	swait.ge [sflag:s6], $0x400  }
0x187: {  	s5 =	simm.s32 $0xC;
	v5 =	vor.u32 s4, v0;
	[sflag:s6] =	ssyncset.done $0x0  }
0x188: {  	s28 =	simm.s32 $0x10;
	v6 =	vor.u32 s5, v0;
	[sflag:s6] =	ssyncadd.s32 $0xFFFFFC00  }
0x189: {  	s7 =	simm.s32 $0x14;
	v7 =	vor.u32 s28, v0;
	v2 =	vld.idx.msk [tilespmem:v2+s3+$0x0], $0xffff  }
0x18a: {  	s29 =	simm.s32 $0x18;
	v8 =	vor.u32 s7, v0;
	v3 =	vld.idx.msk [tilespmem:v3+s3+$0x0], $0xffff  }
0x18b: {  	v10 =	vor.u32 s29, v0;
	v4 =	vld.idx.msk [tilespmem:v4+s3+$0x0], $0xffff  }
0x18c: {  	v9 =	vor.u32 s25, v1;
	v5 =	vld.idx.msk [tilespmem:v5+s3+$0x0], $0xffff  }
0x18d: {  	s30 =	simm.s32 $0x1D;
	v11 =	vor.u32 s26, v1;
	v12 =	vor.u32 s2, v1;
	v13 =	vor.u32 s4, v1;
	s1 =	simm.s32 $0x4200;
	v6 =	vld.idx.msk [tilespmem:v6+s3+$0x0], $0xffff  }
0x18e: {  	v14 =	vor.u32 s5, v1;
	v15 =	vmov s30;
	v7 =	vld.idx.msk [tilespmem:v7+s3+$0x0], $0xffff;
	[tilespmem:s1+$0x180] =	vst v2  }
0x18f: {  	v16 =	vor.u32 s28, v1;
	v17 =	vor.u32 s7, v1;
	s6 =	simm.s32 $0x5;
	v8 =	vld.idx.msk [tilespmem:v8+s3+$0x0], $0xffff;
	[tilespmem:s1+$0xFFFFFE80] =	vst v3  }
0x190: {  	s8 =	simm.s32 $0xD;
	s10 =	simm.s32 $0x1;
	v63 =	vor.u32 s29, v1;
	v18 =	vmov s6;
	[tilespmem:s1+$0xFFFFFF00] =	vst v4;
	v4 =	vld.idx.msk [tilespmem:v10+s3+$0x0], $0xffff  }
0x191: {  	s7 =	simm.s32 $0x9;
	v23 =	vmov s8;
	v24 =	vor.u32 s10, v0;
	v18 =	vshll.u32 v18, $0x3;
	[tilespmem:s1+$0xFFFFFE00] =	vst v5;
	v3 =	vld.idx.msk [tilespmem:v9+s3+$0x0], $0xffff  }
0x192: {  	v2 =	vshll.u32 v15, $0x3;
	v10 =	vand.u32 $0x7FFFFC00, v18;
	[tilespmem:s1+$0xFFFFFF80] =	vst v6;
	v9 =	vmov s7;
	v5 =	vld.idx.msk [tilespmem:v11+s3+$0x0], $0xffff  }
0x193: {  	v18 =	vshll.u32 v23, $0x3;
	[tilespmem:s1+$0x0] =	vst v7;
	v2 =	vand.u32 $0x7FFFFC00, v2;
	v13 =	vld.idx.msk [tilespmem:v13+s3+$0x0], $0xffff;
	v9 =	vshll.u32 v9, $0x3  }
0x194: {  	s9 =	simm.s32 $0x11;
	[tilespmem:s1+$0x80] =	vst v8;
	v10 =	vadd.s32 s6, v10;
	v12 =	vld.idx.msk [tilespmem:v12+s3+$0x0], $0xffff;
	v2 =	vadd.s32 s30, v2;
	v9 =	vand.u32 $0x7FFFFC00, v9  }
0x195: {  	v14 =	vld.idx.msk [tilespmem:v14+s3+$0x0], $0xffff;
	v11 =	vadd.s32 v0, v2;
	v6 =	vadd.s32 s7, v9;
	v9 =	vmov s9;
	[tilespmem:s1+$0x100] =	vst v4  }
0x196: {  	v16 =	vld.idx.msk [tilespmem:v16+s3+$0x0], $0xffff;
	v7 =	vshll.u32 v9, $0x3;
	v9 =	vand.u32 $0x7FFFFC00, v18;
	v19 =	vadd.s32 v0, v6;
	[tilespmem:s1+$0x190] =	vst v3  }
0x197: {  	s11 =	simm.s32 $0x15;
	v8 =	vadd.s32 s8, v9;
	v7 =	vand.u32 $0x7FFFFC00, v7;
	v9 =	vadd.s32 v0, v10;
	[tilespmem:s1+$0xFFFFFE90] =	vst v5;
	v5 =	vld.idx.msk [tilespmem:v17+s3+$0x0], $0xffff  }
0x198: {  	[tilespmem:s1+$0xFFFFFE10] =	vst v13;
	v25 =	vld.idx.msk [tilespmem:v63+s3+$0x0], $0xffff;
	v3 =	vadd.s32 s9, v7;
	v7 =	vmov s11;
	v20 =	vadd.s32 v0, v8  }
0x199: {  	s12 =	simm.s32 $0x19;
	v27 =	vld.idx.msk [tilespmem:v24+s3+$0x0], $0xffff;
	v7 =	vshll.u32 v7, $0x3;
	v26 =	vadd.s32 v0, v3  }
0x19a: {  	v32 =	vor.u32 s10, v1;
	[tilespmem:s1+$0xFFFFFF10] =	vst v12;
	v4 =	vld.idx.msk [tilespmem:v11+s3+$0x0], $0xffff;
	v11 =	vmov s12;
	v7 =	vand.u32 $0x7FFFFC00, v7  }
0x19b: {  	v2 =	vadd.s32 v1, v2;
	[tilespmem:s1+$0xFFFFFF90] =	vst v14;
	v11 =	vshll.u32 v11, $0x3;
	v7 =	vadd.s32 s11, v7;
	v30 =	vld.idx.msk [tilespmem:v19+s3+$0x0], $0xffff  }
0x19c: {  	[tilespmem:s1+$0x10] =	vst v16;
	v11 =	vand.u32 $0x7FFFFC00, v11;
	v28 =	vadd.s32 v0, v7;
	v9 =	vld.idx.msk [tilespmem:v9+s3+$0x0], $0xffff  }
0x19d: {  	v11 =	vadd.s32 s12, v11;
	[tilespmem:s1+$0x90] =	vst v5;
	v5 =	vadd.s32 v1, v6;
	v20 =	vld.idx.msk [tilespmem:v20+s3+$0x0], $0xffff  }
0x19e: {  	s13 =	simm.s32 $0x1E;
	v6 =	vadd.s32 v1, v8;
	v29 =	vadd.s32 v0, v11;
	[tilespmem:s1+$0xFFFFFE20] =	vst v27;
	v8 =	vld.idx.msk [tilespmem:v26+s3+$0x0], $0xffff  }
0x19f: {  	s14 =	simm.s32 $0x6;
	s15 =	simm.s32 $0xA;
	v31 =	vmov s13;
	v10 =	vadd.s32 v1, v10;
	[tilespmem:s1+$0x1A0] =	vst v4;
	v17 =	vld.idx.msk [tilespmem:v32+s3+$0x0], $0xffff  }
0x1a0: {  	s16 =	simm.s32 $0xE;
	v33 =	vmov s14;
	v34 =	vmov s15;
	[tilespmem:s1+$0x110] =	vst v25;
	v4 =	vshll.u32 v31, $0x3;
	v2 =	vld.idx.msk [tilespmem:v2+s3+$0x0], $0xffff  }
0x1a1: {  	s18 =	simm.s32 $0x2;
	v37 =	vmov s16;
	v3 =	vadd.s32 v1, v3;
	v4 =	vand.u32 $0x7FFFFC00, v4;
	[tilespmem:s1+$0xFFFFFF20] =	vst v30;
	v12 =	vld.idx.msk [tilespmem:v28+s3+$0x0], $0xffff  }
0x1a2: {  	s17 =	simm.s32 $0x12;
	v40 =	vor.u32 s18, v0;
	v13 =	vshll.u32 v34, $0x3;
	v4 =	vadd.s32 s13, v4;
	[tilespmem:s1+$0xFFFFFEA0] =	vst v9;
	v5 =	vld.idx.msk [tilespmem:v5+s3+$0x0], $0xffff  }
0x1a3: {  	v38 =	vmov s17;
	v13 =	vand.u32 $0x7FFFFC00, v13;
	v36 =	vadd.s32 v0, v4;
	v9 =	vld.idx.msk [tilespmem:v29+s3+$0x0], $0xffff;
	[tilespmem:s1+$0xFFFFFFA0] =	vst v20  }
0x1a4: {  	v35 =	vshll.u32 v33, $0x3;
	s19 =	simm.s32 $0x16;
	v13 =	vadd.s32 s15, v13;
	v7 =	vadd.s32 v1, v7;
	v10 =	vld.idx.msk [tilespmem:v10+s3+$0x0], $0xffff;
	[tilespmem:s1+$0x20] =	vst v8  }
0x1a5: {  	v39 =	vshll.u32 v38, $0x3;
	v41 =	vmov s19;
	v45 =	vadd.s32 v0, v13;
	v6 =	vld.idx.msk [tilespmem:v6+s3+$0x0], $0xffff;
	[tilespmem:s1+$0xFFFFFE30] =	vst v17  }
0x1a6: {  	v15 =	vand.u32 $0x7FFFFC00, v35;
	v14 =	vshll.u32 v37, $0x3;
	v11 =	vadd.s32 v1, v11;
	[tilespmem:s1+$0x1B0] =	vst v2;
	v3 =	vld.idx.msk [tilespmem:v3+s3+$0x0], $0xffff  }
0x1a7: {  	v44 =	vshll.u32 v41, $0x3;
	v15 =	vadd.s32 s14, v15;
	v14 =	vand.u32 $0x7FFFFC00, v14;
	v18 =	vld.idx.msk [tilespmem:v40+s3+$0x0], $0xffff;
	[tilespmem:s1+$0xA0] =	vst v12  }
0x1a8: {  	v42 =	vadd.s32 v0, v15;
	v2 =	vadd.s32 s16, v14;
	v14 =	vand.u32 $0x7FFFFC00, v39;
	v8 =	vld.idx.msk [tilespmem:v36+s3+$0x0], $0xffff;
	[tilespmem:s1+$0xFFFFFF30] =	vst v5  }
0x1a9: {  	v43 =	vadd.s32 s17, v14;
	v14 =	vand.u32 $0x7FFFFC00, v44;
	v46 =	vadd.s32 v0, v2;
	[tilespmem:s1+$0x120] =	vst v9;
	v7 =	vld.idx.msk [tilespmem:v7+s3+$0x0], $0xffff  }
0x1aa: {  	s20 =	simm.s32 $0x1A;
	s22 =	simm.s32 $0x1F;
	v4 =	vadd.s32 v1, v4;
	v14 =	vadd.s32 s19, v14;
	[tilespmem:s1+$0xFFFFFEB0] =	vst v10;
	v16 =	vld.idx.msk [tilespmem:v45+s3+$0x0], $0xffff  }
0x1ab: {  	v5 =	vmov s22;
	v9 =	vmov s20;
	v10 =	vld.idx.msk [tilespmem:v11+s3+$0x0], $0xffff;
	v11 =	vadd.s32 v0, v43;
	[tilespmem:s1+$0xFFFFFFB0] =	vst v6  }
0x1ac: {  	v47 =	vadd.s32 v0, v14;
	v5 =	vshll.u32 v5, $0x3;
	v9 =	vshll.u32 v9, $0x3;
	[tilespmem:s1+$0x30] =	vst v3  }
0x1ad: {  	v19 =	vld.idx.msk [tilespmem:v42+s3+$0x0], $0xffff;
	v5 =	vand.u32 $0x7FFFFC00, v5;
	v6 =	vor.u32 s18, v1;
	v9 =	vand.u32 $0x7FFFFC00, v9;
	[tilespmem:s1+$0xFFFFFE40] =	vst v18  }
0x1ae: {  	v15 =	vadd.s32 v1, v15;
	v3 =	vadd.s32 s22, v5;
	v9 =	vadd.s32 s20, v9;
	v5 =	vld.idx.msk [tilespmem:v46+s3+$0x0], $0xffff;
	[tilespmem:s1+$0x1C0] =	vst v8  }
0x1af: {  	s26 =	simm.s32 $0x13;
	v8 =	vadd.s32 v0, v9;
	v4 =	vld.idx.msk [tilespmem:v4+s3+$0x0], $0xffff;
	[tilespmem:s1+$0xB0] =	vst v7  }
0x1b0: {  	s29 =	simm.s32 $0x17;
	v52 =	vmov s26;
	s23 =	simm.s32 $0x7;
	v2 =	vadd.s32 v1, v2;
	[tilespmem:s1+$0xFFFFFF40] =	vst v16;
	v11 =	vld.idx.msk [tilespmem:v11+s3+$0x0], $0xffff  }
0x1b1: {  	v53 =	vmov s29;
	s24 =	simm.s32 $0xB;
	v48 =	vmov s23;
	v7 =	vadd.s32 v0, v3;
	[tilespmem:s1+$0x130] =	vst v10;
	v50 =	vld.idx.msk [tilespmem:v47+s3+$0x0], $0xffff  }
0x1b2: {  	v51 =	vmov s24;
	v49 =	vshll.u32 v48, $0x3;
	v10 =	vadd.s32 v1, v13;
	[tilespmem:s1+$0xFFFFFEC0] =	vst v19;
	v6 =	vld.idx.msk [tilespmem:v6+s3+$0x0], $0xffff  }
0x1b3: {  	v12 =	vadd.s32 v1, v43;
	v18 =	vshll.u32 v51, $0x3;
	v13 =	vand.u32 $0x7FFFFC00, v49;
	v15 =	vld.idx.msk [tilespmem:v15+s3+$0x0], $0xffff;
	[tilespmem:s1+$0xFFFFFFC0] =	vst v5  }
0x1b4: {  	v14 =	vadd.s32 v1, v14;
	v18 =	vand.u32 $0x7FFFFC00, v18;
	v13 =	vadd.s32 s23, v13;
	v8 =	vld.idx.msk [tilespmem:v8+s3+$0x0], $0xffff;
	[tilespmem:s1+$0x1D0] =	vst v4  }
0x1b5: {  	s25 =	simm.s32 $0xF;
	v9 =	vadd.s32 v1, v9;
	v18 =	vadd.s32 s24, v18;
	v54 =	vadd.s32 v0, v13;
	v2 =	vld.idx.msk [tilespmem:v2+s3+$0x0], $0xffff;
	[tilespmem:s1+$0x40] =	vst v11  }
0x1b6: {  	s28 =	simm.s32 $0x3;
	v3 =	vadd.s32 v1, v3;
	v16 =	vshll.u32 v53, $0x3;
	v4 =	vmov s25;
	v7 =	vld.idx.msk [tilespmem:v7+s3+$0x0], $0xffff;
	[tilespmem:s1+$0xC0] =	vst v50  }
0x1b7: {  	v55 =	vadd.s32 v0, v18;
	v4 =	vshll.u32 v4, $0x3;
	v10 =	vld.idx.msk [tilespmem:v10+s3+$0x0], $0xffff;
	v11 =	vor.u32 s28, v0;
	[tilespmem:s1+$0xFFFFFE50] =	vst v6  }
0x1b8: {  	s30 =	simm.s32 $0x1B;
	v56 =	vand.u32 $0x7FFFFC00, v16;
	v5 =	vshll.u32 v52, $0x3;
	v4 =	vand.u32 $0x7FFFFC00, v4;
	v12 =	vld.idx.msk [tilespmem:v12+s3+$0x0], $0xffff;
	[tilespmem:s1+$0xFFFFFED0] =	vst v15  }
0x1b9: {  	v5 =	vand.u32 $0x7FFFFC00, v5;
	v6 =	vld.idx.msk [tilespmem:v14+s3+$0x0], $0xffff;
	v4 =	vadd.s32 s25, v4;
	[tilespmem:s1+$0x140] =	vst v8;
	v8 =	vmov s30  }
0x1ba: {  	v5 =	vadd.s32 s26, v5;
	v17 =	vld.idx.msk [tilespmem:v54+s3+$0x0], $0xffff;
	v57 =	vadd.s32 v0, v4;
	v8 =	vshll.u32 v8, $0x3  }
0x1bb: {  	v14 =	vadd.s32 s29, v56;
	v9 =	vld.idx.msk [tilespmem:v9+s3+$0x0], $0xffff;
	[tilespmem:s1+$0x1E0] =	vst v7;
	v7 =	vand.u32 $0x7FFFFC00, v8;
	v8 =	vadd.s32 v0, v5  }
0x1bc: {  	[tilespmem:s1+$0xFFFFFFD0] =	vst v2;
	v11 =	vld.idx.msk [tilespmem:v11+s3+$0x0], $0xffff;
	v58 =	vadd.s32 s30, v7;
	v7 =	vadd.s32 v0, v14  }
0x1bd: {  	v2 =	vor.u32 s28, v1;
	[tilespmem:s1+$0xFFFFFF50] =	vst v10;
	v3 =	vld.idx.msk [tilespmem:v3+s3+$0x0], $0xffff  }
0x1be: {  	v19 =	vld.idx.msk [tilespmem:v55+s3+$0x0], $0xffff;
	[tilespmem:s1+$0x50] =	vst v12;
	v59 =	vadd.s32 v0, v58  }
0x1bf: {  	v60 =	vadd.s32 v1, v13;
	[tilespmem:s1+$0xD0] =	vst v6;
	v61 =	vld.idx.msk [tilespmem:v57+s3+$0x0], $0xffff  }
0x1c0: {  	v6 =	vadd.s32 v1, v18;
	[tilespmem:s1+$0xFFFFFEE0] =	vst v17;
	v62 =	vld.idx.msk [tilespmem:v8+s3+$0x0], $0xffff  }
0x1c1: {  	v63 =	vadd.s32 v1, v4;
	[tilespmem:s1+$0xFFFFFE60] =	vst v11;
	v10 =	vld.idx.msk [tilespmem:v7+s3+$0x0], $0xffff  }
0x1c2: {  	v4 =	vadd.s32 v1, v5;
	[tilespmem:s1+$0x150] =	vst v9;
	v8 =	vld.idx.msk [tilespmem:v2+s3+$0x0], $0xffff  }
0x1c3: {  	[tilespmem:s1+$0x1F0] =	vst v3;
	v3 =	vadd.s32 v1, v14;
	v9 =	vld.idx.msk [tilespmem:v59+s3+$0x0], $0xffff  }
0x1c4: {  	v7 =	vld.idx.msk [tilespmem:v60+s3+$0x0], $0xffff;
	[tilespmem:s1+$0xFFFFFF60] =	vst v19;
	v2 =	vadd.s32 v1, v58  }
0x1c5: {  	v6 =	vld.idx.msk [tilespmem:v6+s3+$0x0], $0xffff;
	[tilespmem:s1+$0xFFFFFFE0] =	vst v61  }
0x1c6: {  	s9 =	simm.s32 $0x3F;
	s11 =	simm.s32 $0x0;
	v5 =	vld.idx.msk [tilespmem:v63+s3+$0x0], $0xffff;
	[tilespmem:s1+$0x60] =	vst v62  }
.LBB2_9:
0x1c7: {  	s0 =	sadd.s32 $0xFFFFFFE5, s9;
	s6 =	sadd.s32 $0xFFFFFFFD, s9;
	s11 =	sadd.s32 $0x8, s11;
	v4 =	vld.idx.msk [tilespmem:v4+s3+$0x0], $0xffff;
	[tilespmem:s1+$0xE0] =	vst v10  }
0x1c8: {  	s4 =	sadd.s32 $0xFFFFFFED, s9;
	v10 =	vor.u32 s0, v0;
	v11 =	vor.u32 s0, v1;
	s0 =	sadd.s32 $0xFFFFFFE9, s9;
	v12 =	vor.u32 s6, v0;
	p1 =	slt.u32 s11, $0x18;
	v3 =	vld.idx.msk [tilespmem:v3+s3+$0x0], $0xffff;
	[tilespmem:s1+$0x160] =	vst v9  }
0x1c9: {  	s5 =	sadd.s32 $0xFFFFFFF5, s9;
	s7 =	sadd.s32 $0xFFFFFFF9, s9;
	v14 =	vor.u32 s4, v0;
	v9 =	vor.u32 s0, v0;
	v13 =	vor.u32 s0, v1;
	s0 =	sadd.s32 $0xFFFFFFF1, s9;
	[tilespmem:s1+$0xFFFFFE70] =	vst v8;
	v2 =	vld.idx.msk [tilespmem:v2+s3+$0x0], $0xffff  }
0x1ca: {  	s8 =	sadd.s32 $0xFFFFFFE1, s9;
	s2 =	sadd.s32 $0xFFFFFFE6, s9;
	s16 =	sadd.s32 $0xFFFFFFEA, s9;
	v15 =	vor.u32 s5, v0;
	v16 =	vor.u32 s7, v0;
	v8 =	vor.u32 s0, v0;
	[tilespmem:s1+$0xFFFFFEF0] =	vst v7  }
0x1cb: {  	s10 =	sadd.s32 $0xFFFFFFEE, s9;
	s25 =	sadd.s32 $0xFFFFFFF2, s9;
	s28 =	sadd.s32 $0xFFFFFFF6, s9;
	v17 =	vor.u32 s8, v1;
	v18 =	vor.u32 s4, v1;
	v7 =	vor.u32 s8, v0;
	[tilespmem:s1+$0xFFFFFF70] =	vst v6  }
0x1cc: {  	s24 =	sadd.s32 $0xFFFFFFE2, s9;
	s18 =	sadd.s32 $0xFFFFFFE7, s9;
	v19 =	vor.u32 s5, v1;
	v20 =	vor.u32 s7, v1;
	s8 =	sadd.s32 $0xFFFFFFFA, s9;
	v6 =	vor.u32 s0, v1;
	[tilespmem:s1+$0xFFFFFFF0] =	vst v5  }
0x1cd: {  	s22 =	sadd.s32 $0xFFFFFFEF, s9;
	s17 =	sadd.s32 $0xFFFFFFF3, s9;
	v21 =	vmov s16;
	v22 =	vmov s10;
	s0 =	sadd.s32 $0xFFFFFFEB, s9;
	v5 =	vmov s2;
	v12 =	vld.idx.msk [tilespmem:v12+s3+$0x0], $0xffff  }
0x1ce: {  	s23 =	sadd.s32 $0xFFFFFFF7, s9;
	s19 =	sadd.s32 $0xFFFFFFFB, s9;
	s4 =	sadd.s32 $0xFFFFFFE3, s9;
	v23 =	vmov s25;
	v24 =	vmov s28;
	v25 =	vmov s8;
	v10 =	vld.idx.msk [tilespmem:v10+s3+$0x0], $0xffff  }
0x1cf: {  	s15 =	sadd.s32 $0xFFFFFFE8, s9;
	s14 =	sadd.s32 $0xFFFFFFF0, s9;
	s5 =	sadd.s32 $0xFFFFFFEC, s9;
	v26 =	vor.u32 s6, v1;
	v21 =	vshll.u32 v21, $0x3;
	v5 =	vshll.u32 v5, $0x3;
	v9 =	vld.idx.msk [tilespmem:v9+s3+$0x0], $0xffff;
	[tilespmem:s1+$0x70] =	vst v4  }
0x1d0: {  	s13 =	sadd.s32 $0xFFFFFFFC, s9;
	s6 =	sadd.s32 $0xFFFFFFF4, s9;
	s7 =	sadd.s32 $0xFFFFFFF8, s9;
	v4 =	vld.idx.msk [tilespmem:v7+s3+$0x0], $0xffff;
	v7 =	vshll.u32 v22, $0x3;
	v22 =	vshll.u32 v23, $0x3;
	v23 =	vshll.u32 v24, $0x3;
	[tilespmem:s1+$0xF0] =	vst v3  }
0x1d1: {  	s12 =	sadd.s32 $0xFFFFFFE4, s9;
	s20 =	sadd.s32 $0xFFFFFFFE, s9;
	v3 =	vand.u32 $0x7FFFFC00, v5;
	v5 =	vand.u32 $0x7FFFFC00, v21;
	v21 =	vshll.u32 v25, $0x3;
	v14 =	vld.idx.msk [tilespmem:v14+s3+$0x0], $0xffff;
	[tilespmem:s1+$0x170] =	vst v2  }
0x1d2: {  	v2 =	vand.u32 $0x7FFFFC00, v7;
	s1 =	sadd.s32 $0x400, s1;
	v7 =	vld.idx.msk [tilespmem:v8+s3+$0x0], $0xffff;
	v8 =	vand.u32 $0x7FFFFC00, v22;
	v22 =	vmov s20  }
0x1d3: {  	v23 =	vand.u32 $0x7FFFFC00, v23;
	v21 =	vand.u32 $0x7FFFFC00, v21;
	v15 =	vld.idx.msk [tilespmem:v15+s3+$0x0], $0xffff;
	[tilespmem:s1+$0x180] =	vst v12;
	v12 =	vshll.u32 v22, $0x3  }
0x1d4: {  	v3 =	vadd.s32 s2, v3;
	v5 =	vadd.s32 s16, v5;
	[tilespmem:s1+$0xFFFFFE80] =	vst v10;
	v10 =	vld.idx.msk [tilespmem:v26+s3+$0x0], $0xffff;
	v12 =	vand.u32 $0x7FFFFC00, v12  }
0x1d5: {  	v2 =	vadd.s32 s10, v2;
	v22 =	vadd.s32 v0, v3;
	[tilespmem:s1+$0xFFFFFF00] =	vst v9;
	v9 =	vld.idx.msk [tilespmem:v16+s3+$0x0], $0xffff;
	v12 =	vadd.s32 s20, v12  }
0x1d6: {  	v8 =	vadd.s32 s25, v8;
	[tilespmem:s1+$0xFFFFFE00] =	vst v4;
	v4 =	vld.idx.msk [tilespmem:v11+s3+$0x0], $0xffff;
	v11 =	vadd.s32 s28, v23;
	v16 =	vadd.s32 v0, v12  }
0x1d7: {  	v21 =	vadd.s32 s8, v21;
	v23 =	vadd.s32 v0, v5;
	v17 =	vld.idx.msk [tilespmem:v17+s3+$0x0], $0xffff;
	[tilespmem:s1+$0xFFFFFF80] =	vst v14;
	v14 =	vadd.s32 v0, v2  }
0x1d8: {  	v24 =	vor.u32 s24, v0;
	v25 =	vadd.s32 v0, v11;
	v13 =	vld.idx.msk [tilespmem:v13+s3+$0x0], $0xffff;
	[tilespmem:s1+$0x0] =	vst v7;
	v7 =	vadd.s32 v0, v8  }
0x1d9: {  	v3 =	vadd.s32 v1, v3;
	v26 =	vor.u32 s24, v1;
	v18 =	vld.idx.msk [tilespmem:v18+s3+$0x0], $0xffff;
	[tilespmem:s1+$0x80] =	vst v15;
	v15 =	vadd.s32 v0, v21  }
0x1da: {  	v27 =	vmov s18;
	v5 =	vadd.s32 v1, v5;
	v2 =	vadd.s32 v1, v2;
	v6 =	vld.idx.msk [tilespmem:v6+s3+$0x0], $0xffff;
	[tilespmem:s1+$0x190] =	vst v10  }
0x1db: {  	v11 =	vadd.s32 v1, v11;
	v8 =	vadd.s32 v1, v8;
	v10 =	vmov s0;
	[tilespmem:s1+$0x100] =	vst v9;
	v9 =	vld.idx.msk [tilespmem:v16+s3+$0x0], $0xffff  }
0x1dc: {  	v21 =	vadd.s32 v1, v21;
	v16 =	vmov s17;
	[tilespmem:s1+$0xFFFFFE90] =	vst v4;
	v4 =	vmov s22;
	v19 =	vld.idx.msk [tilespmem:v19+s3+$0x0], $0xffff  }
0x1dd: {  	v28 =	vmov s19;
	v12 =	vadd.s32 v1, v12;
	[tilespmem:s1+$0xFFFFFE10] =	vst v17;
	v17 =	vmov s23;
	v20 =	vld.idx.msk [tilespmem:v20+s3+$0x0], $0xffff  }
0x1de: {  	v27 =	vshll.u32 v27, $0x3;
	v10 =	vshll.u32 v10, $0x3;
	v4 =	vshll.u32 v4, $0x3;
	v24 =	vld.idx.msk [tilespmem:v24+s3+$0x0], $0xffff;
	[tilespmem:s1+$0xFFFFFF10] =	vst v13  }
0x1df: {  	s2 =	sadd.s32 $0xFFFFFFFF, s9;
	v16 =	vshll.u32 v16, $0x3;
	v17 =	vshll.u32 v17, $0x3;
	v13 =	vld.idx.msk [tilespmem:v22+s3+$0x0], $0xffff;
	[tilespmem:s1+$0xFFFFFF90] =	vst v18;
	v18 =	vshll.u32 v28, $0x3  }
0x1e0: {  	v10 =	vand.u32 $0x7FFFFC00, v10;
	v22 =	vand.u32 $0x7FFFFC00, v27;
	v23 =	vld.idx.msk [tilespmem:v23+s3+$0x0], $0xffff;
	[tilespmem:s1+$0x10] =	vst v6;
	v6 =	vmov s2  }
0x1e1: {  	v16 =	vand.u32 $0x7FFFFC00, v16;
	v4 =	vand.u32 $0x7FFFFC00, v4;
	v14 =	vld.idx.msk [tilespmem:v14+s3+$0x0], $0xffff;
	[tilespmem:s1+$0x1A0] =	vst v9;
	v6 =	vshll.u32 v6, $0x3  }
0x1e2: {  	v9 =	vand.u32 $0x7FFFFC00, v17;
	v17 =	vand.u32 $0x7FFFFC00, v18;
	[tilespmem:s1+$0x90] =	vst v19;
	v12 =	vld.idx.msk [tilespmem:v12+s3+$0x0], $0xffff;
	v6 =	vand.u32 $0x7FFFFC00, v6  }
0x1e3: {  	v18 =	vadd.s32 s18, v22;
	v7 =	vld.idx.msk [tilespmem:v7+s3+$0x0], $0xffff;
	[tilespmem:s1+$0x110] =	vst v20;
	v6 =	vadd.s32 s2, v6  }
0x1e4: {  	v10 =	vadd.s32 s0, v10;
	v4 =	vadd.s32 s22, v4;
	[tilespmem:s1+$0xFFFFFE20] =	vst v24;
	v19 =	vld.idx.msk [tilespmem:v25+s3+$0x0], $0xffff;
	v20 =	vadd.s32 v0, v6  }
0x1e5: {  	v16 =	vadd.s32 s17, v16;
	v9 =	vadd.s32 s23, v9;
	[tilespmem:s1+$0xFFFFFEA0] =	vst v13;
	v13 =	vadd.s32 v0, v18;
	v15 =	vld.idx.msk [tilespmem:v15+s3+$0x0], $0xffff  }
0x1e6: {  	v17 =	vadd.s32 s19, v17;
	v24 =	vadd.s32 v0, v4;
	v22 =	vld.idx.msk [tilespmem:v26+s3+$0x0], $0xffff;
	[tilespmem:s1+$0xFFFFFF20] =	vst v23;
	v23 =	vadd.s32 v0, v10  }
0x1e7: {  	v25 =	vor.u32 s4, v0;
	v26 =	vadd.s32 v0, v9;
	v3 =	vld.idx.msk [tilespmem:v3+s3+$0x0], $0xffff;
	[tilespmem:s1+$0xFFFFFFA0] =	vst v14;
	v14 =	vadd.s32 v0, v16  }
0x1e8: {  	v27 =	vor.u32 s4, v1;
	v28 =	vadd.s32 v0, v17;
	v18 =	vadd.s32 v1, v18;
	v5 =	vld.idx.msk [tilespmem:v5+s3+$0x0], $0xffff;
	[tilespmem:s1+$0x1B0] =	vst v12  }
0x1e9: {  	v29 =	vadd.s32 v1, v4;
	v10 =	vadd.s32 v1, v10;
	v12 =	vmov s15;
	[tilespmem:s1+$0x20] =	vst v7;
	v4 =	vld.idx.msk [tilespmem:v20+s3+$0x0], $0xffff  }
0x1ea: {  	v9 =	vadd.s32 v1, v9;
	v16 =	vadd.s32 v1, v16;
	v7 =	vmov s5;
	v2 =	vld.idx.msk [tilespmem:v2+s3+$0x0], $0xffff;
	[tilespmem:s1+$0xA0] =	vst v19  }
0x1eb: {  	v6 =	vadd.s32 v1, v6;
	v19 =	vmov s14;
	v8 =	vld.idx.msk [tilespmem:v8+s3+$0x0], $0xffff;
	[tilespmem:s1+$0x120] =	vst v15;
	v15 =	vadd.s32 v1, v17  }
0x1ec: {  	v12 =	vshll.u32 v12, $0x3;
	v20 =	vmov s7;
	v17 =	vmov s6;
	[tilespmem:s1+$0xFFFFFE30] =	vst v22;
	v11 =	vld.idx.msk [tilespmem:v11+s3+$0x0], $0xffff  }
0x1ed: {  	[tilespmem:s1+$0xFFFFFEB0] =	vst v3;
	v3 =	vshll.u32 v7, $0x3;
	v7 =	vshll.u32 v19, $0x3;
	v19 =	vld.idx.msk [tilespmem:v21+s3+$0x0], $0xffff;
	v21 =	vmov s13  }
0x1ee: {  	v22 =	vld.idx.msk [tilespmem:v25+s3+$0x0], $0xffff;
	[tilespmem:s1+$0xFFFFFF30] =	vst v5;
	v5 =	vshll.u32 v17, $0x3;
	v17 =	vshll.u32 v20, $0x3;
	v20 =	vmov s9  }
0x1ef: {  	v12 =	vand.u32 $0x7FFFFC00, v12;
	v21 =	vshll.u32 v21, $0x3;
	v13 =	vld.idx.msk [tilespmem:v13+s3+$0x0], $0xffff;
	[tilespmem:s1+$0x1C0] =	vst v4;
	v4 =	vshll.u32 v20, $0x3  }
0x1f0: {  	v3 =	vand.u32 $0x7FFFFC00, v3;
	[tilespmem:s1+$0xFFFFFFB0] =	vst v2;
	v2 =	vand.u32 $0x7FFFFC00, v7;
	v6 =	vld.idx.msk [tilespmem:v6+s3+$0x0], $0xffff;
	v4 =	vand.u32 $0x7FFFFC00, v4  }
0x1f1: {  	v5 =	vand.u32 $0x7FFFFC00, v5;
	v7 =	vld.idx.msk [tilespmem:v23+s3+$0x0], $0xffff;
	[tilespmem:s1+$0x30] =	vst v8;
	v8 =	vand.u32 $0x7FFFFC00, v17;
	v17 =	vadd.s32 s9, v4  }
0x1f2: {  	v4 =	vadd.s32 s15, v12;
	v12 =	vld.idx.msk [tilespmem:v24+s3+$0x0], $0xffff;
	[tilespmem:s1+$0xB0] =	vst v11;
	v11 =	vand.u32 $0x7FFFFC00, v21;
	v20 =	vadd.s32 v0, v17  }
0x1f3: {  	v3 =	vadd.s32 s5, v3;
	v2 =	vadd.s32 s14, v2;
	v21 =	vadd.s32 v0, v4;
	v14 =	vld.idx.msk [tilespmem:v14+s3+$0x0], $0xffff;
	[tilespmem:s1+$0x130] =	vst v19  }
0x1f4: {  	v5 =	vadd.s32 s6, v5;
	v8 =	vadd.s32 s7, v8;
	v19 =	vadd.s32 v0, v3;
	[tilespmem:s1+$0xFFFFFE40] =	vst v22;
	v22 =	vld.idx.msk [tilespmem:v26+s3+$0x0], $0xffff  }
0x1f5: {  	v23 =	vadd.s32 v0, v5;
	v11 =	vadd.s32 s13, v11;
	[tilespmem:s1+$0xFFFFFEC0] =	vst v13;
	v13 =	vadd.s32 v0, v2;
	v24 =	vld.idx.msk [tilespmem:v28+s3+$0x0], $0xffff  }
0x1f6: {  	v26 =	vor.u32 s12, v0;
	v28 =	vadd.s32 v0, v11;
	v25 =	vld.idx.msk [tilespmem:v27+s3+$0x0], $0xffff;
	v27 =	vadd.s32 v0, v8;
	[tilespmem:s1+$0x1D0] =	vst v6  }
0x1f7: {  	v31 =	vadd.s32 v1, v3;
	v30 =	vadd.s32 v1, v4;
	v6 =	vor.u32 s12, v1;
	[tilespmem:s1+$0xFFFFFF40] =	vst v7;
	v7 =	vld.idx.msk [tilespmem:v20+s3+$0x0], $0xffff  }
0x1f8: {  	v4 =	vadd.s32 v1, v5;
	v18 =	vld.idx.msk [tilespmem:v18+s3+$0x0], $0xffff;
	[tilespmem:s1+$0xFFFFFFC0] =	vst v12;
	v12 =	vadd.s32 v1, v2  }
0x1f9: {  	v3 =	vadd.s32 v1, v8;
	v8 =	vadd.s32 v1, v17;
	v5 =	vld.idx.msk [tilespmem:v10+s3+$0x0], $0xffff;
	[tilespmem:s1+$0x40] =	vst v14  }
0x1fa: {  	v2 =	vadd.s32 v1, v11;
	v10 =	vld.idx.msk [tilespmem:v29+s3+$0x0], $0xffff;
	[tilespmem:s1+$0xC0] =	vst v22  }
0x1fb: {  	v11 =	vld.idx.msk [tilespmem:v16+s3+$0x0], $0xffff;
	[tilespmem:s1+$0x140] =	vst v24  }
0x1fc: {  	[tilespmem:s1+$0xFFFFFE50] =	vst v25;
	v9 =	vld.idx.msk [tilespmem:v9+s3+$0x0], $0xffff  }
0x1fd: {  	v14 =	vld.idx.msk [tilespmem:v15+s3+$0x0], $0xffff;
	[tilespmem:s1+$0x1E0] =	vst v7  }
0x1fe: {  	[tilespmem:s1+$0xFFFFFED0] =	vst v18;
	v7 =	vld.idx.msk [tilespmem:v8+s3+$0x0], $0xffff  }
0x1ff: {  	v8 =	vld.idx.msk [tilespmem:v26+s3+$0x0], $0xffff;
	[tilespmem:s1+$0xFFFFFF50] =	vst v5  }
0x200: {  	v5 =	vld.idx.msk [tilespmem:v21+s3+$0x0], $0xffff;
	[tilespmem:s1+$0xFFFFFFD0] =	vst v10  }
0x201: {  	v15 =	vld.idx.msk [tilespmem:v19+s3+$0x0], $0xffff;
	[tilespmem:s1+$0x50] =	vst v11  }
0x202: {  	v11 =	vld.idx.msk [tilespmem:v13+s3+$0x0], $0xffff;
	[tilespmem:s1+$0xD0] =	vst v9  }
0x203: {  	v13 =	vld.idx.msk [tilespmem:v23+s3+$0x0], $0xffff;
	[tilespmem:s1+$0x150] =	vst v14  }
0x204: {  	v10 =	vld.idx.msk [tilespmem:v27+s3+$0x0], $0xffff;
	[tilespmem:s1+$0x1F0] =	vst v7  }
.Ltmp6:
0x205: {  	[tilespmem:s1+$0xFFFFFE60] =	vst v8;
	v9 =	vld.idx.msk [tilespmem:v28+s3+$0x0], $0xffff;
	(pc) =	sbr.rel @p1 .LBB2_9-.Ltmp6, $4  }
0x206: {  	v8 =	vld.idx.msk [tilespmem:v6+s3+$0x0], $0xffff;
	[tilespmem:s1+$0xFFFFFEE0] =	vst v5  }
0x207: {  	v7 =	vld.idx.msk [tilespmem:v30+s3+$0x0], $0xffff;
	[tilespmem:s1+$0xFFFFFF60] =	vst v15  }
0x208: {  	v6 =	vld.idx.msk [tilespmem:v31+s3+$0x0], $0xffff;
	[tilespmem:s1+$0xFFFFFFE0] =	vst v11  }
0x209: {  	s9 =	sadd.s32 $0x20, s9;
	v5 =	vld.idx.msk [tilespmem:v12+s3+$0x0], $0xffff;
	[tilespmem:s1+$0x60] =	vst v13  }
0x20a: {  	_ =	sdelay $0x2  }
0x20b: {  	[tilespmem:s1+$0xE0] =	vst v10  }
0x20c: {  	v4 =	vld.idx.msk [tilespmem:v4+s3+$0x0], $0xffff;
	[tilespmem:s1+$0x160] =	vst v9  }
0x20d: {  	v3 =	vld.idx.msk [tilespmem:v3+s3+$0x0], $0xffff;
	[tilespmem:s1+$0xFFFFFE70] =	vst v8  }
0x20e: {  	v2 =	vld.idx.msk [tilespmem:v2+s3+$0x0], $0xffff;
	[tilespmem:s1+$0xFFFFFEF0] =	vst v7  }
0x20f: {  	[tilespmem:s1+$0xFFFFFF70] =	vst v6  }
0x210: {  	[tilespmem:s1+$0xFFFFFFF0] =	vst v5  }
0x211: {  	[tilespmem:s1+$0x70] =	vst v4  }
0x212: {  	[tilespmem:s1+$0xF0] =	vst v3  }
0x213: {  	s29 =	simm.s32 $0x4000;
	[tilespmem:s1+$0x170] =	vst v2  }
.Ltmp7:
0x214: {  	s30 =	simm.s32 $0x5;
	s0 =	rddreg [dreg:$0xd];
	(pc) =	sbr.rel .LBB2_11-.Ltmp7, $4  }
0x215: {  	[hbm4b:s0+s3] =	stream.linear.scatter [tilespmem:s29], [sflag:$0x5], $0x1000, $0x38;
	[tilespmem:$0x6000] =	vst v63  }
0x216: {  	_ =	swait.ge [sflag:s30], $0x1000  }
0x217: {  	[sflag:s30] =	ssyncset.done $0x0  }
0x218: {  	s1 =	rddreg [dreg:$0x10];
	[sflag:s30] =	ssyncadd.s32 $0xFFFFF000  }
.LBB2_12:
0x219: {  	_ =	sfence.sel $0x180000  }
0x21a: {  	[bflag:$0x0] =	sbarrier.arrive $0xFFFF  }
0x21b: {  	_ =	strace $0x90000047  }
0x21c: {  	s0 =	stileid.u32;
	[bflag:$0x2] =	sbarrier.arrive $0xFFFF  }
0x21d: {  	p0 =	sne.s32 s0, $0x0;
	s0 =	rddreg [dreg:$0x2]  }
0x21e: {  	s0 =	sadd.s32 @!p0 $0x100000, s0  }
0x21f: {  	[sflag:s0] =	ssyncadd.tile.s32 @!p0 $0x1;
	_ =	shalt  }
.Lfunc_end2:
_tile_overlayer_lowered:
.L_overlay_start_2:
0x220: {  	(tag) =	ssettag $0x2  }
0x221: {  	s0 =	rddreg [dreg:$0x0];
	s2 =	stileid.u32  }
0x222: {  	s1 =	rddreg [dreg:$0x1];
	p0 =	sne.s32 s2, $0x0  }
0x223: {  	s3 =	rddreg [dreg:$0x2];
	[bflag:$0x3] =	sbarrier.arrive $0xFFFF;
	s2 =	simm.s32 @!p0 $0x1C05  }
0x224: {  	[timem:s3], [sflag:s2] =	dma.local @!p0 [hbm:s0], s1  }
0x225: {  	s0 =	simm.s32 @!p0 $0x5  }
0x226: {  	_ =	swait.ge @!p0 [sflag:s0], s1  }
0x227: {  	s1 =	ssub.s32 @!p0 $0x0, s1;
	[sflag:s0] =	ssyncset.done @!p0 $0x0  }
0x228: {  	[sflag:s0] =	ssyncadd.s32 @!p0 s1  }
0x229: {  	[bflag:$0x3] =	sbarrier.arrive $0xFFFF  }
0x22a: {  	_ =	shalt  }

// kernel: kernel.7.cloned.1.call-start
scs
__scs_entry_jumppad:
0x0: {  	(pc) =	sbr.rel $0x88, $3  }
0x1: {  	(tag) =	ssettag $0x0;
	lr =	simm.s32 $0x1  }
0x2: {  	[smem:$0x3F9F] =	sst lr;
	_ =	strace $0xD0000000  }
0x3: {  	_ = 	snop  }
0x4: {  	_ = 	snop  }
0x5: {  	_ = 	snop  }
0x6: {  	_ = 	snop  }
0x7: {  	_ = 	snop  }
__scs_overlays_trampoline_lowered:
0x8: {  	[smem:$0x3FAE] =	sst s0  }
0x9: {  	[smem:$0x3FAF] =	sst s1  }
0xa: {  	[smem:$0x3FB0] =	sst s2  }
0xb: {  	[smem:$0x3FB1] =	sst s3  }
0xc: {  	[smem:$0x3FB2] =	sst s4  }
0xd: {  	[smem:$0x3FB3] =	sst s5  }
0xe: {  	[smem:$0x3FB4] =	sst s6  }
0xf: {  	[smem:$0x3FB5] =	sst s7  }
0x10: {  	[smem:$0x3FB6] =	sst s8  }
0x11: {  	[smem:$0x3FB7] =	sst s9;
	s0 =	simm.s32 @!p0 $0x0  }
0x12: {  	s1 =	sld [smem:$0x3F9D];
	s0 =	simm.s32 @p0 $0x1  }
0x13: {  	[smem:$0x3FB8] =	sst s0;
	s0 =	simm.s32 @!p1 $0x0  }
0x14: {  	s2 =	sld [smem:$0x3F9C];
	s0 =	simm.s32 @p1 $0x1  }
0x15: {  	[smem:$0x3FB9] =	sst s0;
	s0 =	simm.s32 @!p2 $0x0  }
0x16: {  	s3 =	sld [smem:$0x3FDB];
	s0 =	simm.s32 @p2 $0x1  }
0x17: {  	s4 =	simm.s32 $0x1BF5;
	[smem:$0x3FBB] =	sst s0  }
0x18: {  	s0 =	sld [smem:$0x3F9E];
	_ =	swait.ge [sflag:s4], $0x0  }
0x19: {  	s7 =	sld [smem:$0x3F9F]  }
0x1a: {  	s8 =	sadd.s32 $0xFFFFE003, lr  }
0x1b: {  	s9 =	sadd.s32 $0xFFFFFEF7, lr;
	s5 =	simm.s32 $0xFFFFFFFF;
	p2 =	slt.u32 s8, $0xFFFFF086  }
0x1c: {  	p1 =	slt.u32 s9, $0xF7A;
	s5 =	simm.s32 @!p2 $0x0  }
0x1d: {  	s5 =	simm.s32 @p1 $0x1;
	p0 =	seq.s32 s7, s2  }
0x1e: {  	s7 =	smul.u32 @!p0 $0xF7A, s2;
	p2 =	seq.s32 @!p0 s5, $0x0  }
0x1f: {  	s9 =	smul.u32 $0xF7A, s1;
	s8 =	simm.s32 @!p0 $0x1BF5;
	p2 =	por !p2, p0  }
0x20: {  	[sflag:s8] =	ssyncset.s32 @!p0 $0xFFFFF086;
	s6 =	sadd.s32 @!p0 s3, s7;
	s7 =	simm.s32 @!p0 $0x108  }
0x21: {  	s3 =	sadd.s32 s3, s9;
	s6 =	sadd.s32 @!p0 $0x88, s6;
	s7 =	simm.s32 @p2 $0x1082  }
0x22: {  	[simem:s7], [sflag:s8] =	dma.local @!p0 [hbm:s6], $0xF7A  }
0x23: {  	s9 =	sor.u32 $0xD0000000, s2;
	s6 =	simm.s32 $0x108;
	_ =	swait.ge @!p0 [sflag:s8], $0x0  }
0x24: {  	s3 =	sadd.s32 $0x88, s3;
	s6 =	simm.s32 @!p1 $0x1082;
	[sflag:s4] =	ssyncset.s32 $0xFFFFF086  }
0x25: {  	[simem:s6], [sflag:s4] =	dma.local [hbm:s3], $0xF7A  }
0x26: {  	[smem:$0x3F9F] =	sst s1;
	(tag) =	ssettag s2;
	_ =	strace s9  }
0x27: {  	s1 =	sld [smem:$0x3FAF]  }
0x28: {  	s2 =	sld [smem:$0x3FB0]  }
0x29: {  	s4 =	sld [smem:$0x3FB2]  }
0x2a: {  	p0 =	seq.s32 s5, $0x0;
	s5 =	sld [smem:$0x3FB3]  }
0x2b: {  	s6 =	sld [smem:$0x3FB4]  }
0x2c: {  	s7 =	sld [smem:$0x3FB5]  }
0x2d: {  	s3 =	simm.s32 $0x108;
	s8 =	sld [smem:$0x3FB6]  }
0x2e: {  	s3 =	simm.s32 @!p0 $0x1082;
	s9 =	sld [smem:$0x3FB7]  }
0x2f: {  	lr =	sadd.s32 s0, s3;
	s0 =	sld [smem:$0x3FAE]  }
0x30: {  	s3 =	sld [smem:$0x3FB1]  }
0x31: {  	[smem:$0x3FBA] =	sst s10  }
0x32: {  	s10 =	sld [smem:$0x3FB8];
	_ =	sdelay $0x3  }
0x33: {  	p0 =	seq.s32 s10, $0x1;
	s10 =	sld [smem:$0x3FBA];
	_ =	sdelay $0x3  }
0x34: {  	[smem:$0x3FBA] =	sst s10  }
0x35: {  	s10 =	sld [smem:$0x3FB9];
	_ =	sdelay $0x3  }
0x36: {  	p1 =	seq.s32 s10, $0x1;
	s10 =	sld [smem:$0x3FBA];
	_ =	sdelay $0x3  }
0x37: {  	[smem:$0x3FBA] =	sst s10  }
0x38: {  	s10 =	sld [smem:$0x3FBB]  }
0x39: {  	_ = 	snop;
	(pc) =	sbr.ind lr, $3  }
0x3a: {  	_ = 	snop  }
0x3b: {  	_ = 	snop  }
0x3c: {  	p2 =	seq.s32 s10, $0x1;
	s10 =	sld [smem:$0x3FBA]  }
0x3d: {  	_ =	shalt  }
0x3e: {  	_ =	shalt  }
0x3f: {  	_ =	shalt  }
0x40: {  	_ =	shalt  }
0x41: {  	_ =	shalt  }
0x42: {  	_ =	shalt  }
0x43: {  	_ =	shalt  }
0x44: {  	_ =	shalt  }
0x45: {  	_ =	shalt  }
0x46: {  	_ =	shalt  }
0x47: {  	_ =	shalt  }
0x48: {  	_ =	shalt  }
0x49: {  	_ =	shalt  }
0x4a: {  	_ =	shalt  }
0x4b: {  	_ =	shalt  }
0x4c: {  	_ =	shalt  }
0x4d: {  	_ =	shalt  }
0x4e: {  	_ =	shalt  }
0x4f: {  	_ =	shalt  }
0x50: {  	_ =	shalt  }
0x51: {  	_ =	shalt  }
0x52: {  	_ =	shalt  }
0x53: {  	_ =	shalt  }
0x54: {  	_ =	shalt  }
0x55: {  	_ =	shalt  }
0x56: {  	_ =	shalt  }
0x57: {  	_ =	shalt  }
0x58: {  	_ =	shalt  }
0x59: {  	_ =	shalt  }
0x5a: {  	_ =	shalt  }
0x5b: {  	_ =	shalt  }
0x5c: {  	_ =	shalt  }
0x5d: {  	_ =	shalt  }
0x5e: {  	_ =	shalt  }
0x5f: {  	_ =	shalt  }
0x60: {  	_ =	shalt  }
0x61: {  	_ =	shalt  }
0x62: {  	_ =	shalt  }
0x63: {  	_ =	shalt  }
0x64: {  	_ =	shalt  }
0x65: {  	_ =	shalt  }
0x66: {  	_ =	shalt  }
0x67: {  	_ =	shalt  }
0x68: {  	_ =	shalt  }
0x69: {  	_ =	shalt  }
0x6a: {  	_ =	shalt  }
0x6b: {  	_ =	shalt  }
0x6c: {  	_ =	shalt  }
0x6d: {  	_ =	shalt  }
0x6e: {  	_ =	shalt  }
0x6f: {  	_ =	shalt  }
0x70: {  	_ =	shalt  }
0x71: {  	_ =	shalt  }
0x72: {  	_ =	shalt  }
0x73: {  	_ =	shalt  }
0x74: {  	_ =	shalt  }
0x75: {  	_ =	shalt  }
0x76: {  	_ =	shalt  }
0x77: {  	_ =	shalt  }
0x78: {  	_ =	shalt  }
0x79: {  	_ =	shalt  }
0x7a: {  	_ =	shalt  }
0x7b: {  	_ =	shalt  }
0x7c: {  	_ =	shalt  }
0x7d: {  	_ =	shalt  }
0x7e: {  	_ =	shalt  }
0x7f: {  	_ =	shalt  }
0x80: {  	_ =	shalt  }
0x81: {  	_ =	shalt  }
0x82: {  	_ =	shalt  }
0x83: {  	_ =	shalt  }
0x84: {  	_ =	shalt  }
0x85: {  	_ =	shalt  }
0x86: {  	_ =	shalt  }
0x87: {  	_ =	shalt  }
.Lfunc_end0:
.L_simem_size_0:
called_computation.1_lowered:
.L_overlay_start_0:
0x88: {  	s2 =	sld [smem:$0x3FD9]  }
0x89: {  	s3 =	sld [smem:$0x3FFE];
	_ =	sdelay $0x1  }
0x8a: {  	s1 =	srdreg.scid  }
0x8b: {  	s0 =	sand.u32 $0x1, s1  }
0x8c: {  	s17 =	sshll.u32 s0, $0xA;
	s2 =	sadd.s32 s3, s2  }
0x8d: {  	s2 =	sadd.s32 s2, s17  }
0x8e: {  	[smem:$0x3FC6] =	sst s2  }
0x8f: {  	_ = 	snop  }
0x90: {  	s2 =	sld [smem:$0x3FD0];
	(tm) =	ssettm $0x1  }
0x91: {  	s18 =	sld [smem:$0x3FFB];
	_ =	sdelay $0x3  }
0x92: {  	_ =	strace s18  }
0x93: {  	s3 =	sld [smem:$0x3FFC];
	_ =	sdelay $0x3  }
0x94: {  	_ =	strace s3  }
0x95: {  	s3 =	sld [smem:$0x3FFD];
	_ =	sdelay $0x3  }
0x96: {  	_ =	strace s3  }
0x97: {  	_ =	strace $0x8FFFFFFF  }
0x98: {  	s19 =	sld [smem:$0x3FDB];
	_ =	sdelay $0x1  }
0x99: {  	s4 =	simm.s32 $_scs_section_size  }
0x9a: {  	s5 =	simm.s32 $_size__tile_overlayer_lowered;
	s6 =	simm.s32 $_tile_overlayer_lowered  }
0x9b: {  	s22 =	simm.s32 $0x1BFF;
	s21 =	sshll.u32 s6, $0x1;
	s3 =	sadd.s32 s4, s19  }
0x9c: {  	s7 =	simm.s32 $0x0;
	s20 =	sshll.u32 s5, $0x1;
	s5 =	sadd.s32 s21, s3  }
0x9d: {  	[timem:s7], [sflag:s22] =	dma.local [hbm:s5], s20  }
0x9e: {  	_ =	swait.ge [sflag:s22], s20  }
0x9f: {  	s4 =	ssub.s32 $0x0, s20;
	[sflag:s22] =	ssyncset.done $0x0  }
0xa0: {  	[sflag:s22] =	ssyncadd.s32 s4;
	_ =	sdelay $0x1  }
0xa1: {  	s23 =	simm.s32 $0x1B8B  }
0xa2: {  	_ =	swait.ge [sflag:s23], $0x1  }
0xa3: {  	[sflag:s23] =	ssyncset.done $0x0  }
0xa4: {  	s25 =	simm.s32 $0x1B8E;
	s24 =	sld [smem:$0x3FFE];
	[sflag:s23] =	ssyncadd.s32 $0xFFFFFFFF  }
0xa5: {  	s26 =	simm.s32 $execute0_lowered;
	[smem:$0x3FD2] =	sst s25  }
0xa6: {  	s5 =	sshll.u32 s26, $0x1;
	_ =	strace $0x80000049;
	[dreg:$0x1] =	wrdreg $0xFFFFFFFF  }
0xa7: {  	s28 =	simm.s32 $_size_execute0_lowered;
	s3 =	sadd.s32 s3, s5;
	[dreg:$0x0] =	wrdreg $0x0  }
0xa8: {  	s5 =	sshll.u32 s28, $0x1;
	[dreg:$0x2] =	wrdreg s3  }
0xa9: {  	[dreg:$0x3] =	wrdreg s5  }
0xaa: {  	[dreg:$0x4] =	wrdreg $0xC0  }
0xab: {  	_ =	task [dreg:s7], $0x5FFFF  }
0xac: {  	[dreg:$0x1] =	wrdreg $0xFFFFFFFF  }
0xad: {  	[dreg:$0x0] =	wrdreg $0x60  }
0xae: {  	[dreg:$0x2] =	wrdreg s24  }
0xaf: {  	[dreg:$0x3] =	wrdreg s2  }
0xb0: {  	[dreg:$0x4] =	wrdreg $0x9  }
0xb1: {  	_ =	task.clear_ibuf [dreg:s7], $0x5FFFF;
	_ =	strace $0x90000049  }
0xb2: {  	s29 =	simm.s32 $0x9;
	_ =	strace $0x8000004B  }
0xb3: {  	_ =	swait.ge [sflag:s29], $0x1  }
0xb4: {  	[sflag:s29] =	ssyncadd.s32 $0xFFFFFFFF  }
0xb5: {  	_ =	strace $0x9000004B  }
0xb6: {  	_ =	sfence  }
0xb7: {  	s30 =	sld [smem:$0x0];
	_ =	sdelay $0x2  }
0xb8: {  	s31 =	sshll.u32 s1, $0xD;
	s1 =	sshrl.u32 s1, $0x2  }
0xb9: {  	s3 =	sand.u32 $0x4000, s31;
	s1 =	sadd.s32 s1, s30  }
0xba: {  	s0 =	sor.u32 s3, s0;
	s1 =	sshll.u32 s1, $0x11  }
0xbb: {  	s0 =	sor.u32 s1, s0  }
0xbc: {  	s0 =	sadd.s32 $0x8F2B, s0  }
0xbd: {  	[sflag:s0] =	ssyncadd.remote.s32 $0x1  }
0xbe: {  	_ =	sfence.sel $0xFFFF  }
0xbf: {  	[dreg:$0x0] =	wrdreg $0xFFFFFFFF;
	(pc) =	sbr.abs _section_cstart, $3  }
0xc0: {  	[dreg:$0x1] =	wrdreg $0xFFFFFFFF  }
0xc1: {  	_ =	task.clear_ibuf [dreg:s7], $0x2FFFF;
	_ =	strace $0x9FFFFFFF  }
0xc2: {  	(tm) =	ssettm $0x7FFFFFFF  }
0xc3: {  	_ =	shalt  }
tec
execute0_lowered:
.L_overlay_start_1:
0x0: {  	(tag) =	ssettag $0x1  }
0x1: {  	s0 =	rddreg [dreg:$0x0]  }
0x2: {  	s2 =	rddreg [dreg:$0x1]  }
0x3: {  	s1 =	srdreg.scid;
	s4 =	stileid.u32  }
0x4: {  	s3 =	simm.s32 $0x0;
	s18 =	simm.s32 $0x3;
	s19 =	simm.s32 $0x2  }
0x5: {  	s21 =	simm.s32 $0x2100;
	s15 =	simm.s32 $0x3200;
	s31 =	simm.s32 $0x3F48  }
0x6: {  	s17 =	simm.s32 $0x40E0;
	s14 =	simm.s32 $0x41F0;
	s20 =	simm.s32 $0x4278  }
0x7: {  	s22 =	simm.s32 $0x6;
	s23 =	simm.s32 $0x0;
	s29 =	simm.s32 $0x80  }
0x8: {  	s1 =	sand.u32 $0x1, s1;
	s4 =	sshll.u32 s4, $0x1;
	[smem:$0x7FF] =	sst s3  }
0x9: {  	v0 =	vlaneseq.u32;
	s6 =	sadd.s32 $0xA00, s0;
	s10 =	sadd.s32 $0x4000, s2;
	s5 =	sor.u32 s1, s4  }
0xa: {  	v1 =	vimm.s32 $0x0;
	vm0 =	vcmask $0x300;
	s11 =	sadd.s32 $0x8000, s2;
	v0 =	vmul.u32 $0x88, v0;
	s1 =	ssub.s32 $0x2, s1;
	s7 =	smul.u32 $0x500, s5  }
0xb: {  	s12 =	sadd.s32 $0xC000, s2;
	v1 =	vsel vm0, $0x3, v1;
	s8 =	sshrl.u32 s1, $0x1;
	s5 =	smul.u32 $0x50, s5  }
0xc: {  	_ =	strace $0x8000004A;
	s4 =	sadd.s32 $0x3D1400, s0;
	v2 =	vadd.s32 $0x880, v0;
	v3 =	vor.u32 $0x1, v0;
	v4 =	vadd.s32 $0x881, v0;
	s28 =	ssub.s32 s1, s8  }
0xd: {  	v5 =	vor.u32 $0x2, v0;
	v6 =	vadd.s32 $0x882, v0;
	v7 =	vor.u32 $0x3, v0;
	s8 =	simm.s32 $0x4168;
	s30 =	sadd.s32 s4, s7;
	s9 =	sor.u32 $0x2, s5  }
0xe: {  	v8 =	vadd.s32 $0x883, v0;
	v9 =	vor.u32 $0x4, v0;
	v10 =	vadd.s32 $0x884, v0;
	s13 =	sor.u32 $0x3, s5;
	s0 =	smax.u32 s28, $0x1;
	[dreg:$0x3] =	wrdreg s30  }
0xf: {  	v11 =	vor.u32 $0x5, v0;
	v12 =	vadd.s32 $0x885, v0;
	v13 =	vor.u32 $0x6, v0;
	s7 =	simm.s32 $0x4;
	s1 =	sadd.s32 $0x10, s30;
	[dreg:$0x5] =	wrdreg s0  }
0x10: {  	v14 =	vadd.s32 $0x886, v0;
	v15 =	vor.u32 $0x7, v0;
	v16 =	vadd.s32 $0x887, v0;
	s0 =	simm.s32 $0x3FD0;
	[dreg:$0x4] =	wrdreg s1;
	s1 =	simm.s32 $0x4058  }
.LBB2_1:
0x11: {  	[dreg:$0x6] =	wrdreg s23  }
0x12: {  	s16 =	rddreg [dreg:$0x3];
	s25 =	simm.s32 $0x7  }
0x13: {  	[tilespmem:s3], [sflag:$0x7] =	stream.linear.gather [hbm4b:s16+s3], $0x80, $0x38;
	[tilespmem:$0x4300] =	vst v63  }
0x14: {  	_ =	swait.ge [sflag:s25], $0x80  }
0x15: {  	[sflag:s25] =	ssyncset.done $0x0  }
0x16: {  	s28 =	simm.s32 $0x80;
	s26 =	rddreg [dreg:$0x4];
	[sflag:s25] =	ssyncadd.s32 $0xFFFFFF80  }
0x17: {  	[tilespmem:s28], [sflag:$0x2] =	stream.linear.gather [hbm4b:s26+s3], $0x80, $0x38;
	[tilespmem:$0x4300] =	vst v63  }
0x18: {  	s30 =	simm.s32 $0x100;
	s23 =	simm.s32 $0x0  }
0x19: {  	[tilespmem:s30], [sflag:$0x3] =	stream.indirect.gather [hbm4b:s6+s28], $0x20, s3, s28, $0xb8;
	[tilespmem:$0x4300] =	vst v63  }
.LBB2_2:
0x1a: {  	s24 =	sshll.u32 s23, $0x1;
	p0 =	seq.s32 s23, $0x27  }
0x1b: {  	s16 =	sadd.s32 @!p0 s24, s9  }
0x1c: {  	_ =	swait.ge [sflag:s18], $0x1000;
	s16 =	sshll.u32 @!p0 s16, $0x4  }
0x1d: {  	[sflag:s18] =	ssyncset.done $0x0;
	s16 =	sand.u32 @!p0 $0xFFFFFE0, s16  }
0x1e: {  	s25 =	simm.s32 @!p0 $0x0;
	[sflag:s18] =	ssyncadd.s32 $0xFFFFF000;
	s16 =	sadd.s32 @!p0 s4, s16  }
0x1f: {  	[tilespmem:s25], [sflag:$0x1] =	stream.linear.gather @!p0 [hbm4b:s16+s25], $0x80, $0x38;
	[tilespmem:$0x4300] =	vst v63  }
0x20: {  	_ =	swait.ge [sflag:s19], $0x80  }
0x21: {  	p1 =	seq.s32 s23, $0x0;
	[sflag:s19] =	ssyncset.done $0x0  }
0x22: {  	s25 =	simm.s32 $0x1100;
	s16 =	simm.s32 @!p1 $0x5;
	[sflag:s19] =	ssyncadd.s32 $0xFFFFFF80  }
0x23: {  	[tilespmem:s25], [sflag:$0x4] =	stream.indirect.gather [hbm4b:s6+s29], $0x20, s29, s29, $0xb8;
	[tilespmem:$0x4300] =	vst v63  }
0x24: {  	_ =	swait.ge @!p1 [sflag:s16], $0x400  }
0x25: {  	[sflag:s16] =	ssyncset.done @!p1 $0x0  }
0x26: {  	[sflag:s16] =	ssyncadd.s32 @!p1 $0xFFFFFC00  }
0x27: {  	_ =	swait.ge @!p1 [sflag:s16], $0x400  }
0x28: {  	s26 =	simm.s32 $0x0;
	[sflag:s16] =	ssyncset.done @!p1 $0x0  }
0x29: {  	s30 =	simm.s32 $0x1;
	s28 =	simm.s32 $0x3;
	[sflag:s16] =	ssyncadd.s32 @!p1 $0xFFFFFC00  }
0x2a: {  	v17 =	vmov s26;
	s26 =	simm.s32 $0x2;
	v18 =	vmov s30;
	s30 =	simm.s32 $0x5;
	_ =	swait.ge @!p1 [sflag:s16], $0x400  }
0x2b: {  	v20 =	vmov s28;
	s28 =	simm.s32 $0x6;
	v17 =	vshrl.u32 v17, $0x3;
	v19 =	vmov s26;
	s26 =	simm.s32 $0x4;
	[sflag:s16] =	ssyncset.done @!p1 $0x0  }
0x2c: {  	v22 =	vmov s30;
	v23 =	vmov s28;
	v21 =	vmov s26;
	s26 =	simm.s32 $0x7;
	[sflag:s16] =	ssyncadd.s32 @!p1 $0xFFFFFC00  }
0x2d: {  	v18 =	vshrl.u32 v18, $0x3;
	v20 =	vshrl.u32 v20, $0x3;
	v24 =	vmov s26;
	_ =	swait.ge @!p1 [sflag:s16], $0x400  }
0x2e: {  	v17 =	vshll.u32 v17, v1;
	v19 =	vshrl.u32 v19, $0x3;
	v24 =	vshrl.u32 v24, $0x3;
	[sflag:s16] =	ssyncset.done @!p1 $0x0  }
0x2f: {  	v22 =	vshrl.u32 v22, $0x3;
	v23 =	vshrl.u32 v23, $0x3;
	v24 =	vshll.u32 v24, v1;
	s25 =	simm.s32 $0x180;
	[sflag:s16] =	ssyncadd.s32 @!p1 $0xFFFFFC00  }
0x30: {  	v18 =	vshll.u32 v18, v1;
	v20 =	vshll.u32 v20, v1;
	v24 =	vbroadcast v24, $0x0;
	v25 =	vld [tilespmem:s25+$0x60]  }
0x31: {  	v21 =	vshrl.u32 v21, $0x3;
	v17 =	vbroadcast v17, $0x0;
	v19 =	vshll.u32 v19, v1;
	v26 =	vld [tilespmem:s25+$0xFFFFFF80]  }
0x32: {  	v18 =	vbroadcast v18, $0x0;
	v22 =	vshll.u32 v22, v1;
	v28 =	vadd.s32 v15, v24;
	v27 =	vld [tilespmem:s25+$0xFFFFFFA0]  }
0x33: {  	v33 =	vbroadcast v20, $0x0;
	v19 =	vbroadcast v19, $0x0;
	v29 =	vadd.s32 v0, v17;
	v30 =	vld [tilespmem:s25+$0xFFFFFFC0]  }
0x34: {  	v20 =	vshll.u32 v23, v1;
	v21 =	vshll.u32 v21, v1;
	v31 =	vadd.s32 v3, v18;
	v32 =	vld [tilespmem:s25+$0xFFFFFFE0]  }
0x35: {  	v21 =	vbroadcast v21, $0x0;
	v23 =	vadd.s32 v5, v19;
	v34 =	vld [tilespmem:s25+$0x0];
	v25 =	vmul.f32 $3.000000000e+00, v25  }
0x36: {  	v37 =	vbroadcast v22, $0x0;
	v35 =	vadd.s32 v7, v33;
	v36 =	vld [tilespmem:s25+$0x20];
	v26 =	vmul.f32 $3.000000000e+00, v26  }
0x37: {  	v39 =	vbroadcast v20, $0x0;
	v38 =	vld [tilespmem:s25+$0x40];
	v22 =	vmul.f32 $3.000000000e+00, v27;
	v27 =	vadd.s32 v9, v21;
	[tilespmem:v28+s21+$0x0] =	vst.idx.msk $0xffff, v25  }
0x38: {  	v20 =	vmul.f32 $3.000000000e+00, v30;
	[tilespmem:v29+s21+$0x0] =	vst.idx.msk $0xffff, v26;
	v25 =	vadd.s32 v11, v37;
	v26 =	vld [tilespmem:s25+$0x70]  }
0x39: {  	s26 =	simm.s32 $0x9;
	[tilespmem:v31+s21+$0x0] =	vst.idx.msk $0xffff, v22;
	v22 =	vmul.f32 $3.000000000e+00, v32;
	v29 =	vadd.s32 v13, v39;
	v28 =	vld [tilespmem:s25+$0xFFFFFF90]  }
0x3a: {  	s30 =	simm.s32 $0x8;
	v61 =	vmov s26;
	v24 =	vadd.s32 v16, v24;
	[tilespmem:v23+s21+$0x0] =	vst.idx.msk $0xffff, v20;
	v20 =	vmul.f32 $3.000000000e+00, v34;
	v31 =	vld [tilespmem:s25+$0xFFFFFFB0]  }
0x3b: {  	v59 =	vadd.s32 v2, v17;
	v30 =	vmov s30;
	v17 =	vmul.f32 $3.000000000e+00, v36;
	v60 =	vld [tilespmem:s25+$0xFFFFFFD0];
	[tilespmem:v35+s21+$0x0] =	vst.idx.msk $0xffff, v22  }
0x3c: {  	v62 =	vadd.s32 v4, v18;
	v18 =	vmul.f32 $3.000000000e+00, v38;
	v30 =	vshrl.u32 v30, $0x3;
	v40 =	vld [tilespmem:s25+$0xFFFFFFF0];
	[tilespmem:v27+s21+$0x0] =	vst.idx.msk $0xffff, v20  }
0x3d: {  	s26 =	simm.s32 $0xB;
	v63 =	vadd.s32 v6, v19;
	v30 =	vshll.u32 v30, v1;
	v41 =	vld [tilespmem:s25+$0x10];
	[tilespmem:v25+s21+$0x0] =	vst.idx.msk $0xffff, v17;
	v19 =	vmul.f32 $3.000000000e+00, v26  }
0x3e: {  	s30 =	simm.s32 $0xA;
	v22 =	vmov s26;
	v17 =	vadd.s32 v8, v33;
	[tilespmem:v29+s21+$0x0] =	vst.idx.msk $0xffff, v18;
	v25 =	vmul.f32 $3.000000000e+00, v28;
	v27 =	vld [tilespmem:s25+$0x30]  }
0x3f: {  	v20 =	vmov s30;
	s30 =	simm.s32 $0xC;
	v18 =	vadd.s32 v10, v21;
	v26 =	vmul.f32 $3.000000000e+00, v31;
	v29 =	vld [tilespmem:s25+$0x50];
	[tilespmem:v24+s21+$0x0] =	vst.idx.msk $0xffff, v19  }
0x40: {  	s26 =	simm.s32 $0xD;
	v23 =	vmov s30;
	v21 =	vadd.s32 v12, v37;
	v31 =	vmul.f32 $3.000000000e+00, v60;
	[tilespmem:v59+s21+$0x0] =	vst.idx.msk $0xffff, v25  }
0x41: {  	s30 =	simm.s32 $0xE;
	v24 =	vmov s26;
	[tilespmem:v62+s21+$0x0] =	vst.idx.msk $0xffff, v26;
	v28 =	vmul.f32 $3.000000000e+00, v40;
	v19 =	vadd.s32 v14, v39  }
0x42: {  	s28 =	simm.s32 $0xF;
	s16 =	sor.u32 $0x1, s24;
	v25 =	vmov s30;
	v26 =	vshrl.u32 v61, $0x3;
	s26 =	simm.s32 $0x10;
	[tilespmem:v63+s21+$0x0] =	vst.idx.msk $0xffff, v31;
	v31 =	vmul.f32 $3.000000000e+00, v41  }
.LBB2_3:
0x43: {  	p1 =	slt.u32 s26, $0x78;
	v20 =	vshrl.u32 v20, $0x3;
	v32 =	vmov s28;
	[tilespmem:v17+s21+$0x0] =	vst.idx.msk $0xffff, v28;
	v17 =	vmul.f32 $3.000000000e+00, v27  }
0x44: {  	v22 =	vshrl.u32 v22, $0x3;
	v27 =	vshrl.u32 v32, $0x3;
	[tilespmem:v18+s21+$0x0] =	vst.idx.msk $0xffff, v31;
	v18 =	vmul.f32 $3.000000000e+00, v29  }
0x45: {  	v23 =	vshrl.u32 v23, $0x3;
	v24 =	vshrl.u32 v24, $0x3;
	s25 =	sadd.s32 $0x100, s25;
	v27 =	vshll.u32 v27, v1;
	[tilespmem:v21+s21+$0x0] =	vst.idx.msk $0xffff, v17  }
0x46: {  	v17 =	vbroadcast v30, $0x0;
	v21 =	vshrl.u32 v25, $0x3;
	v25 =	vld [tilespmem:s25+$0x60];
	v27 =	vbroadcast v27, $0x0;
	[tilespmem:v19+s21+$0x0] =	vst.idx.msk $0xffff, v18  }
0x47: {  	v20 =	vshll.u32 v20, v1;
	v22 =	vshll.u32 v22, v1;
	v19 =	vshll.u32 v26, v1;
	v18 =	vld [tilespmem:s25+$0xFFFFFF80]  }
0x48: {  	v23 =	vshll.u32 v23, v1;
	v19 =	vbroadcast v19, $0x0;
	v26 =	vld [tilespmem:s25+$0xFFFFFFA0];
	v28 =	vadd.s32 v15, v27  }
0x49: {  	v31 =	vbroadcast v20, $0x0;
	v20 =	vshll.u32 v24, v1;
	v29 =	vadd.s32 v0, v17;
	v30 =	vld [tilespmem:s25+$0xFFFFFFC0]  }
0x4a: {  	v33 =	vbroadcast v22, $0x0;
	v21 =	vshll.u32 v21, v1;
	v24 =	vadd.s32 v3, v19;
	v32 =	vld [tilespmem:s25+$0xFFFFFFE0]  }
0x4b: {  	v35 =	vbroadcast v23, $0x0;
	v22 =	vadd.s32 v5, v31;
	v34 =	vld [tilespmem:s25+$0x0];
	v23 =	vmul.f32 $3.000000000e+00, v25  }
0x4c: {  	v37 =	vbroadcast v20, $0x0;
	v25 =	vadd.s32 v7, v33;
	v18 =	vmul.f32 $3.000000000e+00, v18;
	v36 =	vld [tilespmem:s25+$0x20]  }
0x4d: {  	v39 =	vbroadcast v21, $0x0;
	v20 =	vmul.f32 $3.000000000e+00, v26;
	v26 =	vadd.s32 v9, v35;
	v38 =	vld [tilespmem:s25+$0x40];
	[tilespmem:v28+s21+$0x0] =	vst.idx.msk $0xffff, v23  }
0x4e: {  	v21 =	vadd.s32 v11, v37;
	[tilespmem:v29+s21+$0x0] =	vst.idx.msk $0xffff, v18;
	v18 =	vmul.f32 $3.000000000e+00, v30;
	v23 =	vld [tilespmem:s25+$0x70]  }
0x4f: {  	v28 =	vld [tilespmem:s25+$0xFFFFFF90];
	[tilespmem:v24+s21+$0x0] =	vst.idx.msk $0xffff, v20;
	v20 =	vmul.f32 $3.000000000e+00, v32;
	v24 =	vadd.s32 v13, v39  }
0x50: {  	v29 =	vmov s26;
	v32 =	vadd.s32 v16, v27;
	v30 =	vld [tilespmem:s25+$0xFFFFFFB0];
	[tilespmem:v22+s21+$0x0] =	vst.idx.msk $0xffff, v18;
	v18 =	vmul.f32 $3.000000000e+00, v34  }
0x51: {  	s28 =	sadd.s32 $0x1, s26;
	v40 =	vadd.s32 v2, v17;
	v34 =	vshrl.u32 v29, $0x3;
	v41 =	vld [tilespmem:s25+$0xFFFFFFD0];
	[tilespmem:v25+s21+$0x0] =	vst.idx.msk $0xffff, v20;
	v17 =	vmul.f32 $3.000000000e+00, v36  }
0x52: {  	v19 =	vadd.s32 v4, v19;
	v36 =	vmov s28;
	s28 =	sadd.s32 $0x2, s26;
	v42 =	vld [tilespmem:s25+$0xFFFFFFF0];
	[tilespmem:v26+s21+$0x0] =	vst.idx.msk $0xffff, v18;
	v18 =	vmul.f32 $3.000000000e+00, v38  }
0x53: {  	v31 =	vadd.s32 v6, v31;
	v20 =	vmov s28;
	s28 =	sadd.s32 $0x3, s26;
	v38 =	vld [tilespmem:s25+$0x10];
	[tilespmem:v21+s21+$0x0] =	vst.idx.msk $0xffff, v17;
	v21 =	vmul.f32 $3.000000000e+00, v23  }
.Ltmp0:
0x54: {  	v22 =	vmov s28;
	s28 =	sadd.s32 $0x4, s26;
	v17 =	vadd.s32 v8, v33;
	v25 =	vmul.f32 $3.000000000e+00, v28;
	v27 =	vld [tilespmem:s25+$0x30];
	[tilespmem:v24+s21+$0x0] =	vst.idx.msk $0xffff, v18;
	(pc) =	sbr.rel @p1 .LBB2_3-.Ltmp0, $4  }
0x55: {  	v23 =	vmov s28;
	s28 =	sadd.s32 $0x5, s26;
	v18 =	vadd.s32 v10, v35;
	v26 =	vmul.f32 $3.000000000e+00, v30;
	v29 =	vld [tilespmem:s25+$0x50];
	[tilespmem:v32+s21+$0x0] =	vst.idx.msk $0xffff, v21  }
0x56: {  	v24 =	vmov s28;
	s28 =	sadd.s32 $0x6, s26;
	v21 =	vadd.s32 v12, v37;
	[tilespmem:v40+s21+$0x0] =	vst.idx.msk $0xffff, v25;
	v32 =	vmul.f32 $3.000000000e+00, v41  }
0x57: {  	v25 =	vmov s28;
	[tilespmem:v19+s21+$0x0] =	vst.idx.msk $0xffff, v26;
	v28 =	vmul.f32 $3.000000000e+00, v42;
	v19 =	vadd.s32 v14, v39  }
0x58: {  	v30 =	vshll.u32 v34, v1;
	s28 =	sadd.s32 $0x7, s26;
	s26 =	sadd.s32 $0x8, s26;
	v26 =	vshrl.u32 v36, $0x3;
	[tilespmem:v31+s21+$0x0] =	vst.idx.msk $0xffff, v32;
	v31 =	vmul.f32 $3.000000000e+00, v38  }
0x59: {  	v20 =	vshrl.u32 v20, $0x3;
	v32 =	vmov s28;
	v27 =	vmul.f32 $3.000000000e+00, v27  }
0x5a: {  	v22 =	vshrl.u32 v22, $0x3;
	v23 =	vshrl.u32 v23, $0x3;
	v24 =	vshrl.u32 v24, $0x3  }
0x5b: {  	s25 =	sadd.s32 $0x100, s25;
	v30 =	vbroadcast v30, $0x0;
	v25 =	vshrl.u32 v25, $0x3;
	v32 =	vshrl.u32 v32, $0x3  }
0x5c: {  	v26 =	vshll.u32 v26, v1;
	v29 =	vmul.f32 $3.000000000e+00, v29;
	v34 =	vld [tilespmem:s25+$0xFFFFFF80];
	v32 =	vshll.u32 v32, v1  }
0x5d: {  	v33 =	vld [tilespmem:s25+$0x60];
	v20 =	vshll.u32 v20, v1;
	v22 =	vshll.u32 v22, v1;
	v32 =	vbroadcast v32, $0x0  }
0x5e: {  	[tilespmem:v17+s21+$0x0] =	vst.idx.msk $0xffff, v28;
	v35 =	vld [tilespmem:s25+$0xFFFFFFA0];
	v26 =	vbroadcast v26, $0x0;
	v23 =	vshll.u32 v23, v1;
	v17 =	vadd.s32 v0, v30  }
0x5f: {  	v28 =	vld [tilespmem:s25+$0xFFFFFFC0];
	v24 =	vshll.u32 v24, v1;
	[tilespmem:v18+s21+$0x0] =	vst.idx.msk $0xffff, v31;
	v20 =	vbroadcast v20, $0x0;
	v36 =	vadd.s32 v15, v32  }
0x60: {  	v31 =	vld [tilespmem:s25+$0xFFFFFFE0];
	v25 =	vshll.u32 v25, v1;
	v22 =	vbroadcast v22, $0x0;
	[tilespmem:v21+s21+$0x0] =	vst.idx.msk $0xffff, v27;
	v18 =	vadd.s32 v3, v26  }
0x61: {  	v27 =	vld [tilespmem:s25+$0x0];
	v23 =	vbroadcast v23, $0x0;
	[tilespmem:v19+s21+$0x0] =	vst.idx.msk $0xffff, v29;
	v21 =	vadd.s32 v5, v20;
	v19 =	vmul.f32 $3.000000000e+00, v34  }
0x62: {  	v49 =	vld [tilespmem:s25+$0x20];
	v24 =	vbroadcast v24, $0x0;
	v29 =	vadd.s32 v7, v22;
	v33 =	vmul.f32 $3.000000000e+00, v33  }
0x63: {  	v38 =	vld [tilespmem:s25+$0x40];
	v25 =	vbroadcast v25, $0x0;
	v37 =	vadd.s32 v9, v23;
	v35 =	vmul.f32 $3.000000000e+00, v35;
	[tilespmem:v17+s21+$0x0] =	vst.idx.msk $0xffff, v19  }
0x64: {  	v17 =	vmul.f32 $3.000000000e+00, v28;
	v19 =	vadd.s32 v11, v24;
	v50 =	vld [tilespmem:s25+$0xFFFFFF90];
	[tilespmem:v36+s21+$0x0] =	vst.idx.msk $0xffff, v33  }
0x65: {  	[tilespmem:v18+s21+$0x0] =	vst.idx.msk $0xffff, v35;
	v18 =	vmul.f32 $3.000000000e+00, v31;
	v31 =	vadd.s32 v13, v25;
	v28 =	vld [tilespmem:s25+$0x70]  }
0x66: {  	v35 =	vld [tilespmem:s25+$0xFFFFFFB0];
	[tilespmem:v21+s21+$0x0] =	vst.idx.msk $0xffff, v17;
	v17 =	vmul.f32 $3.000000000e+00, v27;
	v27 =	vadd.s32 v2, v30  }
0x67: {  	v21 =	vadd.s32 v16, v32;
	[tilespmem:v29+s21+$0x0] =	vst.idx.msk $0xffff, v18;
	v18 =	vmul.f32 $3.000000000e+00, v49;
	v30 =	vld [tilespmem:s25+$0xFFFFFFD0]  }
0x68: {  	v26 =	vadd.s32 v4, v26;
	v29 =	vld [tilespmem:s25+$0xFFFFFFF0];
	[tilespmem:v37+s21+$0x0] =	vst.idx.msk $0xffff, v17;
	v17 =	vmul.f32 $3.000000000e+00, v38  }
0x69: {  	v20 =	vadd.s32 v6, v20;
	v51 =	vld [tilespmem:s25+$0x10];
	[tilespmem:v19+s21+$0x0] =	vst.idx.msk $0xffff, v18;
	v19 =	vmul.f32 $3.000000000e+00, v50  }
0x6a: {  	v22 =	vadd.s32 v8, v22;
	[tilespmem:v31+s21+$0x0] =	vst.idx.msk $0xffff, v17;
	v18 =	vmul.f32 $3.000000000e+00, v28;
	v28 =	vld [tilespmem:s25+$0x30]  }
0x6b: {  	v23 =	vadd.s32 v10, v23;
	v17 =	vmul.f32 $3.000000000e+00, v35;
	v31 =	vld [tilespmem:s25+$0x50];
	[tilespmem:v27+s21+$0x0] =	vst.idx.msk $0xffff, v19  }
0x6c: {  	v19 =	vadd.s32 v12, v24;
	[tilespmem:v21+s21+$0x0] =	vst.idx.msk $0xffff, v18;
	v18 =	vmul.f32 $3.000000000e+00, v30  }
0x6d: {  	[tilespmem:v26+s21+$0x0] =	vst.idx.msk $0xffff, v17;
	v17 =	vmul.f32 $3.000000000e+00, v29;
	v21 =	vadd.s32 v14, v25  }
0x6e: {  	s28 =	sadd.s32 s5, s24;
	[tilespmem:v20+s21+$0x0] =	vst.idx.msk $0xffff, v18;
	v18 =	vmul.f32 $3.000000000e+00, v51  }
0x6f: {  	s26 =	sshll.u32 s28, $0x9;
	s25 =	sshll.u32 s28, $0x7;
	[tilespmem:v22+s21+$0x0] =	vst.idx.msk $0xffff, v17;
	v17 =	vmul.f32 $3.000000000e+00, v28  }
0x70: {  	s26 =	sand.u32 $0xFFF0000, s26;
	s25 =	sand.u32 $0x3F00, s25;
	[tilespmem:v23+s21+$0x0] =	vst.idx.msk $0xffff, v18;
	v18 =	vmul.f32 $3.000000000e+00, v31  }
0x71: {  	s25 =	sor.u32 s25, s26;
	[tilespmem:v19+s21+$0x0] =	vst.idx.msk $0xffff, v17  }
0x72: {  	s26 =	sadd.s32 s2, s25;
	[tilespmem:v21+s21+$0x0] =	vst.idx.msk $0xffff, v18  }
0x73: {  	[hbm4b:s26+s3] =	stream.linear.scatter [tilespmem:s21], [sflag:$0x5], $0x80, $0x38;
	[tilespmem:$0x4300] =	vst v63  }
0x74: {  	s30 =	simm.s32 $0x2188;
	s28 =	sadd.s32 $0x10, s26  }
0x75: {  	[hbm4b:s28+s3] =	stream.linear.scatter [tilespmem:s30], [sflag:$0x5], $0x80, $0x38;
	[tilespmem:$0x4300] =	vst v63  }
0x76: {  	s28 =	sadd.s32 $0x20, s26;
	s30 =	simm.s32 $0x2210  }
0x77: {  	[hbm4b:s28+s3] =	stream.linear.scatter [tilespmem:s30], [sflag:$0x5], $0x80, $0x38;
	[tilespmem:$0x4300] =	vst v63  }
0x78: {  	s28 =	sadd.s32 $0x30, s26;
	s30 =	simm.s32 $0x2298  }
0x79: {  	[hbm4b:s28+s3] =	stream.linear.scatter [tilespmem:s30], [sflag:$0x5], $0x80, $0x38;
	[tilespmem:$0x4300] =	vst v63  }
0x7a: {  	s28 =	sadd.s32 $0x40, s26;
	s30 =	simm.s32 $0x2320  }
0x7b: {  	[hbm4b:s28+s3] =	stream.linear.scatter [tilespmem:s30], [sflag:$0x5], $0x80, $0x38;
	[tilespmem:$0x4300] =	vst v63  }
0x7c: {  	s28 =	sadd.s32 $0x50, s26;
	s30 =	simm.s32 $0x23A8  }
0x7d: {  	[hbm4b:s28+s3] =	stream.linear.scatter [tilespmem:s30], [sflag:$0x5], $0x80, $0x38;
	[tilespmem:$0x4300] =	vst v63  }
0x7e: {  	s28 =	sadd.s32 $0x60, s26;
	s30 =	simm.s32 $0x2430  }
0x7f: {  	[hbm4b:s28+s3] =	stream.linear.scatter [tilespmem:s30], [sflag:$0x5], $0x80, $0x38;
	[tilespmem:$0x4300] =	vst v63  }
0x80: {  	s26 =	sadd.s32 $0x70, s26;
	s30 =	simm.s32 $0x24B8  }
0x81: {  	[hbm4b:s26+s3] =	stream.linear.scatter [tilespmem:s30], [sflag:$0x5], $0x80, $0x38;
	[tilespmem:$0x4300] =	vst v63  }
0x82: {  	s26 =	sadd.s32 s25, s10;
	s30 =	simm.s32 $0x2540  }
0x83: {  	[hbm4b:s26+s3] =	stream.linear.scatter [tilespmem:s30], [sflag:$0x5], $0x80, $0x38;
	[tilespmem:$0x4300] =	vst v63  }
0x84: {  	s28 =	sadd.s32 $0x10, s26;
	s30 =	simm.s32 $0x25C8  }
0x85: {  	[hbm4b:s28+s3] =	stream.linear.scatter [tilespmem:s30], [sflag:$0x5], $0x80, $0x38;
	[tilespmem:$0x4300] =	vst v63  }
0x86: {  	s28 =	sadd.s32 $0x20, s26;
	s30 =	simm.s32 $0x2650  }
0x87: {  	[hbm4b:s28+s3] =	stream.linear.scatter [tilespmem:s30], [sflag:$0x5], $0x80, $0x38;
	[tilespmem:$0x4300] =	vst v63  }
0x88: {  	s28 =	sadd.s32 $0x30, s26;
	s30 =	simm.s32 $0x26D8  }
0x89: {  	[hbm4b:s28+s3] =	stream.linear.scatter [tilespmem:s30], [sflag:$0x5], $0x80, $0x38;
	[tilespmem:$0x4300] =	vst v63  }
0x8a: {  	s28 =	sadd.s32 $0x40, s26;
	s30 =	simm.s32 $0x2760  }
0x8b: {  	[hbm4b:s28+s3] =	stream.linear.scatter [tilespmem:s30], [sflag:$0x5], $0x80, $0x38;
	[tilespmem:$0x4300] =	vst v63  }
0x8c: {  	s28 =	sadd.s32 $0x50, s26;
	s30 =	simm.s32 $0x27E8  }
0x8d: {  	[hbm4b:s28+s3] =	stream.linear.scatter [tilespmem:s30], [sflag:$0x5], $0x80, $0x38;
	[tilespmem:$0x4300] =	vst v63  }
0x8e: {  	s28 =	sadd.s32 $0x60, s26;
	s30 =	simm.s32 $0x2870  }
0x8f: {  	[hbm4b:s28+s3] =	stream.linear.scatter [tilespmem:s30], [sflag:$0x5], $0x80, $0x38;
	[tilespmem:$0x4300] =	vst v63  }
0x90: {  	s26 =	sadd.s32 $0x70, s26;
	s30 =	simm.s32 $0x28F8  }
0x91: {  	[hbm4b:s26+s3] =	stream.linear.scatter [tilespmem:s30], [sflag:$0x5], $0x80, $0x38;
	[tilespmem:$0x4300] =	vst v63  }
0x92: {  	s26 =	sadd.s32 s25, s11;
	s30 =	simm.s32 $0x2980  }
0x93: {  	[hbm4b:s26+s3] =	stream.linear.scatter [tilespmem:s30], [sflag:$0x5], $0x80, $0x38;
	[tilespmem:$0x4300] =	vst v63  }
0x94: {  	s28 =	sadd.s32 $0x10, s26;
	s30 =	simm.s32 $0x2A08  }
0x95: {  	[hbm4b:s28+s3] =	stream.linear.scatter [tilespmem:s30], [sflag:$0x5], $0x80, $0x38;
	[tilespmem:$0x4300] =	vst v63  }
0x96: {  	s28 =	sadd.s32 $0x20, s26;
	s30 =	simm.s32 $0x2A90  }
0x97: {  	[hbm4b:s28+s3] =	stream.linear.scatter [tilespmem:s30], [sflag:$0x5], $0x80, $0x38;
	[tilespmem:$0x4300] =	vst v63  }
0x98: {  	s28 =	sadd.s32 $0x30, s26;
	s30 =	simm.s32 $0x2B18  }
0x99: {  	[hbm4b:s28+s3] =	stream.linear.scatter [tilespmem:s30], [sflag:$0x5], $0x80, $0x38;
	[tilespmem:$0x4300] =	vst v63  }
0x9a: {  	s28 =	sadd.s32 $0x40, s26;
	s30 =	simm.s32 $0x2BA0  }
0x9b: {  	[hbm4b:s28+s3] =	stream.linear.scatter [tilespmem:s30], [sflag:$0x5], $0x80, $0x38;
	[tilespmem:$0x4300] =	vst v63  }
0x9c: {  	s28 =	sadd.s32 $0x50, s26;
	s30 =	simm.s32 $0x2C28  }
0x9d: {  	[hbm4b:s28+s3] =	stream.linear.scatter [tilespmem:s30], [sflag:$0x5], $0x80, $0x38;
	[tilespmem:$0x4300] =	vst v63  }
0x9e: {  	s28 =	sadd.s32 $0x60, s26;
	s30 =	simm.s32 $0x2CB0  }
0x9f: {  	[hbm4b:s28+s3] =	stream.linear.scatter [tilespmem:s30], [sflag:$0x5], $0x80, $0x38;
	[tilespmem:$0x4300] =	vst v63  }
0xa0: {  	s26 =	sadd.s32 $0x70, s26;
	s30 =	simm.s32 $0x2D38  }
0xa1: {  	[hbm4b:s26+s3] =	stream.linear.scatter [tilespmem:s30], [sflag:$0x5], $0x80, $0x38;
	[tilespmem:$0x4300] =	vst v63  }
0xa2: {  	s25 =	sadd.s32 s25, s12;
	s28 =	simm.s32 $0x2DC0  }
0xa3: {  	[hbm4b:s25+s3] =	stream.linear.scatter [tilespmem:s28], [sflag:$0x5], $0x80, $0x38;
	[tilespmem:$0x4300] =	vst v63  }
0xa4: {  	s26 =	sadd.s32 $0x10, s25;
	s30 =	simm.s32 $0x2E48  }
0xa5: {  	[hbm4b:s26+s3] =	stream.linear.scatter [tilespmem:s30], [sflag:$0x5], $0x80, $0x38;
	[tilespmem:$0x4300] =	vst v63  }
0xa6: {  	s26 =	sadd.s32 $0x20, s25;
	s30 =	simm.s32 $0x2ED0  }
0xa7: {  	[hbm4b:s26+s3] =	stream.linear.scatter [tilespmem:s30], [sflag:$0x5], $0x80, $0x38;
	[tilespmem:$0x4300] =	vst v63  }
0xa8: {  	s26 =	sadd.s32 $0x30, s25;
	s30 =	simm.s32 $0x2F58  }
0xa9: {  	[hbm4b:s26+s3] =	stream.linear.scatter [tilespmem:s30], [sflag:$0x5], $0x80, $0x38;
	[tilespmem:$0x4300] =	vst v63  }
0xaa: {  	s26 =	sadd.s32 $0x40, s25;
	s30 =	simm.s32 $0x2FE0  }
0xab: {  	[hbm4b:s26+s3] =	stream.linear.scatter [tilespmem:s30], [sflag:$0x5], $0x80, $0x38;
	[tilespmem:$0x4300] =	vst v63  }
0xac: {  	s26 =	sadd.s32 $0x50, s25;
	s30 =	simm.s32 $0x3068  }
0xad: {  	[hbm4b:s26+s3] =	stream.linear.scatter [tilespmem:s30], [sflag:$0x5], $0x80, $0x38;
	[tilespmem:$0x4300] =	vst v63  }
0xae: {  	s24 =	sadd.s32 @!p0 s24, s13;
	s26 =	sadd.s32 $0x60, s25;
	s30 =	simm.s32 $0x30F0  }
0xaf: {  	[hbm4b:s26+s3] =	stream.linear.scatter [tilespmem:s30], [sflag:$0x5], $0x80, $0x38;
	[tilespmem:$0x4300] =	vst v63  }
0xb0: {  	s24 =	sshll.u32 @!p0 s24, $0x4;
	s25 =	sadd.s32 $0x70, s25;
	s30 =	simm.s32 $0x3178  }
0xb1: {  	[hbm4b:s25+s3] =	stream.linear.scatter [tilespmem:s30], [sflag:$0x5], $0x80, $0x38;
	[tilespmem:$0x4300] =	vst v63  }
0xb2: {  	s24 =	sand.u32 @!p0 $0xFFFFFF0, s24;
	_ =	swait.ge [sflag:s7], $0x1000  }
0xb3: {  	s24 =	sadd.s32 @!p0 s4, s24;
	[sflag:s7] =	ssyncset.done $0x0  }
0xb4: {  	s26 =	simm.s32 @!p0 $0x80;
	s25 =	simm.s32 @!p0 $0x0;
	[sflag:s7] =	ssyncadd.s32 $0xFFFFF000  }
0xb5: {  	[tilespmem:s26], [sflag:$0x2] =	stream.linear.gather @!p0 [hbm4b:s24+s25], $0x80, $0x38;
	[tilespmem:$0x4300] =	vst v63  }
0xb6: {  	s24 =	simm.s32 @!p0 $0x1  }
0xb7: {  	_ =	swait.ge @!p0 [sflag:s24], $0x80  }
0xb8: {  	[sflag:s24] =	ssyncset.done @!p0 $0x0  }
0xb9: {  	p1 =	seq.s32 @!p0 s23, $0x0;
	[sflag:s24] =	ssyncadd.s32 @!p0 $0xFFFFFF80;
	s24 =	simm.s32 @!p0 $0x100  }
0xba: {  	[tilespmem:s24], [sflag:$0x3] =	stream.indirect.gather @!p0 [hbm4b:s6+s26], $0x20, s25, s26, $0xb8;
	[tilespmem:$0x4300] =	vst v63  }
0xbb: {  	p0 =	por p0, !p1  }
0xbc: {  	_ =	swait.ge @p0 [sflag:s22], $0x400  }
0xbd: {  	[sflag:s22] =	ssyncset.done @p0 $0x0  }
0xbe: {  	s28 =	simm.s32 $0x2;
	[sflag:s22] =	ssyncadd.s32 @p0 $0xFFFFFC00  }
0xbf: {  	v19 =	vmov s28;
	s28 =	simm.s32 $0x5;
	_ =	swait.ge @p0 [sflag:s22], $0x400  }
0xc0: {  	v22 =	vmov s28;
	s28 =	simm.s32 $0x7;
	[sflag:s22] =	ssyncset.done @p0 $0x0  }
0xc1: {  	v24 =	vmov s28;
	[sflag:s22] =	ssyncadd.s32 @p0 $0xFFFFFC00  }
0xc2: {  	v24 =	vshrl.u32 v24, $0x3;
	_ =	swait.ge @p0 [sflag:s22], $0x400  }
0xc3: {  	v19 =	vshrl.u32 v19, $0x3;
	v24 =	vshll.u32 v24, v1;
	[sflag:s22] =	ssyncset.done @p0 $0x0  }
0xc4: {  	v22 =	vshrl.u32 v22, $0x3;
	v19 =	vshll.u32 v19, v1;
	v24 =	vbroadcast v24, $0x0;
	[sflag:s22] =	ssyncadd.s32 @p0 $0xFFFFFC00  }
0xc5: {  	v19 =	vbroadcast v19, $0x0;
	v22 =	vshll.u32 v22, v1;
	s30 =	simm.s32 $0x3;
	s25 =	simm.s32 $0x0;
	_ =	swait.ge @p0 [sflag:s22], $0x400  }
0xc6: {  	v28 =	vadd.s32 v15, v24;
	v20 =	vmov s30;
	s30 =	simm.s32 $0x6;
	s26 =	simm.s32 $0x1;
	v17 =	vmov s25;
	[sflag:s22] =	ssyncset.done @p0 $0x0  }
0xc7: {  	v23 =	vmov s30;
	s24 =	simm.s32 $0x11F0;
	v18 =	vmov s26;
	v17 =	vshrl.u32 v17, $0x3;
	[sflag:s22] =	ssyncadd.s32 @p0 $0xFFFFFC00  }
0xc8: {  	v20 =	vshrl.u32 v20, $0x3;
	v18 =	vshrl.u32 v18, $0x3;
	v17 =	vshll.u32 v17, v1;
	v25 =	vld [tilespmem:s24+$0xFFFFFFF0]  }
0xc9: {  	v23 =	vshrl.u32 v23, $0x3;
	s26 =	simm.s32 $0x4;
	v18 =	vshll.u32 v18, v1;
	v17 =	vbroadcast v17, $0x0;
	v26 =	vld [tilespmem:s24+$0xFFFFFF10]  }
0xca: {  	v20 =	vshll.u32 v20, v1;
	v21 =	vmov s26;
	v18 =	vbroadcast v18, $0x0;
	v27 =	vld [tilespmem:s24+$0xFFFFFF30]  }
0xcb: {  	v53 =	vbroadcast v20, $0x0;
	v21 =	vshrl.u32 v21, $0x3;
	v29 =	vadd.s32 v0, v17;
	v30 =	vld [tilespmem:s24+$0xFFFFFF50]  }
0xcc: {  	v20 =	vshll.u32 v23, v1;
	v21 =	vshll.u32 v21, v1;
	v31 =	vadd.s32 v3, v18;
	v52 =	vld [tilespmem:s24+$0xFFFFFF70]  }
0xcd: {  	v23 =	vadd.s32 v5, v19;
	v21 =	vbroadcast v21, $0x0;
	v54 =	vld [tilespmem:s24+$0xFFFFFF90];
	v25 =	vmul.f32 $3.000000000e+00, v25  }
0xce: {  	v57 =	vbroadcast v22, $0x0;
	v55 =	vadd.s32 v7, v53;
	v56 =	vld [tilespmem:s24+$0xFFFFFFB0];
	v26 =	vmul.f32 $3.000000000e+00, v26  }
0xcf: {  	v39 =	vbroadcast v20, $0x0;
	v58 =	vld [tilespmem:s24+$0xFFFFFFD0];
	v22 =	vmul.f32 $3.000000000e+00, v27;
	v27 =	vadd.s32 v9, v21;
	[tilespmem:v28+s15+$0x0] =	vst.idx.msk $0xffff, v25  }
0xd0: {  	v20 =	vmul.f32 $3.000000000e+00, v30;
	[tilespmem:v29+s15+$0x0] =	vst.idx.msk $0xffff, v26;
	v25 =	vadd.s32 v11, v57;
	v26 =	vld [tilespmem:s24+$0x0]  }
0xd1: {  	[tilespmem:v31+s15+$0x0] =	vst.idx.msk $0xffff, v22;
	v22 =	vmul.f32 $3.000000000e+00, v52;
	v29 =	vadd.s32 v13, v39;
	v28 =	vld [tilespmem:s24+$0xFFFFFF20]  }
0xd2: {  	v63 =	vadd.s32 v6, v19;
	v24 =	vadd.s32 v16, v24;
	s26 =	simm.s32 $0x9;
	[tilespmem:v23+s15+$0x0] =	vst.idx.msk $0xffff, v20;
	v20 =	vmul.f32 $3.000000000e+00, v54;
	v31 =	vld [tilespmem:s24+$0xFFFFFF40]  }
0xd3: {  	s30 =	simm.s32 $0x8;
	v61 =	vmov s26;
	v59 =	vadd.s32 v2, v17;
	v17 =	vmul.f32 $3.000000000e+00, v56;
	v60 =	vld [tilespmem:s24+$0xFFFFFF60];
	[tilespmem:v55+s15+$0x0] =	vst.idx.msk $0xffff, v22  }
0xd4: {  	s26 =	simm.s32 $0xC;
	v62 =	vadd.s32 v4, v18;
	v30 =	vmov s30;
	v18 =	vmul.f32 $3.000000000e+00, v58;
	v40 =	vld [tilespmem:s24+$0xFFFFFF80];
	[tilespmem:v27+s15+$0x0] =	vst.idx.msk $0xffff, v20  }
0xd5: {  	v30 =	vshrl.u32 v30, $0x3;
	v23 =	vmov s26;
	v41 =	vld [tilespmem:s24+$0xFFFFFFA0];
	[tilespmem:v25+s15+$0x0] =	vst.idx.msk $0xffff, v17;
	v19 =	vmul.f32 $3.000000000e+00, v26  }
0xd6: {  	s30 =	simm.s32 $0xB;
	v30 =	vshll.u32 v30, v1;
	v17 =	vadd.s32 v8, v53;
	[tilespmem:v29+s15+$0x0] =	vst.idx.msk $0xffff, v18;
	v25 =	vmul.f32 $3.000000000e+00, v28;
	v27 =	vld [tilespmem:s24+$0xFFFFFFC0]  }
0xd7: {  	s28 =	simm.s32 $0xA;
	v22 =	vmov s30;
	v18 =	vadd.s32 v10, v21;
	v26 =	vmul.f32 $3.000000000e+00, v31;
	v29 =	vld [tilespmem:s24+$0xFFFFFFE0];
	[tilespmem:v24+s15+$0x0] =	vst.idx.msk $0xffff, v19  }
0xd8: {  	v20 =	vmov s28;
	s28 =	simm.s32 $0xD;
	v21 =	vadd.s32 v12, v57;
	v31 =	vmul.f32 $3.000000000e+00, v60;
	[tilespmem:v59+s15+$0x0] =	vst.idx.msk $0xffff, v25  }
0xd9: {  	s30 =	simm.s32 $0xE;
	v24 =	vmov s28;
	[tilespmem:v62+s15+$0x0] =	vst.idx.msk $0xffff, v26;
	v28 =	vmul.f32 $3.000000000e+00, v40;
	v19 =	vadd.s32 v14, v39  }
0xda: {  	s25 =	simm.s32 $0x10;
	s26 =	simm.s32 $0xF;
	v25 =	vmov s30;
	v26 =	vshrl.u32 v61, $0x3;
	[tilespmem:v63+s15+$0x0] =	vst.idx.msk $0xffff, v31;
	v31 =	vmul.f32 $3.000000000e+00, v41  }
.LBB2_5:
0xdb: {  	p0 =	slt.u32 s25, $0x78;
	v20 =	vshrl.u32 v20, $0x3;
	v32 =	vmov s26;
	[tilespmem:v17+s15+$0x0] =	vst.idx.msk $0xffff, v28;
	v17 =	vmul.f32 $3.000000000e+00, v27  }
0xdc: {  	v22 =	vshrl.u32 v22, $0x3;
	v27 =	vshrl.u32 v32, $0x3;
	[tilespmem:v18+s15+$0x0] =	vst.idx.msk $0xffff, v31;
	v18 =	vmul.f32 $3.000000000e+00, v29  }
0xdd: {  	v23 =	vshrl.u32 v23, $0x3;
	v24 =	vshrl.u32 v24, $0x3;
	s24 =	sadd.s32 $0x100, s24;
	v27 =	vshll.u32 v27, v1;
	[tilespmem:v21+s15+$0x0] =	vst.idx.msk $0xffff, v17  }
0xde: {  	v17 =	vbroadcast v30, $0x0;
	v21 =	vshrl.u32 v25, $0x3;
	v25 =	vld [tilespmem:s24+$0xFFFFFFF0];
	v27 =	vbroadcast v27, $0x0;
	[tilespmem:v19+s15+$0x0] =	vst.idx.msk $0xffff, v18  }
0xdf: {  	v20 =	vshll.u32 v20, v1;
	v22 =	vshll.u32 v22, v1;
	v19 =	vshll.u32 v26, v1;
	v18 =	vld [tilespmem:s24+$0xFFFFFF10]  }
0xe0: {  	v23 =	vshll.u32 v23, v1;
	v19 =	vbroadcast v19, $0x0;
	v26 =	vld [tilespmem:s24+$0xFFFFFF30];
	v28 =	vadd.s32 v15, v27  }
0xe1: {  	v31 =	vbroadcast v20, $0x0;
	v20 =	vshll.u32 v24, v1;
	v29 =	vadd.s32 v0, v17;
	v30 =	vld [tilespmem:s24+$0xFFFFFF50]  }
0xe2: {  	v33 =	vbroadcast v22, $0x0;
	v21 =	vshll.u32 v21, v1;
	v24 =	vadd.s32 v3, v19;
	v32 =	vld [tilespmem:s24+$0xFFFFFF70]  }
0xe3: {  	v35 =	vbroadcast v23, $0x0;
	v22 =	vadd.s32 v5, v31;
	v34 =	vld [tilespmem:s24+$0xFFFFFF90];
	v23 =	vmul.f32 $3.000000000e+00, v25  }
0xe4: {  	v37 =	vbroadcast v20, $0x0;
	v25 =	vadd.s32 v7, v33;
	v18 =	vmul.f32 $3.000000000e+00, v18;
	v36 =	vld [tilespmem:s24+$0xFFFFFFB0]  }
0xe5: {  	v39 =	vbroadcast v21, $0x0;
	v20 =	vmul.f32 $3.000000000e+00, v26;
	v26 =	vadd.s32 v9, v35;
	v38 =	vld [tilespmem:s24+$0xFFFFFFD0];
	[tilespmem:v28+s15+$0x0] =	vst.idx.msk $0xffff, v23  }
0xe6: {  	v21 =	vadd.s32 v11, v37;
	[tilespmem:v29+s15+$0x0] =	vst.idx.msk $0xffff, v18;
	v18 =	vmul.f32 $3.000000000e+00, v30;
	v23 =	vld [tilespmem:s24+$0x0]  }
0xe7: {  	v28 =	vld [tilespmem:s24+$0xFFFFFF20];
	[tilespmem:v24+s15+$0x0] =	vst.idx.msk $0xffff, v20;
	v20 =	vmul.f32 $3.000000000e+00, v32;
	v24 =	vadd.s32 v13, v39  }
0xe8: {  	v29 =	vmov s25;
	v32 =	vadd.s32 v16, v27;
	v30 =	vld [tilespmem:s24+$0xFFFFFF40];
	[tilespmem:v22+s15+$0x0] =	vst.idx.msk $0xffff, v18;
	v18 =	vmul.f32 $3.000000000e+00, v34  }
0xe9: {  	s26 =	sadd.s32 $0x1, s25;
	v40 =	vadd.s32 v2, v17;
	v34 =	vshrl.u32 v29, $0x3;
	v41 =	vld [tilespmem:s24+$0xFFFFFF60];
	[tilespmem:v25+s15+$0x0] =	vst.idx.msk $0xffff, v20;
	v17 =	vmul.f32 $3.000000000e+00, v36  }
0xea: {  	v19 =	vadd.s32 v4, v19;
	v36 =	vmov s26;
	s26 =	sadd.s32 $0x2, s25;
	v42 =	vld [tilespmem:s24+$0xFFFFFF80];
	[tilespmem:v26+s15+$0x0] =	vst.idx.msk $0xffff, v18;
	v18 =	vmul.f32 $3.000000000e+00, v38  }
0xeb: {  	v31 =	vadd.s32 v6, v31;
	v20 =	vmov s26;
	s26 =	sadd.s32 $0x3, s25;
	v38 =	vld [tilespmem:s24+$0xFFFFFFA0];
	[tilespmem:v21+s15+$0x0] =	vst.idx.msk $0xffff, v17;
	v21 =	vmul.f32 $3.000000000e+00, v23  }
.Ltmp1:
0xec: {  	v22 =	vmov s26;
	s26 =	sadd.s32 $0x4, s25;
	v17 =	vadd.s32 v8, v33;
	v25 =	vmul.f32 $3.000000000e+00, v28;
	v27 =	vld [tilespmem:s24+$0xFFFFFFC0];
	[tilespmem:v24+s15+$0x0] =	vst.idx.msk $0xffff, v18;
	(pc) =	sbr.rel @p0 .LBB2_5-.Ltmp1, $4  }
0xed: {  	v23 =	vmov s26;
	s26 =	sadd.s32 $0x5, s25;
	v18 =	vadd.s32 v10, v35;
	v26 =	vmul.f32 $3.000000000e+00, v30;
	v29 =	vld [tilespmem:s24+$0xFFFFFFE0];
	[tilespmem:v32+s15+$0x0] =	vst.idx.msk $0xffff, v21  }
0xee: {  	v24 =	vmov s26;
	s26 =	sadd.s32 $0x6, s25;
	v21 =	vadd.s32 v12, v37;
	[tilespmem:v40+s15+$0x0] =	vst.idx.msk $0xffff, v25;
	v32 =	vmul.f32 $3.000000000e+00, v41  }
0xef: {  	v25 =	vmov s26;
	[tilespmem:v19+s15+$0x0] =	vst.idx.msk $0xffff, v26;
	v28 =	vmul.f32 $3.000000000e+00, v42;
	v19 =	vadd.s32 v14, v39  }
0xf0: {  	v30 =	vshll.u32 v34, v1;
	s26 =	sadd.s32 $0x7, s25;
	s25 =	sadd.s32 $0x8, s25;
	v26 =	vshrl.u32 v36, $0x3;
	[tilespmem:v31+s15+$0x0] =	vst.idx.msk $0xffff, v32;
	v31 =	vmul.f32 $3.000000000e+00, v38  }
0xf1: {  	v20 =	vshrl.u32 v20, $0x3;
	v32 =	vmov s26;
	v27 =	vmul.f32 $3.000000000e+00, v27  }
0xf2: {  	v22 =	vshrl.u32 v22, $0x3;
	v23 =	vshrl.u32 v23, $0x3;
	v24 =	vshrl.u32 v24, $0x3  }
0xf3: {  	s24 =	sadd.s32 $0x100, s24;
	v30 =	vbroadcast v30, $0x0;
	v25 =	vshrl.u32 v25, $0x3;
	v32 =	vshrl.u32 v32, $0x3  }
0xf4: {  	v26 =	vshll.u32 v26, v1;
	v29 =	vmul.f32 $3.000000000e+00, v29;
	v34 =	vld [tilespmem:s24+$0xFFFFFF10];
	v32 =	vshll.u32 v32, v1  }
0xf5: {  	v33 =	vld [tilespmem:s24+$0xFFFFFFF0];
	v20 =	vshll.u32 v20, v1;
	v22 =	vshll.u32 v22, v1;
	v32 =	vbroadcast v32, $0x0  }
0xf6: {  	[tilespmem:v17+s15+$0x0] =	vst.idx.msk $0xffff, v28;
	v35 =	vld [tilespmem:s24+$0xFFFFFF30];
	v26 =	vbroadcast v26, $0x0;
	v23 =	vshll.u32 v23, v1;
	v17 =	vadd.s32 v0, v30  }
0xf7: {  	v49 =	vld [tilespmem:s24+$0xFFFFFF50];
	v24 =	vshll.u32 v24, v1;
	v20 =	vbroadcast v20, $0x0;
	v36 =	vadd.s32 v15, v32  }
0xf8: {  	[tilespmem:v18+s15+$0x0] =	vst.idx.msk $0xffff, v31;
	v50 =	vld [tilespmem:s24+$0xFFFFFF70];
	v25 =	vshll.u32 v25, v1;
	v22 =	vbroadcast v22, $0x0;
	v18 =	vadd.s32 v3, v26  }
0xf9: {  	v52 =	vld [tilespmem:s24+$0xFFFFFF90];
	v23 =	vbroadcast v23, $0x0;
	[tilespmem:v19+s15+$0x0] =	vst.idx.msk $0xffff, v29;
	v51 =	vadd.s32 v5, v20;
	v19 =	vmul.f32 $3.000000000e+00, v34  }
0xfa: {  	v54 =	vld [tilespmem:s24+$0xFFFFFFB0];
	[tilespmem:v21+s15+$0x0] =	vst.idx.msk $0xffff, v27;
	v24 =	vbroadcast v24, $0x0;
	v53 =	vadd.s32 v7, v22;
	v33 =	vmul.f32 $3.000000000e+00, v33  }
0xfb: {  	v38 =	vld [tilespmem:s24+$0xFFFFFFD0];
	v25 =	vbroadcast v25, $0x0;
	v37 =	vadd.s32 v9, v23;
	v35 =	vmul.f32 $3.000000000e+00, v35;
	[tilespmem:v17+s15+$0x0] =	vst.idx.msk $0xffff, v19  }
0xfc: {  	v17 =	vmul.f32 $3.000000000e+00, v49;
	v19 =	vadd.s32 v11, v24;
	v56 =	vld [tilespmem:s24+$0xFFFFFF20];
	[tilespmem:v36+s15+$0x0] =	vst.idx.msk $0xffff, v33  }
0xfd: {  	v57 =	vadd.s32 v13, v25;
	[tilespmem:v18+s15+$0x0] =	vst.idx.msk $0xffff, v35;
	v18 =	vmul.f32 $3.000000000e+00, v50;
	v55 =	vld [tilespmem:s24+$0x0]  }
0xfe: {  	v59 =	vadd.s32 v2, v30;
	v35 =	vld [tilespmem:s24+$0xFFFFFF40];
	[tilespmem:v51+s15+$0x0] =	vst.idx.msk $0xffff, v17;
	v17 =	vmul.f32 $3.000000000e+00, v52  }
0xff: {  	v58 =	vadd.s32 v16, v32;
	[tilespmem:v53+s15+$0x0] =	vst.idx.msk $0xffff, v18;
	v18 =	vmul.f32 $3.000000000e+00, v54;
	v60 =	vld [tilespmem:s24+$0xFFFFFF60]  }
0x100: {  	v26 =	vadd.s32 v4, v26;
	v29 =	vld [tilespmem:s24+$0xFFFFFF80];
	[tilespmem:v37+s15+$0x0] =	vst.idx.msk $0xffff, v17;
	v17 =	vmul.f32 $3.000000000e+00, v38  }
0x101: {  	v20 =	vadd.s32 v6, v20;
	v61 =	vld [tilespmem:s24+$0xFFFFFFA0];
	[tilespmem:v19+s15+$0x0] =	vst.idx.msk $0xffff, v18;
	v19 =	vmul.f32 $3.000000000e+00, v56  }
0x102: {  	v22 =	vadd.s32 v8, v22;
	v62 =	vld [tilespmem:s24+$0xFFFFFFC0];
	[tilespmem:v57+s15+$0x0] =	vst.idx.msk $0xffff, v17;
	v18 =	vmul.f32 $3.000000000e+00, v55  }
0x103: {  	v23 =	vadd.s32 v10, v23;
	v17 =	vmul.f32 $3.000000000e+00, v35;
	v31 =	vld [tilespmem:s24+$0xFFFFFFE0];
	[tilespmem:v59+s15+$0x0] =	vst.idx.msk $0xffff, v19  }
0x104: {  	v19 =	vadd.s32 v12, v24;
	[tilespmem:v58+s15+$0x0] =	vst.idx.msk $0xffff, v18;
	v18 =	vmul.f32 $3.000000000e+00, v60  }
0x105: {  	v63 =	vadd.s32 v14, v25;
	[tilespmem:v26+s15+$0x0] =	vst.idx.msk $0xffff, v17;
	v17 =	vmul.f32 $3.000000000e+00, v29  }
0x106: {  	s16 =	sadd.s32 s5, s16;
	[tilespmem:v20+s15+$0x0] =	vst.idx.msk $0xffff, v18;
	v18 =	vmul.f32 $3.000000000e+00, v61  }
0x107: {  	s28 =	sshll.u32 s16, $0x9;
	s16 =	sshll.u32 s16, $0x7;
	[tilespmem:v22+s15+$0x0] =	vst.idx.msk $0xffff, v17;
	v17 =	vmul.f32 $3.000000000e+00, v62  }
0x108: {  	s16 =	sand.u32 $0x3F80, s16;
	s24 =	sand.u32 $0xFFF0000, s28;
	[tilespmem:v23+s15+$0x0] =	vst.idx.msk $0xffff, v18;
	v18 =	vmul.f32 $3.000000000e+00, v31  }
0x109: {  	s16 =	sor.u32 s16, s24;
	[tilespmem:v19+s15+$0x0] =	vst.idx.msk $0xffff, v17  }
0x10a: {  	s24 =	sadd.s32 s2, s16;
	[tilespmem:v63+s15+$0x0] =	vst.idx.msk $0xffff, v18  }
0x10b: {  	[hbm4b:s24+s3] =	stream.linear.scatter [tilespmem:s15], [sflag:$0x6], $0x80, $0x38;
	[tilespmem:$0x4300] =	vst v63  }
0x10c: {  	s30 =	simm.s32 $0x3288;
	s25 =	sadd.s32 $0x10, s24  }
0x10d: {  	[hbm4b:s25+s3] =	stream.linear.scatter [tilespmem:s30], [sflag:$0x6], $0x80, $0x38;
	[tilespmem:$0x4300] =	vst v63  }
0x10e: {  	s28 =	sadd.s32 $0x20, s24;
	s30 =	simm.s32 $0x3310  }
0x10f: {  	[hbm4b:s28+s3] =	stream.linear.scatter [tilespmem:s30], [sflag:$0x6], $0x80, $0x38;
	[tilespmem:$0x4300] =	vst v63  }
0x110: {  	s28 =	sadd.s32 $0x30, s24;
	s30 =	simm.s32 $0x3398  }
0x111: {  	[hbm4b:s28+s3] =	stream.linear.scatter [tilespmem:s30], [sflag:$0x6], $0x80, $0x38;
	[tilespmem:$0x4300] =	vst v63  }
0x112: {  	s28 =	sadd.s32 $0x40, s24;
	s30 =	simm.s32 $0x3420  }
0x113: {  	[hbm4b:s28+s3] =	stream.linear.scatter [tilespmem:s30], [sflag:$0x6], $0x80, $0x38;
	[tilespmem:$0x4300] =	vst v63  }
0x114: {  	s28 =	sadd.s32 $0x50, s24;
	s30 =	simm.s32 $0x34A8  }
0x115: {  	[hbm4b:s28+s3] =	stream.linear.scatter [tilespmem:s30], [sflag:$0x6], $0x80, $0x38;
	[tilespmem:$0x4300] =	vst v63  }
0x116: {  	s26 =	sadd.s32 $0x60, s24;
	s28 =	simm.s32 $0x3530  }
0x117: {  	[hbm4b:s26+s3] =	stream.linear.scatter [tilespmem:s28], [sflag:$0x6], $0x80, $0x38;
	[tilespmem:$0x4300] =	vst v63  }
0x118: {  	s24 =	sadd.s32 $0x70, s24;
	s30 =	simm.s32 $0x35B8  }
0x119: {  	[hbm4b:s24+s3] =	stream.linear.scatter [tilespmem:s30], [sflag:$0x6], $0x80, $0x38;
	[tilespmem:$0x4300] =	vst v63  }
0x11a: {  	s26 =	simm.s32 $0x3640;
	s24 =	sadd.s32 s16, s10  }
0x11b: {  	[hbm4b:s24+s3] =	stream.linear.scatter [tilespmem:s26], [sflag:$0x6], $0x80, $0x38;
	[tilespmem:$0x4300] =	vst v63  }
0x11c: {  	s30 =	simm.s32 $0x36C8;
	s28 =	sadd.s32 $0x10, s24  }
0x11d: {  	[hbm4b:s28+s3] =	stream.linear.scatter [tilespmem:s30], [sflag:$0x6], $0x80, $0x38;
	[tilespmem:$0x4300] =	vst v63  }
0x11e: {  	s28 =	sadd.s32 $0x20, s24;
	s30 =	simm.s32 $0x3750  }
0x11f: {  	[hbm4b:s28+s3] =	stream.linear.scatter [tilespmem:s30], [sflag:$0x6], $0x80, $0x38;
	[tilespmem:$0x4300] =	vst v63  }
0x120: {  	s28 =	sadd.s32 $0x30, s24;
	s30 =	simm.s32 $0x37D8  }
0x121: {  	[hbm4b:s28+s3] =	stream.linear.scatter [tilespmem:s30], [sflag:$0x6], $0x80, $0x38;
	[tilespmem:$0x4300] =	vst v63  }
0x122: {  	s28 =	sadd.s32 $0x40, s24;
	s30 =	simm.s32 $0x3860  }
0x123: {  	[hbm4b:s28+s3] =	stream.linear.scatter [tilespmem:s30], [sflag:$0x6], $0x80, $0x38;
	[tilespmem:$0x4300] =	vst v63  }
0x124: {  	s28 =	sadd.s32 $0x50, s24;
	s30 =	simm.s32 $0x38E8  }
0x125: {  	[hbm4b:s28+s3] =	stream.linear.scatter [tilespmem:s30], [sflag:$0x6], $0x80, $0x38;
	[tilespmem:$0x4300] =	vst v63  }
0x126: {  	s26 =	sadd.s32 $0x60, s24;
	s28 =	simm.s32 $0x3970  }
0x127: {  	[hbm4b:s26+s3] =	stream.linear.scatter [tilespmem:s28], [sflag:$0x6], $0x80, $0x38;
	[tilespmem:$0x4300] =	vst v63  }
0x128: {  	s24 =	sadd.s32 $0x70, s24;
	s30 =	simm.s32 $0x39F8  }
0x129: {  	[hbm4b:s24+s3] =	stream.linear.scatter [tilespmem:s30], [sflag:$0x6], $0x80, $0x38;
	[tilespmem:$0x4300] =	vst v63  }
0x12a: {  	s26 =	simm.s32 $0x3A80;
	s24 =	sadd.s32 s16, s11  }
0x12b: {  	[hbm4b:s24+s3] =	stream.linear.scatter [tilespmem:s26], [sflag:$0x6], $0x80, $0x38;
	[tilespmem:$0x4300] =	vst v63  }
0x12c: {  	s30 =	simm.s32 $0x3B08;
	s28 =	sadd.s32 $0x10, s24  }
0x12d: {  	[hbm4b:s28+s3] =	stream.linear.scatter [tilespmem:s30], [sflag:$0x6], $0x80, $0x38;
	[tilespmem:$0x4300] =	vst v63  }
0x12e: {  	s28 =	sadd.s32 $0x20, s24;
	s30 =	simm.s32 $0x3B90  }
0x12f: {  	[hbm4b:s28+s3] =	stream.linear.scatter [tilespmem:s30], [sflag:$0x6], $0x80, $0x38;
	[tilespmem:$0x4300] =	vst v63  }
0x130: {  	s28 =	sadd.s32 $0x30, s24;
	s30 =	simm.s32 $0x3C18  }
0x131: {  	[hbm4b:s28+s3] =	stream.linear.scatter [tilespmem:s30], [sflag:$0x6], $0x80, $0x38;
	[tilespmem:$0x4300] =	vst v63  }
0x132: {  	s28 =	sadd.s32 $0x40, s24;
	s30 =	simm.s32 $0x3CA0  }
0x133: {  	[hbm4b:s28+s3] =	stream.linear.scatter [tilespmem:s30], [sflag:$0x6], $0x80, $0x38;
	[tilespmem:$0x4300] =	vst v63  }
0x134: {  	s28 =	sadd.s32 $0x50, s24;
	s30 =	simm.s32 $0x3D28  }
0x135: {  	[hbm4b:s28+s3] =	stream.linear.scatter [tilespmem:s30], [sflag:$0x6], $0x80, $0x38;
	[tilespmem:$0x4300] =	vst v63  }
0x136: {  	s26 =	sadd.s32 $0x60, s24;
	s28 =	simm.s32 $0x3DB0  }
0x137: {  	[hbm4b:s26+s3] =	stream.linear.scatter [tilespmem:s28], [sflag:$0x6], $0x80, $0x38;
	[tilespmem:$0x4300] =	vst v63  }
0x138: {  	s24 =	sadd.s32 $0x70, s24;
	s30 =	simm.s32 $0x3E38  }
0x139: {  	[hbm4b:s24+s3] =	stream.linear.scatter [tilespmem:s30], [sflag:$0x6], $0x80, $0x38;
	[tilespmem:$0x4300] =	vst v63  }
0x13a: {  	s16 =	sadd.s32 s16, s12;
	s26 =	simm.s32 $0x3EC0  }
0x13b: {  	[hbm4b:s16+s3] =	stream.linear.scatter [tilespmem:s26], [sflag:$0x6], $0x80, $0x38;
	[tilespmem:$0x4300] =	vst v63  }
0x13c: {  	s28 =	sadd.s32 $0x10, s16  }
0x13d: {  	[hbm4b:s28+s3] =	stream.linear.scatter [tilespmem:s31], [sflag:$0x6], $0x80, $0x38;
	[tilespmem:$0x4300] =	vst v63  }
0x13e: {  	s30 =	sadd.s32 $0x20, s16  }
0x13f: {  	[hbm4b:s30+s3] =	stream.linear.scatter [tilespmem:s0], [sflag:$0x6], $0x80, $0x38;
	[tilespmem:$0x4300] =	vst v63  }
0x140: {  	s25 =	sadd.s32 $0x30, s16  }
0x141: {  	[hbm4b:s25+s3] =	stream.linear.scatter [tilespmem:s1], [sflag:$0x6], $0x80, $0x38;
	[tilespmem:$0x4300] =	vst v63  }
0x142: {  	s23 =	sadd.s32 $0x1, s23;
	s26 =	sadd.s32 $0x40, s16  }
0x143: {  	[hbm4b:s26+s3] =	stream.linear.scatter [tilespmem:s17], [sflag:$0x6], $0x80, $0x38;
	[tilespmem:$0x4300] =	vst v63  }
0x144: {  	p0 =	sne.s32 s23, $0x28;
	s28 =	sadd.s32 $0x50, s16  }
0x145: {  	[hbm4b:s28+s3] =	stream.linear.scatter [tilespmem:s8], [sflag:$0x6], $0x80, $0x38;
	[tilespmem:$0x4300] =	vst v63  }
.Ltmp2:
0x146: {  	_ = 	snop;
	(pc) =	sbr.rel @p0 .LBB2_2-.Ltmp2, $4  }
0x147: {  	s30 =	sadd.s32 $0x60, s16  }
0x148: {  	[hbm4b:s30+s3] =	stream.linear.scatter [tilespmem:s14], [sflag:$0x6], $0x80, $0x38;
	[tilespmem:$0x4300] =	vst v63  }
0x149: {  	s16 =	sadd.s32 $0x70, s16  }
0x14a: {  	[hbm4b:s16+s3] =	stream.linear.scatter [tilespmem:s20], [sflag:$0x6], $0x80, $0x38;
	[tilespmem:$0x4300] =	vst v63  }
0x14b: {  	s16 =	simm.s32 $0x5  }
0x14c: {  	_ =	swait.ge [sflag:s16], $0x400  }
0x14d: {  	[sflag:s16] =	ssyncset.done $0x0  }
0x14e: {  	[sflag:s16] =	ssyncadd.s32 $0xFFFFFC00  }
0x14f: {  	_ =	swait.ge [sflag:s16], $0x400  }
0x150: {  	[sflag:s16] =	ssyncset.done $0x0  }
0x151: {  	[sflag:s16] =	ssyncadd.s32 $0xFFFFFC00  }
0x152: {  	_ =	swait.ge [sflag:s16], $0x400  }
0x153: {  	[sflag:s16] =	ssyncset.done $0x0  }
0x154: {  	[sflag:s16] =	ssyncadd.s32 $0xFFFFFC00  }
0x155: {  	_ =	swait.ge [sflag:s16], $0x400  }
0x156: {  	[sflag:s16] =	ssyncset.done $0x0  }
0x157: {  	[sflag:s16] =	ssyncadd.s32 $0xFFFFFC00  }
0x158: {  	_ =	swait.ge [sflag:s22], $0x400  }
0x159: {  	[sflag:s22] =	ssyncset.done $0x0  }
0x15a: {  	[sflag:s22] =	ssyncadd.s32 $0xFFFFFC00  }
0x15b: {  	_ =	swait.ge [sflag:s22], $0x400  }
0x15c: {  	[sflag:s22] =	ssyncset.done $0x0  }
0x15d: {  	[sflag:s22] =	ssyncadd.s32 $0xFFFFFC00  }
0x15e: {  	_ =	swait.ge [sflag:s22], $0x400  }
0x15f: {  	[sflag:s22] =	ssyncset.done $0x0  }
0x160: {  	[sflag:s22] =	ssyncadd.s32 $0xFFFFFC00  }
0x161: {  	_ =	swait.ge [sflag:s22], $0x400  }
0x162: {  	s23 =	rddreg [dreg:$0x6]  }
0x163: {  	s30 =	rddreg [dreg:$0x5];
	s23 =	sadd.s32 $0x1, s23  }
0x164: {  	p0 =	sne.s32 s23, s30  }
.Ltmp3:
0x165: {  	_ = 	snop;
	(pc) =	sbr.rel @p0 .LBB2_1-.Ltmp3, $3  }
0x166: {  	_ =	sdelay $0x1  }
0x167: {  	[sflag:s22] =	ssyncset.done $0x0  }
0x168: {  	[sflag:s22] =	ssyncadd.s32 $0xFFFFFC00  }
0x169: {  	_ =	sfence.sel $0x180000  }
0x16a: {  	[bflag:$0x0] =	sbarrier.arrive $0xFFFF  }
0x16b: {  	_ =	strace $0x9000004A  }
0x16c: {  	s0 =	stileid.u32;
	[bflag:$0x2] =	sbarrier.arrive $0xFFFF  }
0x16d: {  	p0 =	sne.s32 s0, $0x0;
	s0 =	rddreg [dreg:$0x2]  }
0x16e: {  	s0 =	sadd.s32 @!p0 $0x100000, s0  }
0x16f: {  	[sflag:s0] =	ssyncadd.tile.s32 @!p0 $0x1;
	_ =	shalt  }
.Lfunc_end2:
_tile_overlayer_lowered:
.L_overlay_start_2:
0x170: {  	(tag) =	ssettag $0x2  }
0x171: {  	s0 =	rddreg [dreg:$0x0];
	s2 =	stileid.u32  }
0x172: {  	s1 =	rddreg [dreg:$0x1];
	p0 =	sne.s32 s2, $0x0  }
0x173: {  	s3 =	rddreg [dreg:$0x2];
	[bflag:$0x3] =	sbarrier.arrive $0xFFFF;
	s2 =	simm.s32 @!p0 $0x1C07  }
0x174: {  	[timem:s3], [sflag:s2] =	dma.local @!p0 [hbm:s0], s1  }
0x175: {  	s0 =	simm.s32 @!p0 $0x7  }
0x176: {  	_ =	swait.ge @!p0 [sflag:s0], s1  }
0x177: {  	s1 =	ssub.s32 @!p0 $0x0, s1;
	[sflag:s0] =	ssyncset.done @!p0 $0x0  }
0x178: {  	[sflag:s0] =	ssyncadd.s32 @!p0 s1  }
0x179: {  	[bflag:$0x3] =	sbarrier.arrive $0xFFFF  }
0x17a: {  	_ =	shalt  }

</sc_bundles>
